<compile_context>
chip_gen: v7x
topology: tpu7x:2x2x1
jax: 0.10.2.dev20260603
libtpu: 0.0.44.dev20260713+nightly
codegen_flags: <defaults>
</compile_context>

<pallas_src>
import functools

import jax
import jax.numpy as jnp
from jax import lax
from jax.experimental import pallas as pl
from jax.experimental.pallas import tpu as pltpu
from jax.experimental.pallas import tpu_sc as plsc

B, H, W, C = 4, 112, 112, 192
HW = H * W
P = (2 * H) * (2 * W)
CB = 16
NCB = C // CB
NC, NS, L = 2, 16, 16
ROWS = HW // NS
IN_T = ROWS * CB
CH = IN_T // 128
ACC = P * CB
OUT_T = ACC // NS
POS_T = P // NS
RB_POS = POS_T // 4
RB_N = RB_POS * CB
ZN = 3136

_mesh = plsc.VectorSubcoreMesh(core_axis_name="c", subcore_axis_name="s")


@functools.partial(
    pl.kernel,
    out_type=jax.ShapeDtypeStruct((B, P, C), jnp.float32),
    mesh=_mesh,
    compiler_params=pltpu.CompilerParams(use_tc_tiling_on_sc=False),
    scratch_types=[
        pltpu.VMEM_SHARED((ACC,), jnp.float32),
        pltpu.VMEM((ROWS, CB), jnp.int32),
        pltpu.VMEM((ROWS, CB), jnp.float32),
        pltpu.VMEM((CH, 128), jnp.int32),
        pltpu.VMEM((CH, 128), jnp.float32),
        pltpu.VMEM((RB_N,), jnp.float32),
        pltpu.VMEM((RB_POS, CB), jnp.float32),
        pltpu.VMEM((ZN,), jnp.float32),
        pltpu.SemaphoreType.DMA,
        pltpu.SemaphoreType.DMA,
    ],
)
def _unpool(upd_hbm, msk_hbm, out_hbm, acc, msk_w, upd_w, idx2d, val2d,
            rb1d, rb2d, zeros, sem_in, sem_sc):
    core = lax.axis_index("c")
    sub = lax.axis_index("s")
    row0 = sub * ROWS
    out0 = sub * OUT_T
    pos0 = sub * POS_T
    iota = lax.broadcasted_iota(jnp.int32, (L,), 0)
    z16 = jnp.zeros((L,), jnp.float32)
    third = jnp.float32(1.0 / 3.0)

    @pl.loop(0, ZN // L)
    def _(g):
        zeros[pl.ds(g * L, L)] = z16

    @pl.loop(0, OUT_T // ZN)
    def _(q):
        pltpu.sync_copy(zeros, acc.at[pl.ds(out0 + q * ZN, ZN)])

    def in_refs(b, cbs):
        c0 = cbs * (CB * NC) + core * CB
        src_m = msk_hbm.at[b, pl.ds(row0, ROWS), pl.ds(c0, CB)]
        src_u = upd_hbm.at[b, pl.ds(row0, ROWS), pl.ds(c0, CB)]
        return src_m, src_u

    def fire_inputs(b, cbs):
        src_m, src_u = in_refs(b, cbs)
        pltpu.async_copy(src_m, msk_w, sem_in)
        pltpu.async_copy(src_u, upd_w, sem_in)

    def drain_inputs(b, cbs):
        src_m, src_u = in_refs(b, cbs)
        pltpu.make_async_copy(src_m, msk_w, sem_in).wait()
        pltpu.make_async_copy(src_u, upd_w, sem_in).wait()

    fire_inputs(jnp.int32(0), jnp.int32(0))
    plsc.subcore_barrier()

    @pl.loop(0, B)
    def _(b):
        for cbs in range(NCB // NC):
            c0 = cbs * (CB * NC) + core * CB
            drain_inputs(b, cbs)

            @pl.loop(0, CH)
            def _(j):
                for jj in range(8):
                    o = jj * L
                    row = j * 8 + jj
                    vm = msk_w[row, pl.ds(0, L)]
                    u = lax.shift_right_logical(vm, 6)
                    p = (u.astype(jnp.float32) * third).astype(jnp.int32)
                    idx2d[j, pl.ds(o, L)] = p * CB + iota
                    val2d[j, pl.ds(o, L)] = upd_w[row, pl.ds(0, L)]

            if cbs + 1 < NCB // NC:
                fire_inputs(b, jnp.int32(cbs + 1))
            else:
                fire_inputs(jnp.minimum(b + 1, B - 1), jnp.int32(0))

            @pl.loop(0, CH)
            def _(j):
                pltpu.async_copy(val2d.at[j], acc.at[idx2d.at[j]], sem_sc,
                                 add=True)

            @pl.loop(0, CH)
            def _(j):
                pltpu.make_async_copy(val2d.at[j], acc.at[idx2d.at[j]],
                                      sem_sc).wait()

            plsc.subcore_barrier()

            @pl.loop(0, POS_T // RB_POS)
            def _(q):
                off = out0 + q * RB_N
                pltpu.sync_copy(acc.at[pl.ds(off, RB_N)], rb1d)

                @pl.loop(0, RB_POS)
                def _(t):
                    rb2d[t, pl.ds(0, L)] = rb1d[pl.ds(t * L, L)]

                pltpu.sync_copy(
                    rb2d,
                    out_hbm.at[b, pl.ds(pos0 + q * RB_POS, RB_POS),
                               pl.ds(c0, CB)])

                @pl.loop(0, RB_N // ZN)
                def _(z):
                    pltpu.sync_copy(zeros,
                                    acc.at[pl.ds(off + z * ZN, ZN)])

            plsc.subcore_barrier()

    drain_inputs(jnp.int32(B - 1), 0)


def kernel(updates, mask):
    upd3 = updates.reshape(B, HW, C)
    msk3 = mask.astype(jnp.int32).reshape(B, HW, C)
    return _unpool(upd3, msk3).reshape(B, 2 * H, 2 * W, C)

# --- scband reference (transcript-rebuilt; emitter-appended) ---
"""Pipeline reference for scband-max-unpooling2-d-13632226198219 (READ-ONLY COPY).

The authoritative reference and input builder live on the scoring server;
editing this copy changes nothing except your own understanding.
"""

import jax, jax.numpy as jnp
import numpy as np

B, H, W, C = 4, 112, 112, 192
SIZE = (2, 2)

def setup_inputs(seed: int = 0) -> dict:
    key = jax.random.key(seed)
    k1, k2 = jax.random.split(key)
    updates = jax.random.normal(k1, (B, H, W, C), dtype=jnp.float32)
    out_elems_per_batch = (H * SIZE[0]) * (W * SIZE[1]) * C
    mask = jax.random.randint(k2, (B, H, W, C), 0, out_elems_per_batch, dtype=jnp.int32)
    return {"updates": updates, "mask": mask}

def reference(updates, mask):
    # Faithful jax translation of keras MaxUnpooling2D.call
    mask = mask.astype(jnp.int32)
    b_, h_, w_, c_ = updates.shape
    oH, oW, oC = h_ * SIZE[0], w_ * SIZE[1], c_
    one_like_mask = jnp.ones_like(mask, dtype=jnp.int32)
    batch_range = jnp.arange(b_, dtype=jnp.int32).reshape(b_, 1, 1, 1)
    b = one_like_mask * batch_range
    y = mask // (oW * oC)
    x = (mask // oC) % oW
    feature_range = jnp.arange(oC, dtype=jnp.int32)
    f = one_like_mask * feature_range
    values = updates.reshape(-1)
    # tf.scatter_nd accumulates duplicate indices -> .at[...].add
    ret = jnp.zeros((b_, oH, oW, oC), dtype=updates.dtype).at[
        b.reshape(-1), y.reshape(-1), x.reshape(-1), f.reshape(-1)
    ].add(values)
    # final reshape in original is a no-op shape assertion
    return ret.reshape(-1, h_ * SIZE[0], w_ * SIZE[1], c_)

if __name__ == "__main__":
    import jax
    _d = setup_inputs()
    print(jax.jit(kernel)(*tuple(_d.values())))

</pallas_src>

<mosaic_0001>
#map = affine_map<(d0, d1) -> (0, 0, 0)>
module attributes {stable_mosaic.version = 14 : i64} {
  func.func @_unpool(%arg0: i32, %arg1: i32, %arg2: memref<4x12544x192xf32, #tpu.memory_space<hbm>>, %arg3: memref<4x12544x192xi32, #tpu.memory_space<hbm>>, %arg4: memref<4x50176x192xf32, #tpu.memory_space<hbm>>, %arg5: memref<802816xf32, #tpu.memory_space<vmem_shared>>, %arg6: memref<784x16xi32, #tpu.memory_space<vmem>>, %arg7: memref<784x16xf32, #tpu.memory_space<vmem>>, %arg8: memref<98x128xi32, #tpu.memory_space<vmem>>, %arg9: memref<98x128xf32, #tpu.memory_space<vmem>>, %arg10: memref<12544xf32, #tpu.memory_space<vmem>>, %arg11: memref<784x16xf32, #tpu.memory_space<vmem>>, %arg12: memref<3136xf32, #tpu.memory_space<vmem>>, %arg13: memref<!tpu.dma_semaphore, #tpu.memory_space<semaphore_mem>>, %arg14: memref<!tpu.dma_semaphore, #tpu.memory_space<semaphore_mem>>) attributes {dimension_semantics = [#tpu.dimension_semantics<core_parallel>, #tpu.dimension_semantics<subcore_parallel>], iteration_bounds = array<i64: 2, 16>, scalar_prefetch = 0 : i64, scratch_operands = 10 : i64, tpu.core_type = #tpu.core_type<sc_vector_subcore>, window_params = [{transform_indices = #map}, {transform_indices = #map}, {transform_indices = #map}]} {
    %mul3A = arith.constant 784 : i32
    %mul3A_0 = arith.muli %arg1, %mul3A : i32
    %mul3A_1 = arith.constant 50176 : i32
    %mul3A_2 = arith.muli %arg1, %mul3A_1 : i32
    %mul3A_3 = arith.constant 3136 : i32
    %mul3A_4 = arith.muli %arg1, %mul3A_3 : i32
    %iota3A = tpu.iota {dimensions = array<i32: 0>} : vector<16xi32>
    %broadcast_in_dim3A = arith.constant 0.000000e+00 : f32
    %broadcast_in_dim3A_5 = vector.broadcast %broadcast_in_dim3A : f32 to vector<16xf32>
    %scan3A = arith.constant 0 : i32
    %scan3A_6 = arith.constant 196 : i32
    %scan3A_7 = arith.addi %scan3A, %scan3A_6 : i32
    %scan3A_8 = arith.constant 1 : i32
    scf.for %scan3A_48 = %scan3A to %scan3A_7 step %scan3A_8  : i32 {
      %mul3A_49 = arith.constant 1 : i32
      %mul3A_50 = arith.muli %scan3A_48, %mul3A_49 : i32
      %add3A_51 = arith.constant 0 : i32
      %add3A_52 = arith.addi %add3A_51, %mul3A_50 : i32
      %mul3A_53 = arith.constant 16 : i32
      %mul3A_54 = arith.muli %add3A_52, %mul3A_53 : i32
      %swap3A = arith.index_cast %mul3A_54 : i32 to index
      %swap3A_55 = tpu.vector_load %arg12[%swap3A] {strides = array<i32>} : memref<3136xf32, #tpu.memory_space<vmem>>, vector<16xf32>,
      %swap3A_56 = vector.shape_cast %swap3A_55 : vector<16xf32> to vector<16xf32>
      %swap3A_57 = vector.shape_cast %broadcast_in_dim3A_5 : vector<16xf32> to vector<16xf32>
      tpu.vector_store %arg12[%swap3A], %swap3A_57 {strides = array<i32>} : memref<3136xf32, #tpu.memory_space<vmem>>, vector<16xf32>,
    }
    %scan3A_9 = arith.constant 196 : i32
    %scan3A_10 = arith.constant 0 : i32
    %scan3A_11 = arith.constant 16 : i32
    %scan3A_12 = arith.addi %scan3A_10, %scan3A_11 : i32
    %scan3A_13 = arith.constant 1 : i32
    scf.for %scan3A_48 = %scan3A_10 to %scan3A_12 step %scan3A_13  : i32 {
      %mul3A_49 = arith.constant 1 : i32
      %mul3A_50 = arith.muli %scan3A_48, %mul3A_49 : i32
      %add3A_51 = arith.constant 0 : i32
      %add3A_52 = arith.addi %add3A_51, %mul3A_50 : i32
      %mul3A_53 = arith.constant 3136 : i32
      %mul3A_54 = arith.muli %add3A_52, %mul3A_53 : i32
      %add3A_55 = arith.addi %mul3A_2, %mul3A_54 : i32
      "tpu.region"() ({
        %run_scoped3A = tpu.sem_alloc : memref<!tpu.dma_semaphore, #tpu.memory_space<semaphore_mem>>
        %dma_start3A_56 = tpu.memref_slice %arg5[%add3A_55] : memref<802816xf32, #tpu.memory_space<vmem_shared>> -> memref<3136xf32, #tpu.memory_space<vmem_shared>>
        %dma_start3A_57 = tpu.memref_slice %arg5[%add3A_55] : memref<802816xf32, #tpu.memory_space<vmem_shared>> -> memref<3136xf32, #tpu.memory_space<vmem_shared>>
        tpu.enqueue_dma source(%arg12 : memref<3136xf32, #tpu.memory_space<vmem>>) target(%dma_start3A_57 : memref<3136xf32, #tpu.memory_space<vmem_shared>>) target_semaphore(%run_scoped3A : memref<!tpu.dma_semaphore, #tpu.memory_space<semaphore_mem>>)
        %dma_wait3A_58 = tpu.memref_slice %arg5[%add3A_55] : memref<802816xf32, #tpu.memory_space<vmem_shared>> -> memref<3136xf32, #tpu.memory_space<vmem_shared>>
        %dma_wait3A_59 = tpu.memref_slice %arg5[%add3A_55] : memref<802816xf32, #tpu.memory_space<vmem_shared>> -> memref<3136xf32, #tpu.memory_space<vmem_shared>>
        tpu.wait_dma2 semaphore(%run_scoped3A : memref<!tpu.dma_semaphore, #tpu.memory_space<semaphore_mem>>) src(%arg12 : memref<3136xf32, #tpu.memory_space<vmem>>) dst(%dma_wait3A_59 : memref<3136xf32, #tpu.memory_space<vmem_shared>>)
        tpu.yield
      }) : () -> ()
    }
    %scan3A_14 = arith.constant 16 : i32
    %mul3A_15 = arith.constant 0 : i32
    %mul3A_16 = arith.constant 32 : i32
    %mul3A_17 = arith.muli %mul3A_15, %mul3A_16 : i32
    %mul3A_18 = arith.constant 16 : i32
    %mul3A_19 = arith.muli %arg0, %mul3A_18 : i32
    %add3A = arith.addi %mul3A_17, %mul3A_19 : i32
    %dma_start3A = arith.constant 0 : i32
    %dma_start3A_20 = tpu.memref_slice %arg3[%dma_start3A, %mul3A_0, %add3A] : memref<4x12544x192xi32, #tpu.memory_space<hbm>> -> memref<1x784x16xi32, #tpu.memory_space<hbm>>
    %dma_start3A_21 = tpu.memref_squeeze %dma_start3A_20 : memref<1x784x16xi32, #tpu.memory_space<hbm>> -> memref<784x16xi32, #tpu.memory_space<hbm>>
    %dma_start3A_22 = tpu.memref_slice %arg3[%dma_start3A, %mul3A_0, %add3A] : memref<4x12544x192xi32, #tpu.memory_space<hbm>> -> memref<1x784x16xi32, #tpu.memory_space<hbm>>
    %dma_start3A_23 = tpu.memref_squeeze %dma_start3A_22 : memref<1x784x16xi32, #tpu.memory_space<hbm>> -> memref<784x16xi32, #tpu.memory_space<hbm>>
    tpu.enqueue_dma source(%dma_start3A_23 : memref<784x16xi32, #tpu.memory_space<hbm>>) target(%arg6 : memref<784x16xi32, #tpu.memory_space<vmem>>) target_semaphore(%arg13 : memref<!tpu.dma_semaphore, #tpu.memory_space<semaphore_mem>>)
    %dma_start3A_24 = arith.constant 0 : i32
    %dma_start3A_25 = tpu.memref_slice %arg2[%dma_start3A_24, %mul3A_0, %add3A] : memref<4x12544x192xf32, #tpu.memory_space<hbm>> -> memref<1x784x16xf32, #tpu.memory_space<hbm>>
    %dma_start3A_26 = tpu.memref_squeeze %dma_start3A_25 : memref<1x784x16xf32, #tpu.memory_space<hbm>> -> memref<784x16xf32, #tpu.memory_space<hbm>>
    %dma_start3A_27 = tpu.memref_slice %arg2[%dma_start3A_24, %mul3A_0, %add3A] : memref<4x12544x192xf32, #tpu.memory_space<hbm>> -> memref<1x784x16xf32, #tpu.memory_space<hbm>>
    %dma_start3A_28 = tpu.memref_squeeze %dma_start3A_27 : memref<1x784x16xf32, #tpu.memory_space<hbm>> -> memref<784x16xf32, #tpu.memory_space<hbm>>
    tpu.enqueue_dma source(%dma_start3A_28 : memref<784x16xf32, #tpu.memory_space<hbm>>) target(%arg7 : memref<784x16xf32, #tpu.memory_space<vmem>>) target_semaphore(%arg13 : memref<!tpu.dma_semaphore, #tpu.memory_space<semaphore_mem>>)
    %barrier3A = arith.constant 0 : index
    tpu.barrier barrier_id(%barrier3A)
    %scan3A_29 = arith.constant 0.333333343 : f32
    %scan3A_30 = arith.constant 0 : i32
    %scan3A_31 = arith.constant 4 : i32
    %scan3A_32 = arith.addi %scan3A_30, %scan3A_31 : i32
    %scan3A_33 = arith.constant 1 : i32
    scf.for %scan3A_48 = %scan3A_30 to %scan3A_32 step %scan3A_33  : i32 {
      %mul3A_49 = arith.constant 1 : i32
      %mul3A_50 = arith.muli %scan3A_48, %mul3A_49 : i32
      %add3A_51 = arith.constant 0 : i32
      %add3A_52 = arith.addi %add3A_51, %mul3A_50 : i32
      %mul3A_53 = arith.constant 16 : i32
      %mul3A_54 = arith.muli %arg0, %mul3A_53 : i32
      %add3A_55 = arith.constant 0 : i32
      %add3A_56 = arith.addi %add3A_55, %mul3A_54 : i32
      %mul3A_57 = arith.constant 16 : i32
      %mul3A_58 = arith.muli %arg0, %mul3A_57 : i32
      %add3A_59 = arith.constant 0 : i32
      %add3A_60 = arith.addi %add3A_59, %mul3A_58 : i32
      %dma_wait3A_61 = tpu.memref_slice %arg3[%add3A_52, %mul3A_0, %add3A_60] : memref<4x12544x192xi32, #tpu.memory_space<hbm>> -> memref<1x784x16xi32, #tpu.memory_space<hbm>>
      %dma_wait3A_62 = tpu.memref_squeeze %dma_wait3A_61 : memref<1x784x16xi32, #tpu.memory_space<hbm>> -> memref<784x16xi32, #tpu.memory_space<hbm>>
      %dma_wait3A_63 = tpu.memref_slice %arg3[%add3A_52, %mul3A_0, %add3A_60] : memref<4x12544x192xi32, #tpu.memory_space<hbm>> -> memref<1x784x16xi32, #tpu.memory_space<hbm>>
      %dma_wait3A_64 = tpu.memref_squeeze %dma_wait3A_63 : memref<1x784x16xi32, #tpu.memory_space<hbm>> -> memref<784x16xi32, #tpu.memory_space<hbm>>
      tpu.wait_dma2 semaphore(%arg13 : memref<!tpu.dma_semaphore, #tpu.memory_space<semaphore_mem>>) src(%dma_wait3A_64 : memref<784x16xi32, #tpu.memory_space<hbm>>) dst(%arg6 : memref<784x16xi32, #tpu.memory_space<vmem>>)
      %dma_wait3A_65 = tpu.memref_slice %arg2[%add3A_52, %mul3A_0, %add3A_60] : memref<4x12544x192xf32, #tpu.memory_space<hbm>> -> memref<1x784x16xf32, #tpu.memory_space<hbm>>
      %dma_wait3A_66 = tpu.memref_squeeze %dma_wait3A_65 : memref<1x784x16xf32, #tpu.memory_space<hbm>> -> memref<784x16xf32, #tpu.memory_space<hbm>>
      %dma_wait3A_67 = tpu.memref_slice %arg2[%add3A_52, %mul3A_0, %add3A_60] : memref<4x12544x192xf32, #tpu.memory_space<hbm>> -> memref<1x784x16xf32, #tpu.memory_space<hbm>>
      %dma_wait3A_68 = tpu.memref_squeeze %dma_wait3A_67 : memref<1x784x16xf32, #tpu.memory_space<hbm>> -> memref<784x16xf32, #tpu.memory_space<hbm>>
      tpu.wait_dma2 semaphore(%arg13 : memref<!tpu.dma_semaphore, #tpu.memory_space<semaphore_mem>>) src(%dma_wait3A_68 : memref<784x16xf32, #tpu.memory_space<hbm>>) dst(%arg7 : memref<784x16xf32, #tpu.memory_space<vmem>>)
      %scan3A_69 = arith.constant 0 : i32
      %scan3A_70 = arith.constant 98 : i32
      %scan3A_71 = arith.addi %scan3A_69, %scan3A_70 : i32
      %scan3A_72 = arith.constant 1 : i32
      scf.for %scan3A_368 = %scan3A_69 to %scan3A_71 step %scan3A_72  : i32 {
        %mul3A_369 = arith.constant 1 : i32
        %mul3A_370 = arith.muli %scan3A_368, %mul3A_369 : i32
        %add3A_371 = arith.constant 0 : i32
        %add3A_372 = arith.addi %add3A_371, %mul3A_370 : i32
        %mul3A_373 = arith.constant 8 : i32
        %mul3A_374 = arith.muli %add3A_372, %mul3A_373 : i32
        %add3A_375 = arith.constant 0 : i32
        %add3A_376 = arith.addi %mul3A_374, %add3A_375 : i32
        %get3A = arith.index_cast %add3A_376 : i32 to index
        %get3A_377 = arith.constant 0 : index
        %get3A_378 = tpu.vector_load %arg6[%get3A, %get3A_377] {strides = array<i32>} : memref<784x16xi32, #tpu.memory_space<vmem>>, vector<1x16xi32>,
        %get3A_379 = vector.shape_cast %get3A_378 : vector<1x16xi32> to vector<16xi32>
        %shift_right_logical3A = arith.constant 6 : i32
        %shift_right_logical3A_380 = vector.broadcast %shift_right_logical3A : i32 to vector<16xi32>
        %shift_right_logical3A_381 = arith.shrui %get3A_379, %shift_right_logical3A_380 : vector<16xi32>
        %convert_element_type3A = arith.sitofp %shift_right_logical3A_381 : vector<16xi32> to vector<16xf32>
        %mul3A_382 = vector.broadcast %scan3A_29 : f32 to vector<16xf32>
        %mul3A_383 = arith.mulf %convert_element_type3A, %mul3A_382 : vector<16xf32>
        %convert_element_type3A_384 = arith.fptosi %mul3A_383 : vector<16xf32> to vector<16xi32>
        %mul3A_385 = arith.constant 16 : i32
        %mul3A_386 = vector.broadcast %mul3A_385 : i32 to vector<16xi32>
        %mul3A_387 = arith.muli %convert_element_type3A_384, %mul3A_386 : vector<16xi32>
        %add3A_388 = arith.addi %mul3A_387, %iota3A : vector<16xi32>
        %swap3A = arith.index_cast %add3A_372 : i32 to index
        %swap3A_389 = arith.constant 0 : index
        %swap3A_390 = tpu.vector_load %arg8[%swap3A, %swap3A_389] {strides = array<i32>} : memref<98x128xi32, #tpu.memory_space<vmem>>, vector<1x16xi32>,
        %swap3A_391 = vector.shape_cast %swap3A_390 : vector<1x16xi32> to vector<16xi32>
        %swap3A_392 = vector.shape_cast %add3A_388 : vector<16xi32> to vector<1x16xi32>
        tpu.vector_store %arg8[%swap3A, %swap3A_389], %swap3A_392 {strides = array<i32>} : memref<98x128xi32, #tpu.memory_space<vmem>>, vector<1x16xi32>,
        %get3A_393 = arith.index_cast %add3A_376 : i32 to index
        %get3A_394 = arith.constant 0 : index
        %get3A_395 = tpu.vector_load %arg7[%get3A_393, %get3A_394] {strides = array<i32>} : memref<784x16xf32, #tpu.memory_space<vmem>>, vector<1x16xf32>,
        %get3A_396 = vector.shape_cast %get3A_395 : vector<1x16xf32> to vector<16xf32>
        %swap3A_397 = arith.index_cast %add3A_372 : i32 to index
        %swap3A_398 = arith.constant 0 : index
        %swap3A_399 = tpu.vector_load %arg9[%swap3A_397, %swap3A_398] {strides = array<i32>} : memref<98x128xf32, #tpu.memory_space<vmem>>, vector<1x16xf32>,
        %swap3A_400 = vector.shape_cast %swap3A_399 : vector<1x16xf32> to vector<16xf32>
        %swap3A_401 = vector.shape_cast %get3A_396 : vector<16xf32> to vector<1x16xf32>
        tpu.vector_store %arg9[%swap3A_397, %swap3A_398], %swap3A_401 {strides = array<i32>} : memref<98x128xf32, #tpu.memory_space<vmem>>, vector<1x16xf32>,
        %mul3A_402 = arith.constant 8 : i32
        %mul3A_403 = arith.muli %add3A_372, %mul3A_402 : i32
        %add3A_404 = arith.constant 1 : i32
        %add3A_405 = arith.addi %mul3A_403, %add3A_404 : i32
        %get3A_406 = arith.index_cast %add3A_405 : i32 to index
        %get3A_407 = arith.constant 0 : index
        %get3A_408 = tpu.vector_load %arg6[%get3A_406, %get3A_407] {strides = array<i32>} : memref<784x16xi32, #tpu.memory_space<vmem>>, vector<1x16xi32>,
        %get3A_409 = vector.shape_cast %get3A_408 : vector<1x16xi32> to vector<16xi32>
        %shift_right_logical3A_410 = arith.constant 6 : i32
        %shift_right_logical3A_411 = vector.broadcast %shift_right_logical3A_410 : i32 to vector<16xi32>
        %shift_right_logical3A_412 = arith.shrui %get3A_409, %shift_right_logical3A_411 : vector<16xi32>
        %convert_element_type3A_413 = arith.sitofp %shift_right_logical3A_412 : vector<16xi32> to vector<16xf32>
        %mul3A_414 = vector.broadcast %scan3A_29 : f32 to vector<16xf32>
        %mul3A_415 = arith.mulf %convert_element_type3A_413, %mul3A_414 : vector<16xf32>
        %convert_element_type3A_416 = arith.fptosi %mul3A_415 : vector<16xf32> to vector<16xi32>
        %mul3A_417 = arith.constant 16 : i32
        %mul3A_418 = vector.broadcast %mul3A_417 : i32 to vector<16xi32>
        %mul3A_419 = arith.muli %convert_element_type3A_416, %mul3A_418 : vector<16xi32>
        %add3A_420 = arith.addi %mul3A_419, %iota3A : vector<16xi32>
        %swap3A_421 = arith.index_cast %add3A_372 : i32 to index
        %swap3A_422 = arith.constant 16 : index
        %swap3A_423 = tpu.vector_load %arg8[%swap3A_421, %swap3A_422] {strides = array<i32>} : memref<98x128xi32, #tpu.memory_space<vmem>>, vector<1x16xi32>,
        %swap3A_424 = vector.shape_cast %swap3A_423 : vector<1x16xi32> to vector<16xi32>
        %swap3A_425 = vector.shape_cast %add3A_420 : vector<16xi32> to vector<1x16xi32>
        tpu.vector_store %arg8[%swap3A_421, %swap3A_422], %swap3A_425 {strides = array<i32>} : memref<98x128xi32, #tpu.memory_space<vmem>>, vector<1x16xi32>,
        %get3A_426 = arith.index_cast %add3A_405 : i32 to index
        %get3A_427 = arith.constant 0 : index
        %get3A_428 = tpu.vector_load %arg7[%get3A_426, %get3A_427] {strides = array<i32>} : memref<784x16xf32, #tpu.memory_space<vmem>>, vector<1x16xf32>,
        %get3A_429 = vector.shape_cast %get3A_428 : vector<1x16xf32> to vector<16xf32>
        %swap3A_430 = arith.index_cast %add3A_372 : i32 to index
        %swap3A_431 = arith.constant 16 : index
        %swap3A_432 = tpu.vector_load %arg9[%swap3A_430, %swap3A_431] {strides = array<i32>} : memref<98x128xf32, #tpu.memory_space<vmem>>, vector<1x16xf32>,
        %swap3A_433 = vector.shape_cast %swap3A_432 : vector<1x16xf32> to vector<16xf32>
        %swap3A_434 = vector.shape_cast %get3A_429 : vector<16xf32> to vector<1x16xf32>
        tpu.vector_store %arg9[%swap3A_430, %swap3A_431], %swap3A_434 {strides = array<i32>} : memref<98x128xf32, #tpu.memory_space<vmem>>, vector<1x16xf32>,
        %mul3A_435 = arith.constant 8 : i32
        %mul3A_436 = arith.muli %add3A_372, %mul3A_435 : i32
        %add3A_437 = arith.constant 2 : i32
        %add3A_438 = arith.addi %mul3A_436, %add3A_437 : i32
        %get3A_439 = arith.index_cast %add3A_438 : i32 to index
        %get3A_440 = arith.constant 0 : index
        %get3A_441 = tpu.vector_load %arg6[%get3A_439, %get3A_440] {strides = array<i32>} : memref<784x16xi32, #tpu.memory_space<vmem>>, vector<1x16xi32>,
        %get3A_442 = vector.shape_cast %get3A_441 : vector<1x16xi32> to vector<16xi32>
        %shift_right_logical3A_443 = arith.constant 6 : i32
        %shift_right_logical3A_444 = vector.broadcast %shift_right_logical3A_443 : i32 to vector<16xi32>
        %shift_right_logical3A_445 = arith.shrui %get3A_442, %shift_right_logical3A_444 : vector<16xi32>
        %convert_element_type3A_446 = arith.sitofp %shift_right_logical3A_445 : vector<16xi32> to vector<16xf32>
        %mul3A_447 = vector.broadcast %scan3A_29 : f32 to vector<16xf32>
        %mul3A_448 = arith.mulf %convert_element_type3A_446, %mul3A_447 : vector<16xf32>
        %convert_element_type3A_449 = arith.fptosi %mul3A_448 : vector<16xf32> to vector<16xi32>
        %mul3A_450 = arith.constant 16 : i32
        %mul3A_451 = vector.broadcast %mul3A_450 : i32 to vector<16xi32>
        %mul3A_452 = arith.muli %convert_element_type3A_449, %mul3A_451 : vector<16xi32>
        %add3A_453 = arith.addi %mul3A_452, %iota3A : vector<16xi32>
        %swap3A_454 = arith.index_cast %add3A_372 : i32 to index
        %swap3A_455 = arith.constant 32 : index
        %swap3A_456 = tpu.vector_load %arg8[%swap3A_454, %swap3A_455] {strides = array<i32>} : memref<98x128xi32, #tpu.memory_space<vmem>>, vector<1x16xi32>,
        %swap3A_457 = vector.shape_cast %swap3A_456 : vector<1x16xi32> to vector<16xi32>
        %swap3A_458 = vector.shape_cast %add3A_453 : vector<16xi32> to vector<1x16xi32>
        tpu.vector_store %arg8[%swap3A_454, %swap3A_455], %swap3A_458 {strides = array<i32>} : memref<98x128xi32, #tpu.memory_space<vmem>>, vector<1x16xi32>,
        %get3A_459 = arith.index_cast %add3A_438 : i32 to index
        %get3A_460 = arith.constant 0 : index
        %get3A_461 = tpu.vector_load %arg7[%get3A_459, %get3A_460] {strides = array<i32>} : memref<784x16xf32, #tpu.memory_space<vmem>>, vector<1x16xf32>,
        %get3A_462 = vector.shape_cast %get3A_461 : vector<1x16xf32> to vector<16xf32>
        %swap3A_463 = arith.index_cast %add3A_372 : i32 to index
        %swap3A_464 = arith.constant 32 : index
        %swap3A_465 = tpu.vector_load %arg9[%swap3A_463, %swap3A_464] {strides = array<i32>} : memref<98x128xf32, #tpu.memory_space<vmem>>, vector<1x16xf32>,
        %swap3A_466 = vector.shape_cast %swap3A_465 : vector<1x16xf32> to vector<16xf32>
        %swap3A_467 = vector.shape_cast %get3A_462 : vector<16xf32> to vector<1x16xf32>
        tpu.vector_store %arg9[%swap3A_463, %swap3A_464], %swap3A_467 {strides = array<i32>} : memref<98x128xf32, #tpu.memory_space<vmem>>, vector<1x16xf32>,
        %mul3A_468 = arith.constant 8 : i32
        %mul3A_469 = arith.muli %add3A_372, %mul3A_468 : i32
        %add3A_470 = arith.constant 3 : i32
        %add3A_471 = arith.addi %mul3A_469, %add3A_470 : i32
        %get3A_472 = arith.index_cast %add3A_471 : i32 to index
        %get3A_473 = arith.constant 0 : index
        %get3A_474 = tpu.vector_load %arg6[%get3A_472, %get3A_473] {strides = array<i32>} : memref<784x16xi32, #tpu.memory_space<vmem>>, vector<1x16xi32>,
        %get3A_475 = vector.shape_cast %get3A_474 : vector<1x16xi32> to vector<16xi32>
        %shift_right_logical3A_476 = arith.constant 6 : i32
        %shift_right_logical3A_477 = vector.broadcast %shift_right_logical3A_476 : i32 to vector<16xi32>
        %shift_right_logical3A_478 = arith.shrui %get3A_475, %shift_right_logical3A_477 : vector<16xi32>
        %convert_element_type3A_479 = arith.sitofp %shift_right_logical3A_478 : vector<16xi32> to vector<16xf32>
        %mul3A_480 = vector.broadcast %scan3A_29 : f32 to vector<16xf32>
        %mul3A_481 = arith.mulf %convert_element_type3A_479, %mul3A_480 : vector<16xf32>
        %convert_element_type3A_482 = arith.fptosi %mul3A_481 : vector<16xf32> to vector<16xi32>
        %mul3A_483 = arith.constant 16 : i32
        %mul3A_484 = vector.broadcast %mul3A_483 : i32 to vector<16xi32>
        %mul3A_485 = arith.muli %convert_element_type3A_482, %mul3A_484 : vector<16xi32>
        %add3A_486 = arith.addi %mul3A_485, %iota3A : vector<16xi32>
        %swap3A_487 = arith.index_cast %add3A_372 : i32 to index
        %swap3A_488 = arith.constant 48 : index
        %swap3A_489 = tpu.vector_load %arg8[%swap3A_487, %swap3A_488] {strides = array<i32>} : memref<98x128xi32, #tpu.memory_space<vmem>>, vector<1x16xi32>,
        %swap3A_490 = vector.shape_cast %swap3A_489 : vector<1x16xi32> to vector<16xi32>
        %swap3A_491 = vector.shape_cast %add3A_486 : vector<16xi32> to vector<1x16xi32>
        tpu.vector_store %arg8[%swap3A_487, %swap3A_488], %swap3A_491 {strides = array<i32>} : memref<98x128xi32, #tpu.memory_space<vmem>>, vector<1x16xi32>,
        %get3A_492 = arith.index_cast %add3A_471 : i32 to index
        %get3A_493 = arith.constant 0 : index
        %get3A_494 = tpu.vector_load %arg7[%get3A_492, %get3A_493] {strides = array<i32>} : memref<784x16xf32, #tpu.memory_space<vmem>>, vector<1x16xf32>,
        %get3A_495 = vector.shape_cast %get3A_494 : vector<1x16xf32> to vector<16xf32>
        %swap3A_496 = arith.index_cast %add3A_372 : i32 to index
        %swap3A_497 = arith.constant 48 : index
        %swap3A_498 = tpu.vector_load %arg9[%swap3A_496, %swap3A_497] {strides = array<i32>} : memref<98x128xf32, #tpu.memory_space<vmem>>, vector<1x16xf32>,
        %swap3A_499 = vector.shape_cast %swap3A_498 : vector<1x16xf32> to vector<16xf32>
        %swap3A_500 = vector.shape_cast %get3A_495 : vector<16xf32> to vector<1x16xf32>
        tpu.vector_store %arg9[%swap3A_496, %swap3A_497], %swap3A_500 {strides = array<i32>} : memref<98x128xf32, #tpu.memory_space<vmem>>, vector<1x16xf32>,
        %mul3A_501 = arith.constant 8 : i32
        %mul3A_502 = arith.muli %add3A_372, %mul3A_501 : i32
        %add3A_503 = arith.constant 4 : i32
        %add3A_504 = arith.addi %mul3A_502, %add3A_503 : i32
        %get3A_505 = arith.index_cast %add3A_504 : i32 to index
        %get3A_506 = arith.constant 0 : index
        %get3A_507 = tpu.vector_load %arg6[%get3A_505, %get3A_506] {strides = array<i32>} : memref<784x16xi32, #tpu.memory_space<vmem>>, vector<1x16xi32>,
        %get3A_508 = vector.shape_cast %get3A_507 : vector<1x16xi32> to vector<16xi32>
        %shift_right_logical3A_509 = arith.constant 6 : i32
        %shift_right_logical3A_510 = vector.broadcast %shift_right_logical3A_509 : i32 to vector<16xi32>
        %shift_right_logical3A_511 = arith.shrui %get3A_508, %shift_right_logical3A_510 : vector<16xi32>
        %convert_element_type3A_512 = arith.sitofp %shift_right_logical3A_511 : vector<16xi32> to vector<16xf32>
        %mul3A_513 = vector.broadcast %scan3A_29 : f32 to vector<16xf32>
        %mul3A_514 = arith.mulf %convert_element_type3A_512, %mul3A_513 : vector<16xf32>
        %convert_element_type3A_515 = arith.fptosi %mul3A_514 : vector<16xf32> to vector<16xi32>
        %mul3A_516 = arith.constant 16 : i32
        %mul3A_517 = vector.broadcast %mul3A_516 : i32 to vector<16xi32>
        %mul3A_518 = arith.muli %convert_element_type3A_515, %mul3A_517 : vector<16xi32>
        %add3A_519 = arith.addi %mul3A_518, %iota3A : vector<16xi32>
        %swap3A_520 = arith.index_cast %add3A_372 : i32 to index
        %swap3A_521 = arith.constant 64 : index
        %swap3A_522 = tpu.vector_load %arg8[%swap3A_520, %swap3A_521] {strides = array<i32>} : memref<98x128xi32, #tpu.memory_space<vmem>>, vector<1x16xi32>,
        %swap3A_523 = vector.shape_cast %swap3A_522 : vector<1x16xi32> to vector<16xi32>
        %swap3A_524 = vector.shape_cast %add3A_519 : vector<16xi32> to vector<1x16xi32>
        tpu.vector_store %arg8[%swap3A_520, %swap3A_521], %swap3A_524 {strides = array<i32>} : memref<98x128xi32, #tpu.memory_space<vmem>>, vector<1x16xi32>,
        %get3A_525 = arith.index_cast %add3A_504 : i32 to index
        %get3A_526 = arith.constant 0 : index
        %get3A_527 = tpu.vector_load %arg7[%get3A_525, %get3A_526] {strides = array<i32>} : memref<784x16xf32, #tpu.memory_space<vmem>>, vector<1x16xf32>,
        %get3A_528 = vector.shape_cast %get3A_527 : vector<1x16xf32> to vector<16xf32>
        %swap3A_529 = arith.index_cast %add3A_372 : i32 to index
        %swap3A_530 = arith.constant 64 : index
        %swap3A_531 = tpu.vector_load %arg9[%swap3A_529, %swap3A_530] {strides = array<i32>} : memref<98x128xf32, #tpu.memory_space<vmem>>, vector<1x16xf32>,
        %swap3A_532 = vector.shape_cast %swap3A_531 : vector<1x16xf32> to vector<16xf32>
        %swap3A_533 = vector.shape_cast %get3A_528 : vector<16xf32> to vector<1x16xf32>
        tpu.vector_store %arg9[%swap3A_529, %swap3A_530], %swap3A_533 {strides = array<i32>} : memref<98x128xf32, #tpu.memory_space<vmem>>, vector<1x16xf32>,
        %mul3A_534 = arith.constant 8 : i32
        %mul3A_535 = arith.muli %add3A_372, %mul3A_534 : i32
        %add3A_536 = arith.constant 5 : i32
        %add3A_537 = arith.addi %mul3A_535, %add3A_536 : i32
        %get3A_538 = arith.index_cast %add3A_537 : i32 to index
        %get3A_539 = arith.constant 0 : index
        %get3A_540 = tpu.vector_load %arg6[%get3A_538, %get3A_539] {strides = array<i32>} : memref<784x16xi32, #tpu.memory_space<vmem>>, vector<1x16xi32>,
        %get3A_541 = vector.shape_cast %get3A_540 : vector<1x16xi32> to vector<16xi32>
        %shift_right_logical3A_542 = arith.constant 6 : i32
        %shift_right_logical3A_543 = vector.broadcast %shift_right_logical3A_542 : i32 to vector<16xi32>
        %shift_right_logical3A_544 = arith.shrui %get3A_541, %shift_right_logical3A_543 : vector<16xi32>
        %convert_element_type3A_545 = arith.sitofp %shift_right_logical3A_544 : vector<16xi32> to vector<16xf32>
        %mul3A_546 = vector.broadcast %scan3A_29 : f32 to vector<16xf32>
        %mul3A_547 = arith.mulf %convert_element_type3A_545, %mul3A_546 : vector<16xf32>
        %convert_element_type3A_548 = arith.fptosi %mul3A_547 : vector<16xf32> to vector<16xi32>
        %mul3A_549 = arith.constant 16 : i32
        %mul3A_550 = vector.broadcast %mul3A_549 : i32 to vector<16xi32>
        %mul3A_551 = arith.muli %convert_element_type3A_548, %mul3A_550 : vector<16xi32>
        %add3A_552 = arith.addi %mul3A_551, %iota3A : vector<16xi32>
        %swap3A_553 = arith.index_cast %add3A_372 : i32 to index
        %swap3A_554 = arith.constant 80 : index
        %swap3A_555 = tpu.vector_load %arg8[%swap3A_553, %swap3A_554] {strides = array<i32>} : memref<98x128xi32, #tpu.memory_space<vmem>>, vector<1x16xi32>,
        %swap3A_556 = vector.shape_cast %swap3A_555 : vector<1x16xi32> to vector<16xi32>
        %swap3A_557 = vector.shape_cast %add3A_552 : vector<16xi32> to vector<1x16xi32>
        tpu.vector_store %arg8[%swap3A_553, %swap3A_554], %swap3A_557 {strides = array<i32>} : memref<98x128xi32, #tpu.memory_space<vmem>>, vector<1x16xi32>,
        %get3A_558 = arith.index_cast %add3A_537 : i32 to index
        %get3A_559 = arith.constant 0 : index
        %get3A_560 = tpu.vector_load %arg7[%get3A_558, %get3A_559] {strides = array<i32>} : memref<784x16xf32, #tpu.memory_space<vmem>>, vector<1x16xf32>,
        %get3A_561 = vector.shape_cast %get3A_560 : vector<1x16xf32> to vector<16xf32>
        %swap3A_562 = arith.index_cast %add3A_372 : i32 to index
        %swap3A_563 = arith.constant 80 : index
        %swap3A_564 = tpu.vector_load %arg9[%swap3A_562, %swap3A_563] {strides = array<i32>} : memref<98x128xf32, #tpu.memory_space<vmem>>, vector<1x16xf32>,
        %swap3A_565 = vector.shape_cast %swap3A_564 : vector<1x16xf32> to vector<16xf32>
        %swap3A_566 = vector.shape_cast %get3A_561 : vector<16xf32> to vector<1x16xf32>
        tpu.vector_store %arg9[%swap3A_562, %swap3A_563], %swap3A_566 {strides = array<i32>} : memref<98x128xf32, #tpu.memory_space<vmem>>, vector<1x16xf32>,
        %mul3A_567 = arith.constant 8 : i32
        %mul3A_568 = arith.muli %add3A_372, %mul3A_567 : i32
        %add3A_569 = arith.constant 6 : i32
        %add3A_570 = arith.addi %mul3A_568, %add3A_569 : i32
        %get3A_571 = arith.index_cast %add3A_570 : i32 to index
        %get3A_572 = arith.constant 0 : index
        %get3A_573 = tpu.vector_load %arg6[%get3A_571, %get3A_572] {strides = array<i32>} : memref<784x16xi32, #tpu.memory_space<vmem>>, vector<1x16xi32>,
        %get3A_574 = vector.shape_cast %get3A_573 : vector<1x16xi32> to vector<16xi32>
        %shift_right_logical3A_575 = arith.constant 6 : i32
        %shift_right_logical3A_576 = vector.broadcast %shift_right_logical3A_575 : i32 to vector<16xi32>
        %shift_right_logical3A_577 = arith.shrui %get3A_574, %shift_right_logical3A_576 : vector<16xi32>
        %convert_element_type3A_578 = arith.sitofp %shift_right_logical3A_577 : vector<16xi32> to vector<16xf32>
        %mul3A_579 = vector.broadcast %scan3A_29 : f32 to vector<16xf32>
        %mul3A_580 = arith.mulf %convert_element_type3A_578, %mul3A_579 : vector<16xf32>
        %convert_element_type3A_581 = arith.fptosi %mul3A_580 : vector<16xf32> to vector<16xi32>
        %mul3A_582 = arith.constant 16 : i32
        %mul3A_583 = vector.broadcast %mul3A_582 : i32 to vector<16xi32>
        %mul3A_584 = arith.muli %convert_element_type3A_581, %mul3A_583 : vector<16xi32>
        %add3A_585 = arith.addi %mul3A_584, %iota3A : vector<16xi32>
        %swap3A_586 = arith.index_cast %add3A_372 : i32 to index
        %swap3A_587 = arith.constant 96 : index
        %swap3A_588 = tpu.vector_load %arg8[%swap3A_586, %swap3A_587] {strides = array<i32>} : memref<98x128xi32, #tpu.memory_space<vmem>>, vector<1x16xi32>,
        %swap3A_589 = vector.shape_cast %swap3A_588 : vector<1x16xi32> to vector<16xi32>
        %swap3A_590 = vector.shape_cast %add3A_585 : vector<16xi32> to vector<1x16xi32>
        tpu.vector_store %arg8[%swap3A_586, %swap3A_587], %swap3A_590 {strides = array<i32>} : memref<98x128xi32, #tpu.memory_space<vmem>>, vector<1x16xi32>,
        %get3A_591 = arith.index_cast %add3A_570 : i32 to index
        %get3A_592 = arith.constant 0 : index
        %get3A_593 = tpu.vector_load %arg7[%get3A_591, %get3A_592] {strides = array<i32>} : memref<784x16xf32, #tpu.memory_space<vmem>>, vector<1x16xf32>,
        %get3A_594 = vector.shape_cast %get3A_593 : vector<1x16xf32> to vector<16xf32>
        %swap3A_595 = arith.index_cast %add3A_372 : i32 to index
        %swap3A_596 = arith.constant 96 : index
        %swap3A_597 = tpu.vector_load %arg9[%swap3A_595, %swap3A_596] {strides = array<i32>} : memref<98x128xf32, #tpu.memory_space<vmem>>, vector<1x16xf32>,
        %swap3A_598 = vector.shape_cast %swap3A_597 : vector<1x16xf32> to vector<16xf32>
        %swap3A_599 = vector.shape_cast %get3A_594 : vector<16xf32> to vector<1x16xf32>
        tpu.vector_store %arg9[%swap3A_595, %swap3A_596], %swap3A_599 {strides = array<i32>} : memref<98x128xf32, #tpu.memory_space<vmem>>, vector<1x16xf32>,
        %mul3A_600 = arith.constant 8 : i32
        %mul3A_601 = arith.muli %add3A_372, %mul3A_600 : i32
        %add3A_602 = arith.constant 7 : i32
        %add3A_603 = arith.addi %mul3A_601, %add3A_602 : i32
        %get3A_604 = arith.index_cast %add3A_603 : i32 to index
        %get3A_605 = arith.constant 0 : index
        %get3A_606 = tpu.vector_load %arg6[%get3A_604, %get3A_605] {strides = array<i32>} : memref<784x16xi32, #tpu.memory_space<vmem>>, vector<1x16xi32>,
        %get3A_607 = vector.shape_cast %get3A_606 : vector<1x16xi32> to vector<16xi32>
        %shift_right_logical3A_608 = arith.constant 6 : i32
        %shift_right_logical3A_609 = vector.broadcast %shift_right_logical3A_608 : i32 to vector<16xi32>
        %shift_right_logical3A_610 = arith.shrui %get3A_607, %shift_right_logical3A_609 : vector<16xi32>
        %convert_element_type3A_611 = arith.sitofp %shift_right_logical3A_610 : vector<16xi32> to vector<16xf32>
        %mul3A_612 = vector.broadcast %scan3A_29 : f32 to vector<16xf32>
        %mul3A_613 = arith.mulf %convert_element_type3A_611, %mul3A_612 : vector<16xf32>
        %convert_element_type3A_614 = arith.fptosi %mul3A_613 : vector<16xf32> to vector<16xi32>
        %mul3A_615 = arith.constant 16 : i32
        %mul3A_616 = vector.broadcast %mul3A_615 : i32 to vector<16xi32>
        %mul3A_617 = arith.muli %convert_element_type3A_614, %mul3A_616 : vector<16xi32>
        %add3A_618 = arith.addi %mul3A_617, %iota3A : vector<16xi32>
        %swap3A_619 = arith.index_cast %add3A_372 : i32 to index
        %swap3A_620 = arith.constant 112 : index
        %swap3A_621 = tpu.vector_load %arg8[%swap3A_619, %swap3A_620] {strides = array<i32>} : memref<98x128xi32, #tpu.memory_space<vmem>>, vector<1x16xi32>,
        %swap3A_622 = vector.shape_cast %swap3A_621 : vector<1x16xi32> to vector<16xi32>
        %swap3A_623 = vector.shape_cast %add3A_618 : vector<16xi32> to vector<1x16xi32>
        tpu.vector_store %arg8[%swap3A_619, %swap3A_620], %swap3A_623 {strides = array<i32>} : memref<98x128xi32, #tpu.memory_space<vmem>>, vector<1x16xi32>,
        %get3A_624 = arith.index_cast %add3A_603 : i32 to index
        %get3A_625 = arith.constant 0 : index
        %get3A_626 = tpu.vector_load %arg7[%get3A_624, %get3A_625] {strides = array<i32>} : memref<784x16xf32, #tpu.memory_space<vmem>>, vector<1x16xf32>,
        %get3A_627 = vector.shape_cast %get3A_626 : vector<1x16xf32> to vector<16xf32>
        %swap3A_628 = arith.index_cast %add3A_372 : i32 to index
        %swap3A_629 = arith.constant 112 : index
        %swap3A_630 = tpu.vector_load %arg9[%swap3A_628, %swap3A_629] {strides = array<i32>} : memref<98x128xf32, #tpu.memory_space<vmem>>, vector<1x16xf32>,
        %swap3A_631 = vector.shape_cast %swap3A_630 : vector<1x16xf32> to vector<16xf32>
        %swap3A_632 = vector.shape_cast %get3A_627 : vector<16xf32> to vector<1x16xf32>
        tpu.vector_store %arg9[%swap3A_628, %swap3A_629], %swap3A_632 {strides = array<i32>} : memref<98x128xf32, #tpu.memory_space<vmem>>, vector<1x16xf32>,
      }
      %scan3A_73 = arith.constant 98 : i32
      %mul3A_74 = arith.constant 1 : i32
      %mul3A_75 = arith.constant 32 : i32
      %mul3A_76 = arith.muli %mul3A_74, %mul3A_75 : i32
      %mul3A_77 = arith.constant 16 : i32
      %mul3A_78 = arith.muli %arg0, %mul3A_77 : i32
      %add3A_79 = arith.addi %mul3A_76, %mul3A_78 : i32
      %dma_start3A_80 = tpu.memref_slice %arg3[%add3A_52, %mul3A_0, %add3A_79] : memref<4x12544x192xi32, #tpu.memory_space<hbm>> -> memref<1x784x16xi32, #tpu.memory_space<hbm>>
      %dma_start3A_81 = tpu.memref_squeeze %dma_start3A_80 : memref<1x784x16xi32, #tpu.memory_space<hbm>> -> memref<784x16xi32, #tpu.memory_space<hbm>>
      %dma_start3A_82 = tpu.memref_slice %arg3[%add3A_52, %mul3A_0, %add3A_79] : memref<4x12544x192xi32, #tpu.memory_space<hbm>> -> memref<1x784x16xi32, #tpu.memory_space<hbm>>
      %dma_start3A_83 = tpu.memref_squeeze %dma_start3A_82 : memref<1x784x16xi32, #tpu.memory_space<hbm>> -> memref<784x16xi32, #tpu.memory_space<hbm>>
      tpu.enqueue_dma source(%dma_start3A_83 : memref<784x16xi32, #tpu.memory_space<hbm>>) target(%arg6 : memref<784x16xi32, #tpu.memory_space<vmem>>) target_semaphore(%arg13 : memref<!tpu.dma_semaphore, #tpu.memory_space<semaphore_mem>>)
      %dma_start3A_84 = tpu.memref_slice %arg2[%add3A_52, %mul3A_0, %add3A_79] : memref<4x12544x192xf32, #tpu.memory_space<hbm>> -> memref<1x784x16xf32, #tpu.memory_space<hbm>>
      %dma_start3A_85 = tpu.memref_squeeze %dma_start3A_84 : memref<1x784x16xf32, #tpu.memory_space<hbm>> -> memref<784x16xf32, #tpu.memory_space<hbm>>
      %dma_start3A_86 = tpu.memref_slice %arg2[%add3A_52, %mul3A_0, %add3A_79] : memref<4x12544x192xf32, #tpu.memory_space<hbm>> -> memref<1x784x16xf32, #tpu.memory_space<hbm>>
      %dma_start3A_87 = tpu.memref_squeeze %dma_start3A_86 : memref<1x784x16xf32, #tpu.memory_space<hbm>> -> memref<784x16xf32, #tpu.memory_space<hbm>>
      tpu.enqueue_dma source(%dma_start3A_87 : memref<784x16xf32, #tpu.memory_space<hbm>>) target(%arg7 : memref<784x16xf32, #tpu.memory_space<vmem>>) target_semaphore(%arg13 : memref<!tpu.dma_semaphore, #tpu.memory_space<semaphore_mem>>)
      %scan3A_88 = arith.constant 0 : i32
      %scan3A_89 = arith.constant 98 : i32
      %scan3A_90 = arith.addi %scan3A_88, %scan3A_89 : i32
      %scan3A_91 = arith.constant 1 : i32
      scf.for %scan3A_368 = %scan3A_88 to %scan3A_90 step %scan3A_91  : i32 {
        %mul3A_369 = arith.constant 1 : i32
        %mul3A_370 = arith.muli %scan3A_368, %mul3A_369 : i32
        %add3A_371 = arith.constant 0 : i32
        %add3A_372 = arith.addi %add3A_371, %mul3A_370 : i32
        %dma_start3A_373 = arith.constant 0 : i32
        %dma_start3A_374 = tpu.memref_slice %arg9[%add3A_372, %dma_start3A_373] : memref<98x128xf32, #tpu.memory_space<vmem>> -> memref<1x128xf32, #tpu.memory_space<vmem>>
        %dma_start3A_375 = tpu.memref_squeeze %dma_start3A_374 : memref<1x128xf32, #tpu.memory_space<vmem>> -> memref<128xf32, #tpu.memory_space<vmem>>
        %dma_start3A_376 = arith.constant 0 : i32
        %dma_start3A_377 = tpu.memref_slice %arg8[%add3A_372, %dma_start3A_376] : memref<98x128xi32, #tpu.memory_space<vmem>> -> memref<1x128xi32, #tpu.memory_space<vmem>>
        %dma_start3A_378 = tpu.memref_squeeze %dma_start3A_377 : memref<1x128xi32, #tpu.memory_space<vmem>> -> memref<128xi32, #tpu.memory_space<vmem>>
        %dma_start3A_379 = arith.constant 0 : i32
        %dma_start3A_380 = tpu.memref_slice %arg5[%dma_start3A_379] : memref<802816xf32, #tpu.memory_space<vmem_shared>> -> memref<802816xf32, #tpu.memory_space<vmem_shared>>
        tpu.enqueue_indirect_dma source(%dma_start3A_375 : memref<128xf32, #tpu.memory_space<vmem>>) target(%dma_start3A_380 : memref<802816xf32, #tpu.memory_space<vmem_shared>>) offsets(%dma_start3A_378 : memref<128xi32, #tpu.memory_space<vmem>>) semaphore(%arg14 : memref<!tpu.dma_semaphore, #tpu.memory_space<semaphore_mem>>) {add = true}
      }
      %scan3A_92 = arith.constant 98 : i32
      %scan3A_93 = arith.constant 0 : i32
      %scan3A_94 = arith.constant 98 : i32
      %scan3A_95 = arith.addi %scan3A_93, %scan3A_94 : i32
      %scan3A_96 = arith.constant 1 : i32
      scf.for %scan3A_368 = %scan3A_93 to %scan3A_95 step %scan3A_96  : i32 {
        %mul3A_369 = arith.constant 1 : i32
        %mul3A_370 = arith.muli %scan3A_368, %mul3A_369 : i32
        %add3A_371 = arith.constant 0 : i32
        %add3A_372 = arith.addi %add3A_371, %mul3A_370 : i32
        %dma_wait3A_373 = arith.constant 0 : i32
        %dma_wait3A_374 = tpu.memref_slice %arg9[%add3A_372, %dma_wait3A_373] : memref<98x128xf32, #tpu.memory_space<vmem>> -> memref<1x128xf32, #tpu.memory_space<vmem>>
        %dma_wait3A_375 = tpu.memref_squeeze %dma_wait3A_374 : memref<1x128xf32, #tpu.memory_space<vmem>> -> memref<128xf32, #tpu.memory_space<vmem>>
        %dma_wait3A_376 = arith.constant 0 : i32
        %dma_wait3A_377 = tpu.memref_slice %arg8[%add3A_372, %dma_wait3A_376] : memref<98x128xi32, #tpu.memory_space<vmem>> -> memref<1x128xi32, #tpu.memory_space<vmem>>
        %dma_wait3A_378 = tpu.memref_squeeze %dma_wait3A_377 : memref<1x128xi32, #tpu.memory_space<vmem>> -> memref<128xi32, #tpu.memory_space<vmem>>
        %dma_wait3A_379 = arith.constant 0 : i32
        %dma_wait3A_380 = tpu.memref_slice %arg5[%dma_wait3A_379] : memref<802816xf32, #tpu.memory_space<vmem_shared>> -> memref<802816xf32, #tpu.memory_space<vmem_shared>>
        tpu.wait_indirect_dma semaphore(%arg14 : memref<!tpu.dma_semaphore, #tpu.memory_space<semaphore_mem>>) src(%dma_wait3A_375 : memref<128xf32, #tpu.memory_space<vmem>>) dst(%dma_wait3A_380 : memref<802816xf32, #tpu.memory_space<vmem_shared>>)
      }
      %scan3A_97 = arith.constant 98 : i32
      %barrier3A_98 = arith.constant 0 : index
      tpu.barrier barrier_id(%barrier3A_98)
      %scan3A_99 = arith.constant 0 : i32
      %scan3A_100 = arith.constant 4 : i32
      %scan3A_101 = arith.addi %scan3A_99, %scan3A_100 : i32
      %scan3A_102 = arith.constant 1 : i32
      scf.for %scan3A_368 = %scan3A_99 to %scan3A_101 step %scan3A_102  : i32 {
        %mul3A_369 = arith.constant 1 : i32
        %mul3A_370 = arith.muli %scan3A_368, %mul3A_369 : i32
        %add3A_371 = arith.constant 0 : i32
        %add3A_372 = arith.addi %add3A_371, %mul3A_370 : i32
        %mul3A_373 = arith.constant 12544 : i32
        %mul3A_374 = arith.muli %add3A_372, %mul3A_373 : i32
        %add3A_375 = arith.addi %mul3A_2, %mul3A_374 : i32
        "tpu.region"() ({
          %run_scoped3A = tpu.sem_alloc : memref<!tpu.dma_semaphore, #tpu.memory_space<semaphore_mem>>
          %dma_start3A_389 = tpu.memref_slice %arg5[%add3A_375] : memref<802816xf32, #tpu.memory_space<vmem_shared>> -> memref<12544xf32, #tpu.memory_space<vmem_shared>>
          %dma_start3A_390 = tpu.memref_slice %arg5[%add3A_375] : memref<802816xf32, #tpu.memory_space<vmem_shared>> -> memref<12544xf32, #tpu.memory_space<vmem_shared>>
          tpu.enqueue_dma source(%dma_start3A_390 : memref<12544xf32, #tpu.memory_space<vmem_shared>>) target(%arg10 : memref<12544xf32, #tpu.memory_space<vmem>>) target_semaphore(%run_scoped3A : memref<!tpu.dma_semaphore, #tpu.memory_space<semaphore_mem>>)
          %dma_wait3A_391 = tpu.memref_slice %arg5[%add3A_375] : memref<802816xf32, #tpu.memory_space<vmem_shared>> -> memref<12544xf32, #tpu.memory_space<vmem_shared>>
          %dma_wait3A_392 = tpu.memref_slice %arg5[%add3A_375] : memref<802816xf32, #tpu.memory_space<vmem_shared>> -> memref<12544xf32, #tpu.memory_space<vmem_shared>>
          tpu.wait_dma2 semaphore(%run_scoped3A : memref<!tpu.dma_semaphore, #tpu.memory_space<semaphore_mem>>) src(%dma_wait3A_392 : memref<12544xf32, #tpu.memory_space<vmem_shared>>) dst(%arg10 : memref<12544xf32, #tpu.memory_space<vmem>>)
          tpu.yield
        }) : () -> ()
        %scan3A_376 = arith.constant 0 : i32
        %scan3A_377 = arith.constant 784 : i32
        %scan3A_378 = arith.addi %scan3A_376, %scan3A_377 : i32
        %scan3A_379 = arith.constant 1 : i32
        scf.for %scan3A_389 = %scan3A_376 to %scan3A_378 step %scan3A_379  : i32 {
          %mul3A_390 = arith.constant 1 : i32
          %mul3A_391 = arith.muli %scan3A_389, %mul3A_390 : i32
          %add3A_392 = arith.constant 0 : i32
          %add3A_393 = arith.addi %add3A_392, %mul3A_391 : i32
          %mul3A_394 = arith.constant 16 : i32
          %mul3A_395 = arith.muli %add3A_393, %mul3A_394 : i32
          %get3A = arith.index_cast %mul3A_395 : i32 to index
          %get3A_396 = tpu.vector_load %arg10[%get3A] {strides = array<i32>} : memref<12544xf32, #tpu.memory_space<vmem>>, vector<16xf32>,
          %get3A_397 = vector.shape_cast %get3A_396 : vector<16xf32> to vector<16xf32>
          %swap3A = arith.index_cast %add3A_393 : i32 to index
          %swap3A_398 = arith.constant 0 : index
          %swap3A_399 = tpu.vector_load %arg11[%swap3A, %swap3A_398] {strides = array<i32>} : memref<784x16xf32, #tpu.memory_space<vmem>>, vector<1x16xf32>,
          %swap3A_400 = vector.shape_cast %swap3A_399 : vector<1x16xf32> to vector<16xf32>
          %swap3A_401 = vector.shape_cast %get3A_397 : vector<16xf32> to vector<1x16xf32>
          tpu.vector_store %arg11[%swap3A, %swap3A_398], %swap3A_401 {strides = array<i32>} : memref<784x16xf32, #tpu.memory_space<vmem>>, vector<1x16xf32>,
        }
        %scan3A_380 = arith.constant 784 : i32
        %mul3A_381 = arith.constant 784 : i32
        %mul3A_382 = arith.muli %add3A_372, %mul3A_381 : i32
        %add3A_383 = arith.addi %mul3A_4, %mul3A_382 : i32
        "tpu.region"() ({
          %run_scoped3A = tpu.sem_alloc : memref<!tpu.dma_semaphore, #tpu.memory_space<semaphore_mem>>
          %dma_start3A_389 = tpu.memref_slice %arg4[%add3A_52, %add3A_383, %add3A_56] : memref<4x50176x192xf32, #tpu.memory_space<hbm>> -> memref<1x784x16xf32, #tpu.memory_space<hbm>>
          %dma_start3A_390 = tpu.memref_squeeze %dma_start3A_389 : memref<1x784x16xf32, #tpu.memory_space<hbm>> -> memref<784x16xf32, #tpu.memory_space<hbm>>
          %dma_start3A_391 = tpu.memref_slice %arg4[%add3A_52, %add3A_383, %add3A_56] : memref<4x50176x192xf32, #tpu.memory_space<hbm>> -> memref<1x784x16xf32, #tpu.memory_space<hbm>>
          %dma_start3A_392 = tpu.memref_squeeze %dma_start3A_391 : memref<1x784x16xf32, #tpu.memory_space<hbm>> -> memref<784x16xf32, #tpu.memory_space<hbm>>
          tpu.enqueue_dma source(%arg11 : memref<784x16xf32, #tpu.memory_space<vmem>>) target(%dma_start3A_392 : memref<784x16xf32, #tpu.memory_space<hbm>>) target_semaphore(%run_scoped3A : memref<!tpu.dma_semaphore, #tpu.memory_space<semaphore_mem>>)
          %dma_wait3A_393 = tpu.memref_slice %arg4[%add3A_52, %add3A_383, %add3A_56] : memref<4x50176x192xf32, #tpu.memory_space<hbm>> -> memref<1x784x16xf32, #tpu.memory_space<hbm>>
          %dma_wait3A_394 = tpu.memref_squeeze %dma_wait3A_393 : memref<1x784x16xf32, #tpu.memory_space<hbm>> -> memref<784x16xf32, #tpu.memory_space<hbm>>
          %dma_wait3A_395 = tpu.memref_slice %arg4[%add3A_52, %add3A_383, %add3A_56] : memref<4x50176x192xf32, #tpu.memory_space<hbm>> -> memref<1x784x16xf32, #tpu.memory_space<hbm>>
          %dma_wait3A_396 = tpu.memref_squeeze %dma_wait3A_395 : memref<1x784x16xf32, #tpu.memory_space<hbm>> -> memref<784x16xf32, #tpu.memory_space<hbm>>
          tpu.wait_dma2 semaphore(%run_scoped3A : memref<!tpu.dma_semaphore, #tpu.memory_space<semaphore_mem>>) src(%arg11 : memref<784x16xf32, #tpu.memory_space<vmem>>) dst(%dma_wait3A_396 : memref<784x16xf32, #tpu.memory_space<hbm>>)
          tpu.yield
        }) : () -> ()
        %scan3A_384 = arith.constant 0 : i32
        %scan3A_385 = arith.constant 4 : i32
        %scan3A_386 = arith.addi %scan3A_384, %scan3A_385 : i32
        %scan3A_387 = arith.constant 1 : i32
        scf.for %scan3A_389 = %scan3A_384 to %scan3A_386 step %scan3A_387  : i32 {
          %mul3A_390 = arith.constant 1 : i32
          %mul3A_391 = arith.muli %scan3A_389, %mul3A_390 : i32
          %add3A_392 = arith.constant 0 : i32
          %add3A_393 = arith.addi %add3A_392, %mul3A_391 : i32
          %mul3A_394 = arith.constant 3136 : i32
          %mul3A_395 = arith.muli %add3A_393, %mul3A_394 : i32
          %add3A_396 = arith.addi %add3A_375, %mul3A_395 : i32
          "tpu.region"() ({
            %run_scoped3A = tpu.sem_alloc : memref<!tpu.dma_semaphore, #tpu.memory_space<semaphore_mem>>
            %dma_start3A_397 = tpu.memref_slice %arg5[%add3A_396] : memref<802816xf32, #tpu.memory_space<vmem_shared>> -> memref<3136xf32, #tpu.memory_space<vmem_shared>>
            %dma_start3A_398 = tpu.memref_slice %arg5[%add3A_396] : memref<802816xf32, #tpu.memory_space<vmem_shared>> -> memref<3136xf32, #tpu.memory_space<vmem_shared>>
            tpu.enqueue_dma source(%arg12 : memref<3136xf32, #tpu.memory_space<vmem>>) target(%dma_start3A_398 : memref<3136xf32, #tpu.memory_space<vmem_shared>>) target_semaphore(%run_scoped3A : memref<!tpu.dma_semaphore, #tpu.memory_space<semaphore_mem>>)
            %dma_wait3A_399 = tpu.memref_slice %arg5[%add3A_396] : memref<802816xf32, #tpu.memory_space<vmem_shared>> -> memref<3136xf32, #tpu.memory_space<vmem_shared>>
            %dma_wait3A_400 = tpu.memref_slice %arg5[%add3A_396] : memref<802816xf32, #tpu.memory_space<vmem_shared>> -> memref<3136xf32, #tpu.memory_space<vmem_shared>>
            tpu.wait_dma2 semaphore(%run_scoped3A : memref<!tpu.dma_semaphore, #tpu.memory_space<semaphore_mem>>) src(%arg12 : memref<3136xf32, #tpu.memory_space<vmem>>) dst(%dma_wait3A_400 : memref<3136xf32, #tpu.memory_space<vmem_shared>>)
            tpu.yield
          }) : () -> ()
        }
        %scan3A_388 = arith.constant 4 : i32
      }
      %scan3A_103 = arith.constant 4 : i32
      %barrier3A_104 = arith.constant 0 : index
      tpu.barrier barrier_id(%barrier3A_104)
      %mul3A_105 = arith.constant 16 : i32
      %mul3A_106 = arith.muli %arg0, %mul3A_105 : i32
      %add3A_107 = arith.constant 32 : i32
      %add3A_108 = arith.addi %add3A_107, %mul3A_106 : i32
      %mul3A_109 = arith.constant 16 : i32
      %mul3A_110 = arith.muli %arg0, %mul3A_109 : i32
      %add3A_111 = arith.constant 32 : i32
      %add3A_112 = arith.addi %add3A_111, %mul3A_110 : i32
      %dma_wait3A_113 = tpu.memref_slice %arg3[%add3A_52, %mul3A_0, %add3A_112] : memref<4x12544x192xi32, #tpu.memory_space<hbm>> -> memref<1x784x16xi32, #tpu.memory_space<hbm>>
      %dma_wait3A_114 = tpu.memref_squeeze %dma_wait3A_113 : memref<1x784x16xi32, #tpu.memory_space<hbm>> -> memref<784x16xi32, #tpu.memory_space<hbm>>
      %dma_wait3A_115 = tpu.memref_slice %arg3[%add3A_52, %mul3A_0, %add3A_112] : memref<4x12544x192xi32, #tpu.memory_space<hbm>> -> memref<1x784x16xi32, #tpu.memory_space<hbm>>
      %dma_wait3A_116 = tpu.memref_squeeze %dma_wait3A_115 : memref<1x784x16xi32, #tpu.memory_space<hbm>> -> memref<784x16xi32, #tpu.memory_space<hbm>>
      tpu.wait_dma2 semaphore(%arg13 : memref<!tpu.dma_semaphore, #tpu.memory_space<semaphore_mem>>) src(%dma_wait3A_116 : memref<784x16xi32, #tpu.memory_space<hbm>>) dst(%arg6 : memref<784x16xi32, #tpu.memory_space<vmem>>)
      %dma_wait3A_117 = tpu.memref_slice %arg2[%add3A_52, %mul3A_0, %add3A_112] : memref<4x12544x192xf32, #tpu.memory_space<hbm>> -> memref<1x784x16xf32, #tpu.memory_space<hbm>>
      %dma_wait3A_118 = tpu.memref_squeeze %dma_wait3A_117 : memref<1x784x16xf32, #tpu.memory_space<hbm>> -> memref<784x16xf32, #tpu.memory_space<hbm>>
      %dma_wait3A_119 = tpu.memref_slice %arg2[%add3A_52, %mul3A_0, %add3A_112] : memref<4x12544x192xf32, #tpu.memory_space<hbm>> -> memref<1x784x16xf32, #tpu.memory_space<hbm>>
      %dma_wait3A_120 = tpu.memref_squeeze %dma_wait3A_119 : memref<1x784x16xf32, #tpu.memory_space<hbm>> -> memref<784x16xf32, #tpu.memory_space<hbm>>
      tpu.wait_dma2 semaphore(%arg13 : memref<!tpu.dma_semaphore, #tpu.memory_space<semaphore_mem>>) src(%dma_wait3A_120 : memref<784x16xf32, #tpu.memory_space<hbm>>) dst(%arg7 : memref<784x16xf32, #tpu.memory_space<vmem>>)
      %scan3A_121 = arith.constant 0 : i32
      %scan3A_122 = arith.constant 98 : i32
      %scan3A_123 = arith.addi %scan3A_121, %scan3A_122 : i32
      %scan3A_124 = arith.constant 1 : i32
      scf.for %scan3A_368 = %scan3A_121 to %scan3A_123 step %scan3A_124  : i32 {
        %mul3A_369 = arith.constant 1 : i32
        %mul3A_370 = arith.muli %scan3A_368, %mul3A_369 : i32
        %add3A_371 = arith.constant 0 : i32
        %add3A_372 = arith.addi %add3A_371, %mul3A_370 : i32
        %mul3A_373 = arith.constant 8 : i32
        %mul3A_374 = arith.muli %add3A_372, %mul3A_373 : i32
        %add3A_375 = arith.constant 0 : i32
        %add3A_376 = arith.addi %mul3A_374, %add3A_375 : i32
        %get3A = arith.index_cast %add3A_376 : i32 to index
        %get3A_377 = arith.constant 0 : index
        %get3A_378 = tpu.vector_load %arg6[%get3A, %get3A_377] {strides = array<i32>} : memref<784x16xi32, #tpu.memory_space<vmem>>, vector<1x16xi32>,
        %get3A_379 = vector.shape_cast %get3A_378 : vector<1x16xi32> to vector<16xi32>
        %shift_right_logical3A = arith.constant 6 : i32
        %shift_right_logical3A_380 = vector.broadcast %shift_right_logical3A : i32 to vector<16xi32>
        %shift_right_logical3A_381 = arith.shrui %get3A_379, %shift_right_logical3A_380 : vector<16xi32>
        %convert_element_type3A = arith.sitofp %shift_right_logical3A_381 : vector<16xi32> to vector<16xf32>
        %mul3A_382 = vector.broadcast %scan3A_29 : f32 to vector<16xf32>
        %mul3A_383 = arith.mulf %convert_element_type3A, %mul3A_382 : vector<16xf32>
        %convert_element_type3A_384 = arith.fptosi %mul3A_383 : vector<16xf32> to vector<16xi32>
        %mul3A_385 = arith.constant 16 : i32
        %mul3A_386 = vector.broadcast %mul3A_385 : i32 to vector<16xi32>
        %mul3A_387 = arith.muli %convert_element_type3A_384, %mul3A_386 : vector<16xi32>
        %add3A_388 = arith.addi %mul3A_387, %iota3A : vector<16xi32>
        %swap3A = arith.index_cast %add3A_372 : i32 to index
        %swap3A_389 = arith.constant 0 : index
        %swap3A_390 = tpu.vector_load %arg8[%swap3A, %swap3A_389] {strides = array<i32>} : memref<98x128xi32, #tpu.memory_space<vmem>>, vector<1x16xi32>,
        %swap3A_391 = vector.shape_cast %swap3A_390 : vector<1x16xi32> to vector<16xi32>
        %swap3A_392 = vector.shape_cast %add3A_388 : vector<16xi32> to vector<1x16xi32>
        tpu.vector_store %arg8[%swap3A, %swap3A_389], %swap3A_392 {strides = array<i32>} : memref<98x128xi32, #tpu.memory_space<vmem>>, vector<1x16xi32>,
        %get3A_393 = arith.index_cast %add3A_376 : i32 to index
        %get3A_394 = arith.constant 0 : index
        %get3A_395 = tpu.vector_load %arg7[%get3A_393, %get3A_394] {strides = array<i32>} : memref<784x16xf32, #tpu.memory_space<vmem>>, vector<1x16xf32>,
        %get3A_396 = vector.shape_cast %get3A_395 : vector<1x16xf32> to vector<16xf32>
        %swap3A_397 = arith.index_cast %add3A_372 : i32 to index
        %swap3A_398 = arith.constant 0 : index
        %swap3A_399 = tpu.vector_load %arg9[%swap3A_397, %swap3A_398] {strides = array<i32>} : memref<98x128xf32, #tpu.memory_space<vmem>>, vector<1x16xf32>,
        %swap3A_400 = vector.shape_cast %swap3A_399 : vector<1x16xf32> to vector<16xf32>
        %swap3A_401 = vector.shape_cast %get3A_396 : vector<16xf32> to vector<1x16xf32>
        tpu.vector_store %arg9[%swap3A_397, %swap3A_398], %swap3A_401 {strides = array<i32>} : memref<98x128xf32, #tpu.memory_space<vmem>>, vector<1x16xf32>,
        %mul3A_402 = arith.constant 8 : i32
        %mul3A_403 = arith.muli %add3A_372, %mul3A_402 : i32
        %add3A_404 = arith.constant 1 : i32
        %add3A_405 = arith.addi %mul3A_403, %add3A_404 : i32
        %get3A_406 = arith.index_cast %add3A_405 : i32 to index
        %get3A_407 = arith.constant 0 : index
        %get3A_408 = tpu.vector_load %arg6[%get3A_406, %get3A_407] {strides = array<i32>} : memref<784x16xi32, #tpu.memory_space<vmem>>, vector<1x16xi32>,
        %get3A_409 = vector.shape_cast %get3A_408 : vector<1x16xi32> to vector<16xi32>
        %shift_right_logical3A_410 = arith.constant 6 : i32
        %shift_right_logical3A_411 = vector.broadcast %shift_right_logical3A_410 : i32 to vector<16xi32>
        %shift_right_logical3A_412 = arith.shrui %get3A_409, %shift_right_logical3A_411 : vector<16xi32>
        %convert_element_type3A_413 = arith.sitofp %shift_right_logical3A_412 : vector<16xi32> to vector<16xf32>
        %mul3A_414 = vector.broadcast %scan3A_29 : f32 to vector<16xf32>
        %mul3A_415 = arith.mulf %convert_element_type3A_413, %mul3A_414 : vector<16xf32>
        %convert_element_type3A_416 = arith.fptosi %mul3A_415 : vector<16xf32> to vector<16xi32>
        %mul3A_417 = arith.constant 16 : i32
        %mul3A_418 = vector.broadcast %mul3A_417 : i32 to vector<16xi32>
        %mul3A_419 = arith.muli %convert_element_type3A_416, %mul3A_418 : vector<16xi32>
        %add3A_420 = arith.addi %mul3A_419, %iota3A : vector<16xi32>
        %swap3A_421 = arith.index_cast %add3A_372 : i32 to index
        %swap3A_422 = arith.constant 16 : index
        %swap3A_423 = tpu.vector_load %arg8[%swap3A_421, %swap3A_422] {strides = array<i32>} : memref<98x128xi32, #tpu.memory_space<vmem>>, vector<1x16xi32>,
        %swap3A_424 = vector.shape_cast %swap3A_423 : vector<1x16xi32> to vector<16xi32>
        %swap3A_425 = vector.shape_cast %add3A_420 : vector<16xi32> to vector<1x16xi32>
        tpu.vector_store %arg8[%swap3A_421, %swap3A_422], %swap3A_425 {strides = array<i32>} : memref<98x128xi32, #tpu.memory_space<vmem>>, vector<1x16xi32>,
        %get3A_426 = arith.index_cast %add3A_405 : i32 to index
        %get3A_427 = arith.constant 0 : index
        %get3A_428 = tpu.vector_load %arg7[%get3A_426, %get3A_427] {strides = array<i32>} : memref<784x16xf32, #tpu.memory_space<vmem>>, vector<1x16xf32>,
        %get3A_429 = vector.shape_cast %get3A_428 : vector<1x16xf32> to vector<16xf32>
        %swap3A_430 = arith.index_cast %add3A_372 : i32 to index
        %swap3A_431 = arith.constant 16 : index
        %swap3A_432 = tpu.vector_load %arg9[%swap3A_430, %swap3A_431] {strides = array<i32>} : memref<98x128xf32, #tpu.memory_space<vmem>>, vector<1x16xf32>,
        %swap3A_433 = vector.shape_cast %swap3A_432 : vector<1x16xf32> to vector<16xf32>
        %swap3A_434 = vector.shape_cast %get3A_429 : vector<16xf32> to vector<1x16xf32>
        tpu.vector_store %arg9[%swap3A_430, %swap3A_431], %swap3A_434 {strides = array<i32>} : memref<98x128xf32, #tpu.memory_space<vmem>>, vector<1x16xf32>,
        %mul3A_435 = arith.constant 8 : i32
        %mul3A_436 = arith.muli %add3A_372, %mul3A_435 : i32
        %add3A_437 = arith.constant 2 : i32
        %add3A_438 = arith.addi %mul3A_436, %add3A_437 : i32
        %get3A_439 = arith.index_cast %add3A_438 : i32 to index
        %get3A_440 = arith.constant 0 : index
        %get3A_441 = tpu.vector_load %arg6[%get3A_439, %get3A_440] {strides = array<i32>} : memref<784x16xi32, #tpu.memory_space<vmem>>, vector<1x16xi32>,
        %get3A_442 = vector.shape_cast %get3A_441 : vector<1x16xi32> to vector<16xi32>
        %shift_right_logical3A_443 = arith.constant 6 : i32
        %shift_right_logical3A_444 = vector.broadcast %shift_right_logical3A_443 : i32 to vector<16xi32>
        %shift_right_logical3A_445 = arith.shrui %get3A_442, %shift_right_logical3A_444 : vector<16xi32>
        %convert_element_type3A_446 = arith.sitofp %shift_right_logical3A_445 : vector<16xi32> to vector<16xf32>
        %mul3A_447 = vector.broadcast %scan3A_29 : f32 to vector<16xf32>
        %mul3A_448 = arith.mulf %convert_element_type3A_446, %mul3A_447 : vector<16xf32>
        %convert_element_type3A_449 = arith.fptosi %mul3A_448 : vector<16xf32> to vector<16xi32>
        %mul3A_450 = arith.constant 16 : i32
        %mul3A_451 = vector.broadcast %mul3A_450 : i32 to vector<16xi32>
        %mul3A_452 = arith.muli %convert_element_type3A_449, %mul3A_451 : vector<16xi32>
        %add3A_453 = arith.addi %mul3A_452, %iota3A : vector<16xi32>
        %swap3A_454 = arith.index_cast %add3A_372 : i32 to index
        %swap3A_455 = arith.constant 32 : index
        %swap3A_456 = tpu.vector_load %arg8[%swap3A_454, %swap3A_455] {strides = array<i32>} : memref<98x128xi32, #tpu.memory_space<vmem>>, vector<1x16xi32>,
        %swap3A_457 = vector.shape_cast %swap3A_456 : vector<1x16xi32> to vector<16xi32>
        %swap3A_458 = vector.shape_cast %add3A_453 : vector<16xi32> to vector<1x16xi32>
        tpu.vector_store %arg8[%swap3A_454, %swap3A_455], %swap3A_458 {strides = array<i32>} : memref<98x128xi32, #tpu.memory_space<vmem>>, vector<1x16xi32>,
        %get3A_459 = arith.index_cast %add3A_438 : i32 to index
        %get3A_460 = arith.constant 0 : index
        %get3A_461 = tpu.vector_load %arg7[%get3A_459, %get3A_460] {strides = array<i32>} : memref<784x16xf32, #tpu.memory_space<vmem>>, vector<1x16xf32>,
        %get3A_462 = vector.shape_cast %get3A_461 : vector<1x16xf32> to vector<16xf32>
        %swap3A_463 = arith.index_cast %add3A_372 : i32 to index
        %swap3A_464 = arith.constant 32 : index
        %swap3A_465 = tpu.vector_load %arg9[%swap3A_463, %swap3A_464] {strides = array<i32>} : memref<98x128xf32, #tpu.memory_space<vmem>>, vector<1x16xf32>,
        %swap3A_466 = vector.shape_cast %swap3A_465 : vector<1x16xf32> to vector<16xf32>
        %swap3A_467 = vector.shape_cast %get3A_462 : vector<16xf32> to vector<1x16xf32>
        tpu.vector_store %arg9[%swap3A_463, %swap3A_464], %swap3A_467 {strides = array<i32>} : memref<98x128xf32, #tpu.memory_space<vmem>>, vector<1x16xf32>,
        %mul3A_468 = arith.constant 8 : i32
        %mul3A_469 = arith.muli %add3A_372, %mul3A_468 : i32
        %add3A_470 = arith.constant 3 : i32
        %add3A_471 = arith.addi %mul3A_469, %add3A_470 : i32
        %get3A_472 = arith.index_cast %add3A_471 : i32 to index
        %get3A_473 = arith.constant 0 : index
        %get3A_474 = tpu.vector_load %arg6[%get3A_472, %get3A_473] {strides = array<i32>} : memref<784x16xi32, #tpu.memory_space<vmem>>, vector<1x16xi32>,
        %get3A_475 = vector.shape_cast %get3A_474 : vector<1x16xi32> to vector<16xi32>
        %shift_right_logical3A_476 = arith.constant 6 : i32
        %shift_right_logical3A_477 = vector.broadcast %shift_right_logical3A_476 : i32 to vector<16xi32>
        %shift_right_logical3A_478 = arith.shrui %get3A_475, %shift_right_logical3A_477 : vector<16xi32>
        %convert_element_type3A_479 = arith.sitofp %shift_right_logical3A_478 : vector<16xi32> to vector<16xf32>
        %mul3A_480 = vector.broadcast %scan3A_29 : f32 to vector<16xf32>
        %mul3A_481 = arith.mulf %convert_element_type3A_479, %mul3A_480 : vector<16xf32>
        %convert_element_type3A_482 = arith.fptosi %mul3A_481 : vector<16xf32> to vector<16xi32>
        %mul3A_483 = arith.constant 16 : i32
        %mul3A_484 = vector.broadcast %mul3A_483 : i32 to vector<16xi32>
        %mul3A_485 = arith.muli %convert_element_type3A_482, %mul3A_484 : vector<16xi32>
        %add3A_486 = arith.addi %mul3A_485, %iota3A : vector<16xi32>
        %swap3A_487 = arith.index_cast %add3A_372 : i32 to index
        %swap3A_488 = arith.constant 48 : index
        %swap3A_489 = tpu.vector_load %arg8[%swap3A_487, %swap3A_488] {strides = array<i32>} : memref<98x128xi32, #tpu.memory_space<vmem>>, vector<1x16xi32>,
        %swap3A_490 = vector.shape_cast %swap3A_489 : vector<1x16xi32> to vector<16xi32>
        %swap3A_491 = vector.shape_cast %add3A_486 : vector<16xi32> to vector<1x16xi32>
        tpu.vector_store %arg8[%swap3A_487, %swap3A_488], %swap3A_491 {strides = array<i32>} : memref<98x128xi32, #tpu.memory_space<vmem>>, vector<1x16xi32>,
        %get3A_492 = arith.index_cast %add3A_471 : i32 to index
        %get3A_493 = arith.constant 0 : index
        %get3A_494 = tpu.vector_load %arg7[%get3A_492, %get3A_493] {strides = array<i32>} : memref<784x16xf32, #tpu.memory_space<vmem>>, vector<1x16xf32>,
        %get3A_495 = vector.shape_cast %get3A_494 : vector<1x16xf32> to vector<16xf32>
        %swap3A_496 = arith.index_cast %add3A_372 : i32 to index
        %swap3A_497 = arith.constant 48 : index
        %swap3A_498 = tpu.vector_load %arg9[%swap3A_496, %swap3A_497] {strides = array<i32>} : memref<98x128xf32, #tpu.memory_space<vmem>>, vector<1x16xf32>,
        %swap3A_499 = vector.shape_cast %swap3A_498 : vector<1x16xf32> to vector<16xf32>
        %swap3A_500 = vector.shape_cast %get3A_495 : vector<16xf32> to vector<1x16xf32>
        tpu.vector_store %arg9[%swap3A_496, %swap3A_497], %swap3A_500 {strides = array<i32>} : memref<98x128xf32, #tpu.memory_space<vmem>>, vector<1x16xf32>,
        %mul3A_501 = arith.constant 8 : i32
        %mul3A_502 = arith.muli %add3A_372, %mul3A_501 : i32
        %add3A_503 = arith.constant 4 : i32
        %add3A_504 = arith.addi %mul3A_502, %add3A_503 : i32
        %get3A_505 = arith.index_cast %add3A_504 : i32 to index
        %get3A_506 = arith.constant 0 : index
        %get3A_507 = tpu.vector_load %arg6[%get3A_505, %get3A_506] {strides = array<i32>} : memref<784x16xi32, #tpu.memory_space<vmem>>, vector<1x16xi32>,
        %get3A_508 = vector.shape_cast %get3A_507 : vector<1x16xi32> to vector<16xi32>
        %shift_right_logical3A_509 = arith.constant 6 : i32
        %shift_right_logical3A_510 = vector.broadcast %shift_right_logical3A_509 : i32 to vector<16xi32>
        %shift_right_logical3A_511 = arith.shrui %get3A_508, %shift_right_logical3A_510 : vector<16xi32>
        %convert_element_type3A_512 = arith.sitofp %shift_right_logical3A_511 : vector<16xi32> to vector<16xf32>
        %mul3A_513 = vector.broadcast %scan3A_29 : f32 to vector<16xf32>
        %mul3A_514 = arith.mulf %convert_element_type3A_512, %mul3A_513 : vector<16xf32>
        %convert_element_type3A_515 = arith.fptosi %mul3A_514 : vector<16xf32> to vector<16xi32>
        %mul3A_516 = arith.constant 16 : i32
        %mul3A_517 = vector.broadcast %mul3A_516 : i32 to vector<16xi32>
        %mul3A_518 = arith.muli %convert_element_type3A_515, %mul3A_517 : vector<16xi32>
        %add3A_519 = arith.addi %mul3A_518, %iota3A : vector<16xi32>
        %swap3A_520 = arith.index_cast %add3A_372 : i32 to index
        %swap3A_521 = arith.constant 64 : index
        %swap3A_522 = tpu.vector_load %arg8[%swap3A_520, %swap3A_521] {strides = array<i32>} : memref<98x128xi32, #tpu.memory_space<vmem>>, vector<1x16xi32>,
        %swap3A_523 = vector.shape_cast %swap3A_522 : vector<1x16xi32> to vector<16xi32>
        %swap3A_524 = vector.shape_cast %add3A_519 : vector<16xi32> to vector<1x16xi32>
        tpu.vector_store %arg8[%swap3A_520, %swap3A_521], %swap3A_524 {strides = array<i32>} : memref<98x128xi32, #tpu.memory_space<vmem>>, vector<1x16xi32>,
        %get3A_525 = arith.index_cast %add3A_504 : i32 to index
        %get3A_526 = arith.constant 0 : index
        %get3A_527 = tpu.vector_load %arg7[%get3A_525, %get3A_526] {strides = array<i32>} : memref<784x16xf32, #tpu.memory_space<vmem>>, vector<1x16xf32>,
        %get3A_528 = vector.shape_cast %get3A_527 : vector<1x16xf32> to vector<16xf32>
        %swap3A_529 = arith.index_cast %add3A_372 : i32 to index
        %swap3A_530 = arith.constant 64 : index
        %swap3A_531 = tpu.vector_load %arg9[%swap3A_529, %swap3A_530] {strides = array<i32>} : memref<98x128xf32, #tpu.memory_space<vmem>>, vector<1x16xf32>,
        %swap3A_532 = vector.shape_cast %swap3A_531 : vector<1x16xf32> to vector<16xf32>
        %swap3A_533 = vector.shape_cast %get3A_528 : vector<16xf32> to vector<1x16xf32>
        tpu.vector_store %arg9[%swap3A_529, %swap3A_530], %swap3A_533 {strides = array<i32>} : memref<98x128xf32, #tpu.memory_space<vmem>>, vector<1x16xf32>,
        %mul3A_534 = arith.constant 8 : i32
        %mul3A_535 = arith.muli %add3A_372, %mul3A_534 : i32
        %add3A_536 = arith.constant 5 : i32
        %add3A_537 = arith.addi %mul3A_535, %add3A_536 : i32
        %get3A_538 = arith.index_cast %add3A_537 : i32 to index
        %get3A_539 = arith.constant 0 : index
        %get3A_540 = tpu.vector_load %arg6[%get3A_538, %get3A_539] {strides = array<i32>} : memref<784x16xi32, #tpu.memory_space<vmem>>, vector<1x16xi32>,
        %get3A_541 = vector.shape_cast %get3A_540 : vector<1x16xi32> to vector<16xi32>
        %shift_right_logical3A_542 = arith.constant 6 : i32
        %shift_right_logical3A_543 = vector.broadcast %shift_right_logical3A_542 : i32 to vector<16xi32>
        %shift_right_logical3A_544 = arith.shrui %get3A_541, %shift_right_logical3A_543 : vector<16xi32>
        %convert_element_type3A_545 = arith.sitofp %shift_right_logical3A_544 : vector<16xi32> to vector<16xf32>
        %mul3A_546 = vector.broadcast %scan3A_29 : f32 to vector<16xf32>
        %mul3A_547 = arith.mulf %convert_element_type3A_545, %mul3A_546 : vector<16xf32>
        %convert_element_type3A_548 = arith.fptosi %mul3A_547 : vector<16xf32> to vector<16xi32>
        %mul3A_549 = arith.constant 16 : i32
        %mul3A_550 = vector.broadcast %mul3A_549 : i32 to vector<16xi32>
        %mul3A_551 = arith.muli %convert_element_type3A_548, %mul3A_550 : vector<16xi32>
        %add3A_552 = arith.addi %mul3A_551, %iota3A : vector<16xi32>
        %swap3A_553 = arith.index_cast %add3A_372 : i32 to index
        %swap3A_554 = arith.constant 80 : index
        %swap3A_555 = tpu.vector_load %arg8[%swap3A_553, %swap3A_554] {strides = array<i32>} : memref<98x128xi32, #tpu.memory_space<vmem>>, vector<1x16xi32>,
        %swap3A_556 = vector.shape_cast %swap3A_555 : vector<1x16xi32> to vector<16xi32>
        %swap3A_557 = vector.shape_cast %add3A_552 : vector<16xi32> to vector<1x16xi32>
        tpu.vector_store %arg8[%swap3A_553, %swap3A_554], %swap3A_557 {strides = array<i32>} : memref<98x128xi32, #tpu.memory_space<vmem>>, vector<1x16xi32>,
        %get3A_558 = arith.index_cast %add3A_537 : i32 to index
        %get3A_559 = arith.constant 0 : index
        %get3A_560 = tpu.vector_load %arg7[%get3A_558, %get3A_559] {strides = array<i32>} : memref<784x16xf32, #tpu.memory_space<vmem>>, vector<1x16xf32>,
        %get3A_561 = vector.shape_cast %get3A_560 : vector<1x16xf32> to vector<16xf32>
        %swap3A_562 = arith.index_cast %add3A_372 : i32 to index
        %swap3A_563 = arith.constant 80 : index
        %swap3A_564 = tpu.vector_load %arg9[%swap3A_562, %swap3A_563] {strides = array<i32>} : memref<98x128xf32, #tpu.memory_space<vmem>>, vector<1x16xf32>,
        %swap3A_565 = vector.shape_cast %swap3A_564 : vector<1x16xf32> to vector<16xf32>
        %swap3A_566 = vector.shape_cast %get3A_561 : vector<16xf32> to vector<1x16xf32>
        tpu.vector_store %arg9[%swap3A_562, %swap3A_563], %swap3A_566 {strides = array<i32>} : memref<98x128xf32, #tpu.memory_space<vmem>>, vector<1x16xf32>,
        %mul3A_567 = arith.constant 8 : i32
        %mul3A_568 = arith.muli %add3A_372, %mul3A_567 : i32
        %add3A_569 = arith.constant 6 : i32
        %add3A_570 = arith.addi %mul3A_568, %add3A_569 : i32
        %get3A_571 = arith.index_cast %add3A_570 : i32 to index
        %get3A_572 = arith.constant 0 : index
        %get3A_573 = tpu.vector_load %arg6[%get3A_571, %get3A_572] {strides = array<i32>} : memref<784x16xi32, #tpu.memory_space<vmem>>, vector<1x16xi32>,
        %get3A_574 = vector.shape_cast %get3A_573 : vector<1x16xi32> to vector<16xi32>
        %shift_right_logical3A_575 = arith.constant 6 : i32
        %shift_right_logical3A_576 = vector.broadcast %shift_right_logical3A_575 : i32 to vector<16xi32>
        %shift_right_logical3A_577 = arith.shrui %get3A_574, %shift_right_logical3A_576 : vector<16xi32>
        %convert_element_type3A_578 = arith.sitofp %shift_right_logical3A_577 : vector<16xi32> to vector<16xf32>
        %mul3A_579 = vector.broadcast %scan3A_29 : f32 to vector<16xf32>
        %mul3A_580 = arith.mulf %convert_element_type3A_578, %mul3A_579 : vector<16xf32>
        %convert_element_type3A_581 = arith.fptosi %mul3A_580 : vector<16xf32> to vector<16xi32>
        %mul3A_582 = arith.constant 16 : i32
        %mul3A_583 = vector.broadcast %mul3A_582 : i32 to vector<16xi32>
        %mul3A_584 = arith.muli %convert_element_type3A_581, %mul3A_583 : vector<16xi32>
        %add3A_585 = arith.addi %mul3A_584, %iota3A : vector<16xi32>
        %swap3A_586 = arith.index_cast %add3A_372 : i32 to index
        %swap3A_587 = arith.constant 96 : index
        %swap3A_588 = tpu.vector_load %arg8[%swap3A_586, %swap3A_587] {strides = array<i32>} : memref<98x128xi32, #tpu.memory_space<vmem>>, vector<1x16xi32>,
        %swap3A_589 = vector.shape_cast %swap3A_588 : vector<1x16xi32> to vector<16xi32>
        %swap3A_590 = vector.shape_cast %add3A_585 : vector<16xi32> to vector<1x16xi32>
        tpu.vector_store %arg8[%swap3A_586, %swap3A_587], %swap3A_590 {strides = array<i32>} : memref<98x128xi32, #tpu.memory_space<vmem>>, vector<1x16xi32>,
        %get3A_591 = arith.index_cast %add3A_570 : i32 to index
        %get3A_592 = arith.constant 0 : index
        %get3A_593 = tpu.vector_load %arg7[%get3A_591, %get3A_592] {strides = array<i32>} : memref<784x16xf32, #tpu.memory_space<vmem>>, vector<1x16xf32>,
        %get3A_594 = vector.shape_cast %get3A_593 : vector<1x16xf32> to vector<16xf32>
        %swap3A_595 = arith.index_cast %add3A_372 : i32 to index
        %swap3A_596 = arith.constant 96 : index
        %swap3A_597 = tpu.vector_load %arg9[%swap3A_595, %swap3A_596] {strides = array<i32>} : memref<98x128xf32, #tpu.memory_space<vmem>>, vector<1x16xf32>,
        %swap3A_598 = vector.shape_cast %swap3A_597 : vector<1x16xf32> to vector<16xf32>
        %swap3A_599 = vector.shape_cast %get3A_594 : vector<16xf32> to vector<1x16xf32>
        tpu.vector_store %arg9[%swap3A_595, %swap3A_596], %swap3A_599 {strides = array<i32>} : memref<98x128xf32, #tpu.memory_space<vmem>>, vector<1x16xf32>,
        %mul3A_600 = arith.constant 8 : i32
        %mul3A_601 = arith.muli %add3A_372, %mul3A_600 : i32
        %add3A_602 = arith.constant 7 : i32
        %add3A_603 = arith.addi %mul3A_601, %add3A_602 : i32
        %get3A_604 = arith.index_cast %add3A_603 : i32 to index
        %get3A_605 = arith.constant 0 : index
        %get3A_606 = tpu.vector_load %arg6[%get3A_604, %get3A_605] {strides = array<i32>} : memref<784x16xi32, #tpu.memory_space<vmem>>, vector<1x16xi32>,
        %get3A_607 = vector.shape_cast %get3A_606 : vector<1x16xi32> to vector<16xi32>
        %shift_right_logical3A_608 = arith.constant 6 : i32
        %shift_right_logical3A_609 = vector.broadcast %shift_right_logical3A_608 : i32 to vector<16xi32>
        %shift_right_logical3A_610 = arith.shrui %get3A_607, %shift_right_logical3A_609 : vector<16xi32>
        %convert_element_type3A_611 = arith.sitofp %shift_right_logical3A_610 : vector<16xi32> to vector<16xf32>
        %mul3A_612 = vector.broadcast %scan3A_29 : f32 to vector<16xf32>
        %mul3A_613 = arith.mulf %convert_element_type3A_611, %mul3A_612 : vector<16xf32>
        %convert_element_type3A_614 = arith.fptosi %mul3A_613 : vector<16xf32> to vector<16xi32>
        %mul3A_615 = arith.constant 16 : i32
        %mul3A_616 = vector.broadcast %mul3A_615 : i32 to vector<16xi32>
        %mul3A_617 = arith.muli %convert_element_type3A_614, %mul3A_616 : vector<16xi32>
        %add3A_618 = arith.addi %mul3A_617, %iota3A : vector<16xi32>
        %swap3A_619 = arith.index_cast %add3A_372 : i32 to index
        %swap3A_620 = arith.constant 112 : index
        %swap3A_621 = tpu.vector_load %arg8[%swap3A_619, %swap3A_620] {strides = array<i32>} : memref<98x128xi32, #tpu.memory_space<vmem>>, vector<1x16xi32>,
        %swap3A_622 = vector.shape_cast %swap3A_621 : vector<1x16xi32> to vector<16xi32>
        %swap3A_623 = vector.shape_cast %add3A_618 : vector<16xi32> to vector<1x16xi32>
        tpu.vector_store %arg8[%swap3A_619, %swap3A_620], %swap3A_623 {strides = array<i32>} : memref<98x128xi32, #tpu.memory_space<vmem>>, vector<1x16xi32>,
        %get3A_624 = arith.index_cast %add3A_603 : i32 to index
        %get3A_625 = arith.constant 0 : index
        %get3A_626 = tpu.vector_load %arg7[%get3A_624, %get3A_625] {strides = array<i32>} : memref<784x16xf32, #tpu.memory_space<vmem>>, vector<1x16xf32>,
        %get3A_627 = vector.shape_cast %get3A_626 : vector<1x16xf32> to vector<16xf32>
        %swap3A_628 = arith.index_cast %add3A_372 : i32 to index
        %swap3A_629 = arith.constant 112 : index
        %swap3A_630 = tpu.vector_load %arg9[%swap3A_628, %swap3A_629] {strides = array<i32>} : memref<98x128xf32, #tpu.memory_space<vmem>>, vector<1x16xf32>,
        %swap3A_631 = vector.shape_cast %swap3A_630 : vector<1x16xf32> to vector<16xf32>
        %swap3A_632 = vector.shape_cast %get3A_627 : vector<16xf32> to vector<1x16xf32>
        tpu.vector_store %arg9[%swap3A_628, %swap3A_629], %swap3A_632 {strides = array<i32>} : memref<98x128xf32, #tpu.memory_space<vmem>>, vector<1x16xf32>,
      }
      %scan3A_125 = arith.constant 98 : i32
      %mul3A_126 = arith.constant 2 : i32
      %mul3A_127 = arith.constant 32 : i32
      %mul3A_128 = arith.muli %mul3A_126, %mul3A_127 : i32
      %mul3A_129 = arith.constant 16 : i32
      %mul3A_130 = arith.muli %arg0, %mul3A_129 : i32
      %add3A_131 = arith.addi %mul3A_128, %mul3A_130 : i32
      %dma_start3A_132 = tpu.memref_slice %arg3[%add3A_52, %mul3A_0, %add3A_131] : memref<4x12544x192xi32, #tpu.memory_space<hbm>> -> memref<1x784x16xi32, #tpu.memory_space<hbm>>
      %dma_start3A_133 = tpu.memref_squeeze %dma_start3A_132 : memref<1x784x16xi32, #tpu.memory_space<hbm>> -> memref<784x16xi32, #tpu.memory_space<hbm>>
      %dma_start3A_134 = tpu.memref_slice %arg3[%add3A_52, %mul3A_0, %add3A_131] : memref<4x12544x192xi32, #tpu.memory_space<hbm>> -> memref<1x784x16xi32, #tpu.memory_space<hbm>>
      %dma_start3A_135 = tpu.memref_squeeze %dma_start3A_134 : memref<1x784x16xi32, #tpu.memory_space<hbm>> -> memref<784x16xi32, #tpu.memory_space<hbm>>
      tpu.enqueue_dma source(%dma_start3A_135 : memref<784x16xi32, #tpu.memory_space<hbm>>) target(%arg6 : memref<784x16xi32, #tpu.memory_space<vmem>>) target_semaphore(%arg13 : memref<!tpu.dma_semaphore, #tpu.memory_space<semaphore_mem>>)
      %dma_start3A_136 = tpu.memref_slice %arg2[%add3A_52, %mul3A_0, %add3A_131] : memref<4x12544x192xf32, #tpu.memory_space<hbm>> -> memref<1x784x16xf32, #tpu.memory_space<hbm>>
      %dma_start3A_137 = tpu.memref_squeeze %dma_start3A_136 : memref<1x784x16xf32, #tpu.memory_space<hbm>> -> memref<784x16xf32, #tpu.memory_space<hbm>>
      %dma_start3A_138 = tpu.memref_slice %arg2[%add3A_52, %mul3A_0, %add3A_131] : memref<4x12544x192xf32, #tpu.memory_space<hbm>> -> memref<1x784x16xf32, #tpu.memory_space<hbm>>
      %dma_start3A_139 = tpu.memref_squeeze %dma_start3A_138 : memref<1x784x16xf32, #tpu.memory_space<hbm>> -> memref<784x16xf32, #tpu.memory_space<hbm>>
      tpu.enqueue_dma source(%dma_start3A_139 : memref<784x16xf32, #tpu.memory_space<hbm>>) target(%arg7 : memref<784x16xf32, #tpu.memory_space<vmem>>) target_semaphore(%arg13 : memref<!tpu.dma_semaphore, #tpu.memory_space<semaphore_mem>>)
      %scan3A_140 = arith.constant 0 : i32
      %scan3A_141 = arith.constant 98 : i32
      %scan3A_142 = arith.addi %scan3A_140, %scan3A_141 : i32
      %scan3A_143 = arith.constant 1 : i32
      scf.for %scan3A_368 = %scan3A_140 to %scan3A_142 step %scan3A_143  : i32 {
        %mul3A_369 = arith.constant 1 : i32
        %mul3A_370 = arith.muli %scan3A_368, %mul3A_369 : i32
        %add3A_371 = arith.constant 0 : i32
        %add3A_372 = arith.addi %add3A_371, %mul3A_370 : i32
        %dma_start3A_373 = arith.constant 0 : i32
        %dma_start3A_374 = tpu.memref_slice %arg9[%add3A_372, %dma_start3A_373] : memref<98x128xf32, #tpu.memory_space<vmem>> -> memref<1x128xf32, #tpu.memory_space<vmem>>
        %dma_start3A_375 = tpu.memref_squeeze %dma_start3A_374 : memref<1x128xf32, #tpu.memory_space<vmem>> -> memref<128xf32, #tpu.memory_space<vmem>>
        %dma_start3A_376 = arith.constant 0 : i32
        %dma_start3A_377 = tpu.memref_slice %arg8[%add3A_372, %dma_start3A_376] : memref<98x128xi32, #tpu.memory_space<vmem>> -> memref<1x128xi32, #tpu.memory_space<vmem>>
        %dma_start3A_378 = tpu.memref_squeeze %dma_start3A_377 : memref<1x128xi32, #tpu.memory_space<vmem>> -> memref<128xi32, #tpu.memory_space<vmem>>
        %dma_start3A_379 = arith.constant 0 : i32
        %dma_start3A_380 = tpu.memref_slice %arg5[%dma_start3A_379] : memref<802816xf32, #tpu.memory_space<vmem_shared>> -> memref<802816xf32, #tpu.memory_space<vmem_shared>>
        tpu.enqueue_indirect_dma source(%dma_start3A_375 : memref<128xf32, #tpu.memory_space<vmem>>) target(%dma_start3A_380 : memref<802816xf32, #tpu.memory_space<vmem_shared>>) offsets(%dma_start3A_378 : memref<128xi32, #tpu.memory_space<vmem>>) semaphore(%arg14 : memref<!tpu.dma_semaphore, #tpu.memory_space<semaphore_mem>>) {add = true}
      }
      %scan3A_144 = arith.constant 98 : i32
      %scan3A_145 = arith.constant 0 : i32
      %scan3A_146 = arith.constant 98 : i32
      %scan3A_147 = arith.addi %scan3A_145, %scan3A_146 : i32
      %scan3A_148 = arith.constant 1 : i32
      scf.for %scan3A_368 = %scan3A_145 to %scan3A_147 step %scan3A_148  : i32 {
        %mul3A_369 = arith.constant 1 : i32
        %mul3A_370 = arith.muli %scan3A_368, %mul3A_369 : i32
        %add3A_371 = arith.constant 0 : i32
        %add3A_372 = arith.addi %add3A_371, %mul3A_370 : i32
        %dma_wait3A_373 = arith.constant 0 : i32
        %dma_wait3A_374 = tpu.memref_slice %arg9[%add3A_372, %dma_wait3A_373] : memref<98x128xf32, #tpu.memory_space<vmem>> -> memref<1x128xf32, #tpu.memory_space<vmem>>
        %dma_wait3A_375 = tpu.memref_squeeze %dma_wait3A_374 : memref<1x128xf32, #tpu.memory_space<vmem>> -> memref<128xf32, #tpu.memory_space<vmem>>
        %dma_wait3A_376 = arith.constant 0 : i32
        %dma_wait3A_377 = tpu.memref_slice %arg8[%add3A_372, %dma_wait3A_376] : memref<98x128xi32, #tpu.memory_space<vmem>> -> memref<1x128xi32, #tpu.memory_space<vmem>>
        %dma_wait3A_378 = tpu.memref_squeeze %dma_wait3A_377 : memref<1x128xi32, #tpu.memory_space<vmem>> -> memref<128xi32, #tpu.memory_space<vmem>>
        %dma_wait3A_379 = arith.constant 0 : i32
        %dma_wait3A_380 = tpu.memref_slice %arg5[%dma_wait3A_379] : memref<802816xf32, #tpu.memory_space<vmem_shared>> -> memref<802816xf32, #tpu.memory_space<vmem_shared>>
        tpu.wait_indirect_dma semaphore(%arg14 : memref<!tpu.dma_semaphore, #tpu.memory_space<semaphore_mem>>) src(%dma_wait3A_375 : memref<128xf32, #tpu.memory_space<vmem>>) dst(%dma_wait3A_380 : memref<802816xf32, #tpu.memory_space<vmem_shared>>)
      }
      %scan3A_149 = arith.constant 98 : i32
      %barrier3A_150 = arith.constant 0 : index
      tpu.barrier barrier_id(%barrier3A_150)
      %scan3A_151 = arith.constant 0 : i32
      %scan3A_152 = arith.constant 4 : i32
      %scan3A_153 = arith.addi %scan3A_151, %scan3A_152 : i32
      %scan3A_154 = arith.constant 1 : i32
      scf.for %scan3A_368 = %scan3A_151 to %scan3A_153 step %scan3A_154  : i32 {
        %mul3A_369 = arith.constant 1 : i32
        %mul3A_370 = arith.muli %scan3A_368, %mul3A_369 : i32
        %add3A_371 = arith.constant 0 : i32
        %add3A_372 = arith.addi %add3A_371, %mul3A_370 : i32
        %mul3A_373 = arith.constant 12544 : i32
        %mul3A_374 = arith.muli %add3A_372, %mul3A_373 : i32
        %add3A_375 = arith.addi %mul3A_2, %mul3A_374 : i32
        "tpu.region"() ({
          %run_scoped3A = tpu.sem_alloc : memref<!tpu.dma_semaphore, #tpu.memory_space<semaphore_mem>>
          %dma_start3A_389 = tpu.memref_slice %arg5[%add3A_375] : memref<802816xf32, #tpu.memory_space<vmem_shared>> -> memref<12544xf32, #tpu.memory_space<vmem_shared>>
          %dma_start3A_390 = tpu.memref_slice %arg5[%add3A_375] : memref<802816xf32, #tpu.memory_space<vmem_shared>> -> memref<12544xf32, #tpu.memory_space<vmem_shared>>
          tpu.enqueue_dma source(%dma_start3A_390 : memref<12544xf32, #tpu.memory_space<vmem_shared>>) target(%arg10 : memref<12544xf32, #tpu.memory_space<vmem>>) target_semaphore(%run_scoped3A : memref<!tpu.dma_semaphore, #tpu.memory_space<semaphore_mem>>)
          %dma_wait3A_391 = tpu.memref_slice %arg5[%add3A_375] : memref<802816xf32, #tpu.memory_space<vmem_shared>> -> memref<12544xf32, #tpu.memory_space<vmem_shared>>
          %dma_wait3A_392 = tpu.memref_slice %arg5[%add3A_375] : memref<802816xf32, #tpu.memory_space<vmem_shared>> -> memref<12544xf32, #tpu.memory_space<vmem_shared>>
          tpu.wait_dma2 semaphore(%run_scoped3A : memref<!tpu.dma_semaphore, #tpu.memory_space<semaphore_mem>>) src(%dma_wait3A_392 : memref<12544xf32, #tpu.memory_space<vmem_shared>>) dst(%arg10 : memref<12544xf32, #tpu.memory_space<vmem>>)
          tpu.yield
        }) : () -> ()
        %scan3A_376 = arith.constant 0 : i32
        %scan3A_377 = arith.constant 784 : i32
        %scan3A_378 = arith.addi %scan3A_376, %scan3A_377 : i32
        %scan3A_379 = arith.constant 1 : i32
        scf.for %scan3A_389 = %scan3A_376 to %scan3A_378 step %scan3A_379  : i32 {
          %mul3A_390 = arith.constant 1 : i32
          %mul3A_391 = arith.muli %scan3A_389, %mul3A_390 : i32
          %add3A_392 = arith.constant 0 : i32
          %add3A_393 = arith.addi %add3A_392, %mul3A_391 : i32
          %mul3A_394 = arith.constant 16 : i32
          %mul3A_395 = arith.muli %add3A_393, %mul3A_394 : i32
          %get3A = arith.index_cast %mul3A_395 : i32 to index
          %get3A_396 = tpu.vector_load %arg10[%get3A] {strides = array<i32>} : memref<12544xf32, #tpu.memory_space<vmem>>, vector<16xf32>,
          %get3A_397 = vector.shape_cast %get3A_396 : vector<16xf32> to vector<16xf32>
          %swap3A = arith.index_cast %add3A_393 : i32 to index
          %swap3A_398 = arith.constant 0 : index
          %swap3A_399 = tpu.vector_load %arg11[%swap3A, %swap3A_398] {strides = array<i32>} : memref<784x16xf32, #tpu.memory_space<vmem>>, vector<1x16xf32>,
          %swap3A_400 = vector.shape_cast %swap3A_399 : vector<1x16xf32> to vector<16xf32>
          %swap3A_401 = vector.shape_cast %get3A_397 : vector<16xf32> to vector<1x16xf32>
          tpu.vector_store %arg11[%swap3A, %swap3A_398], %swap3A_401 {strides = array<i32>} : memref<784x16xf32, #tpu.memory_space<vmem>>, vector<1x16xf32>,
        }
        %scan3A_380 = arith.constant 784 : i32
        %mul3A_381 = arith.constant 784 : i32
        %mul3A_382 = arith.muli %add3A_372, %mul3A_381 : i32
        %add3A_383 = arith.addi %mul3A_4, %mul3A_382 : i32
        "tpu.region"() ({
          %run_scoped3A = tpu.sem_alloc : memref<!tpu.dma_semaphore, #tpu.memory_space<semaphore_mem>>
          %dma_start3A_389 = tpu.memref_slice %arg4[%add3A_52, %add3A_383, %add3A_108] : memref<4x50176x192xf32, #tpu.memory_space<hbm>> -> memref<1x784x16xf32, #tpu.memory_space<hbm>>
          %dma_start3A_390 = tpu.memref_squeeze %dma_start3A_389 : memref<1x784x16xf32, #tpu.memory_space<hbm>> -> memref<784x16xf32, #tpu.memory_space<hbm>>
          %dma_start3A_391 = tpu.memref_slice %arg4[%add3A_52, %add3A_383, %add3A_108] : memref<4x50176x192xf32, #tpu.memory_space<hbm>> -> memref<1x784x16xf32, #tpu.memory_space<hbm>>
          %dma_start3A_392 = tpu.memref_squeeze %dma_start3A_391 : memref<1x784x16xf32, #tpu.memory_space<hbm>> -> memref<784x16xf32, #tpu.memory_space<hbm>>
          tpu.enqueue_dma source(%arg11 : memref<784x16xf32, #tpu.memory_space<vmem>>) target(%dma_start3A_392 : memref<784x16xf32, #tpu.memory_space<hbm>>) target_semaphore(%run_scoped3A : memref<!tpu.dma_semaphore, #tpu.memory_space<semaphore_mem>>)
          %dma_wait3A_393 = tpu.memref_slice %arg4[%add3A_52, %add3A_383, %add3A_108] : memref<4x50176x192xf32, #tpu.memory_space<hbm>> -> memref<1x784x16xf32, #tpu.memory_space<hbm>>
          %dma_wait3A_394 = tpu.memref_squeeze %dma_wait3A_393 : memref<1x784x16xf32, #tpu.memory_space<hbm>> -> memref<784x16xf32, #tpu.memory_space<hbm>>
          %dma_wait3A_395 = tpu.memref_slice %arg4[%add3A_52, %add3A_383, %add3A_108] : memref<4x50176x192xf32, #tpu.memory_space<hbm>> -> memref<1x784x16xf32, #tpu.memory_space<hbm>>
          %dma_wait3A_396 = tpu.memref_squeeze %dma_wait3A_395 : memref<1x784x16xf32, #tpu.memory_space<hbm>> -> memref<784x16xf32, #tpu.memory_space<hbm>>
          tpu.wait_dma2 semaphore(%run_scoped3A : memref<!tpu.dma_semaphore, #tpu.memory_space<semaphore_mem>>) src(%arg11 : memref<784x16xf32, #tpu.memory_space<vmem>>) dst(%dma_wait3A_396 : memref<784x16xf32, #tpu.memory_space<hbm>>)
          tpu.yield
        }) : () -> ()
        %scan3A_384 = arith.constant 0 : i32
        %scan3A_385 = arith.constant 4 : i32
        %scan3A_386 = arith.addi %scan3A_384, %scan3A_385 : i32
        %scan3A_387 = arith.constant 1 : i32
        scf.for %scan3A_389 = %scan3A_384 to %scan3A_386 step %scan3A_387  : i32 {
          %mul3A_390 = arith.constant 1 : i32
          %mul3A_391 = arith.muli %scan3A_389, %mul3A_390 : i32
          %add3A_392 = arith.constant 0 : i32
          %add3A_393 = arith.addi %add3A_392, %mul3A_391 : i32
          %mul3A_394 = arith.constant 3136 : i32
          %mul3A_395 = arith.muli %add3A_393, %mul3A_394 : i32
          %add3A_396 = arith.addi %add3A_375, %mul3A_395 : i32
          "tpu.region"() ({
            %run_scoped3A = tpu.sem_alloc : memref<!tpu.dma_semaphore, #tpu.memory_space<semaphore_mem>>
            %dma_start3A_397 = tpu.memref_slice %arg5[%add3A_396] : memref<802816xf32, #tpu.memory_space<vmem_shared>> -> memref<3136xf32, #tpu.memory_space<vmem_shared>>
            %dma_start3A_398 = tpu.memref_slice %arg5[%add3A_396] : memref<802816xf32, #tpu.memory_space<vmem_shared>> -> memref<3136xf32, #tpu.memory_space<vmem_shared>>
            tpu.enqueue_dma source(%arg12 : memref<3136xf32, #tpu.memory_space<vmem>>) target(%dma_start3A_398 : memref<3136xf32, #tpu.memory_space<vmem_shared>>) target_semaphore(%run_scoped3A : memref<!tpu.dma_semaphore, #tpu.memory_space<semaphore_mem>>)
            %dma_wait3A_399 = tpu.memref_slice %arg5[%add3A_396] : memref<802816xf32, #tpu.memory_space<vmem_shared>> -> memref<3136xf32, #tpu.memory_space<vmem_shared>>
            %dma_wait3A_400 = tpu.memref_slice %arg5[%add3A_396] : memref<802816xf32, #tpu.memory_space<vmem_shared>> -> memref<3136xf32, #tpu.memory_space<vmem_shared>>
            tpu.wait_dma2 semaphore(%run_scoped3A : memref<!tpu.dma_semaphore, #tpu.memory_space<semaphore_mem>>) src(%arg12 : memref<3136xf32, #tpu.memory_space<vmem>>) dst(%dma_wait3A_400 : memref<3136xf32, #tpu.memory_space<vmem_shared>>)
            tpu.yield
          }) : () -> ()
        }
        %scan3A_388 = arith.constant 4 : i32
      }
      %scan3A_155 = arith.constant 4 : i32
      %barrier3A_156 = arith.constant 0 : index
      tpu.barrier barrier_id(%barrier3A_156)
      %mul3A_157 = arith.constant 16 : i32
      %mul3A_158 = arith.muli %arg0, %mul3A_157 : i32
      %add3A_159 = arith.constant 64 : i32
      %add3A_160 = arith.addi %add3A_159, %mul3A_158 : i32
      %mul3A_161 = arith.constant 16 : i32
      %mul3A_162 = arith.muli %arg0, %mul3A_161 : i32
      %add3A_163 = arith.constant 64 : i32
      %add3A_164 = arith.addi %add3A_163, %mul3A_162 : i32
      %dma_wait3A_165 = tpu.memref_slice %arg3[%add3A_52, %mul3A_0, %add3A_164] : memref<4x12544x192xi32, #tpu.memory_space<hbm>> -> memref<1x784x16xi32, #tpu.memory_space<hbm>>
      %dma_wait3A_166 = tpu.memref_squeeze %dma_wait3A_165 : memref<1x784x16xi32, #tpu.memory_space<hbm>> -> memref<784x16xi32, #tpu.memory_space<hbm>>
      %dma_wait3A_167 = tpu.memref_slice %arg3[%add3A_52, %mul3A_0, %add3A_164] : memref<4x12544x192xi32, #tpu.memory_space<hbm>> -> memref<1x784x16xi32, #tpu.memory_space<hbm>>
      %dma_wait3A_168 = tpu.memref_squeeze %dma_wait3A_167 : memref<1x784x16xi32, #tpu.memory_space<hbm>> -> memref<784x16xi32, #tpu.memory_space<hbm>>
      tpu.wait_dma2 semaphore(%arg13 : memref<!tpu.dma_semaphore, #tpu.memory_space<semaphore_mem>>) src(%dma_wait3A_168 : memref<784x16xi32, #tpu.memory_space<hbm>>) dst(%arg6 : memref<784x16xi32, #tpu.memory_space<vmem>>)
      %dma_wait3A_169 = tpu.memref_slice %arg2[%add3A_52, %mul3A_0, %add3A_164] : memref<4x12544x192xf32, #tpu.memory_space<hbm>> -> memref<1x784x16xf32, #tpu.memory_space<hbm>>
      %dma_wait3A_170 = tpu.memref_squeeze %dma_wait3A_169 : memref<1x784x16xf32, #tpu.memory_space<hbm>> -> memref<784x16xf32, #tpu.memory_space<hbm>>
      %dma_wait3A_171 = tpu.memref_slice %arg2[%add3A_52, %mul3A_0, %add3A_164] : memref<4x12544x192xf32, #tpu.memory_space<hbm>> -> memref<1x784x16xf32, #tpu.memory_space<hbm>>
      %dma_wait3A_172 = tpu.memref_squeeze %dma_wait3A_171 : memref<1x784x16xf32, #tpu.memory_space<hbm>> -> memref<784x16xf32, #tpu.memory_space<hbm>>
      tpu.wait_dma2 semaphore(%arg13 : memref<!tpu.dma_semaphore, #tpu.memory_space<semaphore_mem>>) src(%dma_wait3A_172 : memref<784x16xf32, #tpu.memory_space<hbm>>) dst(%arg7 : memref<784x16xf32, #tpu.memory_space<vmem>>)
      %scan3A_173 = arith.constant 0 : i32
      %scan3A_174 = arith.constant 98 : i32
      %scan3A_175 = arith.addi %scan3A_173, %scan3A_174 : i32
      %scan3A_176 = arith.constant 1 : i32
      scf.for %scan3A_368 = %scan3A_173 to %scan3A_175 step %scan3A_176  : i32 {
        %mul3A_369 = arith.constant 1 : i32
        %mul3A_370 = arith.muli %scan3A_368, %mul3A_369 : i32
        %add3A_371 = arith.constant 0 : i32
        %add3A_372 = arith.addi %add3A_371, %mul3A_370 : i32
        %mul3A_373 = arith.constant 8 : i32
        %mul3A_374 = arith.muli %add3A_372, %mul3A_373 : i32
        %add3A_375 = arith.constant 0 : i32
        %add3A_376 = arith.addi %mul3A_374, %add3A_375 : i32
        %get3A = arith.index_cast %add3A_376 : i32 to index
        %get3A_377 = arith.constant 0 : index
        %get3A_378 = tpu.vector_load %arg6[%get3A, %get3A_377] {strides = array<i32>} : memref<784x16xi32, #tpu.memory_space<vmem>>, vector<1x16xi32>,
        %get3A_379 = vector.shape_cast %get3A_378 : vector<1x16xi32> to vector<16xi32>
        %shift_right_logical3A = arith.constant 6 : i32
        %shift_right_logical3A_380 = vector.broadcast %shift_right_logical3A : i32 to vector<16xi32>
        %shift_right_logical3A_381 = arith.shrui %get3A_379, %shift_right_logical3A_380 : vector<16xi32>
        %convert_element_type3A = arith.sitofp %shift_right_logical3A_381 : vector<16xi32> to vector<16xf32>
        %mul3A_382 = vector.broadcast %scan3A_29 : f32 to vector<16xf32>
        %mul3A_383 = arith.mulf %convert_element_type3A, %mul3A_382 : vector<16xf32>
        %convert_element_type3A_384 = arith.fptosi %mul3A_383 : vector<16xf32> to vector<16xi32>
        %mul3A_385 = arith.constant 16 : i32
        %mul3A_386 = vector.broadcast %mul3A_385 : i32 to vector<16xi32>
        %mul3A_387 = arith.muli %convert_element_type3A_384, %mul3A_386 : vector<16xi32>
        %add3A_388 = arith.addi %mul3A_387, %iota3A : vector<16xi32>
        %swap3A = arith.index_cast %add3A_372 : i32 to index
        %swap3A_389 = arith.constant 0 : index
        %swap3A_390 = tpu.vector_load %arg8[%swap3A, %swap3A_389] {strides = array<i32>} : memref<98x128xi32, #tpu.memory_space<vmem>>, vector<1x16xi32>,
        %swap3A_391 = vector.shape_cast %swap3A_390 : vector<1x16xi32> to vector<16xi32>
        %swap3A_392 = vector.shape_cast %add3A_388 : vector<16xi32> to vector<1x16xi32>
        tpu.vector_store %arg8[%swap3A, %swap3A_389], %swap3A_392 {strides = array<i32>} : memref<98x128xi32, #tpu.memory_space<vmem>>, vector<1x16xi32>,
        %get3A_393 = arith.index_cast %add3A_376 : i32 to index
        %get3A_394 = arith.constant 0 : index
        %get3A_395 = tpu.vector_load %arg7[%get3A_393, %get3A_394] {strides = array<i32>} : memref<784x16xf32, #tpu.memory_space<vmem>>, vector<1x16xf32>,
        %get3A_396 = vector.shape_cast %get3A_395 : vector<1x16xf32> to vector<16xf32>
        %swap3A_397 = arith.index_cast %add3A_372 : i32 to index
        %swap3A_398 = arith.constant 0 : index
        %swap3A_399 = tpu.vector_load %arg9[%swap3A_397, %swap3A_398] {strides = array<i32>} : memref<98x128xf32, #tpu.memory_space<vmem>>, vector<1x16xf32>,
        %swap3A_400 = vector.shape_cast %swap3A_399 : vector<1x16xf32> to vector<16xf32>
        %swap3A_401 = vector.shape_cast %get3A_396 : vector<16xf32> to vector<1x16xf32>
        tpu.vector_store %arg9[%swap3A_397, %swap3A_398], %swap3A_401 {strides = array<i32>} : memref<98x128xf32, #tpu.memory_space<vmem>>, vector<1x16xf32>,
        %mul3A_402 = arith.constant 8 : i32
        %mul3A_403 = arith.muli %add3A_372, %mul3A_402 : i32
        %add3A_404 = arith.constant 1 : i32
        %add3A_405 = arith.addi %mul3A_403, %add3A_404 : i32
        %get3A_406 = arith.index_cast %add3A_405 : i32 to index
        %get3A_407 = arith.constant 0 : index
        %get3A_408 = tpu.vector_load %arg6[%get3A_406, %get3A_407] {strides = array<i32>} : memref<784x16xi32, #tpu.memory_space<vmem>>, vector<1x16xi32>,
        %get3A_409 = vector.shape_cast %get3A_408 : vector<1x16xi32> to vector<16xi32>
        %shift_right_logical3A_410 = arith.constant 6 : i32
        %shift_right_logical3A_411 = vector.broadcast %shift_right_logical3A_410 : i32 to vector<16xi32>
        %shift_right_logical3A_412 = arith.shrui %get3A_409, %shift_right_logical3A_411 : vector<16xi32>
        %convert_element_type3A_413 = arith.sitofp %shift_right_logical3A_412 : vector<16xi32> to vector<16xf32>
        %mul3A_414 = vector.broadcast %scan3A_29 : f32 to vector<16xf32>
        %mul3A_415 = arith.mulf %convert_element_type3A_413, %mul3A_414 : vector<16xf32>
        %convert_element_type3A_416 = arith.fptosi %mul3A_415 : vector<16xf32> to vector<16xi32>
        %mul3A_417 = arith.constant 16 : i32
        %mul3A_418 = vector.broadcast %mul3A_417 : i32 to vector<16xi32>
        %mul3A_419 = arith.muli %convert_element_type3A_416, %mul3A_418 : vector<16xi32>
        %add3A_420 = arith.addi %mul3A_419, %iota3A : vector<16xi32>
        %swap3A_421 = arith.index_cast %add3A_372 : i32 to index
        %swap3A_422 = arith.constant 16 : index
        %swap3A_423 = tpu.vector_load %arg8[%swap3A_421, %swap3A_422] {strides = array<i32>} : memref<98x128xi32, #tpu.memory_space<vmem>>, vector<1x16xi32>,
        %swap3A_424 = vector.shape_cast %swap3A_423 : vector<1x16xi32> to vector<16xi32>
        %swap3A_425 = vector.shape_cast %add3A_420 : vector<16xi32> to vector<1x16xi32>
        tpu.vector_store %arg8[%swap3A_421, %swap3A_422], %swap3A_425 {strides = array<i32>} : memref<98x128xi32, #tpu.memory_space<vmem>>, vector<1x16xi32>,
        %get3A_426 = arith.index_cast %add3A_405 : i32 to index
        %get3A_427 = arith.constant 0 : index
        %get3A_428 = tpu.vector_load %arg7[%get3A_426, %get3A_427] {strides = array<i32>} : memref<784x16xf32, #tpu.memory_space<vmem>>, vector<1x16xf32>,
        %get3A_429 = vector.shape_cast %get3A_428 : vector<1x16xf32> to vector<16xf32>
        %swap3A_430 = arith.index_cast %add3A_372 : i32 to index
        %swap3A_431 = arith.constant 16 : index
        %swap3A_432 = tpu.vector_load %arg9[%swap3A_430, %swap3A_431] {strides = array<i32>} : memref<98x128xf32, #tpu.memory_space<vmem>>, vector<1x16xf32>,
        %swap3A_433 = vector.shape_cast %swap3A_432 : vector<1x16xf32> to vector<16xf32>
        %swap3A_434 = vector.shape_cast %get3A_429 : vector<16xf32> to vector<1x16xf32>
        tpu.vector_store %arg9[%swap3A_430, %swap3A_431], %swap3A_434 {strides = array<i32>} : memref<98x128xf32, #tpu.memory_space<vmem>>, vector<1x16xf32>,
        %mul3A_435 = arith.constant 8 : i32
        %mul3A_436 = arith.muli %add3A_372, %mul3A_435 : i32
        %add3A_437 = arith.constant 2 : i32
        %add3A_438 = arith.addi %mul3A_436, %add3A_437 : i32
        %get3A_439 = arith.index_cast %add3A_438 : i32 to index
        %get3A_440 = arith.constant 0 : index
        %get3A_441 = tpu.vector_load %arg6[%get3A_439, %get3A_440] {strides = array<i32>} : memref<784x16xi32, #tpu.memory_space<vmem>>, vector<1x16xi32>,
        %get3A_442 = vector.shape_cast %get3A_441 : vector<1x16xi32> to vector<16xi32>
        %shift_right_logical3A_443 = arith.constant 6 : i32
        %shift_right_logical3A_444 = vector.broadcast %shift_right_logical3A_443 : i32 to vector<16xi32>
        %shift_right_logical3A_445 = arith.shrui %get3A_442, %shift_right_logical3A_444 : vector<16xi32>
        %convert_element_type3A_446 = arith.sitofp %shift_right_logical3A_445 : vector<16xi32> to vector<16xf32>
        %mul3A_447 = vector.broadcast %scan3A_29 : f32 to vector<16xf32>
        %mul3A_448 = arith.mulf %convert_element_type3A_446, %mul3A_447 : vector<16xf32>
        %convert_element_type3A_449 = arith.fptosi %mul3A_448 : vector<16xf32> to vector<16xi32>
        %mul3A_450 = arith.constant 16 : i32
        %mul3A_451 = vector.broadcast %mul3A_450 : i32 to vector<16xi32>
        %mul3A_452 = arith.muli %convert_element_type3A_449, %mul3A_451 : vector<16xi32>
        %add3A_453 = arith.addi %mul3A_452, %iota3A : vector<16xi32>
        %swap3A_454 = arith.index_cast %add3A_372 : i32 to index
        %swap3A_455 = arith.constant 32 : index
        %swap3A_456 = tpu.vector_load %arg8[%swap3A_454, %swap3A_455] {strides = array<i32>} : memref<98x128xi32, #tpu.memory_space<vmem>>, vector<1x16xi32>,
        %swap3A_457 = vector.shape_cast %swap3A_456 : vector<1x16xi32> to vector<16xi32>
        %swap3A_458 = vector.shape_cast %add3A_453 : vector<16xi32> to vector<1x16xi32>
        tpu.vector_store %arg8[%swap3A_454, %swap3A_455], %swap3A_458 {strides = array<i32>} : memref<98x128xi32, #tpu.memory_space<vmem>>, vector<1x16xi32>,
        %get3A_459 = arith.index_cast %add3A_438 : i32 to index
        %get3A_460 = arith.constant 0 : index
        %get3A_461 = tpu.vector_load %arg7[%get3A_459, %get3A_460] {strides = array<i32>} : memref<784x16xf32, #tpu.memory_space<vmem>>, vector<1x16xf32>,
        %get3A_462 = vector.shape_cast %get3A_461 : vector<1x16xf32> to vector<16xf32>
        %swap3A_463 = arith.index_cast %add3A_372 : i32 to index
        %swap3A_464 = arith.constant 32 : index
        %swap3A_465 = tpu.vector_load %arg9[%swap3A_463, %swap3A_464] {strides = array<i32>} : memref<98x128xf32, #tpu.memory_space<vmem>>, vector<1x16xf32>,
        %swap3A_466 = vector.shape_cast %swap3A_465 : vector<1x16xf32> to vector<16xf32>
        %swap3A_467 = vector.shape_cast %get3A_462 : vector<16xf32> to vector<1x16xf32>
        tpu.vector_store %arg9[%swap3A_463, %swap3A_464], %swap3A_467 {strides = array<i32>} : memref<98x128xf32, #tpu.memory_space<vmem>>, vector<1x16xf32>,
        %mul3A_468 = arith.constant 8 : i32
        %mul3A_469 = arith.muli %add3A_372, %mul3A_468 : i32
        %add3A_470 = arith.constant 3 : i32
        %add3A_471 = arith.addi %mul3A_469, %add3A_470 : i32
        %get3A_472 = arith.index_cast %add3A_471 : i32 to index
        %get3A_473 = arith.constant 0 : index
        %get3A_474 = tpu.vector_load %arg6[%get3A_472, %get3A_473] {strides = array<i32>} : memref<784x16xi32, #tpu.memory_space<vmem>>, vector<1x16xi32>,
        %get3A_475 = vector.shape_cast %get3A_474 : vector<1x16xi32> to vector<16xi32>
        %shift_right_logical3A_476 = arith.constant 6 : i32
        %shift_right_logical3A_477 = vector.broadcast %shift_right_logical3A_476 : i32 to vector<16xi32>
        %shift_right_logical3A_478 = arith.shrui %get3A_475, %shift_right_logical3A_477 : vector<16xi32>
        %convert_element_type3A_479 = arith.sitofp %shift_right_logical3A_478 : vector<16xi32> to vector<16xf32>
        %mul3A_480 = vector.broadcast %scan3A_29 : f32 to vector<16xf32>
        %mul3A_481 = arith.mulf %convert_element_type3A_479, %mul3A_480 : vector<16xf32>
        %convert_element_type3A_482 = arith.fptosi %mul3A_481 : vector<16xf32> to vector<16xi32>
        %mul3A_483 = arith.constant 16 : i32
        %mul3A_484 = vector.broadcast %mul3A_483 : i32 to vector<16xi32>
        %mul3A_485 = arith.muli %convert_element_type3A_482, %mul3A_484 : vector<16xi32>
        %add3A_486 = arith.addi %mul3A_485, %iota3A : vector<16xi32>
        %swap3A_487 = arith.index_cast %add3A_372 : i32 to index
        %swap3A_488 = arith.constant 48 : index
        %swap3A_489 = tpu.vector_load %arg8[%swap3A_487, %swap3A_488] {strides = array<i32>} : memref<98x128xi32, #tpu.memory_space<vmem>>, vector<1x16xi32>,
        %swap3A_490 = vector.shape_cast %swap3A_489 : vector<1x16xi32> to vector<16xi32>
        %swap3A_491 = vector.shape_cast %add3A_486 : vector<16xi32> to vector<1x16xi32>
        tpu.vector_store %arg8[%swap3A_487, %swap3A_488], %swap3A_491 {strides = array<i32>} : memref<98x128xi32, #tpu.memory_space<vmem>>, vector<1x16xi32>,
        %get3A_492 = arith.index_cast %add3A_471 : i32 to index
        %get3A_493 = arith.constant 0 : index
        %get3A_494 = tpu.vector_load %arg7[%get3A_492, %get3A_493] {strides = array<i32>} : memref<784x16xf32, #tpu.memory_space<vmem>>, vector<1x16xf32>,
        %get3A_495 = vector.shape_cast %get3A_494 : vector<1x16xf32> to vector<16xf32>
        %swap3A_496 = arith.index_cast %add3A_372 : i32 to index
        %swap3A_497 = arith.constant 48 : index
        %swap3A_498 = tpu.vector_load %arg9[%swap3A_496, %swap3A_497] {strides = array<i32>} : memref<98x128xf32, #tpu.memory_space<vmem>>, vector<1x16xf32>,
        %swap3A_499 = vector.shape_cast %swap3A_498 : vector<1x16xf32> to vector<16xf32>
        %swap3A_500 = vector.shape_cast %get3A_495 : vector<16xf32> to vector<1x16xf32>
        tpu.vector_store %arg9[%swap3A_496, %swap3A_497], %swap3A_500 {strides = array<i32>} : memref<98x128xf32, #tpu.memory_space<vmem>>, vector<1x16xf32>,
        %mul3A_501 = arith.constant 8 : i32
        %mul3A_502 = arith.muli %add3A_372, %mul3A_501 : i32
        %add3A_503 = arith.constant 4 : i32
        %add3A_504 = arith.addi %mul3A_502, %add3A_503 : i32
        %get3A_505 = arith.index_cast %add3A_504 : i32 to index
        %get3A_506 = arith.constant 0 : index
        %get3A_507 = tpu.vector_load %arg6[%get3A_505, %get3A_506] {strides = array<i32>} : memref<784x16xi32, #tpu.memory_space<vmem>>, vector<1x16xi32>,
        %get3A_508 = vector.shape_cast %get3A_507 : vector<1x16xi32> to vector<16xi32>
        %shift_right_logical3A_509 = arith.constant 6 : i32
        %shift_right_logical3A_510 = vector.broadcast %shift_right_logical3A_509 : i32 to vector<16xi32>
        %shift_right_logical3A_511 = arith.shrui %get3A_508, %shift_right_logical3A_510 : vector<16xi32>
        %convert_element_type3A_512 = arith.sitofp %shift_right_logical3A_511 : vector<16xi32> to vector<16xf32>
        %mul3A_513 = vector.broadcast %scan3A_29 : f32 to vector<16xf32>
        %mul3A_514 = arith.mulf %convert_element_type3A_512, %mul3A_513 : vector<16xf32>
        %convert_element_type3A_515 = arith.fptosi %mul3A_514 : vector<16xf32> to vector<16xi32>
        %mul3A_516 = arith.constant 16 : i32
        %mul3A_517 = vector.broadcast %mul3A_516 : i32 to vector<16xi32>
        %mul3A_518 = arith.muli %convert_element_type3A_515, %mul3A_517 : vector<16xi32>
        %add3A_519 = arith.addi %mul3A_518, %iota3A : vector<16xi32>
        %swap3A_520 = arith.index_cast %add3A_372 : i32 to index
        %swap3A_521 = arith.constant 64 : index
        %swap3A_522 = tpu.vector_load %arg8[%swap3A_520, %swap3A_521] {strides = array<i32>} : memref<98x128xi32, #tpu.memory_space<vmem>>, vector<1x16xi32>,
        %swap3A_523 = vector.shape_cast %swap3A_522 : vector<1x16xi32> to vector<16xi32>
        %swap3A_524 = vector.shape_cast %add3A_519 : vector<16xi32> to vector<1x16xi32>
        tpu.vector_store %arg8[%swap3A_520, %swap3A_521], %swap3A_524 {strides = array<i32>} : memref<98x128xi32, #tpu.memory_space<vmem>>, vector<1x16xi32>,
        %get3A_525 = arith.index_cast %add3A_504 : i32 to index
        %get3A_526 = arith.constant 0 : index
        %get3A_527 = tpu.vector_load %arg7[%get3A_525, %get3A_526] {strides = array<i32>} : memref<784x16xf32, #tpu.memory_space<vmem>>, vector<1x16xf32>,
        %get3A_528 = vector.shape_cast %get3A_527 : vector<1x16xf32> to vector<16xf32>
        %swap3A_529 = arith.index_cast %add3A_372 : i32 to index
        %swap3A_530 = arith.constant 64 : index
        %swap3A_531 = tpu.vector_load %arg9[%swap3A_529, %swap3A_530] {strides = array<i32>} : memref<98x128xf32, #tpu.memory_space<vmem>>, vector<1x16xf32>,
        %swap3A_532 = vector.shape_cast %swap3A_531 : vector<1x16xf32> to vector<16xf32>
        %swap3A_533 = vector.shape_cast %get3A_528 : vector<16xf32> to vector<1x16xf32>
        tpu.vector_store %arg9[%swap3A_529, %swap3A_530], %swap3A_533 {strides = array<i32>} : memref<98x128xf32, #tpu.memory_space<vmem>>, vector<1x16xf32>,
        %mul3A_534 = arith.constant 8 : i32
        %mul3A_535 = arith.muli %add3A_372, %mul3A_534 : i32
        %add3A_536 = arith.constant 5 : i32
        %add3A_537 = arith.addi %mul3A_535, %add3A_536 : i32
        %get3A_538 = arith.index_cast %add3A_537 : i32 to index
        %get3A_539 = arith.constant 0 : index
        %get3A_540 = tpu.vector_load %arg6[%get3A_538, %get3A_539] {strides = array<i32>} : memref<784x16xi32, #tpu.memory_space<vmem>>, vector<1x16xi32>,
        %get3A_541 = vector.shape_cast %get3A_540 : vector<1x16xi32> to vector<16xi32>
        %shift_right_logical3A_542 = arith.constant 6 : i32
        %shift_right_logical3A_543 = vector.broadcast %shift_right_logical3A_542 : i32 to vector<16xi32>
        %shift_right_logical3A_544 = arith.shrui %get3A_541, %shift_right_logical3A_543 : vector<16xi32>
        %convert_element_type3A_545 = arith.sitofp %shift_right_logical3A_544 : vector<16xi32> to vector<16xf32>
        %mul3A_546 = vector.broadcast %scan3A_29 : f32 to vector<16xf32>
        %mul3A_547 = arith.mulf %convert_element_type3A_545, %mul3A_546 : vector<16xf32>
        %convert_element_type3A_548 = arith.fptosi %mul3A_547 : vector<16xf32> to vector<16xi32>
        %mul3A_549 = arith.constant 16 : i32
        %mul3A_550 = vector.broadcast %mul3A_549 : i32 to vector<16xi32>
        %mul3A_551 = arith.muli %convert_element_type3A_548, %mul3A_550 : vector<16xi32>
        %add3A_552 = arith.addi %mul3A_551, %iota3A : vector<16xi32>
        %swap3A_553 = arith.index_cast %add3A_372 : i32 to index
        %swap3A_554 = arith.constant 80 : index
        %swap3A_555 = tpu.vector_load %arg8[%swap3A_553, %swap3A_554] {strides = array<i32>} : memref<98x128xi32, #tpu.memory_space<vmem>>, vector<1x16xi32>,
        %swap3A_556 = vector.shape_cast %swap3A_555 : vector<1x16xi32> to vector<16xi32>
        %swap3A_557 = vector.shape_cast %add3A_552 : vector<16xi32> to vector<1x16xi32>
        tpu.vector_store %arg8[%swap3A_553, %swap3A_554], %swap3A_557 {strides = array<i32>} : memref<98x128xi32, #tpu.memory_space<vmem>>, vector<1x16xi32>,
        %get3A_558 = arith.index_cast %add3A_537 : i32 to index
        %get3A_559 = arith.constant 0 : index
        %get3A_560 = tpu.vector_load %arg7[%get3A_558, %get3A_559] {strides = array<i32>} : memref<784x16xf32, #tpu.memory_space<vmem>>, vector<1x16xf32>,
        %get3A_561 = vector.shape_cast %get3A_560 : vector<1x16xf32> to vector<16xf32>
        %swap3A_562 = arith.index_cast %add3A_372 : i32 to index
        %swap3A_563 = arith.constant 80 : index
        %swap3A_564 = tpu.vector_load %arg9[%swap3A_562, %swap3A_563] {strides = array<i32>} : memref<98x128xf32, #tpu.memory_space<vmem>>, vector<1x16xf32>,
        %swap3A_565 = vector.shape_cast %swap3A_564 : vector<1x16xf32> to vector<16xf32>
        %swap3A_566 = vector.shape_cast %get3A_561 : vector<16xf32> to vector<1x16xf32>
        tpu.vector_store %arg9[%swap3A_562, %swap3A_563], %swap3A_566 {strides = array<i32>} : memref<98x128xf32, #tpu.memory_space<vmem>>, vector<1x16xf32>,
        %mul3A_567 = arith.constant 8 : i32
        %mul3A_568 = arith.muli %add3A_372, %mul3A_567 : i32
        %add3A_569 = arith.constant 6 : i32
        %add3A_570 = arith.addi %mul3A_568, %add3A_569 : i32
        %get3A_571 = arith.index_cast %add3A_570 : i32 to index
        %get3A_572 = arith.constant 0 : index
        %get3A_573 = tpu.vector_load %arg6[%get3A_571, %get3A_572] {strides = array<i32>} : memref<784x16xi32, #tpu.memory_space<vmem>>, vector<1x16xi32>,
        %get3A_574 = vector.shape_cast %get3A_573 : vector<1x16xi32> to vector<16xi32>
        %shift_right_logical3A_575 = arith.constant 6 : i32
        %shift_right_logical3A_576 = vector.broadcast %shift_right_logical3A_575 : i32 to vector<16xi32>
        %shift_right_logical3A_577 = arith.shrui %get3A_574, %shift_right_logical3A_576 : vector<16xi32>
        %convert_element_type3A_578 = arith.sitofp %shift_right_logical3A_577 : vector<16xi32> to vector<16xf32>
        %mul3A_579 = vector.broadcast %scan3A_29 : f32 to vector<16xf32>
        %mul3A_580 = arith.mulf %convert_element_type3A_578, %mul3A_579 : vector<16xf32>
        %convert_element_type3A_581 = arith.fptosi %mul3A_580 : vector<16xf32> to vector<16xi32>
        %mul3A_582 = arith.constant 16 : i32
        %mul3A_583 = vector.broadcast %mul3A_582 : i32 to vector<16xi32>
        %mul3A_584 = arith.muli %convert_element_type3A_581, %mul3A_583 : vector<16xi32>
        %add3A_585 = arith.addi %mul3A_584, %iota3A : vector<16xi32>
        %swap3A_586 = arith.index_cast %add3A_372 : i32 to index
        %swap3A_587 = arith.constant 96 : index
        %swap3A_588 = tpu.vector_load %arg8[%swap3A_586, %swap3A_587] {strides = array<i32>} : memref<98x128xi32, #tpu.memory_space<vmem>>, vector<1x16xi32>,
        %swap3A_589 = vector.shape_cast %swap3A_588 : vector<1x16xi32> to vector<16xi32>
        %swap3A_590 = vector.shape_cast %add3A_585 : vector<16xi32> to vector<1x16xi32>
        tpu.vector_store %arg8[%swap3A_586, %swap3A_587], %swap3A_590 {strides = array<i32>} : memref<98x128xi32, #tpu.memory_space<vmem>>, vector<1x16xi32>,
        %get3A_591 = arith.index_cast %add3A_570 : i32 to index
        %get3A_592 = arith.constant 0 : index
        %get3A_593 = tpu.vector_load %arg7[%get3A_591, %get3A_592] {strides = array<i32>} : memref<784x16xf32, #tpu.memory_space<vmem>>, vector<1x16xf32>,
        %get3A_594 = vector.shape_cast %get3A_593 : vector<1x16xf32> to vector<16xf32>
        %swap3A_595 = arith.index_cast %add3A_372 : i32 to index
        %swap3A_596 = arith.constant 96 : index
        %swap3A_597 = tpu.vector_load %arg9[%swap3A_595, %swap3A_596] {strides = array<i32>} : memref<98x128xf32, #tpu.memory_space<vmem>>, vector<1x16xf32>,
        %swap3A_598 = vector.shape_cast %swap3A_597 : vector<1x16xf32> to vector<16xf32>
        %swap3A_599 = vector.shape_cast %get3A_594 : vector<16xf32> to vector<1x16xf32>
        tpu.vector_store %arg9[%swap3A_595, %swap3A_596], %swap3A_599 {strides = array<i32>} : memref<98x128xf32, #tpu.memory_space<vmem>>, vector<1x16xf32>,
        %mul3A_600 = arith.constant 8 : i32
        %mul3A_601 = arith.muli %add3A_372, %mul3A_600 : i32
        %add3A_602 = arith.constant 7 : i32
        %add3A_603 = arith.addi %mul3A_601, %add3A_602 : i32
        %get3A_604 = arith.index_cast %add3A_603 : i32 to index
        %get3A_605 = arith.constant 0 : index
        %get3A_606 = tpu.vector_load %arg6[%get3A_604, %get3A_605] {strides = array<i32>} : memref<784x16xi32, #tpu.memory_space<vmem>>, vector<1x16xi32>,
        %get3A_607 = vector.shape_cast %get3A_606 : vector<1x16xi32> to vector<16xi32>
        %shift_right_logical3A_608 = arith.constant 6 : i32
        %shift_right_logical3A_609 = vector.broadcast %shift_right_logical3A_608 : i32 to vector<16xi32>
        %shift_right_logical3A_610 = arith.shrui %get3A_607, %shift_right_logical3A_609 : vector<16xi32>
        %convert_element_type3A_611 = arith.sitofp %shift_right_logical3A_610 : vector<16xi32> to vector<16xf32>
        %mul3A_612 = vector.broadcast %scan3A_29 : f32 to vector<16xf32>
        %mul3A_613 = arith.mulf %convert_element_type3A_611, %mul3A_612 : vector<16xf32>
        %convert_element_type3A_614 = arith.fptosi %mul3A_613 : vector<16xf32> to vector<16xi32>
        %mul3A_615 = arith.constant 16 : i32
        %mul3A_616 = vector.broadcast %mul3A_615 : i32 to vector<16xi32>
        %mul3A_617 = arith.muli %convert_element_type3A_614, %mul3A_616 : vector<16xi32>
        %add3A_618 = arith.addi %mul3A_617, %iota3A : vector<16xi32>
        %swap3A_619 = arith.index_cast %add3A_372 : i32 to index
        %swap3A_620 = arith.constant 112 : index
        %swap3A_621 = tpu.vector_load %arg8[%swap3A_619, %swap3A_620] {strides = array<i32>} : memref<98x128xi32, #tpu.memory_space<vmem>>, vector<1x16xi32>,
        %swap3A_622 = vector.shape_cast %swap3A_621 : vector<1x16xi32> to vector<16xi32>
        %swap3A_623 = vector.shape_cast %add3A_618 : vector<16xi32> to vector<1x16xi32>
        tpu.vector_store %arg8[%swap3A_619, %swap3A_620], %swap3A_623 {strides = array<i32>} : memref<98x128xi32, #tpu.memory_space<vmem>>, vector<1x16xi32>,
        %get3A_624 = arith.index_cast %add3A_603 : i32 to index
        %get3A_625 = arith.constant 0 : index
        %get3A_626 = tpu.vector_load %arg7[%get3A_624, %get3A_625] {strides = array<i32>} : memref<784x16xf32, #tpu.memory_space<vmem>>, vector<1x16xf32>,
        %get3A_627 = vector.shape_cast %get3A_626 : vector<1x16xf32> to vector<16xf32>
        %swap3A_628 = arith.index_cast %add3A_372 : i32 to index
        %swap3A_629 = arith.constant 112 : index
        %swap3A_630 = tpu.vector_load %arg9[%swap3A_628, %swap3A_629] {strides = array<i32>} : memref<98x128xf32, #tpu.memory_space<vmem>>, vector<1x16xf32>,
        %swap3A_631 = vector.shape_cast %swap3A_630 : vector<1x16xf32> to vector<16xf32>
        %swap3A_632 = vector.shape_cast %get3A_627 : vector<16xf32> to vector<1x16xf32>
        tpu.vector_store %arg9[%swap3A_628, %swap3A_629], %swap3A_632 {strides = array<i32>} : memref<98x128xf32, #tpu.memory_space<vmem>>, vector<1x16xf32>,
      }
      %scan3A_177 = arith.constant 98 : i32
      %mul3A_178 = arith.constant 3 : i32
      %mul3A_179 = arith.constant 32 : i32
      %mul3A_180 = arith.muli %mul3A_178, %mul3A_179 : i32
      %mul3A_181 = arith.constant 16 : i32
      %mul3A_182 = arith.muli %arg0, %mul3A_181 : i32
      %add3A_183 = arith.addi %mul3A_180, %mul3A_182 : i32
      %dma_start3A_184 = tpu.memref_slice %arg3[%add3A_52, %mul3A_0, %add3A_183] : memref<4x12544x192xi32, #tpu.memory_space<hbm>> -> memref<1x784x16xi32, #tpu.memory_space<hbm>>
      %dma_start3A_185 = tpu.memref_squeeze %dma_start3A_184 : memref<1x784x16xi32, #tpu.memory_space<hbm>> -> memref<784x16xi32, #tpu.memory_space<hbm>>
      %dma_start3A_186 = tpu.memref_slice %arg3[%add3A_52, %mul3A_0, %add3A_183] : memref<4x12544x192xi32, #tpu.memory_space<hbm>> -> memref<1x784x16xi32, #tpu.memory_space<hbm>>
      %dma_start3A_187 = tpu.memref_squeeze %dma_start3A_186 : memref<1x784x16xi32, #tpu.memory_space<hbm>> -> memref<784x16xi32, #tpu.memory_space<hbm>>
      tpu.enqueue_dma source(%dma_start3A_187 : memref<784x16xi32, #tpu.memory_space<hbm>>) target(%arg6 : memref<784x16xi32, #tpu.memory_space<vmem>>) target_semaphore(%arg13 : memref<!tpu.dma_semaphore, #tpu.memory_space<semaphore_mem>>)
      %dma_start3A_188 = tpu.memref_slice %arg2[%add3A_52, %mul3A_0, %add3A_183] : memref<4x12544x192xf32, #tpu.memory_space<hbm>> -> memref<1x784x16xf32, #tpu.memory_space<hbm>>
      %dma_start3A_189 = tpu.memref_squeeze %dma_start3A_188 : memref<1x784x16xf32, #tpu.memory_space<hbm>> -> memref<784x16xf32, #tpu.memory_space<hbm>>
      %dma_start3A_190 = tpu.memref_slice %arg2[%add3A_52, %mul3A_0, %add3A_183] : memref<4x12544x192xf32, #tpu.memory_space<hbm>> -> memref<1x784x16xf32, #tpu.memory_space<hbm>>
      %dma_start3A_191 = tpu.memref_squeeze %dma_start3A_190 : memref<1x784x16xf32, #tpu.memory_space<hbm>> -> memref<784x16xf32, #tpu.memory_space<hbm>>
      tpu.enqueue_dma source(%dma_start3A_191 : memref<784x16xf32, #tpu.memory_space<hbm>>) target(%arg7 : memref<784x16xf32, #tpu.memory_space<vmem>>) target_semaphore(%arg13 : memref<!tpu.dma_semaphore, #tpu.memory_space<semaphore_mem>>)
      %scan3A_192 = arith.constant 0 : i32
      %scan3A_193 = arith.constant 98 : i32
      %scan3A_194 = arith.addi %scan3A_192, %scan3A_193 : i32
      %scan3A_195 = arith.constant 1 : i32
      scf.for %scan3A_368 = %scan3A_192 to %scan3A_194 step %scan3A_195  : i32 {
        %mul3A_369 = arith.constant 1 : i32
        %mul3A_370 = arith.muli %scan3A_368, %mul3A_369 : i32
        %add3A_371 = arith.constant 0 : i32
        %add3A_372 = arith.addi %add3A_371, %mul3A_370 : i32
        %dma_start3A_373 = arith.constant 0 : i32
        %dma_start3A_374 = tpu.memref_slice %arg9[%add3A_372, %dma_start3A_373] : memref<98x128xf32, #tpu.memory_space<vmem>> -> memref<1x128xf32, #tpu.memory_space<vmem>>
        %dma_start3A_375 = tpu.memref_squeeze %dma_start3A_374 : memref<1x128xf32, #tpu.memory_space<vmem>> -> memref<128xf32, #tpu.memory_space<vmem>>
        %dma_start3A_376 = arith.constant 0 : i32
        %dma_start3A_377 = tpu.memref_slice %arg8[%add3A_372, %dma_start3A_376] : memref<98x128xi32, #tpu.memory_space<vmem>> -> memref<1x128xi32, #tpu.memory_space<vmem>>
        %dma_start3A_378 = tpu.memref_squeeze %dma_start3A_377 : memref<1x128xi32, #tpu.memory_space<vmem>> -> memref<128xi32, #tpu.memory_space<vmem>>
        %dma_start3A_379 = arith.constant 0 : i32
        %dma_start3A_380 = tpu.memref_slice %arg5[%dma_start3A_379] : memref<802816xf32, #tpu.memory_space<vmem_shared>> -> memref<802816xf32, #tpu.memory_space<vmem_shared>>
        tpu.enqueue_indirect_dma source(%dma_start3A_375 : memref<128xf32, #tpu.memory_space<vmem>>) target(%dma_start3A_380 : memref<802816xf32, #tpu.memory_space<vmem_shared>>) offsets(%dma_start3A_378 : memref<128xi32, #tpu.memory_space<vmem>>) semaphore(%arg14 : memref<!tpu.dma_semaphore, #tpu.memory_space<semaphore_mem>>) {add = true}
      }
      %scan3A_196 = arith.constant 98 : i32
      %scan3A_197 = arith.constant 0 : i32
      %scan3A_198 = arith.constant 98 : i32
      %scan3A_199 = arith.addi %scan3A_197, %scan3A_198 : i32
      %scan3A_200 = arith.constant 1 : i32
      scf.for %scan3A_368 = %scan3A_197 to %scan3A_199 step %scan3A_200  : i32 {
        %mul3A_369 = arith.constant 1 : i32
        %mul3A_370 = arith.muli %scan3A_368, %mul3A_369 : i32
        %add3A_371 = arith.constant 0 : i32
        %add3A_372 = arith.addi %add3A_371, %mul3A_370 : i32
        %dma_wait3A_373 = arith.constant 0 : i32
        %dma_wait3A_374 = tpu.memref_slice %arg9[%add3A_372, %dma_wait3A_373] : memref<98x128xf32, #tpu.memory_space<vmem>> -> memref<1x128xf32, #tpu.memory_space<vmem>>
        %dma_wait3A_375 = tpu.memref_squeeze %dma_wait3A_374 : memref<1x128xf32, #tpu.memory_space<vmem>> -> memref<128xf32, #tpu.memory_space<vmem>>
        %dma_wait3A_376 = arith.constant 0 : i32
        %dma_wait3A_377 = tpu.memref_slice %arg8[%add3A_372, %dma_wait3A_376] : memref<98x128xi32, #tpu.memory_space<vmem>> -> memref<1x128xi32, #tpu.memory_space<vmem>>
        %dma_wait3A_378 = tpu.memref_squeeze %dma_wait3A_377 : memref<1x128xi32, #tpu.memory_space<vmem>> -> memref<128xi32, #tpu.memory_space<vmem>>
        %dma_wait3A_379 = arith.constant 0 : i32
        %dma_wait3A_380 = tpu.memref_slice %arg5[%dma_wait3A_379] : memref<802816xf32, #tpu.memory_space<vmem_shared>> -> memref<802816xf32, #tpu.memory_space<vmem_shared>>
        tpu.wait_indirect_dma semaphore(%arg14 : memref<!tpu.dma_semaphore, #tpu.memory_space<semaphore_mem>>) src(%dma_wait3A_375 : memref<128xf32, #tpu.memory_space<vmem>>) dst(%dma_wait3A_380 : memref<802816xf32, #tpu.memory_space<vmem_shared>>)
      }
      %scan3A_201 = arith.constant 98 : i32
      %barrier3A_202 = arith.constant 0 : index
      tpu.barrier barrier_id(%barrier3A_202)
      %scan3A_203 = arith.constant 0 : i32
      %scan3A_204 = arith.constant 4 : i32
      %scan3A_205 = arith.addi %scan3A_203, %scan3A_204 : i32
      %scan3A_206 = arith.constant 1 : i32
      scf.for %scan3A_368 = %scan3A_203 to %scan3A_205 step %scan3A_206  : i32 {
        %mul3A_369 = arith.constant 1 : i32
        %mul3A_370 = arith.muli %scan3A_368, %mul3A_369 : i32
        %add3A_371 = arith.constant 0 : i32
        %add3A_372 = arith.addi %add3A_371, %mul3A_370 : i32
        %mul3A_373 = arith.constant 12544 : i32
        %mul3A_374 = arith.muli %add3A_372, %mul3A_373 : i32
        %add3A_375 = arith.addi %mul3A_2, %mul3A_374 : i32
        "tpu.region"() ({
          %run_scoped3A = tpu.sem_alloc : memref<!tpu.dma_semaphore, #tpu.memory_space<semaphore_mem>>
          %dma_start3A_389 = tpu.memref_slice %arg5[%add3A_375] : memref<802816xf32, #tpu.memory_space<vmem_shared>> -> memref<12544xf32, #tpu.memory_space<vmem_shared>>
          %dma_start3A_390 = tpu.memref_slice %arg5[%add3A_375] : memref<802816xf32, #tpu.memory_space<vmem_shared>> -> memref<12544xf32, #tpu.memory_space<vmem_shared>>
          tpu.enqueue_dma source(%dma_start3A_390 : memref<12544xf32, #tpu.memory_space<vmem_shared>>) target(%arg10 : memref<12544xf32, #tpu.memory_space<vmem>>) target_semaphore(%run_scoped3A : memref<!tpu.dma_semaphore, #tpu.memory_space<semaphore_mem>>)
          %dma_wait3A_391 = tpu.memref_slice %arg5[%add3A_375] : memref<802816xf32, #tpu.memory_space<vmem_shared>> -> memref<12544xf32, #tpu.memory_space<vmem_shared>>
          %dma_wait3A_392 = tpu.memref_slice %arg5[%add3A_375] : memref<802816xf32, #tpu.memory_space<vmem_shared>> -> memref<12544xf32, #tpu.memory_space<vmem_shared>>
          tpu.wait_dma2 semaphore(%run_scoped3A : memref<!tpu.dma_semaphore, #tpu.memory_space<semaphore_mem>>) src(%dma_wait3A_392 : memref<12544xf32, #tpu.memory_space<vmem_shared>>) dst(%arg10 : memref<12544xf32, #tpu.memory_space<vmem>>)
          tpu.yield
        }) : () -> ()
        %scan3A_376 = arith.constant 0 : i32
        %scan3A_377 = arith.constant 784 : i32
        %scan3A_378 = arith.addi %scan3A_376, %scan3A_377 : i32
        %scan3A_379 = arith.constant 1 : i32
        scf.for %scan3A_389 = %scan3A_376 to %scan3A_378 step %scan3A_379  : i32 {
          %mul3A_390 = arith.constant 1 : i32
          %mul3A_391 = arith.muli %scan3A_389, %mul3A_390 : i32
          %add3A_392 = arith.constant 0 : i32
          %add3A_393 = arith.addi %add3A_392, %mul3A_391 : i32
          %mul3A_394 = arith.constant 16 : i32
          %mul3A_395 = arith.muli %add3A_393, %mul3A_394 : i32
          %get3A = arith.index_cast %mul3A_395 : i32 to index
          %get3A_396 = tpu.vector_load %arg10[%get3A] {strides = array<i32>} : memref<12544xf32, #tpu.memory_space<vmem>>, vector<16xf32>,
          %get3A_397 = vector.shape_cast %get3A_396 : vector<16xf32> to vector<16xf32>
          %swap3A = arith.index_cast %add3A_393 : i32 to index
          %swap3A_398 = arith.constant 0 : index
          %swap3A_399 = tpu.vector_load %arg11[%swap3A, %swap3A_398] {strides = array<i32>} : memref<784x16xf32, #tpu.memory_space<vmem>>, vector<1x16xf32>,
          %swap3A_400 = vector.shape_cast %swap3A_399 : vector<1x16xf32> to vector<16xf32>
          %swap3A_401 = vector.shape_cast %get3A_397 : vector<16xf32> to vector<1x16xf32>
          tpu.vector_store %arg11[%swap3A, %swap3A_398], %swap3A_401 {strides = array<i32>} : memref<784x16xf32, #tpu.memory_space<vmem>>, vector<1x16xf32>,
        }
        %scan3A_380 = arith.constant 784 : i32
        %mul3A_381 = arith.constant 784 : i32
        %mul3A_382 = arith.muli %add3A_372, %mul3A_381 : i32
        %add3A_383 = arith.addi %mul3A_4, %mul3A_382 : i32
        "tpu.region"() ({
          %run_scoped3A = tpu.sem_alloc : memref<!tpu.dma_semaphore, #tpu.memory_space<semaphore_mem>>
          %dma_start3A_389 = tpu.memref_slice %arg4[%add3A_52, %add3A_383, %add3A_160] : memref<4x50176x192xf32, #tpu.memory_space<hbm>> -> memref<1x784x16xf32, #tpu.memory_space<hbm>>
          %dma_start3A_390 = tpu.memref_squeeze %dma_start3A_389 : memref<1x784x16xf32, #tpu.memory_space<hbm>> -> memref<784x16xf32, #tpu.memory_space<hbm>>
          %dma_start3A_391 = tpu.memref_slice %arg4[%add3A_52, %add3A_383, %add3A_160] : memref<4x50176x192xf32, #tpu.memory_space<hbm>> -> memref<1x784x16xf32, #tpu.memory_space<hbm>>
          %dma_start3A_392 = tpu.memref_squeeze %dma_start3A_391 : memref<1x784x16xf32, #tpu.memory_space<hbm>> -> memref<784x16xf32, #tpu.memory_space<hbm>>
          tpu.enqueue_dma source(%arg11 : memref<784x16xf32, #tpu.memory_space<vmem>>) target(%dma_start3A_392 : memref<784x16xf32, #tpu.memory_space<hbm>>) target_semaphore(%run_scoped3A : memref<!tpu.dma_semaphore, #tpu.memory_space<semaphore_mem>>)
          %dma_wait3A_393 = tpu.memref_slice %arg4[%add3A_52, %add3A_383, %add3A_160] : memref<4x50176x192xf32, #tpu.memory_space<hbm>> -> memref<1x784x16xf32, #tpu.memory_space<hbm>>
          %dma_wait3A_394 = tpu.memref_squeeze %dma_wait3A_393 : memref<1x784x16xf32, #tpu.memory_space<hbm>> -> memref<784x16xf32, #tpu.memory_space<hbm>>
          %dma_wait3A_395 = tpu.memref_slice %arg4[%add3A_52, %add3A_383, %add3A_160] : memref<4x50176x192xf32, #tpu.memory_space<hbm>> -> memref<1x784x16xf32, #tpu.memory_space<hbm>>
          %dma_wait3A_396 = tpu.memref_squeeze %dma_wait3A_395 : memref<1x784x16xf32, #tpu.memory_space<hbm>> -> memref<784x16xf32, #tpu.memory_space<hbm>>
          tpu.wait_dma2 semaphore(%run_scoped3A : memref<!tpu.dma_semaphore, #tpu.memory_space<semaphore_mem>>) src(%arg11 : memref<784x16xf32, #tpu.memory_space<vmem>>) dst(%dma_wait3A_396 : memref<784x16xf32, #tpu.memory_space<hbm>>)
          tpu.yield
        }) : () -> ()
        %scan3A_384 = arith.constant 0 : i32
        %scan3A_385 = arith.constant 4 : i32
        %scan3A_386 = arith.addi %scan3A_384, %scan3A_385 : i32
        %scan3A_387 = arith.constant 1 : i32
        scf.for %scan3A_389 = %scan3A_384 to %scan3A_386 step %scan3A_387  : i32 {
          %mul3A_390 = arith.constant 1 : i32
          %mul3A_391 = arith.muli %scan3A_389, %mul3A_390 : i32
          %add3A_392 = arith.constant 0 : i32
          %add3A_393 = arith.addi %add3A_392, %mul3A_391 : i32
          %mul3A_394 = arith.constant 3136 : i32
          %mul3A_395 = arith.muli %add3A_393, %mul3A_394 : i32
          %add3A_396 = arith.addi %add3A_375, %mul3A_395 : i32
          "tpu.region"() ({
            %run_scoped3A = tpu.sem_alloc : memref<!tpu.dma_semaphore, #tpu.memory_space<semaphore_mem>>
            %dma_start3A_397 = tpu.memref_slice %arg5[%add3A_396] : memref<802816xf32, #tpu.memory_space<vmem_shared>> -> memref<3136xf32, #tpu.memory_space<vmem_shared>>
            %dma_start3A_398 = tpu.memref_slice %arg5[%add3A_396] : memref<802816xf32, #tpu.memory_space<vmem_shared>> -> memref<3136xf32, #tpu.memory_space<vmem_shared>>
            tpu.enqueue_dma source(%arg12 : memref<3136xf32, #tpu.memory_space<vmem>>) target(%dma_start3A_398 : memref<3136xf32, #tpu.memory_space<vmem_shared>>) target_semaphore(%run_scoped3A : memref<!tpu.dma_semaphore, #tpu.memory_space<semaphore_mem>>)
            %dma_wait3A_399 = tpu.memref_slice %arg5[%add3A_396] : memref<802816xf32, #tpu.memory_space<vmem_shared>> -> memref<3136xf32, #tpu.memory_space<vmem_shared>>
            %dma_wait3A_400 = tpu.memref_slice %arg5[%add3A_396] : memref<802816xf32, #tpu.memory_space<vmem_shared>> -> memref<3136xf32, #tpu.memory_space<vmem_shared>>
            tpu.wait_dma2 semaphore(%run_scoped3A : memref<!tpu.dma_semaphore, #tpu.memory_space<semaphore_mem>>) src(%arg12 : memref<3136xf32, #tpu.memory_space<vmem>>) dst(%dma_wait3A_400 : memref<3136xf32, #tpu.memory_space<vmem_shared>>)
            tpu.yield
          }) : () -> ()
        }
        %scan3A_388 = arith.constant 4 : i32
      }
      %scan3A_207 = arith.constant 4 : i32
      %barrier3A_208 = arith.constant 0 : index
      tpu.barrier barrier_id(%barrier3A_208)
      %mul3A_209 = arith.constant 16 : i32
      %mul3A_210 = arith.muli %arg0, %mul3A_209 : i32
      %add3A_211 = arith.constant 96 : i32
      %add3A_212 = arith.addi %add3A_211, %mul3A_210 : i32
      %mul3A_213 = arith.constant 16 : i32
      %mul3A_214 = arith.muli %arg0, %mul3A_213 : i32
      %add3A_215 = arith.constant 96 : i32
      %add3A_216 = arith.addi %add3A_215, %mul3A_214 : i32
      %dma_wait3A_217 = tpu.memref_slice %arg3[%add3A_52, %mul3A_0, %add3A_216] : memref<4x12544x192xi32, #tpu.memory_space<hbm>> -> memref<1x784x16xi32, #tpu.memory_space<hbm>>
      %dma_wait3A_218 = tpu.memref_squeeze %dma_wait3A_217 : memref<1x784x16xi32, #tpu.memory_space<hbm>> -> memref<784x16xi32, #tpu.memory_space<hbm>>
      %dma_wait3A_219 = tpu.memref_slice %arg3[%add3A_52, %mul3A_0, %add3A_216] : memref<4x12544x192xi32, #tpu.memory_space<hbm>> -> memref<1x784x16xi32, #tpu.memory_space<hbm>>
      %dma_wait3A_220 = tpu.memref_squeeze %dma_wait3A_219 : memref<1x784x16xi32, #tpu.memory_space<hbm>> -> memref<784x16xi32, #tpu.memory_space<hbm>>
      tpu.wait_dma2 semaphore(%arg13 : memref<!tpu.dma_semaphore, #tpu.memory_space<semaphore_mem>>) src(%dma_wait3A_220 : memref<784x16xi32, #tpu.memory_space<hbm>>) dst(%arg6 : memref<784x16xi32, #tpu.memory_space<vmem>>)
      %dma_wait3A_221 = tpu.memref_slice %arg2[%add3A_52, %mul3A_0, %add3A_216] : memref<4x12544x192xf32, #tpu.memory_space<hbm>> -> memref<1x784x16xf32, #tpu.memory_space<hbm>>
      %dma_wait3A_222 = tpu.memref_squeeze %dma_wait3A_221 : memref<1x784x16xf32, #tpu.memory_space<hbm>> -> memref<784x16xf32, #tpu.memory_space<hbm>>
      %dma_wait3A_223 = tpu.memref_slice %arg2[%add3A_52, %mul3A_0, %add3A_216] : memref<4x12544x192xf32, #tpu.memory_space<hbm>> -> memref<1x784x16xf32, #tpu.memory_space<hbm>>
      %dma_wait3A_224 = tpu.memref_squeeze %dma_wait3A_223 : memref<1x784x16xf32, #tpu.memory_space<hbm>> -> memref<784x16xf32, #tpu.memory_space<hbm>>
      tpu.wait_dma2 semaphore(%arg13 : memref<!tpu.dma_semaphore, #tpu.memory_space<semaphore_mem>>) src(%dma_wait3A_224 : memref<784x16xf32, #tpu.memory_space<hbm>>) dst(%arg7 : memref<784x16xf32, #tpu.memory_space<vmem>>)
      %scan3A_225 = arith.constant 0 : i32
      %scan3A_226 = arith.constant 98 : i32
      %scan3A_227 = arith.addi %scan3A_225, %scan3A_226 : i32
      %scan3A_228 = arith.constant 1 : i32
      scf.for %scan3A_368 = %scan3A_225 to %scan3A_227 step %scan3A_228  : i32 {
        %mul3A_369 = arith.constant 1 : i32
        %mul3A_370 = arith.muli %scan3A_368, %mul3A_369 : i32
        %add3A_371 = arith.constant 0 : i32
        %add3A_372 = arith.addi %add3A_371, %mul3A_370 : i32
        %mul3A_373 = arith.constant 8 : i32
        %mul3A_374 = arith.muli %add3A_372, %mul3A_373 : i32
        %add3A_375 = arith.constant 0 : i32
        %add3A_376 = arith.addi %mul3A_374, %add3A_375 : i32
        %get3A = arith.index_cast %add3A_376 : i32 to index
        %get3A_377 = arith.constant 0 : index
        %get3A_378 = tpu.vector_load %arg6[%get3A, %get3A_377] {strides = array<i32>} : memref<784x16xi32, #tpu.memory_space<vmem>>, vector<1x16xi32>,
        %get3A_379 = vector.shape_cast %get3A_378 : vector<1x16xi32> to vector<16xi32>
        %shift_right_logical3A = arith.constant 6 : i32
        %shift_right_logical3A_380 = vector.broadcast %shift_right_logical3A : i32 to vector<16xi32>
        %shift_right_logical3A_381 = arith.shrui %get3A_379, %shift_right_logical3A_380 : vector<16xi32>
        %convert_element_type3A = arith.sitofp %shift_right_logical3A_381 : vector<16xi32> to vector<16xf32>
        %mul3A_382 = vector.broadcast %scan3A_29 : f32 to vector<16xf32>
        %mul3A_383 = arith.mulf %convert_element_type3A, %mul3A_382 : vector<16xf32>
        %convert_element_type3A_384 = arith.fptosi %mul3A_383 : vector<16xf32> to vector<16xi32>
        %mul3A_385 = arith.constant 16 : i32
        %mul3A_386 = vector.broadcast %mul3A_385 : i32 to vector<16xi32>
        %mul3A_387 = arith.muli %convert_element_type3A_384, %mul3A_386 : vector<16xi32>
        %add3A_388 = arith.addi %mul3A_387, %iota3A : vector<16xi32>
        %swap3A = arith.index_cast %add3A_372 : i32 to index
        %swap3A_389 = arith.constant 0 : index
        %swap3A_390 = tpu.vector_load %arg8[%swap3A, %swap3A_389] {strides = array<i32>} : memref<98x128xi32, #tpu.memory_space<vmem>>, vector<1x16xi32>,
        %swap3A_391 = vector.shape_cast %swap3A_390 : vector<1x16xi32> to vector<16xi32>
        %swap3A_392 = vector.shape_cast %add3A_388 : vector<16xi32> to vector<1x16xi32>
        tpu.vector_store %arg8[%swap3A, %swap3A_389], %swap3A_392 {strides = array<i32>} : memref<98x128xi32, #tpu.memory_space<vmem>>, vector<1x16xi32>,
        %get3A_393 = arith.index_cast %add3A_376 : i32 to index
        %get3A_394 = arith.constant 0 : index
        %get3A_395 = tpu.vector_load %arg7[%get3A_393, %get3A_394] {strides = array<i32>} : memref<784x16xf32, #tpu.memory_space<vmem>>, vector<1x16xf32>,
        %get3A_396 = vector.shape_cast %get3A_395 : vector<1x16xf32> to vector<16xf32>
        %swap3A_397 = arith.index_cast %add3A_372 : i32 to index
        %swap3A_398 = arith.constant 0 : index
        %swap3A_399 = tpu.vector_load %arg9[%swap3A_397, %swap3A_398] {strides = array<i32>} : memref<98x128xf32, #tpu.memory_space<vmem>>, vector<1x16xf32>,
        %swap3A_400 = vector.shape_cast %swap3A_399 : vector<1x16xf32> to vector<16xf32>
        %swap3A_401 = vector.shape_cast %get3A_396 : vector<16xf32> to vector<1x16xf32>
        tpu.vector_store %arg9[%swap3A_397, %swap3A_398], %swap3A_401 {strides = array<i32>} : memref<98x128xf32, #tpu.memory_space<vmem>>, vector<1x16xf32>,
        %mul3A_402 = arith.constant 8 : i32
        %mul3A_403 = arith.muli %add3A_372, %mul3A_402 : i32
        %add3A_404 = arith.constant 1 : i32
        %add3A_405 = arith.addi %mul3A_403, %add3A_404 : i32
        %get3A_406 = arith.index_cast %add3A_405 : i32 to index
        %get3A_407 = arith.constant 0 : index
        %get3A_408 = tpu.vector_load %arg6[%get3A_406, %get3A_407] {strides = array<i32>} : memref<784x16xi32, #tpu.memory_space<vmem>>, vector<1x16xi32>,
        %get3A_409 = vector.shape_cast %get3A_408 : vector<1x16xi32> to vector<16xi32>
        %shift_right_logical3A_410 = arith.constant 6 : i32
        %shift_right_logical3A_411 = vector.broadcast %shift_right_logical3A_410 : i32 to vector<16xi32>
        %shift_right_logical3A_412 = arith.shrui %get3A_409, %shift_right_logical3A_411 : vector<16xi32>
        %convert_element_type3A_413 = arith.sitofp %shift_right_logical3A_412 : vector<16xi32> to vector<16xf32>
        %mul3A_414 = vector.broadcast %scan3A_29 : f32 to vector<16xf32>
        %mul3A_415 = arith.mulf %convert_element_type3A_413, %mul3A_414 : vector<16xf32>
        %convert_element_type3A_416 = arith.fptosi %mul3A_415 : vector<16xf32> to vector<16xi32>
        %mul3A_417 = arith.constant 16 : i32
        %mul3A_418 = vector.broadcast %mul3A_417 : i32 to vector<16xi32>
        %mul3A_419 = arith.muli %convert_element_type3A_416, %mul3A_418 : vector<16xi32>
        %add3A_420 = arith.addi %mul3A_419, %iota3A : vector<16xi32>
        %swap3A_421 = arith.index_cast %add3A_372 : i32 to index
        %swap3A_422 = arith.constant 16 : index
        %swap3A_423 = tpu.vector_load %arg8[%swap3A_421, %swap3A_422] {strides = array<i32>} : memref<98x128xi32, #tpu.memory_space<vmem>>, vector<1x16xi32>,
        %swap3A_424 = vector.shape_cast %swap3A_423 : vector<1x16xi32> to vector<16xi32>
        %swap3A_425 = vector.shape_cast %add3A_420 : vector<16xi32> to vector<1x16xi32>
        tpu.vector_store %arg8[%swap3A_421, %swap3A_422], %swap3A_425 {strides = array<i32>} : memref<98x128xi32, #tpu.memory_space<vmem>>, vector<1x16xi32>,
        %get3A_426 = arith.index_cast %add3A_405 : i32 to index
        %get3A_427 = arith.constant 0 : index
        %get3A_428 = tpu.vector_load %arg7[%get3A_426, %get3A_427] {strides = array<i32>} : memref<784x16xf32, #tpu.memory_space<vmem>>, vector<1x16xf32>,
        %get3A_429 = vector.shape_cast %get3A_428 : vector<1x16xf32> to vector<16xf32>
        %swap3A_430 = arith.index_cast %add3A_372 : i32 to index
        %swap3A_431 = arith.constant 16 : index
        %swap3A_432 = tpu.vector_load %arg9[%swap3A_430, %swap3A_431] {strides = array<i32>} : memref<98x128xf32, #tpu.memory_space<vmem>>, vector<1x16xf32>,
        %swap3A_433 = vector.shape_cast %swap3A_432 : vector<1x16xf32> to vector<16xf32>
        %swap3A_434 = vector.shape_cast %get3A_429 : vector<16xf32> to vector<1x16xf32>
        tpu.vector_store %arg9[%swap3A_430, %swap3A_431], %swap3A_434 {strides = array<i32>} : memref<98x128xf32, #tpu.memory_space<vmem>>, vector<1x16xf32>,
        %mul3A_435 = arith.constant 8 : i32
        %mul3A_436 = arith.muli %add3A_372, %mul3A_435 : i32
        %add3A_437 = arith.constant 2 : i32
        %add3A_438 = arith.addi %mul3A_436, %add3A_437 : i32
        %get3A_439 = arith.index_cast %add3A_438 : i32 to index
        %get3A_440 = arith.constant 0 : index
        %get3A_441 = tpu.vector_load %arg6[%get3A_439, %get3A_440] {strides = array<i32>} : memref<784x16xi32, #tpu.memory_space<vmem>>, vector<1x16xi32>,
        %get3A_442 = vector.shape_cast %get3A_441 : vector<1x16xi32> to vector<16xi32>
        %shift_right_logical3A_443 = arith.constant 6 : i32
        %shift_right_logical3A_444 = vector.broadcast %shift_right_logical3A_443 : i32 to vector<16xi32>
        %shift_right_logical3A_445 = arith.shrui %get3A_442, %shift_right_logical3A_444 : vector<16xi32>
        %convert_element_type3A_446 = arith.sitofp %shift_right_logical3A_445 : vector<16xi32> to vector<16xf32>
        %mul3A_447 = vector.broadcast %scan3A_29 : f32 to vector<16xf32>
        %mul3A_448 = arith.mulf %convert_element_type3A_446, %mul3A_447 : vector<16xf32>
        %convert_element_type3A_449 = arith.fptosi %mul3A_448 : vector<16xf32> to vector<16xi32>
        %mul3A_450 = arith.constant 16 : i32
        %mul3A_451 = vector.broadcast %mul3A_450 : i32 to vector<16xi32>
        %mul3A_452 = arith.muli %convert_element_type3A_449, %mul3A_451 : vector<16xi32>
        %add3A_453 = arith.addi %mul3A_452, %iota3A : vector<16xi32>
        %swap3A_454 = arith.index_cast %add3A_372 : i32 to index
        %swap3A_455 = arith.constant 32 : index
        %swap3A_456 = tpu.vector_load %arg8[%swap3A_454, %swap3A_455] {strides = array<i32>} : memref<98x128xi32, #tpu.memory_space<vmem>>, vector<1x16xi32>,
        %swap3A_457 = vector.shape_cast %swap3A_456 : vector<1x16xi32> to vector<16xi32>
        %swap3A_458 = vector.shape_cast %add3A_453 : vector<16xi32> to vector<1x16xi32>
        tpu.vector_store %arg8[%swap3A_454, %swap3A_455], %swap3A_458 {strides = array<i32>} : memref<98x128xi32, #tpu.memory_space<vmem>>, vector<1x16xi32>,
        %get3A_459 = arith.index_cast %add3A_438 : i32 to index
        %get3A_460 = arith.constant 0 : index
        %get3A_461 = tpu.vector_load %arg7[%get3A_459, %get3A_460] {strides = array<i32>} : memref<784x16xf32, #tpu.memory_space<vmem>>, vector<1x16xf32>,
        %get3A_462 = vector.shape_cast %get3A_461 : vector<1x16xf32> to vector<16xf32>
        %swap3A_463 = arith.index_cast %add3A_372 : i32 to index
        %swap3A_464 = arith.constant 32 : index
        %swap3A_465 = tpu.vector_load %arg9[%swap3A_463, %swap3A_464] {strides = array<i32>} : memref<98x128xf32, #tpu.memory_space<vmem>>, vector<1x16xf32>,
        %swap3A_466 = vector.shape_cast %swap3A_465 : vector<1x16xf32> to vector<16xf32>
        %swap3A_467 = vector.shape_cast %get3A_462 : vector<16xf32> to vector<1x16xf32>
        tpu.vector_store %arg9[%swap3A_463, %swap3A_464], %swap3A_467 {strides = array<i32>} : memref<98x128xf32, #tpu.memory_space<vmem>>, vector<1x16xf32>,
        %mul3A_468 = arith.constant 8 : i32
        %mul3A_469 = arith.muli %add3A_372, %mul3A_468 : i32
        %add3A_470 = arith.constant 3 : i32
        %add3A_471 = arith.addi %mul3A_469, %add3A_470 : i32
        %get3A_472 = arith.index_cast %add3A_471 : i32 to index
        %get3A_473 = arith.constant 0 : index
        %get3A_474 = tpu.vector_load %arg6[%get3A_472, %get3A_473] {strides = array<i32>} : memref<784x16xi32, #tpu.memory_space<vmem>>, vector<1x16xi32>,
        %get3A_475 = vector.shape_cast %get3A_474 : vector<1x16xi32> to vector<16xi32>
        %shift_right_logical3A_476 = arith.constant 6 : i32
        %shift_right_logical3A_477 = vector.broadcast %shift_right_logical3A_476 : i32 to vector<16xi32>
        %shift_right_logical3A_478 = arith.shrui %get3A_475, %shift_right_logical3A_477 : vector<16xi32>
        %convert_element_type3A_479 = arith.sitofp %shift_right_logical3A_478 : vector<16xi32> to vector<16xf32>
        %mul3A_480 = vector.broadcast %scan3A_29 : f32 to vector<16xf32>
        %mul3A_481 = arith.mulf %convert_element_type3A_479, %mul3A_480 : vector<16xf32>
        %convert_element_type3A_482 = arith.fptosi %mul3A_481 : vector<16xf32> to vector<16xi32>
        %mul3A_483 = arith.constant 16 : i32
        %mul3A_484 = vector.broadcast %mul3A_483 : i32 to vector<16xi32>
        %mul3A_485 = arith.muli %convert_element_type3A_482, %mul3A_484 : vector<16xi32>
        %add3A_486 = arith.addi %mul3A_485, %iota3A : vector<16xi32>
        %swap3A_487 = arith.index_cast %add3A_372 : i32 to index
        %swap3A_488 = arith.constant 48 : index
        %swap3A_489 = tpu.vector_load %arg8[%swap3A_487, %swap3A_488] {strides = array<i32>} : memref<98x128xi32, #tpu.memory_space<vmem>>, vector<1x16xi32>,
        %swap3A_490 = vector.shape_cast %swap3A_489 : vector<1x16xi32> to vector<16xi32>
        %swap3A_491 = vector.shape_cast %add3A_486 : vector<16xi32> to vector<1x16xi32>
        tpu.vector_store %arg8[%swap3A_487, %swap3A_488], %swap3A_491 {strides = array<i32>} : memref<98x128xi32, #tpu.memory_space<vmem>>, vector<1x16xi32>,
        %get3A_492 = arith.index_cast %add3A_471 : i32 to index
        %get3A_493 = arith.constant 0 : index
        %get3A_494 = tpu.vector_load %arg7[%get3A_492, %get3A_493] {strides = array<i32>} : memref<784x16xf32, #tpu.memory_space<vmem>>, vector<1x16xf32>,
        %get3A_495 = vector.shape_cast %get3A_494 : vector<1x16xf32> to vector<16xf32>
        %swap3A_496 = arith.index_cast %add3A_372 : i32 to index
        %swap3A_497 = arith.constant 48 : index
        %swap3A_498 = tpu.vector_load %arg9[%swap3A_496, %swap3A_497] {strides = array<i32>} : memref<98x128xf32, #tpu.memory_space<vmem>>, vector<1x16xf32>,
        %swap3A_499 = vector.shape_cast %swap3A_498 : vector<1x16xf32> to vector<16xf32>
        %swap3A_500 = vector.shape_cast %get3A_495 : vector<16xf32> to vector<1x16xf32>
        tpu.vector_store %arg9[%swap3A_496, %swap3A_497], %swap3A_500 {strides = array<i32>} : memref<98x128xf32, #tpu.memory_space<vmem>>, vector<1x16xf32>,
        %mul3A_501 = arith.constant 8 : i32
        %mul3A_502 = arith.muli %add3A_372, %mul3A_501 : i32
        %add3A_503 = arith.constant 4 : i32
        %add3A_504 = arith.addi %mul3A_502, %add3A_503 : i32
        %get3A_505 = arith.index_cast %add3A_504 : i32 to index
        %get3A_506 = arith.constant 0 : index
        %get3A_507 = tpu.vector_load %arg6[%get3A_505, %get3A_506] {strides = array<i32>} : memref<784x16xi32, #tpu.memory_space<vmem>>, vector<1x16xi32>,
        %get3A_508 = vector.shape_cast %get3A_507 : vector<1x16xi32> to vector<16xi32>
        %shift_right_logical3A_509 = arith.constant 6 : i32
        %shift_right_logical3A_510 = vector.broadcast %shift_right_logical3A_509 : i32 to vector<16xi32>
        %shift_right_logical3A_511 = arith.shrui %get3A_508, %shift_right_logical3A_510 : vector<16xi32>
        %convert_element_type3A_512 = arith.sitofp %shift_right_logical3A_511 : vector<16xi32> to vector<16xf32>
        %mul3A_513 = vector.broadcast %scan3A_29 : f32 to vector<16xf32>
        %mul3A_514 = arith.mulf %convert_element_type3A_512, %mul3A_513 : vector<16xf32>
        %convert_element_type3A_515 = arith.fptosi %mul3A_514 : vector<16xf32> to vector<16xi32>
        %mul3A_516 = arith.constant 16 : i32
        %mul3A_517 = vector.broadcast %mul3A_516 : i32 to vector<16xi32>
        %mul3A_518 = arith.muli %convert_element_type3A_515, %mul3A_517 : vector<16xi32>
        %add3A_519 = arith.addi %mul3A_518, %iota3A : vector<16xi32>
        %swap3A_520 = arith.index_cast %add3A_372 : i32 to index
        %swap3A_521 = arith.constant 64 : index
        %swap3A_522 = tpu.vector_load %arg8[%swap3A_520, %swap3A_521] {strides = array<i32>} : memref<98x128xi32, #tpu.memory_space<vmem>>, vector<1x16xi32>,
        %swap3A_523 = vector.shape_cast %swap3A_522 : vector<1x16xi32> to vector<16xi32>
        %swap3A_524 = vector.shape_cast %add3A_519 : vector<16xi32> to vector<1x16xi32>
        tpu.vector_store %arg8[%swap3A_520, %swap3A_521], %swap3A_524 {strides = array<i32>} : memref<98x128xi32, #tpu.memory_space<vmem>>, vector<1x16xi32>,
        %get3A_525 = arith.index_cast %add3A_504 : i32 to index
        %get3A_526 = arith.constant 0 : index
        %get3A_527 = tpu.vector_load %arg7[%get3A_525, %get3A_526] {strides = array<i32>} : memref<784x16xf32, #tpu.memory_space<vmem>>, vector<1x16xf32>,
        %get3A_528 = vector.shape_cast %get3A_527 : vector<1x16xf32> to vector<16xf32>
        %swap3A_529 = arith.index_cast %add3A_372 : i32 to index
        %swap3A_530 = arith.constant 64 : index
        %swap3A_531 = tpu.vector_load %arg9[%swap3A_529, %swap3A_530] {strides = array<i32>} : memref<98x128xf32, #tpu.memory_space<vmem>>, vector<1x16xf32>,
        %swap3A_532 = vector.shape_cast %swap3A_531 : vector<1x16xf32> to vector<16xf32>
        %swap3A_533 = vector.shape_cast %get3A_528 : vector<16xf32> to vector<1x16xf32>
        tpu.vector_store %arg9[%swap3A_529, %swap3A_530], %swap3A_533 {strides = array<i32>} : memref<98x128xf32, #tpu.memory_space<vmem>>, vector<1x16xf32>,
        %mul3A_534 = arith.constant 8 : i32
        %mul3A_535 = arith.muli %add3A_372, %mul3A_534 : i32
        %add3A_536 = arith.constant 5 : i32
        %add3A_537 = arith.addi %mul3A_535, %add3A_536 : i32
        %get3A_538 = arith.index_cast %add3A_537 : i32 to index
        %get3A_539 = arith.constant 0 : index
        %get3A_540 = tpu.vector_load %arg6[%get3A_538, %get3A_539] {strides = array<i32>} : memref<784x16xi32, #tpu.memory_space<vmem>>, vector<1x16xi32>,
        %get3A_541 = vector.shape_cast %get3A_540 : vector<1x16xi32> to vector<16xi32>
        %shift_right_logical3A_542 = arith.constant 6 : i32
        %shift_right_logical3A_543 = vector.broadcast %shift_right_logical3A_542 : i32 to vector<16xi32>
        %shift_right_logical3A_544 = arith.shrui %get3A_541, %shift_right_logical3A_543 : vector<16xi32>
        %convert_element_type3A_545 = arith.sitofp %shift_right_logical3A_544 : vector<16xi32> to vector<16xf32>
        %mul3A_546 = vector.broadcast %scan3A_29 : f32 to vector<16xf32>
        %mul3A_547 = arith.mulf %convert_element_type3A_545, %mul3A_546 : vector<16xf32>
        %convert_element_type3A_548 = arith.fptosi %mul3A_547 : vector<16xf32> to vector<16xi32>
        %mul3A_549 = arith.constant 16 : i32
        %mul3A_550 = vector.broadcast %mul3A_549 : i32 to vector<16xi32>
        %mul3A_551 = arith.muli %convert_element_type3A_548, %mul3A_550 : vector<16xi32>
        %add3A_552 = arith.addi %mul3A_551, %iota3A : vector<16xi32>
        %swap3A_553 = arith.index_cast %add3A_372 : i32 to index
        %swap3A_554 = arith.constant 80 : index
        %swap3A_555 = tpu.vector_load %arg8[%swap3A_553, %swap3A_554] {strides = array<i32>} : memref<98x128xi32, #tpu.memory_space<vmem>>, vector<1x16xi32>,
        %swap3A_556 = vector.shape_cast %swap3A_555 : vector<1x16xi32> to vector<16xi32>
        %swap3A_557 = vector.shape_cast %add3A_552 : vector<16xi32> to vector<1x16xi32>
        tpu.vector_store %arg8[%swap3A_553, %swap3A_554], %swap3A_557 {strides = array<i32>} : memref<98x128xi32, #tpu.memory_space<vmem>>, vector<1x16xi32>,
        %get3A_558 = arith.index_cast %add3A_537 : i32 to index
        %get3A_559 = arith.constant 0 : index
        %get3A_560 = tpu.vector_load %arg7[%get3A_558, %get3A_559] {strides = array<i32>} : memref<784x16xf32, #tpu.memory_space<vmem>>, vector<1x16xf32>,
        %get3A_561 = vector.shape_cast %get3A_560 : vector<1x16xf32> to vector<16xf32>
        %swap3A_562 = arith.index_cast %add3A_372 : i32 to index
        %swap3A_563 = arith.constant 80 : index
        %swap3A_564 = tpu.vector_load %arg9[%swap3A_562, %swap3A_563] {strides = array<i32>} : memref<98x128xf32, #tpu.memory_space<vmem>>, vector<1x16xf32>,
        %swap3A_565 = vector.shape_cast %swap3A_564 : vector<1x16xf32> to vector<16xf32>
        %swap3A_566 = vector.shape_cast %get3A_561 : vector<16xf32> to vector<1x16xf32>
        tpu.vector_store %arg9[%swap3A_562, %swap3A_563], %swap3A_566 {strides = array<i32>} : memref<98x128xf32, #tpu.memory_space<vmem>>, vector<1x16xf32>,
        %mul3A_567 = arith.constant 8 : i32
        %mul3A_568 = arith.muli %add3A_372, %mul3A_567 : i32
        %add3A_569 = arith.constant 6 : i32
        %add3A_570 = arith.addi %mul3A_568, %add3A_569 : i32
        %get3A_571 = arith.index_cast %add3A_570 : i32 to index
        %get3A_572 = arith.constant 0 : index
        %get3A_573 = tpu.vector_load %arg6[%get3A_571, %get3A_572] {strides = array<i32>} : memref<784x16xi32, #tpu.memory_space<vmem>>, vector<1x16xi32>,
        %get3A_574 = vector.shape_cast %get3A_573 : vector<1x16xi32> to vector<16xi32>
        %shift_right_logical3A_575 = arith.constant 6 : i32
        %shift_right_logical3A_576 = vector.broadcast %shift_right_logical3A_575 : i32 to vector<16xi32>
        %shift_right_logical3A_577 = arith.shrui %get3A_574, %shift_right_logical3A_576 : vector<16xi32>
        %convert_element_type3A_578 = arith.sitofp %shift_right_logical3A_577 : vector<16xi32> to vector<16xf32>
        %mul3A_579 = vector.broadcast %scan3A_29 : f32 to vector<16xf32>
        %mul3A_580 = arith.mulf %convert_element_type3A_578, %mul3A_579 : vector<16xf32>
        %convert_element_type3A_581 = arith.fptosi %mul3A_580 : vector<16xf32> to vector<16xi32>
        %mul3A_582 = arith.constant 16 : i32
        %mul3A_583 = vector.broadcast %mul3A_582 : i32 to vector<16xi32>
        %mul3A_584 = arith.muli %convert_element_type3A_581, %mul3A_583 : vector<16xi32>
        %add3A_585 = arith.addi %mul3A_584, %iota3A : vector<16xi32>
        %swap3A_586 = arith.index_cast %add3A_372 : i32 to index
        %swap3A_587 = arith.constant 96 : index
        %swap3A_588 = tpu.vector_load %arg8[%swap3A_586, %swap3A_587] {strides = array<i32>} : memref<98x128xi32, #tpu.memory_space<vmem>>, vector<1x16xi32>,
        %swap3A_589 = vector.shape_cast %swap3A_588 : vector<1x16xi32> to vector<16xi32>
        %swap3A_590 = vector.shape_cast %add3A_585 : vector<16xi32> to vector<1x16xi32>
        tpu.vector_store %arg8[%swap3A_586, %swap3A_587], %swap3A_590 {strides = array<i32>} : memref<98x128xi32, #tpu.memory_space<vmem>>, vector<1x16xi32>,
        %get3A_591 = arith.index_cast %add3A_570 : i32 to index
        %get3A_592 = arith.constant 0 : index
        %get3A_593 = tpu.vector_load %arg7[%get3A_591, %get3A_592] {strides = array<i32>} : memref<784x16xf32, #tpu.memory_space<vmem>>, vector<1x16xf32>,
        %get3A_594 = vector.shape_cast %get3A_593 : vector<1x16xf32> to vector<16xf32>
        %swap3A_595 = arith.index_cast %add3A_372 : i32 to index
        %swap3A_596 = arith.constant 96 : index
        %swap3A_597 = tpu.vector_load %arg9[%swap3A_595, %swap3A_596] {strides = array<i32>} : memref<98x128xf32, #tpu.memory_space<vmem>>, vector<1x16xf32>,
        %swap3A_598 = vector.shape_cast %swap3A_597 : vector<1x16xf32> to vector<16xf32>
        %swap3A_599 = vector.shape_cast %get3A_594 : vector<16xf32> to vector<1x16xf32>
        tpu.vector_store %arg9[%swap3A_595, %swap3A_596], %swap3A_599 {strides = array<i32>} : memref<98x128xf32, #tpu.memory_space<vmem>>, vector<1x16xf32>,
        %mul3A_600 = arith.constant 8 : i32
        %mul3A_601 = arith.muli %add3A_372, %mul3A_600 : i32
        %add3A_602 = arith.constant 7 : i32
        %add3A_603 = arith.addi %mul3A_601, %add3A_602 : i32
        %get3A_604 = arith.index_cast %add3A_603 : i32 to index
        %get3A_605 = arith.constant 0 : index
        %get3A_606 = tpu.vector_load %arg6[%get3A_604, %get3A_605] {strides = array<i32>} : memref<784x16xi32, #tpu.memory_space<vmem>>, vector<1x16xi32>,
        %get3A_607 = vector.shape_cast %get3A_606 : vector<1x16xi32> to vector<16xi32>
        %shift_right_logical3A_608 = arith.constant 6 : i32
        %shift_right_logical3A_609 = vector.broadcast %shift_right_logical3A_608 : i32 to vector<16xi32>
        %shift_right_logical3A_610 = arith.shrui %get3A_607, %shift_right_logical3A_609 : vector<16xi32>
        %convert_element_type3A_611 = arith.sitofp %shift_right_logical3A_610 : vector<16xi32> to vector<16xf32>
        %mul3A_612 = vector.broadcast %scan3A_29 : f32 to vector<16xf32>
        %mul3A_613 = arith.mulf %convert_element_type3A_611, %mul3A_612 : vector<16xf32>
        %convert_element_type3A_614 = arith.fptosi %mul3A_613 : vector<16xf32> to vector<16xi32>
        %mul3A_615 = arith.constant 16 : i32
        %mul3A_616 = vector.broadcast %mul3A_615 : i32 to vector<16xi32>
        %mul3A_617 = arith.muli %convert_element_type3A_614, %mul3A_616 : vector<16xi32>
        %add3A_618 = arith.addi %mul3A_617, %iota3A : vector<16xi32>
        %swap3A_619 = arith.index_cast %add3A_372 : i32 to index
        %swap3A_620 = arith.constant 112 : index
        %swap3A_621 = tpu.vector_load %arg8[%swap3A_619, %swap3A_620] {strides = array<i32>} : memref<98x128xi32, #tpu.memory_space<vmem>>, vector<1x16xi32>,
        %swap3A_622 = vector.shape_cast %swap3A_621 : vector<1x16xi32> to vector<16xi32>
        %swap3A_623 = vector.shape_cast %add3A_618 : vector<16xi32> to vector<1x16xi32>
        tpu.vector_store %arg8[%swap3A_619, %swap3A_620], %swap3A_623 {strides = array<i32>} : memref<98x128xi32, #tpu.memory_space<vmem>>, vector<1x16xi32>,
        %get3A_624 = arith.index_cast %add3A_603 : i32 to index
        %get3A_625 = arith.constant 0 : index
        %get3A_626 = tpu.vector_load %arg7[%get3A_624, %get3A_625] {strides = array<i32>} : memref<784x16xf32, #tpu.memory_space<vmem>>, vector<1x16xf32>,
        %get3A_627 = vector.shape_cast %get3A_626 : vector<1x16xf32> to vector<16xf32>
        %swap3A_628 = arith.index_cast %add3A_372 : i32 to index
        %swap3A_629 = arith.constant 112 : index
        %swap3A_630 = tpu.vector_load %arg9[%swap3A_628, %swap3A_629] {strides = array<i32>} : memref<98x128xf32, #tpu.memory_space<vmem>>, vector<1x16xf32>,
        %swap3A_631 = vector.shape_cast %swap3A_630 : vector<1x16xf32> to vector<16xf32>
        %swap3A_632 = vector.shape_cast %get3A_627 : vector<16xf32> to vector<1x16xf32>
        tpu.vector_store %arg9[%swap3A_628, %swap3A_629], %swap3A_632 {strides = array<i32>} : memref<98x128xf32, #tpu.memory_space<vmem>>, vector<1x16xf32>,
      }
      %scan3A_229 = arith.constant 98 : i32
      %mul3A_230 = arith.constant 4 : i32
      %mul3A_231 = arith.constant 32 : i32
      %mul3A_232 = arith.muli %mul3A_230, %mul3A_231 : i32
      %mul3A_233 = arith.constant 16 : i32
      %mul3A_234 = arith.muli %arg0, %mul3A_233 : i32
      %add3A_235 = arith.addi %mul3A_232, %mul3A_234 : i32
      %dma_start3A_236 = tpu.memref_slice %arg3[%add3A_52, %mul3A_0, %add3A_235] : memref<4x12544x192xi32, #tpu.memory_space<hbm>> -> memref<1x784x16xi32, #tpu.memory_space<hbm>>
      %dma_start3A_237 = tpu.memref_squeeze %dma_start3A_236 : memref<1x784x16xi32, #tpu.memory_space<hbm>> -> memref<784x16xi32, #tpu.memory_space<hbm>>
      %dma_start3A_238 = tpu.memref_slice %arg3[%add3A_52, %mul3A_0, %add3A_235] : memref<4x12544x192xi32, #tpu.memory_space<hbm>> -> memref<1x784x16xi32, #tpu.memory_space<hbm>>
      %dma_start3A_239 = tpu.memref_squeeze %dma_start3A_238 : memref<1x784x16xi32, #tpu.memory_space<hbm>> -> memref<784x16xi32, #tpu.memory_space<hbm>>
      tpu.enqueue_dma source(%dma_start3A_239 : memref<784x16xi32, #tpu.memory_space<hbm>>) target(%arg6 : memref<784x16xi32, #tpu.memory_space<vmem>>) target_semaphore(%arg13 : memref<!tpu.dma_semaphore, #tpu.memory_space<semaphore_mem>>)
      %dma_start3A_240 = tpu.memref_slice %arg2[%add3A_52, %mul3A_0, %add3A_235] : memref<4x12544x192xf32, #tpu.memory_space<hbm>> -> memref<1x784x16xf32, #tpu.memory_space<hbm>>
      %dma_start3A_241 = tpu.memref_squeeze %dma_start3A_240 : memref<1x784x16xf32, #tpu.memory_space<hbm>> -> memref<784x16xf32, #tpu.memory_space<hbm>>
      %dma_start3A_242 = tpu.memref_slice %arg2[%add3A_52, %mul3A_0, %add3A_235] : memref<4x12544x192xf32, #tpu.memory_space<hbm>> -> memref<1x784x16xf32, #tpu.memory_space<hbm>>
      %dma_start3A_243 = tpu.memref_squeeze %dma_start3A_242 : memref<1x784x16xf32, #tpu.memory_space<hbm>> -> memref<784x16xf32, #tpu.memory_space<hbm>>
      tpu.enqueue_dma source(%dma_start3A_243 : memref<784x16xf32, #tpu.memory_space<hbm>>) target(%arg7 : memref<784x16xf32, #tpu.memory_space<vmem>>) target_semaphore(%arg13 : memref<!tpu.dma_semaphore, #tpu.memory_space<semaphore_mem>>)
      %scan3A_244 = arith.constant 0 : i32
      %scan3A_245 = arith.constant 98 : i32
      %scan3A_246 = arith.addi %scan3A_244, %scan3A_245 : i32
      %scan3A_247 = arith.constant 1 : i32
      scf.for %scan3A_368 = %scan3A_244 to %scan3A_246 step %scan3A_247  : i32 {
        %mul3A_369 = arith.constant 1 : i32
        %mul3A_370 = arith.muli %scan3A_368, %mul3A_369 : i32
        %add3A_371 = arith.constant 0 : i32
        %add3A_372 = arith.addi %add3A_371, %mul3A_370 : i32
        %dma_start3A_373 = arith.constant 0 : i32
        %dma_start3A_374 = tpu.memref_slice %arg9[%add3A_372, %dma_start3A_373] : memref<98x128xf32, #tpu.memory_space<vmem>> -> memref<1x128xf32, #tpu.memory_space<vmem>>
        %dma_start3A_375 = tpu.memref_squeeze %dma_start3A_374 : memref<1x128xf32, #tpu.memory_space<vmem>> -> memref<128xf32, #tpu.memory_space<vmem>>
        %dma_start3A_376 = arith.constant 0 : i32
        %dma_start3A_377 = tpu.memref_slice %arg8[%add3A_372, %dma_start3A_376] : memref<98x128xi32, #tpu.memory_space<vmem>> -> memref<1x128xi32, #tpu.memory_space<vmem>>
        %dma_start3A_378 = tpu.memref_squeeze %dma_start3A_377 : memref<1x128xi32, #tpu.memory_space<vmem>> -> memref<128xi32, #tpu.memory_space<vmem>>
        %dma_start3A_379 = arith.constant 0 : i32
        %dma_start3A_380 = tpu.memref_slice %arg5[%dma_start3A_379] : memref<802816xf32, #tpu.memory_space<vmem_shared>> -> memref<802816xf32, #tpu.memory_space<vmem_shared>>
        tpu.enqueue_indirect_dma source(%dma_start3A_375 : memref<128xf32, #tpu.memory_space<vmem>>) target(%dma_start3A_380 : memref<802816xf32, #tpu.memory_space<vmem_shared>>) offsets(%dma_start3A_378 : memref<128xi32, #tpu.memory_space<vmem>>) semaphore(%arg14 : memref<!tpu.dma_semaphore, #tpu.memory_space<semaphore_mem>>) {add = true}
      }
      %scan3A_248 = arith.constant 98 : i32
      %scan3A_249 = arith.constant 0 : i32
      %scan3A_250 = arith.constant 98 : i32
      %scan3A_251 = arith.addi %scan3A_249, %scan3A_250 : i32
      %scan3A_252 = arith.constant 1 : i32
      scf.for %scan3A_368 = %scan3A_249 to %scan3A_251 step %scan3A_252  : i32 {
        %mul3A_369 = arith.constant 1 : i32
        %mul3A_370 = arith.muli %scan3A_368, %mul3A_369 : i32
        %add3A_371 = arith.constant 0 : i32
        %add3A_372 = arith.addi %add3A_371, %mul3A_370 : i32
        %dma_wait3A_373 = arith.constant 0 : i32
        %dma_wait3A_374 = tpu.memref_slice %arg9[%add3A_372, %dma_wait3A_373] : memref<98x128xf32, #tpu.memory_space<vmem>> -> memref<1x128xf32, #tpu.memory_space<vmem>>
        %dma_wait3A_375 = tpu.memref_squeeze %dma_wait3A_374 : memref<1x128xf32, #tpu.memory_space<vmem>> -> memref<128xf32, #tpu.memory_space<vmem>>
        %dma_wait3A_376 = arith.constant 0 : i32
        %dma_wait3A_377 = tpu.memref_slice %arg8[%add3A_372, %dma_wait3A_376] : memref<98x128xi32, #tpu.memory_space<vmem>> -> memref<1x128xi32, #tpu.memory_space<vmem>>
        %dma_wait3A_378 = tpu.memref_squeeze %dma_wait3A_377 : memref<1x128xi32, #tpu.memory_space<vmem>> -> memref<128xi32, #tpu.memory_space<vmem>>
        %dma_wait3A_379 = arith.constant 0 : i32
        %dma_wait3A_380 = tpu.memref_slice %arg5[%dma_wait3A_379] : memref<802816xf32, #tpu.memory_space<vmem_shared>> -> memref<802816xf32, #tpu.memory_space<vmem_shared>>
        tpu.wait_indirect_dma semaphore(%arg14 : memref<!tpu.dma_semaphore, #tpu.memory_space<semaphore_mem>>) src(%dma_wait3A_375 : memref<128xf32, #tpu.memory_space<vmem>>) dst(%dma_wait3A_380 : memref<802816xf32, #tpu.memory_space<vmem_shared>>)
      }
      %scan3A_253 = arith.constant 98 : i32
      %barrier3A_254 = arith.constant 0 : index
      tpu.barrier barrier_id(%barrier3A_254)
      %scan3A_255 = arith.constant 0 : i32
      %scan3A_256 = arith.constant 4 : i32
      %scan3A_257 = arith.addi %scan3A_255, %scan3A_256 : i32
      %scan3A_258 = arith.constant 1 : i32
      scf.for %scan3A_368 = %scan3A_255 to %scan3A_257 step %scan3A_258  : i32 {
        %mul3A_369 = arith.constant 1 : i32
        %mul3A_370 = arith.muli %scan3A_368, %mul3A_369 : i32
        %add3A_371 = arith.constant 0 : i32
        %add3A_372 = arith.addi %add3A_371, %mul3A_370 : i32
        %mul3A_373 = arith.constant 12544 : i32
        %mul3A_374 = arith.muli %add3A_372, %mul3A_373 : i32
        %add3A_375 = arith.addi %mul3A_2, %mul3A_374 : i32
        "tpu.region"() ({
          %run_scoped3A = tpu.sem_alloc : memref<!tpu.dma_semaphore, #tpu.memory_space<semaphore_mem>>
          %dma_start3A_389 = tpu.memref_slice %arg5[%add3A_375] : memref<802816xf32, #tpu.memory_space<vmem_shared>> -> memref<12544xf32, #tpu.memory_space<vmem_shared>>
          %dma_start3A_390 = tpu.memref_slice %arg5[%add3A_375] : memref<802816xf32, #tpu.memory_space<vmem_shared>> -> memref<12544xf32, #tpu.memory_space<vmem_shared>>
          tpu.enqueue_dma source(%dma_start3A_390 : memref<12544xf32, #tpu.memory_space<vmem_shared>>) target(%arg10 : memref<12544xf32, #tpu.memory_space<vmem>>) target_semaphore(%run_scoped3A : memref<!tpu.dma_semaphore, #tpu.memory_space<semaphore_mem>>)
          %dma_wait3A_391 = tpu.memref_slice %arg5[%add3A_375] : memref<802816xf32, #tpu.memory_space<vmem_shared>> -> memref<12544xf32, #tpu.memory_space<vmem_shared>>
          %dma_wait3A_392 = tpu.memref_slice %arg5[%add3A_375] : memref<802816xf32, #tpu.memory_space<vmem_shared>> -> memref<12544xf32, #tpu.memory_space<vmem_shared>>
          tpu.wait_dma2 semaphore(%run_scoped3A : memref<!tpu.dma_semaphore, #tpu.memory_space<semaphore_mem>>) src(%dma_wait3A_392 : memref<12544xf32, #tpu.memory_space<vmem_shared>>) dst(%arg10 : memref<12544xf32, #tpu.memory_space<vmem>>)
          tpu.yield
        }) : () -> ()
        %scan3A_376 = arith.constant 0 : i32
        %scan3A_377 = arith.constant 784 : i32
        %scan3A_378 = arith.addi %scan3A_376, %scan3A_377 : i32
        %scan3A_379 = arith.constant 1 : i32
        scf.for %scan3A_389 = %scan3A_376 to %scan3A_378 step %scan3A_379  : i32 {
          %mul3A_390 = arith.constant 1 : i32
          %mul3A_391 = arith.muli %scan3A_389, %mul3A_390 : i32
          %add3A_392 = arith.constant 0 : i32
          %add3A_393 = arith.addi %add3A_392, %mul3A_391 : i32
          %mul3A_394 = arith.constant 16 : i32
          %mul3A_395 = arith.muli %add3A_393, %mul3A_394 : i32
          %get3A = arith.index_cast %mul3A_395 : i32 to index
          %get3A_396 = tpu.vector_load %arg10[%get3A] {strides = array<i32>} : memref<12544xf32, #tpu.memory_space<vmem>>, vector<16xf32>,
          %get3A_397 = vector.shape_cast %get3A_396 : vector<16xf32> to vector<16xf32>
          %swap3A = arith.index_cast %add3A_393 : i32 to index
          %swap3A_398 = arith.constant 0 : index
          %swap3A_399 = tpu.vector_load %arg11[%swap3A, %swap3A_398] {strides = array<i32>} : memref<784x16xf32, #tpu.memory_space<vmem>>, vector<1x16xf32>,
          %swap3A_400 = vector.shape_cast %swap3A_399 : vector<1x16xf32> to vector<16xf32>
          %swap3A_401 = vector.shape_cast %get3A_397 : vector<16xf32> to vector<1x16xf32>
          tpu.vector_store %arg11[%swap3A, %swap3A_398], %swap3A_401 {strides = array<i32>} : memref<784x16xf32, #tpu.memory_space<vmem>>, vector<1x16xf32>,
        }
        %scan3A_380 = arith.constant 784 : i32
        %mul3A_381 = arith.constant 784 : i32
        %mul3A_382 = arith.muli %add3A_372, %mul3A_381 : i32
        %add3A_383 = arith.addi %mul3A_4, %mul3A_382 : i32
        "tpu.region"() ({
          %run_scoped3A = tpu.sem_alloc : memref<!tpu.dma_semaphore, #tpu.memory_space<semaphore_mem>>
          %dma_start3A_389 = tpu.memref_slice %arg4[%add3A_52, %add3A_383, %add3A_212] : memref<4x50176x192xf32, #tpu.memory_space<hbm>> -> memref<1x784x16xf32, #tpu.memory_space<hbm>>
          %dma_start3A_390 = tpu.memref_squeeze %dma_start3A_389 : memref<1x784x16xf32, #tpu.memory_space<hbm>> -> memref<784x16xf32, #tpu.memory_space<hbm>>
          %dma_start3A_391 = tpu.memref_slice %arg4[%add3A_52, %add3A_383, %add3A_212] : memref<4x50176x192xf32, #tpu.memory_space<hbm>> -> memref<1x784x16xf32, #tpu.memory_space<hbm>>
          %dma_start3A_392 = tpu.memref_squeeze %dma_start3A_391 : memref<1x784x16xf32, #tpu.memory_space<hbm>> -> memref<784x16xf32, #tpu.memory_space<hbm>>
          tpu.enqueue_dma source(%arg11 : memref<784x16xf32, #tpu.memory_space<vmem>>) target(%dma_start3A_392 : memref<784x16xf32, #tpu.memory_space<hbm>>) target_semaphore(%run_scoped3A : memref<!tpu.dma_semaphore, #tpu.memory_space<semaphore_mem>>)
          %dma_wait3A_393 = tpu.memref_slice %arg4[%add3A_52, %add3A_383, %add3A_212] : memref<4x50176x192xf32, #tpu.memory_space<hbm>> -> memref<1x784x16xf32, #tpu.memory_space<hbm>>
          %dma_wait3A_394 = tpu.memref_squeeze %dma_wait3A_393 : memref<1x784x16xf32, #tpu.memory_space<hbm>> -> memref<784x16xf32, #tpu.memory_space<hbm>>
          %dma_wait3A_395 = tpu.memref_slice %arg4[%add3A_52, %add3A_383, %add3A_212] : memref<4x50176x192xf32, #tpu.memory_space<hbm>> -> memref<1x784x16xf32, #tpu.memory_space<hbm>>
          %dma_wait3A_396 = tpu.memref_squeeze %dma_wait3A_395 : memref<1x784x16xf32, #tpu.memory_space<hbm>> -> memref<784x16xf32, #tpu.memory_space<hbm>>
          tpu.wait_dma2 semaphore(%run_scoped3A : memref<!tpu.dma_semaphore, #tpu.memory_space<semaphore_mem>>) src(%arg11 : memref<784x16xf32, #tpu.memory_space<vmem>>) dst(%dma_wait3A_396 : memref<784x16xf32, #tpu.memory_space<hbm>>)
          tpu.yield
        }) : () -> ()
        %scan3A_384 = arith.constant 0 : i32
        %scan3A_385 = arith.constant 4 : i32
        %scan3A_386 = arith.addi %scan3A_384, %scan3A_385 : i32
        %scan3A_387 = arith.constant 1 : i32
        scf.for %scan3A_389 = %scan3A_384 to %scan3A_386 step %scan3A_387  : i32 {
          %mul3A_390 = arith.constant 1 : i32
          %mul3A_391 = arith.muli %scan3A_389, %mul3A_390 : i32
          %add3A_392 = arith.constant 0 : i32
          %add3A_393 = arith.addi %add3A_392, %mul3A_391 : i32
          %mul3A_394 = arith.constant 3136 : i32
          %mul3A_395 = arith.muli %add3A_393, %mul3A_394 : i32
          %add3A_396 = arith.addi %add3A_375, %mul3A_395 : i32
          "tpu.region"() ({
            %run_scoped3A = tpu.sem_alloc : memref<!tpu.dma_semaphore, #tpu.memory_space<semaphore_mem>>
            %dma_start3A_397 = tpu.memref_slice %arg5[%add3A_396] : memref<802816xf32, #tpu.memory_space<vmem_shared>> -> memref<3136xf32, #tpu.memory_space<vmem_shared>>
            %dma_start3A_398 = tpu.memref_slice %arg5[%add3A_396] : memref<802816xf32, #tpu.memory_space<vmem_shared>> -> memref<3136xf32, #tpu.memory_space<vmem_shared>>
            tpu.enqueue_dma source(%arg12 : memref<3136xf32, #tpu.memory_space<vmem>>) target(%dma_start3A_398 : memref<3136xf32, #tpu.memory_space<vmem_shared>>) target_semaphore(%run_scoped3A : memref<!tpu.dma_semaphore, #tpu.memory_space<semaphore_mem>>)
            %dma_wait3A_399 = tpu.memref_slice %arg5[%add3A_396] : memref<802816xf32, #tpu.memory_space<vmem_shared>> -> memref<3136xf32, #tpu.memory_space<vmem_shared>>
            %dma_wait3A_400 = tpu.memref_slice %arg5[%add3A_396] : memref<802816xf32, #tpu.memory_space<vmem_shared>> -> memref<3136xf32, #tpu.memory_space<vmem_shared>>
            tpu.wait_dma2 semaphore(%run_scoped3A : memref<!tpu.dma_semaphore, #tpu.memory_space<semaphore_mem>>) src(%arg12 : memref<3136xf32, #tpu.memory_space<vmem>>) dst(%dma_wait3A_400 : memref<3136xf32, #tpu.memory_space<vmem_shared>>)
            tpu.yield
          }) : () -> ()
        }
        %scan3A_388 = arith.constant 4 : i32
      }
      %scan3A_259 = arith.constant 4 : i32
      %barrier3A_260 = arith.constant 0 : index
      tpu.barrier barrier_id(%barrier3A_260)
      %mul3A_261 = arith.constant 16 : i32
      %mul3A_262 = arith.muli %arg0, %mul3A_261 : i32
      %add3A_263 = arith.constant 128 : i32
      %add3A_264 = arith.addi %add3A_263, %mul3A_262 : i32
      %mul3A_265 = arith.constant 16 : i32
      %mul3A_266 = arith.muli %arg0, %mul3A_265 : i32
      %add3A_267 = arith.constant 128 : i32
      %add3A_268 = arith.addi %add3A_267, %mul3A_266 : i32
      %dma_wait3A_269 = tpu.memref_slice %arg3[%add3A_52, %mul3A_0, %add3A_268] : memref<4x12544x192xi32, #tpu.memory_space<hbm>> -> memref<1x784x16xi32, #tpu.memory_space<hbm>>
      %dma_wait3A_270 = tpu.memref_squeeze %dma_wait3A_269 : memref<1x784x16xi32, #tpu.memory_space<hbm>> -> memref<784x16xi32, #tpu.memory_space<hbm>>
      %dma_wait3A_271 = tpu.memref_slice %arg3[%add3A_52, %mul3A_0, %add3A_268] : memref<4x12544x192xi32, #tpu.memory_space<hbm>> -> memref<1x784x16xi32, #tpu.memory_space<hbm>>
      %dma_wait3A_272 = tpu.memref_squeeze %dma_wait3A_271 : memref<1x784x16xi32, #tpu.memory_space<hbm>> -> memref<784x16xi32, #tpu.memory_space<hbm>>
      tpu.wait_dma2 semaphore(%arg13 : memref<!tpu.dma_semaphore, #tpu.memory_space<semaphore_mem>>) src(%dma_wait3A_272 : memref<784x16xi32, #tpu.memory_space<hbm>>) dst(%arg6 : memref<784x16xi32, #tpu.memory_space<vmem>>)
      %dma_wait3A_273 = tpu.memref_slice %arg2[%add3A_52, %mul3A_0, %add3A_268] : memref<4x12544x192xf32, #tpu.memory_space<hbm>> -> memref<1x784x16xf32, #tpu.memory_space<hbm>>
      %dma_wait3A_274 = tpu.memref_squeeze %dma_wait3A_273 : memref<1x784x16xf32, #tpu.memory_space<hbm>> -> memref<784x16xf32, #tpu.memory_space<hbm>>
      %dma_wait3A_275 = tpu.memref_slice %arg2[%add3A_52, %mul3A_0, %add3A_268] : memref<4x12544x192xf32, #tpu.memory_space<hbm>> -> memref<1x784x16xf32, #tpu.memory_space<hbm>>
      %dma_wait3A_276 = tpu.memref_squeeze %dma_wait3A_275 : memref<1x784x16xf32, #tpu.memory_space<hbm>> -> memref<784x16xf32, #tpu.memory_space<hbm>>
      tpu.wait_dma2 semaphore(%arg13 : memref<!tpu.dma_semaphore, #tpu.memory_space<semaphore_mem>>) src(%dma_wait3A_276 : memref<784x16xf32, #tpu.memory_space<hbm>>) dst(%arg7 : memref<784x16xf32, #tpu.memory_space<vmem>>)
      %scan3A_277 = arith.constant 0 : i32
      %scan3A_278 = arith.constant 98 : i32
      %scan3A_279 = arith.addi %scan3A_277, %scan3A_278 : i32
      %scan3A_280 = arith.constant 1 : i32
      scf.for %scan3A_368 = %scan3A_277 to %scan3A_279 step %scan3A_280  : i32 {
        %mul3A_369 = arith.constant 1 : i32
        %mul3A_370 = arith.muli %scan3A_368, %mul3A_369 : i32
        %add3A_371 = arith.constant 0 : i32
        %add3A_372 = arith.addi %add3A_371, %mul3A_370 : i32
        %mul3A_373 = arith.constant 8 : i32
        %mul3A_374 = arith.muli %add3A_372, %mul3A_373 : i32
        %add3A_375 = arith.constant 0 : i32
        %add3A_376 = arith.addi %mul3A_374, %add3A_375 : i32
        %get3A = arith.index_cast %add3A_376 : i32 to index
        %get3A_377 = arith.constant 0 : index
        %get3A_378 = tpu.vector_load %arg6[%get3A, %get3A_377] {strides = array<i32>} : memref<784x16xi32, #tpu.memory_space<vmem>>, vector<1x16xi32>,
        %get3A_379 = vector.shape_cast %get3A_378 : vector<1x16xi32> to vector<16xi32>
        %shift_right_logical3A = arith.constant 6 : i32
        %shift_right_logical3A_380 = vector.broadcast %shift_right_logical3A : i32 to vector<16xi32>
        %shift_right_logical3A_381 = arith.shrui %get3A_379, %shift_right_logical3A_380 : vector<16xi32>
        %convert_element_type3A = arith.sitofp %shift_right_logical3A_381 : vector<16xi32> to vector<16xf32>
        %mul3A_382 = vector.broadcast %scan3A_29 : f32 to vector<16xf32>
        %mul3A_383 = arith.mulf %convert_element_type3A, %mul3A_382 : vector<16xf32>
        %convert_element_type3A_384 = arith.fptosi %mul3A_383 : vector<16xf32> to vector<16xi32>
        %mul3A_385 = arith.constant 16 : i32
        %mul3A_386 = vector.broadcast %mul3A_385 : i32 to vector<16xi32>
        %mul3A_387 = arith.muli %convert_element_type3A_384, %mul3A_386 : vector<16xi32>
        %add3A_388 = arith.addi %mul3A_387, %iota3A : vector<16xi32>
        %swap3A = arith.index_cast %add3A_372 : i32 to index
        %swap3A_389 = arith.constant 0 : index
        %swap3A_390 = tpu.vector_load %arg8[%swap3A, %swap3A_389] {strides = array<i32>} : memref<98x128xi32, #tpu.memory_space<vmem>>, vector<1x16xi32>,
        %swap3A_391 = vector.shape_cast %swap3A_390 : vector<1x16xi32> to vector<16xi32>
        %swap3A_392 = vector.shape_cast %add3A_388 : vector<16xi32> to vector<1x16xi32>
        tpu.vector_store %arg8[%swap3A, %swap3A_389], %swap3A_392 {strides = array<i32>} : memref<98x128xi32, #tpu.memory_space<vmem>>, vector<1x16xi32>,
        %get3A_393 = arith.index_cast %add3A_376 : i32 to index
        %get3A_394 = arith.constant 0 : index
        %get3A_395 = tpu.vector_load %arg7[%get3A_393, %get3A_394] {strides = array<i32>} : memref<784x16xf32, #tpu.memory_space<vmem>>, vector<1x16xf32>,
        %get3A_396 = vector.shape_cast %get3A_395 : vector<1x16xf32> to vector<16xf32>
        %swap3A_397 = arith.index_cast %add3A_372 : i32 to index
        %swap3A_398 = arith.constant 0 : index
        %swap3A_399 = tpu.vector_load %arg9[%swap3A_397, %swap3A_398] {strides = array<i32>} : memref<98x128xf32, #tpu.memory_space<vmem>>, vector<1x16xf32>,
        %swap3A_400 = vector.shape_cast %swap3A_399 : vector<1x16xf32> to vector<16xf32>
        %swap3A_401 = vector.shape_cast %get3A_396 : vector<16xf32> to vector<1x16xf32>
        tpu.vector_store %arg9[%swap3A_397, %swap3A_398], %swap3A_401 {strides = array<i32>} : memref<98x128xf32, #tpu.memory_space<vmem>>, vector<1x16xf32>,
        %mul3A_402 = arith.constant 8 : i32
        %mul3A_403 = arith.muli %add3A_372, %mul3A_402 : i32
        %add3A_404 = arith.constant 1 : i32
        %add3A_405 = arith.addi %mul3A_403, %add3A_404 : i32
        %get3A_406 = arith.index_cast %add3A_405 : i32 to index
        %get3A_407 = arith.constant 0 : index
        %get3A_408 = tpu.vector_load %arg6[%get3A_406, %get3A_407] {strides = array<i32>} : memref<784x16xi32, #tpu.memory_space<vmem>>, vector<1x16xi32>,
        %get3A_409 = vector.shape_cast %get3A_408 : vector<1x16xi32> to vector<16xi32>
        %shift_right_logical3A_410 = arith.constant 6 : i32
        %shift_right_logical3A_411 = vector.broadcast %shift_right_logical3A_410 : i32 to vector<16xi32>
        %shift_right_logical3A_412 = arith.shrui %get3A_409, %shift_right_logical3A_411 : vector<16xi32>
        %convert_element_type3A_413 = arith.sitofp %shift_right_logical3A_412 : vector<16xi32> to vector<16xf32>
        %mul3A_414 = vector.broadcast %scan3A_29 : f32 to vector<16xf32>
        %mul3A_415 = arith.mulf %convert_element_type3A_413, %mul3A_414 : vector<16xf32>
        %convert_element_type3A_416 = arith.fptosi %mul3A_415 : vector<16xf32> to vector<16xi32>
        %mul3A_417 = arith.constant 16 : i32
        %mul3A_418 = vector.broadcast %mul3A_417 : i32 to vector<16xi32>
        %mul3A_419 = arith.muli %convert_element_type3A_416, %mul3A_418 : vector<16xi32>
        %add3A_420 = arith.addi %mul3A_419, %iota3A : vector<16xi32>
        %swap3A_421 = arith.index_cast %add3A_372 : i32 to index
        %swap3A_422 = arith.constant 16 : index
        %swap3A_423 = tpu.vector_load %arg8[%swap3A_421, %swap3A_422] {strides = array<i32>} : memref<98x128xi32, #tpu.memory_space<vmem>>, vector<1x16xi32>,
        %swap3A_424 = vector.shape_cast %swap3A_423 : vector<1x16xi32> to vector<16xi32>
        %swap3A_425 = vector.shape_cast %add3A_420 : vector<16xi32> to vector<1x16xi32>
        tpu.vector_store %arg8[%swap3A_421, %swap3A_422], %swap3A_425 {strides = array<i32>} : memref<98x128xi32, #tpu.memory_space<vmem>>, vector<1x16xi32>,
        %get3A_426 = arith.index_cast %add3A_405 : i32 to index
        %get3A_427 = arith.constant 0 : index
        %get3A_428 = tpu.vector_load %arg7[%get3A_426, %get3A_427] {strides = array<i32>} : memref<784x16xf32, #tpu.memory_space<vmem>>, vector<1x16xf32>,
        %get3A_429 = vector.shape_cast %get3A_428 : vector<1x16xf32> to vector<16xf32>
        %swap3A_430 = arith.index_cast %add3A_372 : i32 to index
        %swap3A_431 = arith.constant 16 : index
        %swap3A_432 = tpu.vector_load %arg9[%swap3A_430, %swap3A_431] {strides = array<i32>} : memref<98x128xf32, #tpu.memory_space<vmem>>, vector<1x16xf32>,
        %swap3A_433 = vector.shape_cast %swap3A_432 : vector<1x16xf32> to vector<16xf32>
        %swap3A_434 = vector.shape_cast %get3A_429 : vector<16xf32> to vector<1x16xf32>
        tpu.vector_store %arg9[%swap3A_430, %swap3A_431], %swap3A_434 {strides = array<i32>} : memref<98x128xf32, #tpu.memory_space<vmem>>, vector<1x16xf32>,
        %mul3A_435 = arith.constant 8 : i32
        %mul3A_436 = arith.muli %add3A_372, %mul3A_435 : i32
        %add3A_437 = arith.constant 2 : i32
        %add3A_438 = arith.addi %mul3A_436, %add3A_437 : i32
        %get3A_439 = arith.index_cast %add3A_438 : i32 to index
        %get3A_440 = arith.constant 0 : index
        %get3A_441 = tpu.vector_load %arg6[%get3A_439, %get3A_440] {strides = array<i32>} : memref<784x16xi32, #tpu.memory_space<vmem>>, vector<1x16xi32>,
        %get3A_442 = vector.shape_cast %get3A_441 : vector<1x16xi32> to vector<16xi32>
        %shift_right_logical3A_443 = arith.constant 6 : i32
        %shift_right_logical3A_444 = vector.broadcast %shift_right_logical3A_443 : i32 to vector<16xi32>
        %shift_right_logical3A_445 = arith.shrui %get3A_442, %shift_right_logical3A_444 : vector<16xi32>
        %convert_element_type3A_446 = arith.sitofp %shift_right_logical3A_445 : vector<16xi32> to vector<16xf32>
        %mul3A_447 = vector.broadcast %scan3A_29 : f32 to vector<16xf32>
        %mul3A_448 = arith.mulf %convert_element_type3A_446, %mul3A_447 : vector<16xf32>
        %convert_element_type3A_449 = arith.fptosi %mul3A_448 : vector<16xf32> to vector<16xi32>
        %mul3A_450 = arith.constant 16 : i32
        %mul3A_451 = vector.broadcast %mul3A_450 : i32 to vector<16xi32>
        %mul3A_452 = arith.muli %convert_element_type3A_449, %mul3A_451 : vector<16xi32>
        %add3A_453 = arith.addi %mul3A_452, %iota3A : vector<16xi32>
        %swap3A_454 = arith.index_cast %add3A_372 : i32 to index
        %swap3A_455 = arith.constant 32 : index
        %swap3A_456 = tpu.vector_load %arg8[%swap3A_454, %swap3A_455] {strides = array<i32>} : memref<98x128xi32, #tpu.memory_space<vmem>>, vector<1x16xi32>,
        %swap3A_457 = vector.shape_cast %swap3A_456 : vector<1x16xi32> to vector<16xi32>
        %swap3A_458 = vector.shape_cast %add3A_453 : vector<16xi32> to vector<1x16xi32>
        tpu.vector_store %arg8[%swap3A_454, %swap3A_455], %swap3A_458 {strides = array<i32>} : memref<98x128xi32, #tpu.memory_space<vmem>>, vector<1x16xi32>,
        %get3A_459 = arith.index_cast %add3A_438 : i32 to index
        %get3A_460 = arith.constant 0 : index
        %get3A_461 = tpu.vector_load %arg7[%get3A_459, %get3A_460] {strides = array<i32>} : memref<784x16xf32, #tpu.memory_space<vmem>>, vector<1x16xf32>,
        %get3A_462 = vector.shape_cast %get3A_461 : vector<1x16xf32> to vector<16xf32>
        %swap3A_463 = arith.index_cast %add3A_372 : i32 to index
        %swap3A_464 = arith.constant 32 : index
        %swap3A_465 = tpu.vector_load %arg9[%swap3A_463, %swap3A_464] {strides = array<i32>} : memref<98x128xf32, #tpu.memory_space<vmem>>, vector<1x16xf32>,
        %swap3A_466 = vector.shape_cast %swap3A_465 : vector<1x16xf32> to vector<16xf32>
        %swap3A_467 = vector.shape_cast %get3A_462 : vector<16xf32> to vector<1x16xf32>
        tpu.vector_store %arg9[%swap3A_463, %swap3A_464], %swap3A_467 {strides = array<i32>} : memref<98x128xf32, #tpu.memory_space<vmem>>, vector<1x16xf32>,
        %mul3A_468 = arith.constant 8 : i32
        %mul3A_469 = arith.muli %add3A_372, %mul3A_468 : i32
        %add3A_470 = arith.constant 3 : i32
        %add3A_471 = arith.addi %mul3A_469, %add3A_470 : i32
        %get3A_472 = arith.index_cast %add3A_471 : i32 to index
        %get3A_473 = arith.constant 0 : index
        %get3A_474 = tpu.vector_load %arg6[%get3A_472, %get3A_473] {strides = array<i32>} : memref<784x16xi32, #tpu.memory_space<vmem>>, vector<1x16xi32>,
        %get3A_475 = vector.shape_cast %get3A_474 : vector<1x16xi32> to vector<16xi32>
        %shift_right_logical3A_476 = arith.constant 6 : i32
        %shift_right_logical3A_477 = vector.broadcast %shift_right_logical3A_476 : i32 to vector<16xi32>
        %shift_right_logical3A_478 = arith.shrui %get3A_475, %shift_right_logical3A_477 : vector<16xi32>
        %convert_element_type3A_479 = arith.sitofp %shift_right_logical3A_478 : vector<16xi32> to vector<16xf32>
        %mul3A_480 = vector.broadcast %scan3A_29 : f32 to vector<16xf32>
        %mul3A_481 = arith.mulf %convert_element_type3A_479, %mul3A_480 : vector<16xf32>
        %convert_element_type3A_482 = arith.fptosi %mul3A_481 : vector<16xf32> to vector<16xi32>
        %mul3A_483 = arith.constant 16 : i32
        %mul3A_484 = vector.broadcast %mul3A_483 : i32 to vector<16xi32>
        %mul3A_485 = arith.muli %convert_element_type3A_482, %mul3A_484 : vector<16xi32>
        %add3A_486 = arith.addi %mul3A_485, %iota3A : vector<16xi32>
        %swap3A_487 = arith.index_cast %add3A_372 : i32 to index
        %swap3A_488 = arith.constant 48 : index
        %swap3A_489 = tpu.vector_load %arg8[%swap3A_487, %swap3A_488] {strides = array<i32>} : memref<98x128xi32, #tpu.memory_space<vmem>>, vector<1x16xi32>,
        %swap3A_490 = vector.shape_cast %swap3A_489 : vector<1x16xi32> to vector<16xi32>
        %swap3A_491 = vector.shape_cast %add3A_486 : vector<16xi32> to vector<1x16xi32>
        tpu.vector_store %arg8[%swap3A_487, %swap3A_488], %swap3A_491 {strides = array<i32>} : memref<98x128xi32, #tpu.memory_space<vmem>>, vector<1x16xi32>,
        %get3A_492 = arith.index_cast %add3A_471 : i32 to index
        %get3A_493 = arith.constant 0 : index
        %get3A_494 = tpu.vector_load %arg7[%get3A_492, %get3A_493] {strides = array<i32>} : memref<784x16xf32, #tpu.memory_space<vmem>>, vector<1x16xf32>,
        %get3A_495 = vector.shape_cast %get3A_494 : vector<1x16xf32> to vector<16xf32>
        %swap3A_496 = arith.index_cast %add3A_372 : i32 to index
        %swap3A_497 = arith.constant 48 : index
        %swap3A_498 = tpu.vector_load %arg9[%swap3A_496, %swap3A_497] {strides = array<i32>} : memref<98x128xf32, #tpu.memory_space<vmem>>, vector<1x16xf32>,
        %swap3A_499 = vector.shape_cast %swap3A_498 : vector<1x16xf32> to vector<16xf32>
        %swap3A_500 = vector.shape_cast %get3A_495 : vector<16xf32> to vector<1x16xf32>
        tpu.vector_store %arg9[%swap3A_496, %swap3A_497], %swap3A_500 {strides = array<i32>} : memref<98x128xf32, #tpu.memory_space<vmem>>, vector<1x16xf32>,
        %mul3A_501 = arith.constant 8 : i32
        %mul3A_502 = arith.muli %add3A_372, %mul3A_501 : i32
        %add3A_503 = arith.constant 4 : i32
        %add3A_504 = arith.addi %mul3A_502, %add3A_503 : i32
        %get3A_505 = arith.index_cast %add3A_504 : i32 to index
        %get3A_506 = arith.constant 0 : index
        %get3A_507 = tpu.vector_load %arg6[%get3A_505, %get3A_506] {strides = array<i32>} : memref<784x16xi32, #tpu.memory_space<vmem>>, vector<1x16xi32>,
        %get3A_508 = vector.shape_cast %get3A_507 : vector<1x16xi32> to vector<16xi32>
        %shift_right_logical3A_509 = arith.constant 6 : i32
        %shift_right_logical3A_510 = vector.broadcast %shift_right_logical3A_509 : i32 to vector<16xi32>
        %shift_right_logical3A_511 = arith.shrui %get3A_508, %shift_right_logical3A_510 : vector<16xi32>
        %convert_element_type3A_512 = arith.sitofp %shift_right_logical3A_511 : vector<16xi32> to vector<16xf32>
        %mul3A_513 = vector.broadcast %scan3A_29 : f32 to vector<16xf32>
        %mul3A_514 = arith.mulf %convert_element_type3A_512, %mul3A_513 : vector<16xf32>
        %convert_element_type3A_515 = arith.fptosi %mul3A_514 : vector<16xf32> to vector<16xi32>
        %mul3A_516 = arith.constant 16 : i32
        %mul3A_517 = vector.broadcast %mul3A_516 : i32 to vector<16xi32>
        %mul3A_518 = arith.muli %convert_element_type3A_515, %mul3A_517 : vector<16xi32>
        %add3A_519 = arith.addi %mul3A_518, %iota3A : vector<16xi32>
        %swap3A_520 = arith.index_cast %add3A_372 : i32 to index
        %swap3A_521 = arith.constant 64 : index
        %swap3A_522 = tpu.vector_load %arg8[%swap3A_520, %swap3A_521] {strides = array<i32>} : memref<98x128xi32, #tpu.memory_space<vmem>>, vector<1x16xi32>,
        %swap3A_523 = vector.shape_cast %swap3A_522 : vector<1x16xi32> to vector<16xi32>
        %swap3A_524 = vector.shape_cast %add3A_519 : vector<16xi32> to vector<1x16xi32>
        tpu.vector_store %arg8[%swap3A_520, %swap3A_521], %swap3A_524 {strides = array<i32>} : memref<98x128xi32, #tpu.memory_space<vmem>>, vector<1x16xi32>,
        %get3A_525 = arith.index_cast %add3A_504 : i32 to index
        %get3A_526 = arith.constant 0 : index
        %get3A_527 = tpu.vector_load %arg7[%get3A_525, %get3A_526] {strides = array<i32>} : memref<784x16xf32, #tpu.memory_space<vmem>>, vector<1x16xf32>,
        %get3A_528 = vector.shape_cast %get3A_527 : vector<1x16xf32> to vector<16xf32>
        %swap3A_529 = arith.index_cast %add3A_372 : i32 to index
        %swap3A_530 = arith.constant 64 : index
        %swap3A_531 = tpu.vector_load %arg9[%swap3A_529, %swap3A_530] {strides = array<i32>} : memref<98x128xf32, #tpu.memory_space<vmem>>, vector<1x16xf32>,
        %swap3A_532 = vector.shape_cast %swap3A_531 : vector<1x16xf32> to vector<16xf32>
        %swap3A_533 = vector.shape_cast %get3A_528 : vector<16xf32> to vector<1x16xf32>
        tpu.vector_store %arg9[%swap3A_529, %swap3A_530], %swap3A_533 {strides = array<i32>} : memref<98x128xf32, #tpu.memory_space<vmem>>, vector<1x16xf32>,
        %mul3A_534 = arith.constant 8 : i32
        %mul3A_535 = arith.muli %add3A_372, %mul3A_534 : i32
        %add3A_536 = arith.constant 5 : i32
        %add3A_537 = arith.addi %mul3A_535, %add3A_536 : i32
        %get3A_538 = arith.index_cast %add3A_537 : i32 to index
        %get3A_539 = arith.constant 0 : index
        %get3A_540 = tpu.vector_load %arg6[%get3A_538, %get3A_539] {strides = array<i32>} : memref<784x16xi32, #tpu.memory_space<vmem>>, vector<1x16xi32>,
        %get3A_541 = vector.shape_cast %get3A_540 : vector<1x16xi32> to vector<16xi32>
        %shift_right_logical3A_542 = arith.constant 6 : i32
        %shift_right_logical3A_543 = vector.broadcast %shift_right_logical3A_542 : i32 to vector<16xi32>
        %shift_right_logical3A_544 = arith.shrui %get3A_541, %shift_right_logical3A_543 : vector<16xi32>
        %convert_element_type3A_545 = arith.sitofp %shift_right_logical3A_544 : vector<16xi32> to vector<16xf32>
        %mul3A_546 = vector.broadcast %scan3A_29 : f32 to vector<16xf32>
        %mul3A_547 = arith.mulf %convert_element_type3A_545, %mul3A_546 : vector<16xf32>
        %convert_element_type3A_548 = arith.fptosi %mul3A_547 : vector<16xf32> to vector<16xi32>
        %mul3A_549 = arith.constant 16 : i32
        %mul3A_550 = vector.broadcast %mul3A_549 : i32 to vector<16xi32>
        %mul3A_551 = arith.muli %convert_element_type3A_548, %mul3A_550 : vector<16xi32>
        %add3A_552 = arith.addi %mul3A_551, %iota3A : vector<16xi32>
        %swap3A_553 = arith.index_cast %add3A_372 : i32 to index
        %swap3A_554 = arith.constant 80 : index
        %swap3A_555 = tpu.vector_load %arg8[%swap3A_553, %swap3A_554] {strides = array<i32>} : memref<98x128xi32, #tpu.memory_space<vmem>>, vector<1x16xi32>,
        %swap3A_556 = vector.shape_cast %swap3A_555 : vector<1x16xi32> to vector<16xi32>
        %swap3A_557 = vector.shape_cast %add3A_552 : vector<16xi32> to vector<1x16xi32>
        tpu.vector_store %arg8[%swap3A_553, %swap3A_554], %swap3A_557 {strides = array<i32>} : memref<98x128xi32, #tpu.memory_space<vmem>>, vector<1x16xi32>,
        %get3A_558 = arith.index_cast %add3A_537 : i32 to index
        %get3A_559 = arith.constant 0 : index
        %get3A_560 = tpu.vector_load %arg7[%get3A_558, %get3A_559] {strides = array<i32>} : memref<784x16xf32, #tpu.memory_space<vmem>>, vector<1x16xf32>,
        %get3A_561 = vector.shape_cast %get3A_560 : vector<1x16xf32> to vector<16xf32>
        %swap3A_562 = arith.index_cast %add3A_372 : i32 to index
        %swap3A_563 = arith.constant 80 : index
        %swap3A_564 = tpu.vector_load %arg9[%swap3A_562, %swap3A_563] {strides = array<i32>} : memref<98x128xf32, #tpu.memory_space<vmem>>, vector<1x16xf32>,
        %swap3A_565 = vector.shape_cast %swap3A_564 : vector<1x16xf32> to vector<16xf32>
        %swap3A_566 = vector.shape_cast %get3A_561 : vector<16xf32> to vector<1x16xf32>
        tpu.vector_store %arg9[%swap3A_562, %swap3A_563], %swap3A_566 {strides = array<i32>} : memref<98x128xf32, #tpu.memory_space<vmem>>, vector<1x16xf32>,
        %mul3A_567 = arith.constant 8 : i32
        %mul3A_568 = arith.muli %add3A_372, %mul3A_567 : i32
        %add3A_569 = arith.constant 6 : i32
        %add3A_570 = arith.addi %mul3A_568, %add3A_569 : i32
        %get3A_571 = arith.index_cast %add3A_570 : i32 to index
        %get3A_572 = arith.constant 0 : index
        %get3A_573 = tpu.vector_load %arg6[%get3A_571, %get3A_572] {strides = array<i32>} : memref<784x16xi32, #tpu.memory_space<vmem>>, vector<1x16xi32>,
        %get3A_574 = vector.shape_cast %get3A_573 : vector<1x16xi32> to vector<16xi32>
        %shift_right_logical3A_575 = arith.constant 6 : i32
        %shift_right_logical3A_576 = vector.broadcast %shift_right_logical3A_575 : i32 to vector<16xi32>
        %shift_right_logical3A_577 = arith.shrui %get3A_574, %shift_right_logical3A_576 : vector<16xi32>
        %convert_element_type3A_578 = arith.sitofp %shift_right_logical3A_577 : vector<16xi32> to vector<16xf32>
        %mul3A_579 = vector.broadcast %scan3A_29 : f32 to vector<16xf32>
        %mul3A_580 = arith.mulf %convert_element_type3A_578, %mul3A_579 : vector<16xf32>
        %convert_element_type3A_581 = arith.fptosi %mul3A_580 : vector<16xf32> to vector<16xi32>
        %mul3A_582 = arith.constant 16 : i32
        %mul3A_583 = vector.broadcast %mul3A_582 : i32 to vector<16xi32>
        %mul3A_584 = arith.muli %convert_element_type3A_581, %mul3A_583 : vector<16xi32>
        %add3A_585 = arith.addi %mul3A_584, %iota3A : vector<16xi32>
        %swap3A_586 = arith.index_cast %add3A_372 : i32 to index
        %swap3A_587 = arith.constant 96 : index
        %swap3A_588 = tpu.vector_load %arg8[%swap3A_586, %swap3A_587] {strides = array<i32>} : memref<98x128xi32, #tpu.memory_space<vmem>>, vector<1x16xi32>,
        %swap3A_589 = vector.shape_cast %swap3A_588 : vector<1x16xi32> to vector<16xi32>
        %swap3A_590 = vector.shape_cast %add3A_585 : vector<16xi32> to vector<1x16xi32>
        tpu.vector_store %arg8[%swap3A_586, %swap3A_587], %swap3A_590 {strides = array<i32>} : memref<98x128xi32, #tpu.memory_space<vmem>>, vector<1x16xi32>,
        %get3A_591 = arith.index_cast %add3A_570 : i32 to index
        %get3A_592 = arith.constant 0 : index
        %get3A_593 = tpu.vector_load %arg7[%get3A_591, %get3A_592] {strides = array<i32>} : memref<784x16xf32, #tpu.memory_space<vmem>>, vector<1x16xf32>,
        %get3A_594 = vector.shape_cast %get3A_593 : vector<1x16xf32> to vector<16xf32>
        %swap3A_595 = arith.index_cast %add3A_372 : i32 to index
        %swap3A_596 = arith.constant 96 : index
        %swap3A_597 = tpu.vector_load %arg9[%swap3A_595, %swap3A_596] {strides = array<i32>} : memref<98x128xf32, #tpu.memory_space<vmem>>, vector<1x16xf32>,
        %swap3A_598 = vector.shape_cast %swap3A_597 : vector<1x16xf32> to vector<16xf32>
        %swap3A_599 = vector.shape_cast %get3A_594 : vector<16xf32> to vector<1x16xf32>
        tpu.vector_store %arg9[%swap3A_595, %swap3A_596], %swap3A_599 {strides = array<i32>} : memref<98x128xf32, #tpu.memory_space<vmem>>, vector<1x16xf32>,
        %mul3A_600 = arith.constant 8 : i32
        %mul3A_601 = arith.muli %add3A_372, %mul3A_600 : i32
        %add3A_602 = arith.constant 7 : i32
        %add3A_603 = arith.addi %mul3A_601, %add3A_602 : i32
        %get3A_604 = arith.index_cast %add3A_603 : i32 to index
        %get3A_605 = arith.constant 0 : index
        %get3A_606 = tpu.vector_load %arg6[%get3A_604, %get3A_605] {strides = array<i32>} : memref<784x16xi32, #tpu.memory_space<vmem>>, vector<1x16xi32>,
        %get3A_607 = vector.shape_cast %get3A_606 : vector<1x16xi32> to vector<16xi32>
        %shift_right_logical3A_608 = arith.constant 6 : i32
        %shift_right_logical3A_609 = vector.broadcast %shift_right_logical3A_608 : i32 to vector<16xi32>
        %shift_right_logical3A_610 = arith.shrui %get3A_607, %shift_right_logical3A_609 : vector<16xi32>
        %convert_element_type3A_611 = arith.sitofp %shift_right_logical3A_610 : vector<16xi32> to vector<16xf32>
        %mul3A_612 = vector.broadcast %scan3A_29 : f32 to vector<16xf32>
        %mul3A_613 = arith.mulf %convert_element_type3A_611, %mul3A_612 : vector<16xf32>
        %convert_element_type3A_614 = arith.fptosi %mul3A_613 : vector<16xf32> to vector<16xi32>
        %mul3A_615 = arith.constant 16 : i32
        %mul3A_616 = vector.broadcast %mul3A_615 : i32 to vector<16xi32>
        %mul3A_617 = arith.muli %convert_element_type3A_614, %mul3A_616 : vector<16xi32>
        %add3A_618 = arith.addi %mul3A_617, %iota3A : vector<16xi32>
        %swap3A_619 = arith.index_cast %add3A_372 : i32 to index
        %swap3A_620 = arith.constant 112 : index
        %swap3A_621 = tpu.vector_load %arg8[%swap3A_619, %swap3A_620] {strides = array<i32>} : memref<98x128xi32, #tpu.memory_space<vmem>>, vector<1x16xi32>,
        %swap3A_622 = vector.shape_cast %swap3A_621 : vector<1x16xi32> to vector<16xi32>
        %swap3A_623 = vector.shape_cast %add3A_618 : vector<16xi32> to vector<1x16xi32>
        tpu.vector_store %arg8[%swap3A_619, %swap3A_620], %swap3A_623 {strides = array<i32>} : memref<98x128xi32, #tpu.memory_space<vmem>>, vector<1x16xi32>,
        %get3A_624 = arith.index_cast %add3A_603 : i32 to index
        %get3A_625 = arith.constant 0 : index
        %get3A_626 = tpu.vector_load %arg7[%get3A_624, %get3A_625] {strides = array<i32>} : memref<784x16xf32, #tpu.memory_space<vmem>>, vector<1x16xf32>,
        %get3A_627 = vector.shape_cast %get3A_626 : vector<1x16xf32> to vector<16xf32>
        %swap3A_628 = arith.index_cast %add3A_372 : i32 to index
        %swap3A_629 = arith.constant 112 : index
        %swap3A_630 = tpu.vector_load %arg9[%swap3A_628, %swap3A_629] {strides = array<i32>} : memref<98x128xf32, #tpu.memory_space<vmem>>, vector<1x16xf32>,
        %swap3A_631 = vector.shape_cast %swap3A_630 : vector<1x16xf32> to vector<16xf32>
        %swap3A_632 = vector.shape_cast %get3A_627 : vector<16xf32> to vector<1x16xf32>
        tpu.vector_store %arg9[%swap3A_628, %swap3A_629], %swap3A_632 {strides = array<i32>} : memref<98x128xf32, #tpu.memory_space<vmem>>, vector<1x16xf32>,
      }
      %scan3A_281 = arith.constant 98 : i32
      %mul3A_282 = arith.constant 5 : i32
      %mul3A_283 = arith.constant 32 : i32
      %mul3A_284 = arith.muli %mul3A_282, %mul3A_283 : i32
      %mul3A_285 = arith.constant 16 : i32
      %mul3A_286 = arith.muli %arg0, %mul3A_285 : i32
      %add3A_287 = arith.addi %mul3A_284, %mul3A_286 : i32
      %dma_start3A_288 = tpu.memref_slice %arg3[%add3A_52, %mul3A_0, %add3A_287] : memref<4x12544x192xi32, #tpu.memory_space<hbm>> -> memref<1x784x16xi32, #tpu.memory_space<hbm>>
      %dma_start3A_289 = tpu.memref_squeeze %dma_start3A_288 : memref<1x784x16xi32, #tpu.memory_space<hbm>> -> memref<784x16xi32, #tpu.memory_space<hbm>>
      %dma_start3A_290 = tpu.memref_slice %arg3[%add3A_52, %mul3A_0, %add3A_287] : memref<4x12544x192xi32, #tpu.memory_space<hbm>> -> memref<1x784x16xi32, #tpu.memory_space<hbm>>
      %dma_start3A_291 = tpu.memref_squeeze %dma_start3A_290 : memref<1x784x16xi32, #tpu.memory_space<hbm>> -> memref<784x16xi32, #tpu.memory_space<hbm>>
      tpu.enqueue_dma source(%dma_start3A_291 : memref<784x16xi32, #tpu.memory_space<hbm>>) target(%arg6 : memref<784x16xi32, #tpu.memory_space<vmem>>) target_semaphore(%arg13 : memref<!tpu.dma_semaphore, #tpu.memory_space<semaphore_mem>>)
      %dma_start3A_292 = tpu.memref_slice %arg2[%add3A_52, %mul3A_0, %add3A_287] : memref<4x12544x192xf32, #tpu.memory_space<hbm>> -> memref<1x784x16xf32, #tpu.memory_space<hbm>>
      %dma_start3A_293 = tpu.memref_squeeze %dma_start3A_292 : memref<1x784x16xf32, #tpu.memory_space<hbm>> -> memref<784x16xf32, #tpu.memory_space<hbm>>
      %dma_start3A_294 = tpu.memref_slice %arg2[%add3A_52, %mul3A_0, %add3A_287] : memref<4x12544x192xf32, #tpu.memory_space<hbm>> -> memref<1x784x16xf32, #tpu.memory_space<hbm>>
      %dma_start3A_295 = tpu.memref_squeeze %dma_start3A_294 : memref<1x784x16xf32, #tpu.memory_space<hbm>> -> memref<784x16xf32, #tpu.memory_space<hbm>>
      tpu.enqueue_dma source(%dma_start3A_295 : memref<784x16xf32, #tpu.memory_space<hbm>>) target(%arg7 : memref<784x16xf32, #tpu.memory_space<vmem>>) target_semaphore(%arg13 : memref<!tpu.dma_semaphore, #tpu.memory_space<semaphore_mem>>)
      %scan3A_296 = arith.constant 0 : i32
      %scan3A_297 = arith.constant 98 : i32
      %scan3A_298 = arith.addi %scan3A_296, %scan3A_297 : i32
      %scan3A_299 = arith.constant 1 : i32
      scf.for %scan3A_368 = %scan3A_296 to %scan3A_298 step %scan3A_299  : i32 {
        %mul3A_369 = arith.constant 1 : i32
        %mul3A_370 = arith.muli %scan3A_368, %mul3A_369 : i32
        %add3A_371 = arith.constant 0 : i32
        %add3A_372 = arith.addi %add3A_371, %mul3A_370 : i32
        %dma_start3A_373 = arith.constant 0 : i32
        %dma_start3A_374 = tpu.memref_slice %arg9[%add3A_372, %dma_start3A_373] : memref<98x128xf32, #tpu.memory_space<vmem>> -> memref<1x128xf32, #tpu.memory_space<vmem>>
        %dma_start3A_375 = tpu.memref_squeeze %dma_start3A_374 : memref<1x128xf32, #tpu.memory_space<vmem>> -> memref<128xf32, #tpu.memory_space<vmem>>
        %dma_start3A_376 = arith.constant 0 : i32
        %dma_start3A_377 = tpu.memref_slice %arg8[%add3A_372, %dma_start3A_376] : memref<98x128xi32, #tpu.memory_space<vmem>> -> memref<1x128xi32, #tpu.memory_space<vmem>>
        %dma_start3A_378 = tpu.memref_squeeze %dma_start3A_377 : memref<1x128xi32, #tpu.memory_space<vmem>> -> memref<128xi32, #tpu.memory_space<vmem>>
        %dma_start3A_379 = arith.constant 0 : i32
        %dma_start3A_380 = tpu.memref_slice %arg5[%dma_start3A_379] : memref<802816xf32, #tpu.memory_space<vmem_shared>> -> memref<802816xf32, #tpu.memory_space<vmem_shared>>
        tpu.enqueue_indirect_dma source(%dma_start3A_375 : memref<128xf32, #tpu.memory_space<vmem>>) target(%dma_start3A_380 : memref<802816xf32, #tpu.memory_space<vmem_shared>>) offsets(%dma_start3A_378 : memref<128xi32, #tpu.memory_space<vmem>>) semaphore(%arg14 : memref<!tpu.dma_semaphore, #tpu.memory_space<semaphore_mem>>) {add = true}
      }
      %scan3A_300 = arith.constant 98 : i32
      %scan3A_301 = arith.constant 0 : i32
      %scan3A_302 = arith.constant 98 : i32
      %scan3A_303 = arith.addi %scan3A_301, %scan3A_302 : i32
      %scan3A_304 = arith.constant 1 : i32
      scf.for %scan3A_368 = %scan3A_301 to %scan3A_303 step %scan3A_304  : i32 {
        %mul3A_369 = arith.constant 1 : i32
        %mul3A_370 = arith.muli %scan3A_368, %mul3A_369 : i32
        %add3A_371 = arith.constant 0 : i32
        %add3A_372 = arith.addi %add3A_371, %mul3A_370 : i32
        %dma_wait3A_373 = arith.constant 0 : i32
        %dma_wait3A_374 = tpu.memref_slice %arg9[%add3A_372, %dma_wait3A_373] : memref<98x128xf32, #tpu.memory_space<vmem>> -> memref<1x128xf32, #tpu.memory_space<vmem>>
        %dma_wait3A_375 = tpu.memref_squeeze %dma_wait3A_374 : memref<1x128xf32, #tpu.memory_space<vmem>> -> memref<128xf32, #tpu.memory_space<vmem>>
        %dma_wait3A_376 = arith.constant 0 : i32
        %dma_wait3A_377 = tpu.memref_slice %arg8[%add3A_372, %dma_wait3A_376] : memref<98x128xi32, #tpu.memory_space<vmem>> -> memref<1x128xi32, #tpu.memory_space<vmem>>
        %dma_wait3A_378 = tpu.memref_squeeze %dma_wait3A_377 : memref<1x128xi32, #tpu.memory_space<vmem>> -> memref<128xi32, #tpu.memory_space<vmem>>
        %dma_wait3A_379 = arith.constant 0 : i32
        %dma_wait3A_380 = tpu.memref_slice %arg5[%dma_wait3A_379] : memref<802816xf32, #tpu.memory_space<vmem_shared>> -> memref<802816xf32, #tpu.memory_space<vmem_shared>>
        tpu.wait_indirect_dma semaphore(%arg14 : memref<!tpu.dma_semaphore, #tpu.memory_space<semaphore_mem>>) src(%dma_wait3A_375 : memref<128xf32, #tpu.memory_space<vmem>>) dst(%dma_wait3A_380 : memref<802816xf32, #tpu.memory_space<vmem_shared>>)
      }
      %scan3A_305 = arith.constant 98 : i32
      %barrier3A_306 = arith.constant 0 : index
      tpu.barrier barrier_id(%barrier3A_306)
      %scan3A_307 = arith.constant 0 : i32
      %scan3A_308 = arith.constant 4 : i32
      %scan3A_309 = arith.addi %scan3A_307, %scan3A_308 : i32
      %scan3A_310 = arith.constant 1 : i32
      scf.for %scan3A_368 = %scan3A_307 to %scan3A_309 step %scan3A_310  : i32 {
        %mul3A_369 = arith.constant 1 : i32
        %mul3A_370 = arith.muli %scan3A_368, %mul3A_369 : i32
        %add3A_371 = arith.constant 0 : i32
        %add3A_372 = arith.addi %add3A_371, %mul3A_370 : i32
        %mul3A_373 = arith.constant 12544 : i32
        %mul3A_374 = arith.muli %add3A_372, %mul3A_373 : i32
        %add3A_375 = arith.addi %mul3A_2, %mul3A_374 : i32
        "tpu.region"() ({
          %run_scoped3A = tpu.sem_alloc : memref<!tpu.dma_semaphore, #tpu.memory_space<semaphore_mem>>
          %dma_start3A_389 = tpu.memref_slice %arg5[%add3A_375] : memref<802816xf32, #tpu.memory_space<vmem_shared>> -> memref<12544xf32, #tpu.memory_space<vmem_shared>>
          %dma_start3A_390 = tpu.memref_slice %arg5[%add3A_375] : memref<802816xf32, #tpu.memory_space<vmem_shared>> -> memref<12544xf32, #tpu.memory_space<vmem_shared>>
          tpu.enqueue_dma source(%dma_start3A_390 : memref<12544xf32, #tpu.memory_space<vmem_shared>>) target(%arg10 : memref<12544xf32, #tpu.memory_space<vmem>>) target_semaphore(%run_scoped3A : memref<!tpu.dma_semaphore, #tpu.memory_space<semaphore_mem>>)
          %dma_wait3A_391 = tpu.memref_slice %arg5[%add3A_375] : memref<802816xf32, #tpu.memory_space<vmem_shared>> -> memref<12544xf32, #tpu.memory_space<vmem_shared>>
          %dma_wait3A_392 = tpu.memref_slice %arg5[%add3A_375] : memref<802816xf32, #tpu.memory_space<vmem_shared>> -> memref<12544xf32, #tpu.memory_space<vmem_shared>>
          tpu.wait_dma2 semaphore(%run_scoped3A : memref<!tpu.dma_semaphore, #tpu.memory_space<semaphore_mem>>) src(%dma_wait3A_392 : memref<12544xf32, #tpu.memory_space<vmem_shared>>) dst(%arg10 : memref<12544xf32, #tpu.memory_space<vmem>>)
          tpu.yield
        }) : () -> ()
        %scan3A_376 = arith.constant 0 : i32
        %scan3A_377 = arith.constant 784 : i32
        %scan3A_378 = arith.addi %scan3A_376, %scan3A_377 : i32
        %scan3A_379 = arith.constant 1 : i32
        scf.for %scan3A_389 = %scan3A_376 to %scan3A_378 step %scan3A_379  : i32 {
          %mul3A_390 = arith.constant 1 : i32
          %mul3A_391 = arith.muli %scan3A_389, %mul3A_390 : i32
          %add3A_392 = arith.constant 0 : i32
          %add3A_393 = arith.addi %add3A_392, %mul3A_391 : i32
          %mul3A_394 = arith.constant 16 : i32
          %mul3A_395 = arith.muli %add3A_393, %mul3A_394 : i32
          %get3A = arith.index_cast %mul3A_395 : i32 to index
          %get3A_396 = tpu.vector_load %arg10[%get3A] {strides = array<i32>} : memref<12544xf32, #tpu.memory_space<vmem>>, vector<16xf32>,
          %get3A_397 = vector.shape_cast %get3A_396 : vector<16xf32> to vector<16xf32>
          %swap3A = arith.index_cast %add3A_393 : i32 to index
          %swap3A_398 = arith.constant 0 : index
          %swap3A_399 = tpu.vector_load %arg11[%swap3A, %swap3A_398] {strides = array<i32>} : memref<784x16xf32, #tpu.memory_space<vmem>>, vector<1x16xf32>,
          %swap3A_400 = vector.shape_cast %swap3A_399 : vector<1x16xf32> to vector<16xf32>
          %swap3A_401 = vector.shape_cast %get3A_397 : vector<16xf32> to vector<1x16xf32>
          tpu.vector_store %arg11[%swap3A, %swap3A_398], %swap3A_401 {strides = array<i32>} : memref<784x16xf32, #tpu.memory_space<vmem>>, vector<1x16xf32>,
        }
        %scan3A_380 = arith.constant 784 : i32
        %mul3A_381 = arith.constant 784 : i32
        %mul3A_382 = arith.muli %add3A_372, %mul3A_381 : i32
        %add3A_383 = arith.addi %mul3A_4, %mul3A_382 : i32
        "tpu.region"() ({
          %run_scoped3A = tpu.sem_alloc : memref<!tpu.dma_semaphore, #tpu.memory_space<semaphore_mem>>
          %dma_start3A_389 = tpu.memref_slice %arg4[%add3A_52, %add3A_383, %add3A_264] : memref<4x50176x192xf32, #tpu.memory_space<hbm>> -> memref<1x784x16xf32, #tpu.memory_space<hbm>>
          %dma_start3A_390 = tpu.memref_squeeze %dma_start3A_389 : memref<1x784x16xf32, #tpu.memory_space<hbm>> -> memref<784x16xf32, #tpu.memory_space<hbm>>
          %dma_start3A_391 = tpu.memref_slice %arg4[%add3A_52, %add3A_383, %add3A_264] : memref<4x50176x192xf32, #tpu.memory_space<hbm>> -> memref<1x784x16xf32, #tpu.memory_space<hbm>>
          %dma_start3A_392 = tpu.memref_squeeze %dma_start3A_391 : memref<1x784x16xf32, #tpu.memory_space<hbm>> -> memref<784x16xf32, #tpu.memory_space<hbm>>
          tpu.enqueue_dma source(%arg11 : memref<784x16xf32, #tpu.memory_space<vmem>>) target(%dma_start3A_392 : memref<784x16xf32, #tpu.memory_space<hbm>>) target_semaphore(%run_scoped3A : memref<!tpu.dma_semaphore, #tpu.memory_space<semaphore_mem>>)
          %dma_wait3A_393 = tpu.memref_slice %arg4[%add3A_52, %add3A_383, %add3A_264] : memref<4x50176x192xf32, #tpu.memory_space<hbm>> -> memref<1x784x16xf32, #tpu.memory_space<hbm>>
          %dma_wait3A_394 = tpu.memref_squeeze %dma_wait3A_393 : memref<1x784x16xf32, #tpu.memory_space<hbm>> -> memref<784x16xf32, #tpu.memory_space<hbm>>
          %dma_wait3A_395 = tpu.memref_slice %arg4[%add3A_52, %add3A_383, %add3A_264] : memref<4x50176x192xf32, #tpu.memory_space<hbm>> -> memref<1x784x16xf32, #tpu.memory_space<hbm>>
          %dma_wait3A_396 = tpu.memref_squeeze %dma_wait3A_395 : memref<1x784x16xf32, #tpu.memory_space<hbm>> -> memref<784x16xf32, #tpu.memory_space<hbm>>
          tpu.wait_dma2 semaphore(%run_scoped3A : memref<!tpu.dma_semaphore, #tpu.memory_space<semaphore_mem>>) src(%arg11 : memref<784x16xf32, #tpu.memory_space<vmem>>) dst(%dma_wait3A_396 : memref<784x16xf32, #tpu.memory_space<hbm>>)
          tpu.yield
        }) : () -> ()
        %scan3A_384 = arith.constant 0 : i32
        %scan3A_385 = arith.constant 4 : i32
        %scan3A_386 = arith.addi %scan3A_384, %scan3A_385 : i32
        %scan3A_387 = arith.constant 1 : i32
        scf.for %scan3A_389 = %scan3A_384 to %scan3A_386 step %scan3A_387  : i32 {
          %mul3A_390 = arith.constant 1 : i32
          %mul3A_391 = arith.muli %scan3A_389, %mul3A_390 : i32
          %add3A_392 = arith.constant 0 : i32
          %add3A_393 = arith.addi %add3A_392, %mul3A_391 : i32
          %mul3A_394 = arith.constant 3136 : i32
          %mul3A_395 = arith.muli %add3A_393, %mul3A_394 : i32
          %add3A_396 = arith.addi %add3A_375, %mul3A_395 : i32
          "tpu.region"() ({
            %run_scoped3A = tpu.sem_alloc : memref<!tpu.dma_semaphore, #tpu.memory_space<semaphore_mem>>
            %dma_start3A_397 = tpu.memref_slice %arg5[%add3A_396] : memref<802816xf32, #tpu.memory_space<vmem_shared>> -> memref<3136xf32, #tpu.memory_space<vmem_shared>>
            %dma_start3A_398 = tpu.memref_slice %arg5[%add3A_396] : memref<802816xf32, #tpu.memory_space<vmem_shared>> -> memref<3136xf32, #tpu.memory_space<vmem_shared>>
            tpu.enqueue_dma source(%arg12 : memref<3136xf32, #tpu.memory_space<vmem>>) target(%dma_start3A_398 : memref<3136xf32, #tpu.memory_space<vmem_shared>>) target_semaphore(%run_scoped3A : memref<!tpu.dma_semaphore, #tpu.memory_space<semaphore_mem>>)
            %dma_wait3A_399 = tpu.memref_slice %arg5[%add3A_396] : memref<802816xf32, #tpu.memory_space<vmem_shared>> -> memref<3136xf32, #tpu.memory_space<vmem_shared>>
            %dma_wait3A_400 = tpu.memref_slice %arg5[%add3A_396] : memref<802816xf32, #tpu.memory_space<vmem_shared>> -> memref<3136xf32, #tpu.memory_space<vmem_shared>>
            tpu.wait_dma2 semaphore(%run_scoped3A : memref<!tpu.dma_semaphore, #tpu.memory_space<semaphore_mem>>) src(%arg12 : memref<3136xf32, #tpu.memory_space<vmem>>) dst(%dma_wait3A_400 : memref<3136xf32, #tpu.memory_space<vmem_shared>>)
            tpu.yield
          }) : () -> ()
        }
        %scan3A_388 = arith.constant 4 : i32
      }
      %scan3A_311 = arith.constant 4 : i32
      %barrier3A_312 = arith.constant 0 : index
      tpu.barrier barrier_id(%barrier3A_312)
      %mul3A_313 = arith.constant 16 : i32
      %mul3A_314 = arith.muli %arg0, %mul3A_313 : i32
      %add3A_315 = arith.constant 160 : i32
      %add3A_316 = arith.addi %add3A_315, %mul3A_314 : i32
      %mul3A_317 = arith.constant 16 : i32
      %mul3A_318 = arith.muli %arg0, %mul3A_317 : i32
      %add3A_319 = arith.constant 160 : i32
      %add3A_320 = arith.addi %add3A_319, %mul3A_318 : i32
      %dma_wait3A_321 = tpu.memref_slice %arg3[%add3A_52, %mul3A_0, %add3A_320] : memref<4x12544x192xi32, #tpu.memory_space<hbm>> -> memref<1x784x16xi32, #tpu.memory_space<hbm>>
      %dma_wait3A_322 = tpu.memref_squeeze %dma_wait3A_321 : memref<1x784x16xi32, #tpu.memory_space<hbm>> -> memref<784x16xi32, #tpu.memory_space<hbm>>
      %dma_wait3A_323 = tpu.memref_slice %arg3[%add3A_52, %mul3A_0, %add3A_320] : memref<4x12544x192xi32, #tpu.memory_space<hbm>> -> memref<1x784x16xi32, #tpu.memory_space<hbm>>
      %dma_wait3A_324 = tpu.memref_squeeze %dma_wait3A_323 : memref<1x784x16xi32, #tpu.memory_space<hbm>> -> memref<784x16xi32, #tpu.memory_space<hbm>>
      tpu.wait_dma2 semaphore(%arg13 : memref<!tpu.dma_semaphore, #tpu.memory_space<semaphore_mem>>) src(%dma_wait3A_324 : memref<784x16xi32, #tpu.memory_space<hbm>>) dst(%arg6 : memref<784x16xi32, #tpu.memory_space<vmem>>)
      %dma_wait3A_325 = tpu.memref_slice %arg2[%add3A_52, %mul3A_0, %add3A_320] : memref<4x12544x192xf32, #tpu.memory_space<hbm>> -> memref<1x784x16xf32, #tpu.memory_space<hbm>>
      %dma_wait3A_326 = tpu.memref_squeeze %dma_wait3A_325 : memref<1x784x16xf32, #tpu.memory_space<hbm>> -> memref<784x16xf32, #tpu.memory_space<hbm>>
      %dma_wait3A_327 = tpu.memref_slice %arg2[%add3A_52, %mul3A_0, %add3A_320] : memref<4x12544x192xf32, #tpu.memory_space<hbm>> -> memref<1x784x16xf32, #tpu.memory_space<hbm>>
      %dma_wait3A_328 = tpu.memref_squeeze %dma_wait3A_327 : memref<1x784x16xf32, #tpu.memory_space<hbm>> -> memref<784x16xf32, #tpu.memory_space<hbm>>
      tpu.wait_dma2 semaphore(%arg13 : memref<!tpu.dma_semaphore, #tpu.memory_space<semaphore_mem>>) src(%dma_wait3A_328 : memref<784x16xf32, #tpu.memory_space<hbm>>) dst(%arg7 : memref<784x16xf32, #tpu.memory_space<vmem>>)
      %scan3A_329 = arith.constant 0 : i32
      %scan3A_330 = arith.constant 98 : i32
      %scan3A_331 = arith.addi %scan3A_329, %scan3A_330 : i32
      %scan3A_332 = arith.constant 1 : i32
      scf.for %scan3A_368 = %scan3A_329 to %scan3A_331 step %scan3A_332  : i32 {
        %mul3A_369 = arith.constant 1 : i32
        %mul3A_370 = arith.muli %scan3A_368, %mul3A_369 : i32
        %add3A_371 = arith.constant 0 : i32
        %add3A_372 = arith.addi %add3A_371, %mul3A_370 : i32
        %mul3A_373 = arith.constant 8 : i32
        %mul3A_374 = arith.muli %add3A_372, %mul3A_373 : i32
        %add3A_375 = arith.constant 0 : i32
        %add3A_376 = arith.addi %mul3A_374, %add3A_375 : i32
        %get3A = arith.index_cast %add3A_376 : i32 to index
        %get3A_377 = arith.constant 0 : index
        %get3A_378 = tpu.vector_load %arg6[%get3A, %get3A_377] {strides = array<i32>} : memref<784x16xi32, #tpu.memory_space<vmem>>, vector<1x16xi32>,
        %get3A_379 = vector.shape_cast %get3A_378 : vector<1x16xi32> to vector<16xi32>
        %shift_right_logical3A = arith.constant 6 : i32
        %shift_right_logical3A_380 = vector.broadcast %shift_right_logical3A : i32 to vector<16xi32>
        %shift_right_logical3A_381 = arith.shrui %get3A_379, %shift_right_logical3A_380 : vector<16xi32>
        %convert_element_type3A = arith.sitofp %shift_right_logical3A_381 : vector<16xi32> to vector<16xf32>
        %mul3A_382 = vector.broadcast %scan3A_29 : f32 to vector<16xf32>
        %mul3A_383 = arith.mulf %convert_element_type3A, %mul3A_382 : vector<16xf32>
        %convert_element_type3A_384 = arith.fptosi %mul3A_383 : vector<16xf32> to vector<16xi32>
        %mul3A_385 = arith.constant 16 : i32
        %mul3A_386 = vector.broadcast %mul3A_385 : i32 to vector<16xi32>
        %mul3A_387 = arith.muli %convert_element_type3A_384, %mul3A_386 : vector<16xi32>
        %add3A_388 = arith.addi %mul3A_387, %iota3A : vector<16xi32>
        %swap3A = arith.index_cast %add3A_372 : i32 to index
        %swap3A_389 = arith.constant 0 : index
        %swap3A_390 = tpu.vector_load %arg8[%swap3A, %swap3A_389] {strides = array<i32>} : memref<98x128xi32, #tpu.memory_space<vmem>>, vector<1x16xi32>,
        %swap3A_391 = vector.shape_cast %swap3A_390 : vector<1x16xi32> to vector<16xi32>
        %swap3A_392 = vector.shape_cast %add3A_388 : vector<16xi32> to vector<1x16xi32>
        tpu.vector_store %arg8[%swap3A, %swap3A_389], %swap3A_392 {strides = array<i32>} : memref<98x128xi32, #tpu.memory_space<vmem>>, vector<1x16xi32>,
        %get3A_393 = arith.index_cast %add3A_376 : i32 to index
        %get3A_394 = arith.constant 0 : index
        %get3A_395 = tpu.vector_load %arg7[%get3A_393, %get3A_394] {strides = array<i32>} : memref<784x16xf32, #tpu.memory_space<vmem>>, vector<1x16xf32>,
        %get3A_396 = vector.shape_cast %get3A_395 : vector<1x16xf32> to vector<16xf32>
        %swap3A_397 = arith.index_cast %add3A_372 : i32 to index
        %swap3A_398 = arith.constant 0 : index
        %swap3A_399 = tpu.vector_load %arg9[%swap3A_397, %swap3A_398] {strides = array<i32>} : memref<98x128xf32, #tpu.memory_space<vmem>>, vector<1x16xf32>,
        %swap3A_400 = vector.shape_cast %swap3A_399 : vector<1x16xf32> to vector<16xf32>
        %swap3A_401 = vector.shape_cast %get3A_396 : vector<16xf32> to vector<1x16xf32>
        tpu.vector_store %arg9[%swap3A_397, %swap3A_398], %swap3A_401 {strides = array<i32>} : memref<98x128xf32, #tpu.memory_space<vmem>>, vector<1x16xf32>,
        %mul3A_402 = arith.constant 8 : i32
        %mul3A_403 = arith.muli %add3A_372, %mul3A_402 : i32
        %add3A_404 = arith.constant 1 : i32
        %add3A_405 = arith.addi %mul3A_403, %add3A_404 : i32
        %get3A_406 = arith.index_cast %add3A_405 : i32 to index
        %get3A_407 = arith.constant 0 : index
        %get3A_408 = tpu.vector_load %arg6[%get3A_406, %get3A_407] {strides = array<i32>} : memref<784x16xi32, #tpu.memory_space<vmem>>, vector<1x16xi32>,
        %get3A_409 = vector.shape_cast %get3A_408 : vector<1x16xi32> to vector<16xi32>
        %shift_right_logical3A_410 = arith.constant 6 : i32
        %shift_right_logical3A_411 = vector.broadcast %shift_right_logical3A_410 : i32 to vector<16xi32>
        %shift_right_logical3A_412 = arith.shrui %get3A_409, %shift_right_logical3A_411 : vector<16xi32>
        %convert_element_type3A_413 = arith.sitofp %shift_right_logical3A_412 : vector<16xi32> to vector<16xf32>
        %mul3A_414 = vector.broadcast %scan3A_29 : f32 to vector<16xf32>
        %mul3A_415 = arith.mulf %convert_element_type3A_413, %mul3A_414 : vector<16xf32>
        %convert_element_type3A_416 = arith.fptosi %mul3A_415 : vector<16xf32> to vector<16xi32>
        %mul3A_417 = arith.constant 16 : i32
        %mul3A_418 = vector.broadcast %mul3A_417 : i32 to vector<16xi32>
        %mul3A_419 = arith.muli %convert_element_type3A_416, %mul3A_418 : vector<16xi32>
        %add3A_420 = arith.addi %mul3A_419, %iota3A : vector<16xi32>
        %swap3A_421 = arith.index_cast %add3A_372 : i32 to index
        %swap3A_422 = arith.constant 16 : index
        %swap3A_423 = tpu.vector_load %arg8[%swap3A_421, %swap3A_422] {strides = array<i32>} : memref<98x128xi32, #tpu.memory_space<vmem>>, vector<1x16xi32>,
        %swap3A_424 = vector.shape_cast %swap3A_423 : vector<1x16xi32> to vector<16xi32>
        %swap3A_425 = vector.shape_cast %add3A_420 : vector<16xi32> to vector<1x16xi32>
        tpu.vector_store %arg8[%swap3A_421, %swap3A_422], %swap3A_425 {strides = array<i32>} : memref<98x128xi32, #tpu.memory_space<vmem>>, vector<1x16xi32>,
        %get3A_426 = arith.index_cast %add3A_405 : i32 to index
        %get3A_427 = arith.constant 0 : index
        %get3A_428 = tpu.vector_load %arg7[%get3A_426, %get3A_427] {strides = array<i32>} : memref<784x16xf32, #tpu.memory_space<vmem>>, vector<1x16xf32>,
        %get3A_429 = vector.shape_cast %get3A_428 : vector<1x16xf32> to vector<16xf32>
        %swap3A_430 = arith.index_cast %add3A_372 : i32 to index
        %swap3A_431 = arith.constant 16 : index
        %swap3A_432 = tpu.vector_load %arg9[%swap3A_430, %swap3A_431] {strides = array<i32>} : memref<98x128xf32, #tpu.memory_space<vmem>>, vector<1x16xf32>,
        %swap3A_433 = vector.shape_cast %swap3A_432 : vector<1x16xf32> to vector<16xf32>
        %swap3A_434 = vector.shape_cast %get3A_429 : vector<16xf32> to vector<1x16xf32>
        tpu.vector_store %arg9[%swap3A_430, %swap3A_431], %swap3A_434 {strides = array<i32>} : memref<98x128xf32, #tpu.memory_space<vmem>>, vector<1x16xf32>,
        %mul3A_435 = arith.constant 8 : i32
        %mul3A_436 = arith.muli %add3A_372, %mul3A_435 : i32
        %add3A_437 = arith.constant 2 : i32
        %add3A_438 = arith.addi %mul3A_436, %add3A_437 : i32
        %get3A_439 = arith.index_cast %add3A_438 : i32 to index
        %get3A_440 = arith.constant 0 : index
        %get3A_441 = tpu.vector_load %arg6[%get3A_439, %get3A_440] {strides = array<i32>} : memref<784x16xi32, #tpu.memory_space<vmem>>, vector<1x16xi32>,
        %get3A_442 = vector.shape_cast %get3A_441 : vector<1x16xi32> to vector<16xi32>
        %shift_right_logical3A_443 = arith.constant 6 : i32
        %shift_right_logical3A_444 = vector.broadcast %shift_right_logical3A_443 : i32 to vector<16xi32>
        %shift_right_logical3A_445 = arith.shrui %get3A_442, %shift_right_logical3A_444 : vector<16xi32>
        %convert_element_type3A_446 = arith.sitofp %shift_right_logical3A_445 : vector<16xi32> to vector<16xf32>
        %mul3A_447 = vector.broadcast %scan3A_29 : f32 to vector<16xf32>
        %mul3A_448 = arith.mulf %convert_element_type3A_446, %mul3A_447 : vector<16xf32>
        %convert_element_type3A_449 = arith.fptosi %mul3A_448 : vector<16xf32> to vector<16xi32>
        %mul3A_450 = arith.constant 16 : i32
        %mul3A_451 = vector.broadcast %mul3A_450 : i32 to vector<16xi32>
        %mul3A_452 = arith.muli %convert_element_type3A_449, %mul3A_451 : vector<16xi32>
        %add3A_453 = arith.addi %mul3A_452, %iota3A : vector<16xi32>
        %swap3A_454 = arith.index_cast %add3A_372 : i32 to index
        %swap3A_455 = arith.constant 32 : index
        %swap3A_456 = tpu.vector_load %arg8[%swap3A_454, %swap3A_455] {strides = array<i32>} : memref<98x128xi32, #tpu.memory_space<vmem>>, vector<1x16xi32>,
        %swap3A_457 = vector.shape_cast %swap3A_456 : vector<1x16xi32> to vector<16xi32>
        %swap3A_458 = vector.shape_cast %add3A_453 : vector<16xi32> to vector<1x16xi32>
        tpu.vector_store %arg8[%swap3A_454, %swap3A_455], %swap3A_458 {strides = array<i32>} : memref<98x128xi32, #tpu.memory_space<vmem>>, vector<1x16xi32>,
        %get3A_459 = arith.index_cast %add3A_438 : i32 to index
        %get3A_460 = arith.constant 0 : index
        %get3A_461 = tpu.vector_load %arg7[%get3A_459, %get3A_460] {strides = array<i32>} : memref<784x16xf32, #tpu.memory_space<vmem>>, vector<1x16xf32>,
        %get3A_462 = vector.shape_cast %get3A_461 : vector<1x16xf32> to vector<16xf32>
        %swap3A_463 = arith.index_cast %add3A_372 : i32 to index
        %swap3A_464 = arith.constant 32 : index
        %swap3A_465 = tpu.vector_load %arg9[%swap3A_463, %swap3A_464] {strides = array<i32>} : memref<98x128xf32, #tpu.memory_space<vmem>>, vector<1x16xf32>,
        %swap3A_466 = vector.shape_cast %swap3A_465 : vector<1x16xf32> to vector<16xf32>
        %swap3A_467 = vector.shape_cast %get3A_462 : vector<16xf32> to vector<1x16xf32>
        tpu.vector_store %arg9[%swap3A_463, %swap3A_464], %swap3A_467 {strides = array<i32>} : memref<98x128xf32, #tpu.memory_space<vmem>>, vector<1x16xf32>,
        %mul3A_468 = arith.constant 8 : i32
        %mul3A_469 = arith.muli %add3A_372, %mul3A_468 : i32
        %add3A_470 = arith.constant 3 : i32
        %add3A_471 = arith.addi %mul3A_469, %add3A_470 : i32
        %get3A_472 = arith.index_cast %add3A_471 : i32 to index
        %get3A_473 = arith.constant 0 : index
        %get3A_474 = tpu.vector_load %arg6[%get3A_472, %get3A_473] {strides = array<i32>} : memref<784x16xi32, #tpu.memory_space<vmem>>, vector<1x16xi32>,
        %get3A_475 = vector.shape_cast %get3A_474 : vector<1x16xi32> to vector<16xi32>
        %shift_right_logical3A_476 = arith.constant 6 : i32
        %shift_right_logical3A_477 = vector.broadcast %shift_right_logical3A_476 : i32 to vector<16xi32>
        %shift_right_logical3A_478 = arith.shrui %get3A_475, %shift_right_logical3A_477 : vector<16xi32>
        %convert_element_type3A_479 = arith.sitofp %shift_right_logical3A_478 : vector<16xi32> to vector<16xf32>
        %mul3A_480 = vector.broadcast %scan3A_29 : f32 to vector<16xf32>
        %mul3A_481 = arith.mulf %convert_element_type3A_479, %mul3A_480 : vector<16xf32>
        %convert_element_type3A_482 = arith.fptosi %mul3A_481 : vector<16xf32> to vector<16xi32>
        %mul3A_483 = arith.constant 16 : i32
        %mul3A_484 = vector.broadcast %mul3A_483 : i32 to vector<16xi32>
        %mul3A_485 = arith.muli %convert_element_type3A_482, %mul3A_484 : vector<16xi32>
        %add3A_486 = arith.addi %mul3A_485, %iota3A : vector<16xi32>
        %swap3A_487 = arith.index_cast %add3A_372 : i32 to index
        %swap3A_488 = arith.constant 48 : index
        %swap3A_489 = tpu.vector_load %arg8[%swap3A_487, %swap3A_488] {strides = array<i32>} : memref<98x128xi32, #tpu.memory_space<vmem>>, vector<1x16xi32>,
        %swap3A_490 = vector.shape_cast %swap3A_489 : vector<1x16xi32> to vector<16xi32>
        %swap3A_491 = vector.shape_cast %add3A_486 : vector<16xi32> to vector<1x16xi32>
        tpu.vector_store %arg8[%swap3A_487, %swap3A_488], %swap3A_491 {strides = array<i32>} : memref<98x128xi32, #tpu.memory_space<vmem>>, vector<1x16xi32>,
        %get3A_492 = arith.index_cast %add3A_471 : i32 to index
        %get3A_493 = arith.constant 0 : index
        %get3A_494 = tpu.vector_load %arg7[%get3A_492, %get3A_493] {strides = array<i32>} : memref<784x16xf32, #tpu.memory_space<vmem>>, vector<1x16xf32>,
        %get3A_495 = vector.shape_cast %get3A_494 : vector<1x16xf32> to vector<16xf32>
        %swap3A_496 = arith.index_cast %add3A_372 : i32 to index
        %swap3A_497 = arith.constant 48 : index
        %swap3A_498 = tpu.vector_load %arg9[%swap3A_496, %swap3A_497] {strides = array<i32>} : memref<98x128xf32, #tpu.memory_space<vmem>>, vector<1x16xf32>,
        %swap3A_499 = vector.shape_cast %swap3A_498 : vector<1x16xf32> to vector<16xf32>
        %swap3A_500 = vector.shape_cast %get3A_495 : vector<16xf32> to vector<1x16xf32>
        tpu.vector_store %arg9[%swap3A_496, %swap3A_497], %swap3A_500 {strides = array<i32>} : memref<98x128xf32, #tpu.memory_space<vmem>>, vector<1x16xf32>,
        %mul3A_501 = arith.constant 8 : i32
        %mul3A_502 = arith.muli %add3A_372, %mul3A_501 : i32
        %add3A_503 = arith.constant 4 : i32
        %add3A_504 = arith.addi %mul3A_502, %add3A_503 : i32
        %get3A_505 = arith.index_cast %add3A_504 : i32 to index
        %get3A_506 = arith.constant 0 : index
        %get3A_507 = tpu.vector_load %arg6[%get3A_505, %get3A_506] {strides = array<i32>} : memref<784x16xi32, #tpu.memory_space<vmem>>, vector<1x16xi32>,
        %get3A_508 = vector.shape_cast %get3A_507 : vector<1x16xi32> to vector<16xi32>
        %shift_right_logical3A_509 = arith.constant 6 : i32
        %shift_right_logical3A_510 = vector.broadcast %shift_right_logical3A_509 : i32 to vector<16xi32>
        %shift_right_logical3A_511 = arith.shrui %get3A_508, %shift_right_logical3A_510 : vector<16xi32>
        %convert_element_type3A_512 = arith.sitofp %shift_right_logical3A_511 : vector<16xi32> to vector<16xf32>
        %mul3A_513 = vector.broadcast %scan3A_29 : f32 to vector<16xf32>
        %mul3A_514 = arith.mulf %convert_element_type3A_512, %mul3A_513 : vector<16xf32>
        %convert_element_type3A_515 = arith.fptosi %mul3A_514 : vector<16xf32> to vector<16xi32>
        %mul3A_516 = arith.constant 16 : i32
        %mul3A_517 = vector.broadcast %mul3A_516 : i32 to vector<16xi32>
        %mul3A_518 = arith.muli %convert_element_type3A_515, %mul3A_517 : vector<16xi32>
        %add3A_519 = arith.addi %mul3A_518, %iota3A : vector<16xi32>
        %swap3A_520 = arith.index_cast %add3A_372 : i32 to index
        %swap3A_521 = arith.constant 64 : index
        %swap3A_522 = tpu.vector_load %arg8[%swap3A_520, %swap3A_521] {strides = array<i32>} : memref<98x128xi32, #tpu.memory_space<vmem>>, vector<1x16xi32>,
        %swap3A_523 = vector.shape_cast %swap3A_522 : vector<1x16xi32> to vector<16xi32>
        %swap3A_524 = vector.shape_cast %add3A_519 : vector<16xi32> to vector<1x16xi32>
        tpu.vector_store %arg8[%swap3A_520, %swap3A_521], %swap3A_524 {strides = array<i32>} : memref<98x128xi32, #tpu.memory_space<vmem>>, vector<1x16xi32>,
        %get3A_525 = arith.index_cast %add3A_504 : i32 to index
        %get3A_526 = arith.constant 0 : index
        %get3A_527 = tpu.vector_load %arg7[%get3A_525, %get3A_526] {strides = array<i32>} : memref<784x16xf32, #tpu.memory_space<vmem>>, vector<1x16xf32>,
        %get3A_528 = vector.shape_cast %get3A_527 : vector<1x16xf32> to vector<16xf32>
        %swap3A_529 = arith.index_cast %add3A_372 : i32 to index
        %swap3A_530 = arith.constant 64 : index
        %swap3A_531 = tpu.vector_load %arg9[%swap3A_529, %swap3A_530] {strides = array<i32>} : memref<98x128xf32, #tpu.memory_space<vmem>>, vector<1x16xf32>,
        %swap3A_532 = vector.shape_cast %swap3A_531 : vector<1x16xf32> to vector<16xf32>
        %swap3A_533 = vector.shape_cast %get3A_528 : vector<16xf32> to vector<1x16xf32>
        tpu.vector_store %arg9[%swap3A_529, %swap3A_530], %swap3A_533 {strides = array<i32>} : memref<98x128xf32, #tpu.memory_space<vmem>>, vector<1x16xf32>,
        %mul3A_534 = arith.constant 8 : i32
        %mul3A_535 = arith.muli %add3A_372, %mul3A_534 : i32
        %add3A_536 = arith.constant 5 : i32
        %add3A_537 = arith.addi %mul3A_535, %add3A_536 : i32
        %get3A_538 = arith.index_cast %add3A_537 : i32 to index
        %get3A_539 = arith.constant 0 : index
        %get3A_540 = tpu.vector_load %arg6[%get3A_538, %get3A_539] {strides = array<i32>} : memref<784x16xi32, #tpu.memory_space<vmem>>, vector<1x16xi32>,
        %get3A_541 = vector.shape_cast %get3A_540 : vector<1x16xi32> to vector<16xi32>
        %shift_right_logical3A_542 = arith.constant 6 : i32
        %shift_right_logical3A_543 = vector.broadcast %shift_right_logical3A_542 : i32 to vector<16xi32>
        %shift_right_logical3A_544 = arith.shrui %get3A_541, %shift_right_logical3A_543 : vector<16xi32>
        %convert_element_type3A_545 = arith.sitofp %shift_right_logical3A_544 : vector<16xi32> to vector<16xf32>
        %mul3A_546 = vector.broadcast %scan3A_29 : f32 to vector<16xf32>
        %mul3A_547 = arith.mulf %convert_element_type3A_545, %mul3A_546 : vector<16xf32>
        %convert_element_type3A_548 = arith.fptosi %mul3A_547 : vector<16xf32> to vector<16xi32>
        %mul3A_549 = arith.constant 16 : i32
        %mul3A_550 = vector.broadcast %mul3A_549 : i32 to vector<16xi32>
        %mul3A_551 = arith.muli %convert_element_type3A_548, %mul3A_550 : vector<16xi32>
        %add3A_552 = arith.addi %mul3A_551, %iota3A : vector<16xi32>
        %swap3A_553 = arith.index_cast %add3A_372 : i32 to index
        %swap3A_554 = arith.constant 80 : index
        %swap3A_555 = tpu.vector_load %arg8[%swap3A_553, %swap3A_554] {strides = array<i32>} : memref<98x128xi32, #tpu.memory_space<vmem>>, vector<1x16xi32>,
        %swap3A_556 = vector.shape_cast %swap3A_555 : vector<1x16xi32> to vector<16xi32>
        %swap3A_557 = vector.shape_cast %add3A_552 : vector<16xi32> to vector<1x16xi32>
        tpu.vector_store %arg8[%swap3A_553, %swap3A_554], %swap3A_557 {strides = array<i32>} : memref<98x128xi32, #tpu.memory_space<vmem>>, vector<1x16xi32>,
        %get3A_558 = arith.index_cast %add3A_537 : i32 to index
        %get3A_559 = arith.constant 0 : index
        %get3A_560 = tpu.vector_load %arg7[%get3A_558, %get3A_559] {strides = array<i32>} : memref<784x16xf32, #tpu.memory_space<vmem>>, vector<1x16xf32>,
        %get3A_561 = vector.shape_cast %get3A_560 : vector<1x16xf32> to vector<16xf32>
        %swap3A_562 = arith.index_cast %add3A_372 : i32 to index
        %swap3A_563 = arith.constant 80 : index
        %swap3A_564 = tpu.vector_load %arg9[%swap3A_562, %swap3A_563] {strides = array<i32>} : memref<98x128xf32, #tpu.memory_space<vmem>>, vector<1x16xf32>,
        %swap3A_565 = vector.shape_cast %swap3A_564 : vector<1x16xf32> to vector<16xf32>
        %swap3A_566 = vector.shape_cast %get3A_561 : vector<16xf32> to vector<1x16xf32>
        tpu.vector_store %arg9[%swap3A_562, %swap3A_563], %swap3A_566 {strides = array<i32>} : memref<98x128xf32, #tpu.memory_space<vmem>>, vector<1x16xf32>,
        %mul3A_567 = arith.constant 8 : i32
        %mul3A_568 = arith.muli %add3A_372, %mul3A_567 : i32
        %add3A_569 = arith.constant 6 : i32
        %add3A_570 = arith.addi %mul3A_568, %add3A_569 : i32
        %get3A_571 = arith.index_cast %add3A_570 : i32 to index
        %get3A_572 = arith.constant 0 : index
        %get3A_573 = tpu.vector_load %arg6[%get3A_571, %get3A_572] {strides = array<i32>} : memref<784x16xi32, #tpu.memory_space<vmem>>, vector<1x16xi32>,
        %get3A_574 = vector.shape_cast %get3A_573 : vector<1x16xi32> to vector<16xi32>
        %shift_right_logical3A_575 = arith.constant 6 : i32
        %shift_right_logical3A_576 = vector.broadcast %shift_right_logical3A_575 : i32 to vector<16xi32>
        %shift_right_logical3A_577 = arith.shrui %get3A_574, %shift_right_logical3A_576 : vector<16xi32>
        %convert_element_type3A_578 = arith.sitofp %shift_right_logical3A_577 : vector<16xi32> to vector<16xf32>
        %mul3A_579 = vector.broadcast %scan3A_29 : f32 to vector<16xf32>
        %mul3A_580 = arith.mulf %convert_element_type3A_578, %mul3A_579 : vector<16xf32>
        %convert_element_type3A_581 = arith.fptosi %mul3A_580 : vector<16xf32> to vector<16xi32>
        %mul3A_582 = arith.constant 16 : i32
        %mul3A_583 = vector.broadcast %mul3A_582 : i32 to vector<16xi32>
        %mul3A_584 = arith.muli %convert_element_type3A_581, %mul3A_583 : vector<16xi32>
        %add3A_585 = arith.addi %mul3A_584, %iota3A : vector<16xi32>
        %swap3A_586 = arith.index_cast %add3A_372 : i32 to index
        %swap3A_587 = arith.constant 96 : index
        %swap3A_588 = tpu.vector_load %arg8[%swap3A_586, %swap3A_587] {strides = array<i32>} : memref<98x128xi32, #tpu.memory_space<vmem>>, vector<1x16xi32>,
        %swap3A_589 = vector.shape_cast %swap3A_588 : vector<1x16xi32> to vector<16xi32>
        %swap3A_590 = vector.shape_cast %add3A_585 : vector<16xi32> to vector<1x16xi32>
        tpu.vector_store %arg8[%swap3A_586, %swap3A_587], %swap3A_590 {strides = array<i32>} : memref<98x128xi32, #tpu.memory_space<vmem>>, vector<1x16xi32>,
        %get3A_591 = arith.index_cast %add3A_570 : i32 to index
        %get3A_592 = arith.constant 0 : index
        %get3A_593 = tpu.vector_load %arg7[%get3A_591, %get3A_592] {strides = array<i32>} : memref<784x16xf32, #tpu.memory_space<vmem>>, vector<1x16xf32>,
        %get3A_594 = vector.shape_cast %get3A_593 : vector<1x16xf32> to vector<16xf32>
        %swap3A_595 = arith.index_cast %add3A_372 : i32 to index
        %swap3A_596 = arith.constant 96 : index
        %swap3A_597 = tpu.vector_load %arg9[%swap3A_595, %swap3A_596] {strides = array<i32>} : memref<98x128xf32, #tpu.memory_space<vmem>>, vector<1x16xf32>,
        %swap3A_598 = vector.shape_cast %swap3A_597 : vector<1x16xf32> to vector<16xf32>
        %swap3A_599 = vector.shape_cast %get3A_594 : vector<16xf32> to vector<1x16xf32>
        tpu.vector_store %arg9[%swap3A_595, %swap3A_596], %swap3A_599 {strides = array<i32>} : memref<98x128xf32, #tpu.memory_space<vmem>>, vector<1x16xf32>,
        %mul3A_600 = arith.constant 8 : i32
        %mul3A_601 = arith.muli %add3A_372, %mul3A_600 : i32
        %add3A_602 = arith.constant 7 : i32
        %add3A_603 = arith.addi %mul3A_601, %add3A_602 : i32
        %get3A_604 = arith.index_cast %add3A_603 : i32 to index
        %get3A_605 = arith.constant 0 : index
        %get3A_606 = tpu.vector_load %arg6[%get3A_604, %get3A_605] {strides = array<i32>} : memref<784x16xi32, #tpu.memory_space<vmem>>, vector<1x16xi32>,
        %get3A_607 = vector.shape_cast %get3A_606 : vector<1x16xi32> to vector<16xi32>
        %shift_right_logical3A_608 = arith.constant 6 : i32
        %shift_right_logical3A_609 = vector.broadcast %shift_right_logical3A_608 : i32 to vector<16xi32>
        %shift_right_logical3A_610 = arith.shrui %get3A_607, %shift_right_logical3A_609 : vector<16xi32>
        %convert_element_type3A_611 = arith.sitofp %shift_right_logical3A_610 : vector<16xi32> to vector<16xf32>
        %mul3A_612 = vector.broadcast %scan3A_29 : f32 to vector<16xf32>
        %mul3A_613 = arith.mulf %convert_element_type3A_611, %mul3A_612 : vector<16xf32>
        %convert_element_type3A_614 = arith.fptosi %mul3A_613 : vector<16xf32> to vector<16xi32>
        %mul3A_615 = arith.constant 16 : i32
        %mul3A_616 = vector.broadcast %mul3A_615 : i32 to vector<16xi32>
        %mul3A_617 = arith.muli %convert_element_type3A_614, %mul3A_616 : vector<16xi32>
        %add3A_618 = arith.addi %mul3A_617, %iota3A : vector<16xi32>
        %swap3A_619 = arith.index_cast %add3A_372 : i32 to index
        %swap3A_620 = arith.constant 112 : index
        %swap3A_621 = tpu.vector_load %arg8[%swap3A_619, %swap3A_620] {strides = array<i32>} : memref<98x128xi32, #tpu.memory_space<vmem>>, vector<1x16xi32>,
        %swap3A_622 = vector.shape_cast %swap3A_621 : vector<1x16xi32> to vector<16xi32>
        %swap3A_623 = vector.shape_cast %add3A_618 : vector<16xi32> to vector<1x16xi32>
        tpu.vector_store %arg8[%swap3A_619, %swap3A_620], %swap3A_623 {strides = array<i32>} : memref<98x128xi32, #tpu.memory_space<vmem>>, vector<1x16xi32>,
        %get3A_624 = arith.index_cast %add3A_603 : i32 to index
        %get3A_625 = arith.constant 0 : index
        %get3A_626 = tpu.vector_load %arg7[%get3A_624, %get3A_625] {strides = array<i32>} : memref<784x16xf32, #tpu.memory_space<vmem>>, vector<1x16xf32>,
        %get3A_627 = vector.shape_cast %get3A_626 : vector<1x16xf32> to vector<16xf32>
        %swap3A_628 = arith.index_cast %add3A_372 : i32 to index
        %swap3A_629 = arith.constant 112 : index
        %swap3A_630 = tpu.vector_load %arg9[%swap3A_628, %swap3A_629] {strides = array<i32>} : memref<98x128xf32, #tpu.memory_space<vmem>>, vector<1x16xf32>,
        %swap3A_631 = vector.shape_cast %swap3A_630 : vector<1x16xf32> to vector<16xf32>
        %swap3A_632 = vector.shape_cast %get3A_627 : vector<16xf32> to vector<1x16xf32>
        tpu.vector_store %arg9[%swap3A_628, %swap3A_629], %swap3A_632 {strides = array<i32>} : memref<98x128xf32, #tpu.memory_space<vmem>>, vector<1x16xf32>,
      }
      %scan3A_333 = arith.constant 98 : i32
      %add3A_334 = arith.constant 1 : i32
      %add3A_335 = arith.addi %add3A_52, %add3A_334 : i32
      %min3A = arith.constant 3 : i32
      %min3A_336 = arith.minsi %add3A_335, %min3A : i32
      %mul3A_337 = arith.constant 0 : i32
      %mul3A_338 = arith.constant 32 : i32
      %mul3A_339 = arith.muli %mul3A_337, %mul3A_338 : i32
      %mul3A_340 = arith.constant 16 : i32
      %mul3A_341 = arith.muli %arg0, %mul3A_340 : i32
      %add3A_342 = arith.addi %mul3A_339, %mul3A_341 : i32
      %dma_start3A_343 = tpu.memref_slice %arg3[%min3A_336, %mul3A_0, %add3A_342] : memref<4x12544x192xi32, #tpu.memory_space<hbm>> -> memref<1x784x16xi32, #tpu.memory_space<hbm>>
      %dma_start3A_344 = tpu.memref_squeeze %dma_start3A_343 : memref<1x784x16xi32, #tpu.memory_space<hbm>> -> memref<784x16xi32, #tpu.memory_space<hbm>>
      %dma_start3A_345 = tpu.memref_slice %arg3[%min3A_336, %mul3A_0, %add3A_342] : memref<4x12544x192xi32, #tpu.memory_space<hbm>> -> memref<1x784x16xi32, #tpu.memory_space<hbm>>
      %dma_start3A_346 = tpu.memref_squeeze %dma_start3A_345 : memref<1x784x16xi32, #tpu.memory_space<hbm>> -> memref<784x16xi32, #tpu.memory_space<hbm>>
      tpu.enqueue_dma source(%dma_start3A_346 : memref<784x16xi32, #tpu.memory_space<hbm>>) target(%arg6 : memref<784x16xi32, #tpu.memory_space<vmem>>) target_semaphore(%arg13 : memref<!tpu.dma_semaphore, #tpu.memory_space<semaphore_mem>>)
      %dma_start3A_347 = tpu.memref_slice %arg2[%min3A_336, %mul3A_0, %add3A_342] : memref<4x12544x192xf32, #tpu.memory_space<hbm>> -> memref<1x784x16xf32, #tpu.memory_space<hbm>>
      %dma_start3A_348 = tpu.memref_squeeze %dma_start3A_347 : memref<1x784x16xf32, #tpu.memory_space<hbm>> -> memref<784x16xf32, #tpu.memory_space<hbm>>
      %dma_start3A_349 = tpu.memref_slice %arg2[%min3A_336, %mul3A_0, %add3A_342] : memref<4x12544x192xf32, #tpu.memory_space<hbm>> -> memref<1x784x16xf32, #tpu.memory_space<hbm>>
      %dma_start3A_350 = tpu.memref_squeeze %dma_start3A_349 : memref<1x784x16xf32, #tpu.memory_space<hbm>> -> memref<784x16xf32, #tpu.memory_space<hbm>>
      tpu.enqueue_dma source(%dma_start3A_350 : memref<784x16xf32, #tpu.memory_space<hbm>>) target(%arg7 : memref<784x16xf32, #tpu.memory_space<vmem>>) target_semaphore(%arg13 : memref<!tpu.dma_semaphore, #tpu.memory_space<semaphore_mem>>)
      %scan3A_351 = arith.constant 0 : i32
      %scan3A_352 = arith.constant 98 : i32
      %scan3A_353 = arith.addi %scan3A_351, %scan3A_352 : i32
      %scan3A_354 = arith.constant 1 : i32
      scf.for %scan3A_368 = %scan3A_351 to %scan3A_353 step %scan3A_354  : i32 {
        %mul3A_369 = arith.constant 1 : i32
        %mul3A_370 = arith.muli %scan3A_368, %mul3A_369 : i32
        %add3A_371 = arith.constant 0 : i32
        %add3A_372 = arith.addi %add3A_371, %mul3A_370 : i32
        %dma_start3A_373 = arith.constant 0 : i32
        %dma_start3A_374 = tpu.memref_slice %arg9[%add3A_372, %dma_start3A_373] : memref<98x128xf32, #tpu.memory_space<vmem>> -> memref<1x128xf32, #tpu.memory_space<vmem>>
        %dma_start3A_375 = tpu.memref_squeeze %dma_start3A_374 : memref<1x128xf32, #tpu.memory_space<vmem>> -> memref<128xf32, #tpu.memory_space<vmem>>
        %dma_start3A_376 = arith.constant 0 : i32
        %dma_start3A_377 = tpu.memref_slice %arg8[%add3A_372, %dma_start3A_376] : memref<98x128xi32, #tpu.memory_space<vmem>> -> memref<1x128xi32, #tpu.memory_space<vmem>>
        %dma_start3A_378 = tpu.memref_squeeze %dma_start3A_377 : memref<1x128xi32, #tpu.memory_space<vmem>> -> memref<128xi32, #tpu.memory_space<vmem>>
        %dma_start3A_379 = arith.constant 0 : i32
        %dma_start3A_380 = tpu.memref_slice %arg5[%dma_start3A_379] : memref<802816xf32, #tpu.memory_space<vmem_shared>> -> memref<802816xf32, #tpu.memory_space<vmem_shared>>
        tpu.enqueue_indirect_dma source(%dma_start3A_375 : memref<128xf32, #tpu.memory_space<vmem>>) target(%dma_start3A_380 : memref<802816xf32, #tpu.memory_space<vmem_shared>>) offsets(%dma_start3A_378 : memref<128xi32, #tpu.memory_space<vmem>>) semaphore(%arg14 : memref<!tpu.dma_semaphore, #tpu.memory_space<semaphore_mem>>) {add = true}
      }
      %scan3A_355 = arith.constant 98 : i32
      %scan3A_356 = arith.constant 0 : i32
      %scan3A_357 = arith.constant 98 : i32
      %scan3A_358 = arith.addi %scan3A_356, %scan3A_357 : i32
      %scan3A_359 = arith.constant 1 : i32
      scf.for %scan3A_368 = %scan3A_356 to %scan3A_358 step %scan3A_359  : i32 {
        %mul3A_369 = arith.constant 1 : i32
        %mul3A_370 = arith.muli %scan3A_368, %mul3A_369 : i32
        %add3A_371 = arith.constant 0 : i32
        %add3A_372 = arith.addi %add3A_371, %mul3A_370 : i32
        %dma_wait3A_373 = arith.constant 0 : i32
        %dma_wait3A_374 = tpu.memref_slice %arg9[%add3A_372, %dma_wait3A_373] : memref<98x128xf32, #tpu.memory_space<vmem>> -> memref<1x128xf32, #tpu.memory_space<vmem>>
        %dma_wait3A_375 = tpu.memref_squeeze %dma_wait3A_374 : memref<1x128xf32, #tpu.memory_space<vmem>> -> memref<128xf32, #tpu.memory_space<vmem>>
        %dma_wait3A_376 = arith.constant 0 : i32
        %dma_wait3A_377 = tpu.memref_slice %arg8[%add3A_372, %dma_wait3A_376] : memref<98x128xi32, #tpu.memory_space<vmem>> -> memref<1x128xi32, #tpu.memory_space<vmem>>
        %dma_wait3A_378 = tpu.memref_squeeze %dma_wait3A_377 : memref<1x128xi32, #tpu.memory_space<vmem>> -> memref<128xi32, #tpu.memory_space<vmem>>
        %dma_wait3A_379 = arith.constant 0 : i32
        %dma_wait3A_380 = tpu.memref_slice %arg5[%dma_wait3A_379] : memref<802816xf32, #tpu.memory_space<vmem_shared>> -> memref<802816xf32, #tpu.memory_space<vmem_shared>>
        tpu.wait_indirect_dma semaphore(%arg14 : memref<!tpu.dma_semaphore, #tpu.memory_space<semaphore_mem>>) src(%dma_wait3A_375 : memref<128xf32, #tpu.memory_space<vmem>>) dst(%dma_wait3A_380 : memref<802816xf32, #tpu.memory_space<vmem_shared>>)
      }
      %scan3A_360 = arith.constant 98 : i32
      %barrier3A_361 = arith.constant 0 : index
      tpu.barrier barrier_id(%barrier3A_361)
      %scan3A_362 = arith.constant 0 : i32
      %scan3A_363 = arith.constant 4 : i32
      %scan3A_364 = arith.addi %scan3A_362, %scan3A_363 : i32
      %scan3A_365 = arith.constant 1 : i32
      scf.for %scan3A_368 = %scan3A_362 to %scan3A_364 step %scan3A_365  : i32 {
        %mul3A_369 = arith.constant 1 : i32
        %mul3A_370 = arith.muli %scan3A_368, %mul3A_369 : i32
        %add3A_371 = arith.constant 0 : i32
        %add3A_372 = arith.addi %add3A_371, %mul3A_370 : i32
        %mul3A_373 = arith.constant 12544 : i32
        %mul3A_374 = arith.muli %add3A_372, %mul3A_373 : i32
        %add3A_375 = arith.addi %mul3A_2, %mul3A_374 : i32
        "tpu.region"() ({
          %run_scoped3A = tpu.sem_alloc : memref<!tpu.dma_semaphore, #tpu.memory_space<semaphore_mem>>
          %dma_start3A_389 = tpu.memref_slice %arg5[%add3A_375] : memref<802816xf32, #tpu.memory_space<vmem_shared>> -> memref<12544xf32, #tpu.memory_space<vmem_shared>>
          %dma_start3A_390 = tpu.memref_slice %arg5[%add3A_375] : memref<802816xf32, #tpu.memory_space<vmem_shared>> -> memref<12544xf32, #tpu.memory_space<vmem_shared>>
          tpu.enqueue_dma source(%dma_start3A_390 : memref<12544xf32, #tpu.memory_space<vmem_shared>>) target(%arg10 : memref<12544xf32, #tpu.memory_space<vmem>>) target_semaphore(%run_scoped3A : memref<!tpu.dma_semaphore, #tpu.memory_space<semaphore_mem>>)
          %dma_wait3A_391 = tpu.memref_slice %arg5[%add3A_375] : memref<802816xf32, #tpu.memory_space<vmem_shared>> -> memref<12544xf32, #tpu.memory_space<vmem_shared>>
          %dma_wait3A_392 = tpu.memref_slice %arg5[%add3A_375] : memref<802816xf32, #tpu.memory_space<vmem_shared>> -> memref<12544xf32, #tpu.memory_space<vmem_shared>>
          tpu.wait_dma2 semaphore(%run_scoped3A : memref<!tpu.dma_semaphore, #tpu.memory_space<semaphore_mem>>) src(%dma_wait3A_392 : memref<12544xf32, #tpu.memory_space<vmem_shared>>) dst(%arg10 : memref<12544xf32, #tpu.memory_space<vmem>>)
          tpu.yield
        }) : () -> ()
        %scan3A_376 = arith.constant 0 : i32
        %scan3A_377 = arith.constant 784 : i32
        %scan3A_378 = arith.addi %scan3A_376, %scan3A_377 : i32
        %scan3A_379 = arith.constant 1 : i32
        scf.for %scan3A_389 = %scan3A_376 to %scan3A_378 step %scan3A_379  : i32 {
          %mul3A_390 = arith.constant 1 : i32
          %mul3A_391 = arith.muli %scan3A_389, %mul3A_390 : i32
          %add3A_392 = arith.constant 0 : i32
          %add3A_393 = arith.addi %add3A_392, %mul3A_391 : i32
          %mul3A_394 = arith.constant 16 : i32
          %mul3A_395 = arith.muli %add3A_393, %mul3A_394 : i32
          %get3A = arith.index_cast %mul3A_395 : i32 to index
          %get3A_396 = tpu.vector_load %arg10[%get3A] {strides = array<i32>} : memref<12544xf32, #tpu.memory_space<vmem>>, vector<16xf32>,
          %get3A_397 = vector.shape_cast %get3A_396 : vector<16xf32> to vector<16xf32>
          %swap3A = arith.index_cast %add3A_393 : i32 to index
          %swap3A_398 = arith.constant 0 : index
          %swap3A_399 = tpu.vector_load %arg11[%swap3A, %swap3A_398] {strides = array<i32>} : memref<784x16xf32, #tpu.memory_space<vmem>>, vector<1x16xf32>,
          %swap3A_400 = vector.shape_cast %swap3A_399 : vector<1x16xf32> to vector<16xf32>
          %swap3A_401 = vector.shape_cast %get3A_397 : vector<16xf32> to vector<1x16xf32>
          tpu.vector_store %arg11[%swap3A, %swap3A_398], %swap3A_401 {strides = array<i32>} : memref<784x16xf32, #tpu.memory_space<vmem>>, vector<1x16xf32>,
        }
        %scan3A_380 = arith.constant 784 : i32
        %mul3A_381 = arith.constant 784 : i32
        %mul3A_382 = arith.muli %add3A_372, %mul3A_381 : i32
        %add3A_383 = arith.addi %mul3A_4, %mul3A_382 : i32
        "tpu.region"() ({
          %run_scoped3A = tpu.sem_alloc : memref<!tpu.dma_semaphore, #tpu.memory_space<semaphore_mem>>
          %dma_start3A_389 = tpu.memref_slice %arg4[%add3A_52, %add3A_383, %add3A_316] : memref<4x50176x192xf32, #tpu.memory_space<hbm>> -> memref<1x784x16xf32, #tpu.memory_space<hbm>>
          %dma_start3A_390 = tpu.memref_squeeze %dma_start3A_389 : memref<1x784x16xf32, #tpu.memory_space<hbm>> -> memref<784x16xf32, #tpu.memory_space<hbm>>
          %dma_start3A_391 = tpu.memref_slice %arg4[%add3A_52, %add3A_383, %add3A_316] : memref<4x50176x192xf32, #tpu.memory_space<hbm>> -> memref<1x784x16xf32, #tpu.memory_space<hbm>>
          %dma_start3A_392 = tpu.memref_squeeze %dma_start3A_391 : memref<1x784x16xf32, #tpu.memory_space<hbm>> -> memref<784x16xf32, #tpu.memory_space<hbm>>
          tpu.enqueue_dma source(%arg11 : memref<784x16xf32, #tpu.memory_space<vmem>>) target(%dma_start3A_392 : memref<784x16xf32, #tpu.memory_space<hbm>>) target_semaphore(%run_scoped3A : memref<!tpu.dma_semaphore, #tpu.memory_space<semaphore_mem>>)
          %dma_wait3A_393 = tpu.memref_slice %arg4[%add3A_52, %add3A_383, %add3A_316] : memref<4x50176x192xf32, #tpu.memory_space<hbm>> -> memref<1x784x16xf32, #tpu.memory_space<hbm>>
          %dma_wait3A_394 = tpu.memref_squeeze %dma_wait3A_393 : memref<1x784x16xf32, #tpu.memory_space<hbm>> -> memref<784x16xf32, #tpu.memory_space<hbm>>
          %dma_wait3A_395 = tpu.memref_slice %arg4[%add3A_52, %add3A_383, %add3A_316] : memref<4x50176x192xf32, #tpu.memory_space<hbm>> -> memref<1x784x16xf32, #tpu.memory_space<hbm>>
          %dma_wait3A_396 = tpu.memref_squeeze %dma_wait3A_395 : memref<1x784x16xf32, #tpu.memory_space<hbm>> -> memref<784x16xf32, #tpu.memory_space<hbm>>
          tpu.wait_dma2 semaphore(%run_scoped3A : memref<!tpu.dma_semaphore, #tpu.memory_space<semaphore_mem>>) src(%arg11 : memref<784x16xf32, #tpu.memory_space<vmem>>) dst(%dma_wait3A_396 : memref<784x16xf32, #tpu.memory_space<hbm>>)
          tpu.yield
        }) : () -> ()
        %scan3A_384 = arith.constant 0 : i32
        %scan3A_385 = arith.constant 4 : i32
        %scan3A_386 = arith.addi %scan3A_384, %scan3A_385 : i32
        %scan3A_387 = arith.constant 1 : i32
        scf.for %scan3A_389 = %scan3A_384 to %scan3A_386 step %scan3A_387  : i32 {
          %mul3A_390 = arith.constant 1 : i32
          %mul3A_391 = arith.muli %scan3A_389, %mul3A_390 : i32
          %add3A_392 = arith.constant 0 : i32
          %add3A_393 = arith.addi %add3A_392, %mul3A_391 : i32
          %mul3A_394 = arith.constant 3136 : i32
          %mul3A_395 = arith.muli %add3A_393, %mul3A_394 : i32
          %add3A_396 = arith.addi %add3A_375, %mul3A_395 : i32
          "tpu.region"() ({
            %run_scoped3A = tpu.sem_alloc : memref<!tpu.dma_semaphore, #tpu.memory_space<semaphore_mem>>
            %dma_start3A_397 = tpu.memref_slice %arg5[%add3A_396] : memref<802816xf32, #tpu.memory_space<vmem_shared>> -> memref<3136xf32, #tpu.memory_space<vmem_shared>>
            %dma_start3A_398 = tpu.memref_slice %arg5[%add3A_396] : memref<802816xf32, #tpu.memory_space<vmem_shared>> -> memref<3136xf32, #tpu.memory_space<vmem_shared>>
            tpu.enqueue_dma source(%arg12 : memref<3136xf32, #tpu.memory_space<vmem>>) target(%dma_start3A_398 : memref<3136xf32, #tpu.memory_space<vmem_shared>>) target_semaphore(%run_scoped3A : memref<!tpu.dma_semaphore, #tpu.memory_space<semaphore_mem>>)
            %dma_wait3A_399 = tpu.memref_slice %arg5[%add3A_396] : memref<802816xf32, #tpu.memory_space<vmem_shared>> -> memref<3136xf32, #tpu.memory_space<vmem_shared>>
            %dma_wait3A_400 = tpu.memref_slice %arg5[%add3A_396] : memref<802816xf32, #tpu.memory_space<vmem_shared>> -> memref<3136xf32, #tpu.memory_space<vmem_shared>>
            tpu.wait_dma2 semaphore(%run_scoped3A : memref<!tpu.dma_semaphore, #tpu.memory_space<semaphore_mem>>) src(%arg12 : memref<3136xf32, #tpu.memory_space<vmem>>) dst(%dma_wait3A_400 : memref<3136xf32, #tpu.memory_space<vmem_shared>>)
            tpu.yield
          }) : () -> ()
        }
        %scan3A_388 = arith.constant 4 : i32
      }
      %scan3A_366 = arith.constant 4 : i32
      %barrier3A_367 = arith.constant 0 : index
      tpu.barrier barrier_id(%barrier3A_367)
    }
    %scan3A_34 = arith.constant 4 : i32
    %mul3A_35 = arith.constant 16 : i32
    %mul3A_36 = arith.muli %arg0, %mul3A_35 : i32
    %add3A_37 = arith.constant 0 : i32
    %add3A_38 = arith.addi %add3A_37, %mul3A_36 : i32
    %dma_wait3A = arith.constant 3 : i32
    %dma_wait3A_39 = tpu.memref_slice %arg3[%dma_wait3A, %mul3A_0, %add3A_38] : memref<4x12544x192xi32, #tpu.memory_space<hbm>> -> memref<1x784x16xi32, #tpu.memory_space<hbm>>
    %dma_wait3A_40 = tpu.memref_squeeze %dma_wait3A_39 : memref<1x784x16xi32, #tpu.memory_space<hbm>> -> memref<784x16xi32, #tpu.memory_space<hbm>>
    %dma_wait3A_41 = tpu.memref_slice %arg3[%dma_wait3A, %mul3A_0, %add3A_38] : memref<4x12544x192xi32, #tpu.memory_space<hbm>> -> memref<1x784x16xi32, #tpu.memory_space<hbm>>
    %dma_wait3A_42 = tpu.memref_squeeze %dma_wait3A_41 : memref<1x784x16xi32, #tpu.memory_space<hbm>> -> memref<784x16xi32, #tpu.memory_space<hbm>>
    tpu.wait_dma2 semaphore(%arg13 : memref<!tpu.dma_semaphore, #tpu.memory_space<semaphore_mem>>) src(%dma_wait3A_42 : memref<784x16xi32, #tpu.memory_space<hbm>>) dst(%arg6 : memref<784x16xi32, #tpu.memory_space<vmem>>)
    %dma_wait3A_43 = arith.constant 3 : i32
    %dma_wait3A_44 = tpu.memref_slice %arg2[%dma_wait3A_43, %mul3A_0, %add3A_38] : memref<4x12544x192xf32, #tpu.memory_space<hbm>> -> memref<1x784x16xf32, #tpu.memory_space<hbm>>
    %dma_wait3A_45 = tpu.memref_squeeze %dma_wait3A_44 : memref<1x784x16xf32, #tpu.memory_space<hbm>> -> memref<784x16xf32, #tpu.memory_space<hbm>>
    %dma_wait3A_46 = tpu.memref_slice %arg2[%dma_wait3A_43, %mul3A_0, %add3A_38] : memref<4x12544x192xf32, #tpu.memory_space<hbm>> -> memref<1x784x16xf32, #tpu.memory_space<hbm>>
    %dma_wait3A_47 = tpu.memref_squeeze %dma_wait3A_46 : memref<1x784x16xf32, #tpu.memory_space<hbm>> -> memref<784x16xf32, #tpu.memory_space<hbm>>
    tpu.wait_dma2 semaphore(%arg13 : memref<!tpu.dma_semaphore, #tpu.memory_space<semaphore_mem>>) src(%dma_wait3A_47 : memref<784x16xf32, #tpu.memory_space<hbm>>) dst(%arg7 : memref<784x16xf32, #tpu.memory_space<vmem>>)
    return
  }
}

</mosaic_0001>

<sc_bundles>
// kernel: kernel.3.cloned.1.call-start
scs
__scs_entry_jumppad:
0x0: {  	(pc) =	sbr.rel $0x88, $3  }
0x1: {  	(tag) =	ssettag $0x0;
	lr =	simm.s32 $0x1  }
0x2: {  	[smem:$0x3F9F] =	sst lr;
	_ =	strace $0xD0000000  }
0x3: {  	_ = 	snop  }
0x4: {  	_ = 	snop  }
0x5: {  	_ = 	snop  }
0x6: {  	_ = 	snop  }
0x7: {  	_ = 	snop  }
__scs_overlays_trampoline_lowered:
0x8: {  	[smem:$0x3FAE] =	sst s0  }
0x9: {  	[smem:$0x3FAF] =	sst s1  }
0xa: {  	[smem:$0x3FB0] =	sst s2  }
0xb: {  	[smem:$0x3FB1] =	sst s3  }
0xc: {  	[smem:$0x3FB2] =	sst s4  }
0xd: {  	[smem:$0x3FB3] =	sst s5  }
0xe: {  	[smem:$0x3FB4] =	sst s6  }
0xf: {  	[smem:$0x3FB5] =	sst s7  }
0x10: {  	[smem:$0x3FB6] =	sst s8  }
0x11: {  	[smem:$0x3FB7] =	sst s9;
	s0 =	simm.s32 @!p0 $0x0  }
0x12: {  	s1 =	sld [smem:$0x3F9D];
	s0 =	simm.s32 @p0 $0x1  }
0x13: {  	[smem:$0x3FB8] =	sst s0;
	s0 =	simm.s32 @!p1 $0x0  }
0x14: {  	s2 =	sld [smem:$0x3F9C];
	s0 =	simm.s32 @p1 $0x1  }
0x15: {  	[smem:$0x3FB9] =	sst s0;
	s0 =	simm.s32 @!p2 $0x0  }
0x16: {  	s3 =	sld [smem:$0x3FDB];
	s0 =	simm.s32 @p2 $0x1  }
0x17: {  	s4 =	simm.s32 $0x1BF5;
	[smem:$0x3FBB] =	sst s0  }
0x18: {  	s0 =	sld [smem:$0x3F9E];
	_ =	swait.ge [sflag:s4], $0x0  }
0x19: {  	s7 =	sld [smem:$0x3F9F]  }
0x1a: {  	s8 =	sadd.s32 $0xFFFFE003, lr  }
0x1b: {  	s9 =	sadd.s32 $0xFFFFFEF7, lr;
	s5 =	simm.s32 $0xFFFFFFFF;
	p2 =	slt.u32 s8, $0xFFFFF086  }
0x1c: {  	p1 =	slt.u32 s9, $0xF7A;
	s5 =	simm.s32 @!p2 $0x0  }
0x1d: {  	s5 =	simm.s32 @p1 $0x1;
	p0 =	seq.s32 s7, s2  }
0x1e: {  	s7 =	smul.u32 @!p0 $0xF7A, s2;
	p2 =	seq.s32 @!p0 s5, $0x0  }
0x1f: {  	s9 =	smul.u32 $0xF7A, s1;
	s8 =	simm.s32 @!p0 $0x1BF5;
	p2 =	por !p2, p0  }
0x20: {  	[sflag:s8] =	ssyncset.s32 @!p0 $0xFFFFF086;
	s6 =	sadd.s32 @!p0 s3, s7;
	s7 =	simm.s32 @!p0 $0x108  }
0x21: {  	s3 =	sadd.s32 s3, s9;
	s6 =	sadd.s32 @!p0 $0x88, s6;
	s7 =	simm.s32 @p2 $0x1082  }
0x22: {  	[simem:s7], [sflag:s8] =	dma.local @!p0 [hbm:s6], $0xF7A  }
0x23: {  	s9 =	sor.u32 $0xD0000000, s2;
	s6 =	simm.s32 $0x108;
	_ =	swait.ge @!p0 [sflag:s8], $0x0  }
0x24: {  	s3 =	sadd.s32 $0x88, s3;
	s6 =	simm.s32 @!p1 $0x1082;
	[sflag:s4] =	ssyncset.s32 $0xFFFFF086  }
0x25: {  	[simem:s6], [sflag:s4] =	dma.local [hbm:s3], $0xF7A  }
0x26: {  	[smem:$0x3F9F] =	sst s1;
	(tag) =	ssettag s2;
	_ =	strace s9  }
0x27: {  	s1 =	sld [smem:$0x3FAF]  }
0x28: {  	s2 =	sld [smem:$0x3FB0]  }
0x29: {  	s4 =	sld [smem:$0x3FB2]  }
0x2a: {  	p0 =	seq.s32 s5, $0x0;
	s5 =	sld [smem:$0x3FB3]  }
0x2b: {  	s6 =	sld [smem:$0x3FB4]  }
0x2c: {  	s7 =	sld [smem:$0x3FB5]  }
0x2d: {  	s3 =	simm.s32 $0x108;
	s8 =	sld [smem:$0x3FB6]  }
0x2e: {  	s3 =	simm.s32 @!p0 $0x1082;
	s9 =	sld [smem:$0x3FB7]  }
0x2f: {  	lr =	sadd.s32 s0, s3;
	s0 =	sld [smem:$0x3FAE]  }
0x30: {  	s3 =	sld [smem:$0x3FB1]  }
0x31: {  	[smem:$0x3FBA] =	sst s10  }
0x32: {  	s10 =	sld [smem:$0x3FB8];
	_ =	sdelay $0x3  }
0x33: {  	p0 =	seq.s32 s10, $0x1;
	s10 =	sld [smem:$0x3FBA];
	_ =	sdelay $0x3  }
0x34: {  	[smem:$0x3FBA] =	sst s10  }
0x35: {  	s10 =	sld [smem:$0x3FB9];
	_ =	sdelay $0x3  }
0x36: {  	p1 =	seq.s32 s10, $0x1;
	s10 =	sld [smem:$0x3FBA];
	_ =	sdelay $0x3  }
0x37: {  	[smem:$0x3FBA] =	sst s10  }
0x38: {  	s10 =	sld [smem:$0x3FBB]  }
0x39: {  	_ = 	snop;
	(pc) =	sbr.ind lr, $3  }
0x3a: {  	_ = 	snop  }
0x3b: {  	_ = 	snop  }
0x3c: {  	p2 =	seq.s32 s10, $0x1;
	s10 =	sld [smem:$0x3FBA]  }
0x3d: {  	_ =	shalt  }
0x3e: {  	_ =	shalt  }
0x3f: {  	_ =	shalt  }
0x40: {  	_ =	shalt  }
0x41: {  	_ =	shalt  }
0x42: {  	_ =	shalt  }
0x43: {  	_ =	shalt  }
0x44: {  	_ =	shalt  }
0x45: {  	_ =	shalt  }
0x46: {  	_ =	shalt  }
0x47: {  	_ =	shalt  }
0x48: {  	_ =	shalt  }
0x49: {  	_ =	shalt  }
0x4a: {  	_ =	shalt  }
0x4b: {  	_ =	shalt  }
0x4c: {  	_ =	shalt  }
0x4d: {  	_ =	shalt  }
0x4e: {  	_ =	shalt  }
0x4f: {  	_ =	shalt  }
0x50: {  	_ =	shalt  }
0x51: {  	_ =	shalt  }
0x52: {  	_ =	shalt  }
0x53: {  	_ =	shalt  }
0x54: {  	_ =	shalt  }
0x55: {  	_ =	shalt  }
0x56: {  	_ =	shalt  }
0x57: {  	_ =	shalt  }
0x58: {  	_ =	shalt  }
0x59: {  	_ =	shalt  }
0x5a: {  	_ =	shalt  }
0x5b: {  	_ =	shalt  }
0x5c: {  	_ =	shalt  }
0x5d: {  	_ =	shalt  }
0x5e: {  	_ =	shalt  }
0x5f: {  	_ =	shalt  }
0x60: {  	_ =	shalt  }
0x61: {  	_ =	shalt  }
0x62: {  	_ =	shalt  }
0x63: {  	_ =	shalt  }
0x64: {  	_ =	shalt  }
0x65: {  	_ =	shalt  }
0x66: {  	_ =	shalt  }
0x67: {  	_ =	shalt  }
0x68: {  	_ =	shalt  }
0x69: {  	_ =	shalt  }
0x6a: {  	_ =	shalt  }
0x6b: {  	_ =	shalt  }
0x6c: {  	_ =	shalt  }
0x6d: {  	_ =	shalt  }
0x6e: {  	_ =	shalt  }
0x6f: {  	_ =	shalt  }
0x70: {  	_ =	shalt  }
0x71: {  	_ =	shalt  }
0x72: {  	_ =	shalt  }
0x73: {  	_ =	shalt  }
0x74: {  	_ =	shalt  }
0x75: {  	_ =	shalt  }
0x76: {  	_ =	shalt  }
0x77: {  	_ =	shalt  }
0x78: {  	_ =	shalt  }
0x79: {  	_ =	shalt  }
0x7a: {  	_ =	shalt  }
0x7b: {  	_ =	shalt  }
0x7c: {  	_ =	shalt  }
0x7d: {  	_ =	shalt  }
0x7e: {  	_ =	shalt  }
0x7f: {  	_ =	shalt  }
0x80: {  	_ =	shalt  }
0x81: {  	_ =	shalt  }
0x82: {  	_ =	shalt  }
0x83: {  	_ =	shalt  }
0x84: {  	_ =	shalt  }
0x85: {  	_ =	shalt  }
0x86: {  	_ =	shalt  }
0x87: {  	_ =	shalt  }
.Lfunc_end0:
.L_simem_size_0:
called_computation.1_lowered:
.L_overlay_start_0:
0x88: {  	s2 =	sld [smem:$0x3FD9]  }
0x89: {  	s3 =	sld [smem:$0x3FFE];
	_ =	sdelay $0x1  }
0x8a: {  	s1 =	srdreg.scid  }
0x8b: {  	s0 =	sand.u32 $0x1, s1  }
0x8c: {  	s17 =	sshll.u32 s0, $0xA;
	s2 =	sadd.s32 s3, s2  }
0x8d: {  	s2 =	sadd.s32 s2, s17  }
0x8e: {  	[smem:$0x3FC6] =	sst s2  }
0x8f: {  	_ = 	snop  }
0x90: {  	s2 =	sld [smem:$0x3FD0];
	(tm) =	ssettm $0x1  }
0x91: {  	s18 =	sld [smem:$0x3FFB];
	_ =	sdelay $0x3  }
0x92: {  	_ =	strace s18  }
0x93: {  	s3 =	sld [smem:$0x3FFC];
	_ =	sdelay $0x3  }
0x94: {  	_ =	strace s3  }
0x95: {  	s3 =	sld [smem:$0x3FFD];
	_ =	sdelay $0x3  }
0x96: {  	_ =	strace s3  }
0x97: {  	_ =	strace $0x8FFFFFFF  }
0x98: {  	s19 =	sld [smem:$0x3FDB];
	_ =	sdelay $0x1  }
0x99: {  	s4 =	simm.s32 $_scs_section_size  }
0x9a: {  	s5 =	simm.s32 $_size__tile_overlayer_lowered;
	s6 =	simm.s32 $_tile_overlayer_lowered  }
0x9b: {  	s22 =	simm.s32 $0x1BFF;
	s21 =	sshll.u32 s6, $0x1;
	s3 =	sadd.s32 s4, s19  }
0x9c: {  	s7 =	simm.s32 $0x0;
	s20 =	sshll.u32 s5, $0x1;
	s5 =	sadd.s32 s21, s3  }
0x9d: {  	[timem:s7], [sflag:s22] =	dma.local [hbm:s5], s20  }
0x9e: {  	_ =	swait.ge [sflag:s22], s20  }
0x9f: {  	s4 =	ssub.s32 $0x0, s20;
	[sflag:s22] =	ssyncset.done $0x0  }
0xa0: {  	[sflag:s22] =	ssyncadd.s32 s4;
	_ =	sdelay $0x1  }
0xa1: {  	s23 =	simm.s32 $0x1B8B  }
0xa2: {  	_ =	swait.ge [sflag:s23], $0x1  }
0xa3: {  	[sflag:s23] =	ssyncset.done $0x0  }
0xa4: {  	s25 =	simm.s32 $0x1B8E;
	s24 =	sld [smem:$0x3FFE];
	[sflag:s23] =	ssyncadd.s32 $0xFFFFFFFF  }
0xa5: {  	s26 =	simm.s32 $execute0_lowered;
	[smem:$0x3FD2] =	sst s25  }
0xa6: {  	s5 =	sshll.u32 s26, $0x1;
	_ =	strace $0x80000046;
	[dreg:$0x1] =	wrdreg $0xFFFFFFFF  }
0xa7: {  	s28 =	simm.s32 $_size_execute0_lowered;
	s3 =	sadd.s32 s3, s5;
	[dreg:$0x0] =	wrdreg $0x0  }
0xa8: {  	s5 =	sshll.u32 s28, $0x1;
	[dreg:$0x2] =	wrdreg s3  }
0xa9: {  	[dreg:$0x3] =	wrdreg s5  }
0xaa: {  	[dreg:$0x4] =	wrdreg $0xC0  }
0xab: {  	_ =	task [dreg:s7], $0x5FFFF  }
0xac: {  	[dreg:$0x1] =	wrdreg $0xFFFFFFFF  }
0xad: {  	[dreg:$0x0] =	wrdreg $0x60  }
0xae: {  	[dreg:$0x2] =	wrdreg s24  }
0xaf: {  	[dreg:$0x3] =	wrdreg s2  }
0xb0: {  	[dreg:$0x4] =	wrdreg $0x0  }
0xb1: {  	[dreg:$0x5] =	wrdreg $0x9  }
0xb2: {  	_ =	task.clear_ibuf [dreg:s7], $0x6FFFF;
	_ =	strace $0x90000046  }
0xb3: {  	s29 =	simm.s32 $0x9;
	_ =	strace $0x80000048  }
0xb4: {  	_ =	swait.ge [sflag:s29], $0x1  }
0xb5: {  	[sflag:s29] =	ssyncadd.s32 $0xFFFFFFFF  }
0xb6: {  	_ =	strace $0x90000048  }
0xb7: {  	_ =	sfence  }
0xb8: {  	s30 =	sld [smem:$0x0];
	_ =	sdelay $0x2  }
0xb9: {  	s31 =	sshll.u32 s1, $0xD;
	s1 =	sshrl.u32 s1, $0x2  }
0xba: {  	s3 =	sand.u32 $0x4000, s31;
	s1 =	sadd.s32 s1, s30  }
0xbb: {  	s0 =	sor.u32 s3, s0;
	s1 =	sshll.u32 s1, $0x11  }
0xbc: {  	s0 =	sor.u32 s1, s0  }
0xbd: {  	s0 =	sadd.s32 $0x8F2B, s0  }
0xbe: {  	[sflag:s0] =	ssyncadd.remote.s32 $0x1  }
0xbf: {  	_ =	sfence.sel $0xFFFF  }
0xc0: {  	[dreg:$0x0] =	wrdreg $0xFFFFFFFF;
	(pc) =	sbr.abs _section_cstart, $3  }
0xc1: {  	[dreg:$0x1] =	wrdreg $0xFFFFFFFF  }
0xc2: {  	_ =	task.clear_ibuf [dreg:s7], $0x2FFFF;
	_ =	strace $0x9FFFFFFF  }
0xc3: {  	(tm) =	ssettm $0x7FFFFFFF  }
tec
execute0_lowered:
.L_overlay_start_1:
0x0: {  	(tag) =	ssettag $0x1  }
0x1: {  	s0 =	rddreg [dreg:$0x0]  }
0x2: {  	s1 =	rddreg [dreg:$0x1]  }
0x3: {  	s2 =	rddreg [dreg:$0x2]  }
0x4: {  	s12 =	simm.s32 $0x0;
	s3 =	srdreg.scid;
	s9 =	stileid.u32  }
0x5: {  	[smem:$0x7FF] =	sst s12;
	s10 =	smul.u32 $0x24C00, s9  }
0x6: {  	s5 =	sadd.s32 $0x800, s0;
	s3 =	sand.u32 $0x1, s3;
	s6 =	smul.u32 $0x31000, s9  }
0x7: {  	s8 =	sadd.s32 $0x126800, s0;
	s4 =	ssub.s32 $0x2, s3;
	s13 =	sshll.u32 s3, $0x4  }
0x8: {  	_ =	strace $0x80000047;
	s22 =	sshrl.u32 s4, $0x1;
	s7 =	sor.u32 s13, s10  }
0x9: {  	[dreg:$0x5] =	wrdreg s10;
	s23 =	sshrl.u32 s6, $0x2;
	s24 =	sshrl.u32 s7, $0x3  }
0xa: {  	s10 =	smul.u32 $0xC40, s9;
	[dreg:$0x6] =	wrdreg s7;
	s25 =	sadd.s32 s8, s24  }
0xb: {  	s0 =	ssub.s32 s4, s22;
	s26 =	sadd.s32 s5, s24;
	[dreg:$0x7] =	wrdreg s25  }
0xc: {  	s11 =	sadd.s32 s23, s2;
	s0 =	smax.u32 s0, $0x1;
	[dreg:$0x8] =	wrdreg s26  }
0xd: {  	s14 =	sor.u32 $0x20, s13;
	s31 =	sadd.s32 $0xC40, s11;
	[dreg:$0x9] =	wrdreg s0  }
0xe: {  	s15 =	sor.u32 $0x40, s13;
	s3 =	sadd.s32 $0x1880, s11;
	[dreg:$0xa] =	wrdreg s31  }
0xf: {  	s16 =	sor.u32 $0x60, s13;
	s4 =	sadd.s32 $0x24C0, s11;
	[dreg:$0xb] =	wrdreg s3  }
0x10: {  	s17 =	sor.u32 $0x80, s13;
	s6 =	sadd.s32 $0x3100, s11;
	[dreg:$0xc] =	wrdreg s4  }
0x11: {  	s18 =	sor.u32 $0xA0, s13;
	s9 =	sadd.s32 $0x3D40, s11;
	[dreg:$0xd] =	wrdreg s6  }
0x12: {  	s7 =	smov.u32 s13;
	s13 =	sadd.s32 $0x4980, s11;
	[dreg:$0xe] =	wrdreg s9  }
0x13: {  	s19 =	sadd.s32 $0x55C0, s11;
	[dreg:$0xf] =	wrdreg s13  }
0x14: {  	s20 =	sadd.s32 $0x6200, s11;
	[dreg:$0x10] =	wrdreg s19  }
0x15: {  	s21 =	sadd.s32 $0x6E40, s11;
	[dreg:$0x11] =	wrdreg s20  }
0x16: {  	s28 =	simm.s32 $0x2;
	s22 =	sadd.s32 $0x7A80, s11;
	[dreg:$0x12] =	wrdreg s21  }
0x17: {  	s29 =	simm.s32 $0x18800;
	s23 =	sadd.s32 $0x86C0, s11;
	[dreg:$0x13] =	wrdreg s22  }
0x18: {  	s30 =	simm.s32 $0x1B900;
	s24 =	sadd.s32 $0x9300, s11;
	[dreg:$0x14] =	wrdreg s23  }
0x19: {  	[dreg:$0x15] =	wrdreg s24;
	s25 =	sadd.s32 $0x9F40, s11;
	s26 =	sadd.s32 $0xAB80, s11  }
0x1a: {  	s31 =	sadd.s32 $0xB7C0, s11;
	s19 =	simm.s32 $0x1EA00;
	s20 =	simm.s32 $0x3  }
0x1b: {  	s21 =	simm.s32 $0x10;
	s22 =	simm.s32 $0xC0;
	[dreg:$0x16] =	wrdreg s25  }
0x1c: {  	s23 =	simm.s32 $0xC400;
	s24 =	simm.s32 $0xF500;
	[dreg:$0x17] =	wrdreg s26  }
0x1d: {  	v0 =	vimm.f32 $0.0e+00;
	v1 =	vlaneseq.u32;
	[dreg:$0x18] =	wrdreg s31;
	s25 =	simm.s32 $0x1;
	s26 =	simm.s32 $0x80  }
.LBB2_1:
0x1e: {  	[dreg:$0x4] =	wrdreg s12;
	s0 =	simm.s32 $0x40;
	s3 =	simm.s32 $0x0  }
.LBB2_2:
0x1f: {  	p0 =	sne.s32 s0, $0x30C0;
	[tilespmem:s3+$0x1EA00] =	vst v0;
	s3 =	smov.u32 s0;
	s0 =	sadd.s32 $0x40, s0  }
.Ltmp0:
0x20: {  	(pc) =	sbr.rel @p0 .LBB2_2-.Ltmp0, $2  }
0x21: {  	_ =	sdelay $0x2  }
0x22: {  	s3 =	sshra.s32 s3, $0x2  }
0x23: {  	[tilespmem:s3+$0x1EA00] =	vst v0  }
0x24: {  	[spmem:s11] =	stream.linear.scatter [tilespmem:s19], [sflag:$0x3], $0xC40, $0x38;
	[tilespmem:$0x1F640] =	vst v63  }
0x25: {  	_ =	swait.ge [sflag:s20], $0xC40  }
0x26: {  	[sflag:s20] =	ssyncset.done $0x0  }
0x27: {  	s0 =	rddreg [dreg:$0xa];
	[sflag:s20] =	ssyncadd.s32 $0xFFFFF3C0  }
0x28: {  	[spmem:s0] =	stream.linear.scatter [tilespmem:s19], [sflag:$0x3], $0xC40, $0x38;
	[tilespmem:$0x1F640] =	vst v63  }
0x29: {  	_ =	swait.ge [sflag:s20], $0xC40  }
0x2a: {  	[sflag:s20] =	ssyncset.done $0x0  }
0x2b: {  	s6 =	rddreg [dreg:$0xb];
	[sflag:s20] =	ssyncadd.s32 $0xFFFFF3C0  }
0x2c: {  	[spmem:s6] =	stream.linear.scatter [tilespmem:s19], [sflag:$0x3], $0xC40, $0x38;
	[tilespmem:$0x1F640] =	vst v63  }
0x2d: {  	_ =	swait.ge [sflag:s20], $0xC40  }
0x2e: {  	[sflag:s20] =	ssyncset.done $0x0  }
0x2f: {  	s9 =	rddreg [dreg:$0xc];
	[sflag:s20] =	ssyncadd.s32 $0xFFFFF3C0  }
0x30: {  	[spmem:s9] =	stream.linear.scatter [tilespmem:s19], [sflag:$0x3], $0xC40, $0x38;
	[tilespmem:$0x1F640] =	vst v63  }
0x31: {  	_ =	swait.ge [sflag:s20], $0xC40  }
0x32: {  	[sflag:s20] =	ssyncset.done $0x0  }
0x33: {  	s12 =	rddreg [dreg:$0xd];
	[sflag:s20] =	ssyncadd.s32 $0xFFFFF3C0  }
0x34: {  	[spmem:s12] =	stream.linear.scatter [tilespmem:s19], [sflag:$0x3], $0xC40, $0x38;
	[tilespmem:$0x1F640] =	vst v63  }
0x35: {  	_ =	swait.ge [sflag:s20], $0xC40  }
0x36: {  	[sflag:s20] =	ssyncset.done $0x0  }
0x37: {  	s13 =	rddreg [dreg:$0xe];
	[sflag:s20] =	ssyncadd.s32 $0xFFFFF3C0  }
0x38: {  	[spmem:s13] =	stream.linear.scatter [tilespmem:s19], [sflag:$0x3], $0xC40, $0x38;
	[tilespmem:$0x1F640] =	vst v63  }
0x39: {  	_ =	swait.ge [sflag:s20], $0xC40  }
0x3a: {  	[sflag:s20] =	ssyncset.done $0x0  }
0x3b: {  	s3 =	rddreg [dreg:$0xf];
	[sflag:s20] =	ssyncadd.s32 $0xFFFFF3C0  }
0x3c: {  	[spmem:s3] =	stream.linear.scatter [tilespmem:s19], [sflag:$0x3], $0xC40, $0x38;
	[tilespmem:$0x1F640] =	vst v63  }
0x3d: {  	_ =	swait.ge [sflag:s20], $0xC40  }
0x3e: {  	[sflag:s20] =	ssyncset.done $0x0  }
0x3f: {  	s4 =	rddreg [dreg:$0x10];
	[sflag:s20] =	ssyncadd.s32 $0xFFFFF3C0  }
0x40: {  	[spmem:s4] =	stream.linear.scatter [tilespmem:s19], [sflag:$0x3], $0xC40, $0x38;
	[tilespmem:$0x1F640] =	vst v63  }
0x41: {  	_ =	swait.ge [sflag:s20], $0xC40  }
0x42: {  	[sflag:s20] =	ssyncset.done $0x0  }
0x43: {  	s6 =	rddreg [dreg:$0x11];
	[sflag:s20] =	ssyncadd.s32 $0xFFFFF3C0  }
0x44: {  	[spmem:s6] =	stream.linear.scatter [tilespmem:s19], [sflag:$0x3], $0xC40, $0x38;
	[tilespmem:$0x1F640] =	vst v63  }
0x45: {  	_ =	swait.ge [sflag:s20], $0xC40  }
0x46: {  	[sflag:s20] =	ssyncset.done $0x0  }
0x47: {  	s9 =	rddreg [dreg:$0x12];
	[sflag:s20] =	ssyncadd.s32 $0xFFFFF3C0  }
0x48: {  	[spmem:s9] =	stream.linear.scatter [tilespmem:s19], [sflag:$0x3], $0xC40, $0x38;
	[tilespmem:$0x1F640] =	vst v63  }
0x49: {  	_ =	swait.ge [sflag:s20], $0xC40  }
0x4a: {  	[sflag:s20] =	ssyncset.done $0x0  }
0x4b: {  	s12 =	rddreg [dreg:$0x13];
	[sflag:s20] =	ssyncadd.s32 $0xFFFFF3C0  }
0x4c: {  	[spmem:s12] =	stream.linear.scatter [tilespmem:s19], [sflag:$0x3], $0xC40, $0x38;
	[tilespmem:$0x1F640] =	vst v63  }
0x4d: {  	_ =	swait.ge [sflag:s20], $0xC40  }
0x4e: {  	[sflag:s20] =	ssyncset.done $0x0  }
0x4f: {  	s13 =	rddreg [dreg:$0x14];
	[sflag:s20] =	ssyncadd.s32 $0xFFFFF3C0  }
0x50: {  	[spmem:s13] =	stream.linear.scatter [tilespmem:s19], [sflag:$0x3], $0xC40, $0x38;
	[tilespmem:$0x1F640] =	vst v63  }
0x51: {  	_ =	swait.ge [sflag:s20], $0xC40  }
0x52: {  	[sflag:s20] =	ssyncset.done $0x0  }
0x53: {  	s3 =	rddreg [dreg:$0x15];
	[sflag:s20] =	ssyncadd.s32 $0xFFFFF3C0  }
0x54: {  	[spmem:s3] =	stream.linear.scatter [tilespmem:s19], [sflag:$0x3], $0xC40, $0x38;
	[tilespmem:$0x1F640] =	vst v63  }
0x55: {  	_ =	swait.ge [sflag:s20], $0xC40  }
0x56: {  	[sflag:s20] =	ssyncset.done $0x0  }
0x57: {  	s4 =	rddreg [dreg:$0x16];
	[sflag:s20] =	ssyncadd.s32 $0xFFFFF3C0  }
0x58: {  	[spmem:s4] =	stream.linear.scatter [tilespmem:s19], [sflag:$0x3], $0xC40, $0x38;
	[tilespmem:$0x1F640] =	vst v63  }
0x59: {  	_ =	swait.ge [sflag:s20], $0xC40  }
0x5a: {  	[sflag:s20] =	ssyncset.done $0x0  }
0x5b: {  	s6 =	rddreg [dreg:$0x17];
	[sflag:s20] =	ssyncadd.s32 $0xFFFFF3C0  }
0x5c: {  	[spmem:s6] =	stream.linear.scatter [tilespmem:s19], [sflag:$0x3], $0xC40, $0x38;
	[tilespmem:$0x1F640] =	vst v63  }
0x5d: {  	_ =	swait.ge [sflag:s20], $0xC40  }
0x5e: {  	[sflag:s20] =	ssyncset.done $0x0  }
0x5f: {  	s9 =	rddreg [dreg:$0x18];
	[sflag:s20] =	ssyncadd.s32 $0xFFFFF3C0  }
0x60: {  	[spmem:s9] =	stream.linear.scatter [tilespmem:s19], [sflag:$0x3], $0xC40, $0x38;
	[tilespmem:$0x1F640] =	vst v63  }
0x61: {  	_ =	swait.ge [sflag:s20], $0xC40  }
0x62: {  	[sflag:s20] =	ssyncset.done $0x0  }
0x63: {  	s12 =	rddreg [dreg:$0x7];
	[sflag:s20] =	ssyncadd.s32 $0xFFFFF3C0  }
0x64: {  	[tilespmem:s23], [sflag:$0x1] =	stream.strided.gather [hbm4b:s12+s21], $0x3100, s22, s21, $0x38;
	[tilespmem:$0x1F640] =	vst v63  }
0x65: {  	s13 =	rddreg [dreg:$0x8]  }
0x66: {  	[tilespmem:s24], [sflag:$0x1] =	stream.strided.gather [hbm4b:s13+s21], $0x3100, s22, s21, $0x38;
	[tilespmem:$0x1F640] =	vst v63  }
0x67: {  	s31 =	simm.s32 $0x0;
	[bflag:$0x0] =	sbarrier.arrive $0xFFFF  }
.LBB2_4:
0x68: {  	_ =	swait.ge [sflag:s25], $0x3100  }
0x69: {  	[sflag:s25] =	ssyncset.done $0x0  }
0x6a: {  	[sflag:s25] =	ssyncadd.s32 $0xFFFFCF00  }
0x6b: {  	_ =	swait.ge [sflag:s25], $0x3100  }
0x6c: {  	[sflag:s25] =	ssyncset.done $0x0  }
0x6d: {  	s3 =	simm.s32 $0x0;
	[sflag:s25] =	ssyncadd.s32 $0xFFFFCF00  }
0x6e: {  	v2 =	vld [tilespmem:s3+$0xC470];
	_ =	sdelay $0x1  }
0x6f: {  	v4 =	vld [tilespmem:s3+$0xC410]  }
0x70: {  	v5 =	vld [tilespmem:s3+$0xC420]  }
0x71: {  	v6 =	vld [tilespmem:s3+$0xC430]  }
0x72: {  	v7 =	vld [tilespmem:s3+$0xC440];
	v2 =	vshrl.u32 v2, $0x6  }
0x73: {  	v8 =	vld [tilespmem:s3+$0xC450];
	v2 =	vcvt.s32.f32 v2  }
0x74: {  	v9 =	vld [tilespmem:s3+$0xC460]  }
0x75: {  	v2 =	vmul.f32 $3.333333430e-01, v2  }
0x76: {  	v10 =	vld [tilespmem:s3+$0xF500];
	v4 =	vshrl.u32 v4, $0x6;
	v5 =	vshrl.u32 v5, $0x6;
	v6 =	vshrl.u32 v6, $0x6  }
0x77: {  	v3 =	vld [tilespmem:s3+$0xC400];
	v7 =	vshrl.u32 v7, $0x6;
	v4 =	vcvt.s32.f32 v4;
	v2 =	vtrunc.f32 v2  }
0x78: {  	v11 =	vld [tilespmem:s3+$0xF510];
	v8 =	vshrl.u32 v8, $0x6;
	v5 =	vcvt.s32.f32 v5;
	v2 =	vcvt.f32.s32 v2  }
0x79: {  	v12 =	vld [tilespmem:s3+$0xF520];
	v9 =	vshrl.u32 v9, $0x6;
	v6 =	vcvt.s32.f32 v6;
	v7 =	vcvt.s32.f32 v7  }
0x7a: {  	v13 =	vld [tilespmem:s3+$0xF530];
	v8 =	vcvt.s32.f32 v8;
	v9 =	vcvt.s32.f32 v9;
	v2 =	vshll.u32 v2, $0x4  }
0x7b: {  	v14 =	vld [tilespmem:s3+$0xF540];
	[tilespmem:s3+$0x15700] =	vst v10;
	v4 =	vmul.f32 $3.333333430e-01, v4;
	v5 =	vmul.f32 $3.333333430e-01, v5;
	v2 =	vor.u32 v1, v2  }
0x7c: {  	v10 =	vld [tilespmem:s3+$0xF550];
	v6 =	vmul.f32 $3.333333430e-01, v6;
	v7 =	vmul.f32 $3.333333430e-01, v7;
	[tilespmem:s3+$0x12670] =	vst v2;
	v2 =	vshrl.u32 v3, $0x6  }
0x7d: {  	[tilespmem:s3+$0x15710] =	vst v11;
	v11 =	vld [tilespmem:s3+$0xF560];
	v8 =	vmul.f32 $3.333333430e-01, v8;
	v2 =	vcvt.s32.f32 v2  }
0x7e: {  	s0 =	simm.s32 $0x80;
	v9 =	vmul.f32 $3.333333430e-01, v9;
	v4 =	vtrunc.f32 v4;
	v3 =	vld [tilespmem:s3+$0xF570]  }
0x7f: {  	v5 =	vtrunc.f32 v5;
	v15 =	vld [tilespmem:s0+$0xC470];
	v2 =	vmul.f32 $3.333333430e-01, v2  }
0x80: {  	v6 =	vtrunc.f32 v6;
	v7 =	vtrunc.f32 v7;
	v16 =	vld [tilespmem:s0+$0xC400]  }
0x81: {  	v8 =	vtrunc.f32 v8;
	v17 =	vld [tilespmem:s0+$0xC410];
	[tilespmem:s3+$0x15720] =	vst v12;
	v2 =	vtrunc.f32 v2  }
0x82: {  	v9 =	vtrunc.f32 v9;
	v12 =	vld [tilespmem:s0+$0xC420];
	[tilespmem:s3+$0x15730] =	vst v13;
	v2 =	vcvt.f32.s32 v2  }
0x83: {  	v4 =	vcvt.f32.s32 v4;
	v5 =	vcvt.f32.s32 v5;
	v13 =	vld [tilespmem:s0+$0xC430];
	[tilespmem:s3+$0x15740] =	vst v14  }
0x84: {  	v8 =	vcvt.f32.s32 v8;
	v9 =	vcvt.f32.s32 v9;
	v14 =	vld [tilespmem:s0+$0xC440];
	[tilespmem:s3+$0x15750] =	vst v10;
	v2 =	vshll.u32 v2, $0x4  }
0x85: {  	v4 =	vshll.u32 v4, $0x4;
	v18 =	vshll.u32 v5, $0x4;
	v10 =	vld [tilespmem:s0+$0xC450];
	[tilespmem:s3+$0x15760] =	vst v11;
	v2 =	vor.u32 v1, v2  }
0x86: {  	v4 =	vor.u32 v1, v4;
	v11 =	vld [tilespmem:s0+$0xC460];
	v15 =	vshrl.u32 v15, $0x6;
	[tilespmem:s3+$0x12600] =	vst v2;
	v2 =	vcvt.f32.s32 v6  }
0x87: {  	v5 =	vcvt.s32.f32 v15;
	v6 =	vcvt.f32.s32 v7;
	v7 =	vld [tilespmem:s0+$0xF500];
	[tilespmem:s3+$0x12610] =	vst v4;
	v4 =	vshrl.u32 v16, $0x6  }
0x88: {  	v20 =	vshll.u32 v8, $0x4;
	v16 =	vshll.u32 v2, $0x4;
	v2 =	vcvt.s32.f32 v4  }
0x89: {  	v8 =	vshrl.u32 v12, $0x6;
	v5 =	vmul.f32 $3.333333430e-01, v5;
	v4 =	vshrl.u32 v17, $0x6  }
0x8a: {  	v15 =	vld [tilespmem:s0+$0xF510];
	v19 =	vshll.u32 v6, $0x4;
	v6 =	vcvt.s32.f32 v4;
	v12 =	vmul.f32 $3.333333430e-01, v2  }
0x8b: {  	v2 =	vcvt.s32.f32 v8;
	v8 =	vshrl.u32 v13, $0x6;
	v13 =	vtrunc.f32 v5  }
0x8c: {  	[tilespmem:s3+$0x15770] =	vst v3;
	v17 =	vcvt.s32.f32 v8;
	v8 =	vshrl.u32 v14, $0x6;
	v13 =	vcvt.f32.s32 v13  }
0x8d: {  	v3 =	vld [tilespmem:s0+$0xF520];
	[tilespmem:s0+$0x15700] =	vst v7;
	v14 =	vcvt.s32.f32 v8;
	v7 =	vshrl.u32 v10, $0x6;
	v10 =	vmul.f32 $3.333333430e-01, v6  }
0x8e: {  	v4 =	vld [tilespmem:s0+$0xF530];
	v21 =	vcvt.s32.f32 v7;
	v7 =	vshrl.u32 v11, $0x6;
	v11 =	vmul.f32 $3.333333430e-01, v2  }
0x8f: {  	v5 =	vld [tilespmem:s0+$0xF540];
	v8 =	vshll.u32 v13, $0x4;
	[tilespmem:s0+$0x15710] =	vst v15;
	v17 =	vmul.f32 $3.333333430e-01, v17;
	v15 =	vtrunc.f32 v12  }
0x90: {  	v6 =	vld [tilespmem:s0+$0xF550];
	v12 =	vor.u32 v1, v16;
	v2 =	vcvt.s32.f32 v7;
	v13 =	vor.u32 v1, v8  }
0x91: {  	v7 =	vld [tilespmem:s0+$0xF560];
	v22 =	vmul.f32 $3.333333430e-01, v14;
	v14 =	vtrunc.f32 v10;
	[tilespmem:s0+$0x12670] =	vst v13;
	v13 =	vor.u32 v1, v18  }
0x92: {  	v8 =	vshll.u32 v9, $0x4;
	v21 =	vmul.f32 $3.333333430e-01, v21;
	v9 =	vmul.f32 $3.333333430e-01, v2;
	v2 =	vld [tilespmem:s0+$0xF570];
	[tilespmem:s3+$0x12620] =	vst v13  }
0x93: {  	v16 =	vor.u32 v1, v19;
	v10 =	vtrunc.f32 v17;
	v13 =	vtrunc.f32 v11;
	[tilespmem:s3+$0x12630] =	vst v12  }
0x94: {  	s12 =	simm.s32 $0x100;
	s4 =	simm.s32 $0x600;
	v12 =	vtrunc.f32 v22;
	[tilespmem:s3+$0x12640] =	vst v16;
	v16 =	vor.u32 v1, v20;
	v11 =	vtrunc.f32 v21  }
.LBB2_5:
0x95: {  	p0 =	sne.s32 s4, $0xC200;
	v17 =	vld [tilespmem:s12+$0xC470];
	v15 =	vcvt.f32.s32 v15;
	v9 =	vtrunc.f32 v9;
	[tilespmem:s3+$0x12650] =	vst v16;
	v8 =	vor.u32 v1, v8  }
0x96: {  	v14 =	vcvt.f32.s32 v14;
	v13 =	vcvt.f32.s32 v13;
	v16 =	vld [tilespmem:s12+$0xC400];
	[tilespmem:s3+$0x12660] =	vst v8;
	s3 =	smov.u32 s0;
	s0 =	smov.u32 s12  }
0x97: {  	v8 =	vcvt.f32.s32 v12;
	v18 =	vld [tilespmem:s0+$0xC410];
	v15 =	vshll.u32 v15, $0x4;
	[tilespmem:s3+$0x15720] =	vst v3;
	v3 =	vcvt.f32.s32 v10  }
0x98: {  	v9 =	vcvt.f32.s32 v9;
	v12 =	vshll.u32 v14, $0x4;
	v10 =	vld [tilespmem:s0+$0xC420];
	[tilespmem:s3+$0x15730] =	vst v4;
	v4 =	vcvt.f32.s32 v11  }
0x99: {  	v13 =	vshll.u32 v13, $0x4;
	v20 =	vshll.u32 v8, $0x4;
	v11 =	vld [tilespmem:s0+$0xC430];
	v19 =	vshll.u32 v3, $0x4;
	[tilespmem:s3+$0x15740] =	vst v5  }
0x9a: {  	v8 =	vshll.u32 v9, $0x4;
	v5 =	vld [tilespmem:s0+$0xC440];
	v3 =	vshrl.u32 v17, $0x6;
	v17 =	vshll.u32 v4, $0x4;
	[tilespmem:s3+$0x15750] =	vst v6  }
0x9b: {  	v9 =	vor.u32 v1, v15;
	v4 =	vshrl.u32 v16, $0x6;
	v6 =	vld [tilespmem:s0+$0xC450];
	v3 =	vcvt.s32.f32 v3;
	[tilespmem:s3+$0x15760] =	vst v7  }
0x9c: {  	v4 =	vcvt.s32.f32 v4;
	v7 =	vshrl.u32 v18, $0x6;
	v14 =	vld [tilespmem:s0+$0xC460];
	[tilespmem:s3+$0x12600] =	vst v9;
	v9 =	vor.u32 v1, v12  }
0x9d: {  	v12 =	vld [tilespmem:s0+$0xF500];
	v7 =	vcvt.s32.f32 v7;
	v10 =	vshrl.u32 v10, $0x6;
	v15 =	vmul.f32 $3.333333430e-01, v3;
	[tilespmem:s3+$0x12610] =	vst v9  }
0x9e: {  	v16 =	vmul.f32 $3.333333430e-01, v4;
	v9 =	vld [tilespmem:s0+$0xF510];
	v10 =	vcvt.s32.f32 v10;
	v4 =	vshrl.u32 v11, $0x6;
	[tilespmem:s3+$0x15770] =	vst v2  }
0x9f: {  	v3 =	vld [tilespmem:s0+$0xF520];
	v2 =	vcvt.s32.f32 v4;
	v5 =	vshrl.u32 v5, $0x6;
	v11 =	vtrunc.f32 v15  }
0xa0: {  	v4 =	vld [tilespmem:s0+$0xF530];
	v15 =	vcvt.s32.f32 v5;
	v6 =	vshrl.u32 v6, $0x6;
	v11 =	vcvt.f32.s32 v11  }
0xa1: {  	v18 =	vmul.f32 $3.333333430e-01, v7;
	v5 =	vld [tilespmem:s0+$0xF540];
	v21 =	vcvt.s32.f32 v6;
	v7 =	vshrl.u32 v14, $0x6  }
0xa2: {  	v10 =	vmul.f32 $3.333333430e-01, v10;
	[tilespmem:s0+$0x15700] =	vst v12;
	v6 =	vld [tilespmem:s0+$0xF550];
	v12 =	vcvt.s32.f32 v7;
	v11 =	vshll.u32 v11, $0x4  }
.Ltmp1:
0xa3: {  	v22 =	vmul.f32 $3.333333430e-01, v2;
	v23 =	vmul.f32 $3.333333430e-01, v15;
	[tilespmem:s0+$0x15710] =	vst v9;
	v7 =	vld [tilespmem:s0+$0xF560];
	v2 =	vor.u32 v1, v11;
	(pc) =	sbr.rel @p0 .LBB2_5-.Ltmp1, $4  }
0xa4: {  	v11 =	vmul.f32 $3.333333430e-01, v21;
	v9 =	vmul.f32 $3.333333430e-01, v12;
	[tilespmem:s0+$0x12670] =	vst v2;
	v2 =	vld [tilespmem:s0+$0xF570];
	v12 =	vor.u32 v1, v13  }
0xa5: {  	v14 =	vtrunc.f32 v18;
	v15 =	vtrunc.f32 v16;
	[tilespmem:s3+$0x12620] =	vst v12;
	v12 =	vor.u32 v1, v19  }
0xa6: {  	v16 =	vor.u32 v1, v20;
	v13 =	vtrunc.f32 v10;
	v10 =	vtrunc.f32 v22;
	[tilespmem:s3+$0x12630] =	vst v12  }
0xa7: {  	s12 =	sshra.s32 s4, $0x2;
	s4 =	sadd.s32 $0x200, s4;
	v11 =	vtrunc.f32 v11;
	v12 =	vtrunc.f32 v23;
	[tilespmem:s3+$0x12640] =	vst v16;
	v16 =	vor.u32 v1, v17  }
0xa8: {  	v17 =	vld [tilespmem:s12+$0xC470];
	[tilespmem:s3+$0x12650] =	vst v16;
	v8 =	vor.u32 v1, v8  }
0xa9: {  	v16 =	vld [tilespmem:s12+$0xC400];
	[tilespmem:s3+$0x12660] =	vst v8  }
0xaa: {  	v8 =	vld [tilespmem:s12+$0xC410];
	[tilespmem:s0+$0x15720] =	vst v3  }
0xab: {  	v15 =	vcvt.f32.s32 v15;
	v3 =	vld [tilespmem:s12+$0xC420];
	[tilespmem:s0+$0x15730] =	vst v4  }
0xac: {  	v14 =	vcvt.f32.s32 v14;
	v9 =	vtrunc.f32 v9;
	v4 =	vld [tilespmem:s12+$0xC430];
	[tilespmem:s0+$0x15740] =	vst v5  }
0xad: {  	v13 =	vcvt.f32.s32 v13;
	v15 =	vshll.u32 v15, $0x4;
	v5 =	vld [tilespmem:s12+$0xC440];
	[tilespmem:s0+$0x15750] =	vst v6;
	v17 =	vshrl.u32 v17, $0x6  }
0xae: {  	v14 =	vshll.u32 v14, $0x4;
	v49 =	vor.u32 v1, v15;
	v6 =	vld [tilespmem:s12+$0xC450];
	[tilespmem:s0+$0x15760] =	vst v7;
	v53 =	vcvt.s32.f32 v17  }
0xaf: {  	v12 =	vcvt.f32.s32 v12;
	v11 =	vcvt.f32.s32 v11;
	v51 =	vor.u32 v1, v14;
	v50 =	vld [tilespmem:s12+$0xC460];
	[tilespmem:s0+$0x12600] =	vst v49  }
0xb0: {  	v9 =	vcvt.f32.s32 v9;
	v52 =	vld [tilespmem:s12+$0xF500];
	[tilespmem:s0+$0x12610] =	vst v51;
	v7 =	vmul.f32 $3.333333430e-01, v53  }
0xb1: {  	v13 =	vshll.u32 v13, $0x4;
	v12 =	vshll.u32 v12, $0x4;
	v11 =	vshll.u32 v11, $0x4;
	v54 =	vld [tilespmem:s12+$0xF510]  }
0xb2: {  	v9 =	vshll.u32 v9, $0x4;
	v56 =	vshrl.u32 v16, $0x6;
	[tilespmem:s0+$0x15770] =	vst v2;
	v7 =	vtrunc.f32 v7  }
0xb3: {  	v14 =	vcvt.s32.f32 v56;
	v8 =	vshrl.u32 v8, $0x6;
	v55 =	vld [tilespmem:s12+$0xF520];
	v7 =	vcvt.f32.s32 v7  }
0xb4: {  	v13 =	vor.u32 v1, v13;
	v8 =	vcvt.s32.f32 v8;
	v3 =	vshrl.u32 v3, $0x6;
	v18 =	vld [tilespmem:s12+$0xF530]  }
0xb5: {  	v2 =	vcvt.f32.s32 v10;
	v14 =	vmul.f32 $3.333333430e-01, v14;
	v19 =	vld [tilespmem:s12+$0xF540];
	[tilespmem:s12+$0x15700] =	vst v52;
	v7 =	vshll.u32 v7, $0x4  }
0xb6: {  	v3 =	vcvt.s32.f32 v3;
	v4 =	vshrl.u32 v4, $0x6;
	v57 =	vld [tilespmem:s12+$0xF550];
	[tilespmem:s12+$0x15710] =	vst v54;
	v7 =	vor.u32 v1, v7  }
0xb7: {  	v58 =	vld [tilespmem:s12+$0xF560];
	v4 =	vcvt.s32.f32 v4;
	v5 =	vshrl.u32 v5, $0x6;
	v2 =	vshll.u32 v2, $0x4;
	[tilespmem:s12+$0x12670] =	vst v7  }
0xb8: {  	v59 =	vld [tilespmem:s12+$0xF570];
	v8 =	vmul.f32 $3.333333430e-01, v8;
	v5 =	vcvt.s32.f32 v5;
	v2 =	vor.u32 v1, v2;
	[tilespmem:s0+$0x12620] =	vst v13  }
0xb9: {  	v6 =	vshrl.u32 v6, $0x6;
	v3 =	vmul.f32 $3.333333430e-01, v3;
	[tilespmem:s0+$0x12630] =	vst v2;
	v2 =	vor.u32 v1, v12  }
0xba: {  	v62 =	vtrunc.f32 v14;
	v6 =	vcvt.s32.f32 v6;
	[tilespmem:s0+$0x12640] =	vst v2;
	v2 =	vor.u32 v1, v11  }
0xbb: {  	v60 =	vshrl.u32 v50, $0x6;
	v4 =	vmul.f32 $3.333333430e-01, v4;
	[tilespmem:s0+$0x12650] =	vst v2;
	v2 =	vor.u32 v1, v9  }
0xbc: {  	v8 =	vtrunc.f32 v8;
	v61 =	vcvt.s32.f32 v60;
	[tilespmem:s0+$0x12660] =	vst v2  }
0xbd: {  	v5 =	vmul.f32 $3.333333430e-01, v5;
	v3 =	vtrunc.f32 v3;
	[tilespmem:s12+$0x15720] =	vst v55  }
0xbe: {  	v8 =	vcvt.f32.s32 v8;
	v6 =	vmul.f32 $3.333333430e-01, v6;
	[tilespmem:s12+$0x15730] =	vst v18  }
0xbf: {  	v4 =	vtrunc.f32 v4;
	v3 =	vcvt.f32.s32 v3;
	[tilespmem:s12+$0x15740] =	vst v19  }
0xc0: {  	v5 =	vtrunc.f32 v5;
	v8 =	vshll.u32 v8, $0x4;
	v4 =	vcvt.f32.s32 v4;
	[tilespmem:s12+$0x15750] =	vst v57  }
0xc1: {  	v6 =	vtrunc.f32 v6;
	v8 =	vor.u32 v1, v8;
	v5 =	vcvt.f32.s32 v5;
	[tilespmem:s12+$0x15760] =	vst v58  }
0xc2: {  	v3 =	vshll.u32 v3, $0x4;
	v9 =	vcvt.f32.s32 v62;
	v2 =	vmul.f32 $3.333333430e-01, v61;
	[tilespmem:s12+$0x12610] =	vst v8  }
0xc3: {  	v6 =	vcvt.f32.s32 v6;
	v4 =	vshll.u32 v4, $0x4;
	v3 =	vor.u32 v1, v3;
	[tilespmem:s12+$0x15770] =	vst v59  }
0xc4: {  	s9 =	smul.u32 $0x24C000, s31;
	v9 =	vshll.u32 v9, $0x4;
	[tilespmem:s12+$0x12620] =	vst v3;
	v3 =	vor.u32 v1, v4;
	v2 =	vtrunc.f32 v2  }
0xc5: {  	s13 =	rddreg [dreg:$0x5];
	v5 =	vshll.u32 v5, $0x4;
	v9 =	vor.u32 v1, v9;
	[tilespmem:s12+$0x12630] =	vst v3;
	v2 =	vcvt.f32.s32 v2  }
0xc6: {  	s3 =	sadd.s32 s13, s9;
	v63 =	vshll.u32 v6, $0x4;
	v3 =	vor.u32 v1, v5;
	[tilespmem:s12+$0x12600] =	vst v9  }
0xc7: {  	s0 =	sor.u32 s14, s3;
	[tilespmem:s12+$0x12640] =	vst v3;
	v3 =	vor.u32 v1, v63;
	v2 =	vshll.u32 v2, $0x4  }
0xc8: {  	s0 =	sshrl.u32 s0, $0x3;
	[tilespmem:s12+$0x12650] =	vst v3;
	v2 =	vor.u32 v1, v2  }
0xc9: {  	s4 =	sadd.s32 s8, s0;
	[tilespmem:s12+$0x12660] =	vst v2  }
0xca: {  	[tilespmem:s23], [sflag:$0x1] =	stream.strided.gather [hbm4b:s4+s21], $0x3100, s22, s21, $0x38;
	[tilespmem:$0x1F640] =	vst v63  }
0xcb: {  	s0 =	sadd.s32 s5, s0  }
0xcc: {  	[tilespmem:s24], [sflag:$0x1] =	stream.strided.gather [hbm4b:s0+s21], $0x3100, s22, s21, $0x38;
	[tilespmem:$0x1F640] =	vst v63  }
0xcd: {  	s0 =	simm.s32 $0x0  }
.LBB2_7:
0xce: {  	p0 =	sne.s32 s0, $0xC200  }
.Ltmp2:
0xcf: {  	_ = 	snop;
	(pc) =	sbr.rel @p0 .LBB2_7-.Ltmp2, $4  }
0xd0: {  	_ = 	snop  }
0xd1: {  	s4 =	sshra.s32 s0, $0x2  }
0xd2: {  	s0 =	sadd.s32 $0x200, s0;
	s6 =	sadd.s32 $0x15700, s4;
	s4 =	sadd.s32 $0x12600, s4  }
0xd3: {  	[spmem:s2] =	stream.indirect.scatter.add.f32 [tilespmem:s6], [sflag:$0x2], $0x1, s4, s26, $0xb8;
	[tilespmem:$0x1F640] =	vst v63  }
0xd4: {  	_ =	swait.ge [sflag:s28], $0x80  }
0xd5: {  	s0 =	simm.s32 $0x61;
	[sflag:s28] =	ssyncset.done $0x0  }
.LBB2_9:
0xd6: {  	p0 =	sne.s32 s0, $0x1;
	s0 =	sadd.s32 $0xFFFFFFFF, s0;
	[sflag:s28] =	ssyncadd.s32 $0xFFFFFF80  }
.Ltmp3:
0xd7: {  	(pc) =	sbr.rel @p0 .LBB2_9-.Ltmp3, $3  }
0xd8: {  	_ =	sdelay $0x1  }
0xd9: {  	_ =	swait.ge [sflag:s28], $0x80  }
0xda: {  	[sflag:s28] =	ssyncset.done $0x0  }
0xdb: {  	s0 =	smul.u32 $0x930000, s31  }
0xdc: {  	[sflag:s28] =	ssyncadd.s32 $0xFFFFFF80  }
0xdd: {  	s6 =	simm.s32 $0x0;
	[bflag:$0x0] =	sbarrier.arrive $0xFFFF;
	s4 =	sor.u32 s7, s0  }
.LBB2_11:
0xde: {  	s9 =	smul.u32 $0xC400, s6;
	_ =	sdelay $0x1  }
0xdf: {  	s9 =	sshra.s32 s9, $0x2  }
0xe0: {  	s12 =	sadd.s32 s9, s11  }
0xe1: {  	[tilespmem:s29], [sflag:$0x3] =	stream.linear.gather [spmem:s12], $0x3100, $0x38;
	[tilespmem:$0x1F640] =	vst v63  }
0xe2: {  	_ =	swait.ge [sflag:s20], $0x3100  }
0xe3: {  	[sflag:s20] =	ssyncset.done $0x0  }
0xe4: {  	s13 =	simm.s32 $0x0;
	[sflag:s20] =	ssyncadd.s32 $0xFFFFCF00  }
0xe5: {  	s9 =	simm.s32 $0x40;
	v2 =	vld [tilespmem:s13+$0x18800]  }
.LBB2_12:
0xe6: {  	p0 =	sne.s32 s9, $0xC3C0  }
.Ltmp4:
0xe7: {  	_ = 	snop;
	(pc) =	sbr.rel @p0 .LBB2_12-.Ltmp4, $3  }
0xe8: {  	_ =	sdelay $0x1  }
0xe9: {  	[tilespmem:s13+$0x1B900] =	vst v2;
	s13 =	sshra.s32 s9, $0x2;
	s9 =	sadd.s32 $0x40, s9  }
0xea: {  	v2 =	vld [tilespmem:s13+$0x18800]  }
0xeb: {  	s9 =	smul.u32 $0x310, s6;
	_ =	sdelay $0x1  }
0xec: {  	s9 =	sadd.s32 s10, s9  }
0xed: {  	s9 =	smul.u32 $0xC0, s9;
	_ =	sdelay $0x1  }
0xee: {  	s9 =	sadd.s32 s4, s9  }
0xef: {  	s9 =	sshrl.u32 s9, $0x3  }
0xf0: {  	[tilespmem:s13+$0x1B900] =	vst v2;
	s9 =	sadd.s32 s1, s9  }
0xf1: {  	[hbm4b:s9+s21] =	stream.strided.scatter [tilespmem:s30], [sflag:$0x3], $0x3100, s22, s21, $0x38;
	[tilespmem:$0x1F640] =	vst v63  }
0xf2: {  	_ =	swait.ge [sflag:s20], $0x3100  }
0xf3: {  	[sflag:s20] =	ssyncset.done $0x0  }
0xf4: {  	[sflag:s20] =	ssyncadd.s32 $0xFFFFCF00  }
0xf5: {  	[spmem:s12] =	stream.linear.scatter [tilespmem:s19], [sflag:$0x3], $0xC40, $0x38;
	[tilespmem:$0x1F640] =	vst v63  }
0xf6: {  	_ =	swait.ge [sflag:s20], $0xC40  }
0xf7: {  	[sflag:s20] =	ssyncset.done $0x0  }
0xf8: {  	s13 =	sadd.s32 $0xC40, s12;
	[sflag:s20] =	ssyncadd.s32 $0xFFFFF3C0  }
0xf9: {  	[spmem:s13] =	stream.linear.scatter [tilespmem:s19], [sflag:$0x3], $0xC40, $0x38;
	[tilespmem:$0x1F640] =	vst v63  }
0xfa: {  	_ =	swait.ge [sflag:s20], $0xC40  }
0xfb: {  	[sflag:s20] =	ssyncset.done $0x0  }
0xfc: {  	s13 =	sadd.s32 $0x1880, s12;
	[sflag:s20] =	ssyncadd.s32 $0xFFFFF3C0  }
0xfd: {  	[spmem:s13] =	stream.linear.scatter [tilespmem:s19], [sflag:$0x3], $0xC40, $0x38;
	[tilespmem:$0x1F640] =	vst v63  }
0xfe: {  	s6 =	sadd.s32 $0x1, s6;
	_ =	swait.ge [sflag:s20], $0xC40  }
0xff: {  	p0 =	sne.s32 s6, $0x4;
	[sflag:s20] =	ssyncset.done $0x0  }
.Ltmp5:
0x100: {  	s13 =	sadd.s32 $0x24C0, s12;
	[sflag:s20] =	ssyncadd.s32 $0xFFFFF3C0;
	(pc) =	sbr.rel @p0 .LBB2_11-.Ltmp5, $4  }
0x101: {  	[spmem:s13] =	stream.linear.scatter [tilespmem:s19], [sflag:$0x3], $0xC40, $0x38;
	[tilespmem:$0x1F640] =	vst v63  }
0x102: {  	_ =	swait.ge [sflag:s20], $0xC40  }
0x103: {  	[sflag:s20] =	ssyncset.done $0x0  }
0x104: {  	[sflag:s20] =	ssyncadd.s32 $0xFFFFF3C0  }
0x105: {  	[bflag:$0x0] =	sbarrier.arrive $0xFFFF  }
0x106: {  	_ =	swait.ge [sflag:s25], $0x3100  }
0x107: {  	[sflag:s25] =	ssyncset.done $0x0  }
0x108: {  	[sflag:s25] =	ssyncadd.s32 $0xFFFFCF00  }
0x109: {  	_ =	swait.ge [sflag:s25], $0x3100  }
0x10a: {  	[sflag:s25] =	ssyncset.done $0x0  }
0x10b: {  	s13 =	simm.s32 $0x0;
	[sflag:s25] =	ssyncadd.s32 $0xFFFFCF00  }
0x10c: {  	v2 =	vld [tilespmem:s13+$0xC470];
	_ =	sdelay $0x1  }
0x10d: {  	v4 =	vld [tilespmem:s13+$0xC410]  }
0x10e: {  	v5 =	vld [tilespmem:s13+$0xC420]  }
0x10f: {  	v6 =	vld [tilespmem:s13+$0xC430]  }
0x110: {  	v7 =	vld [tilespmem:s13+$0xC440];
	v2 =	vshrl.u32 v2, $0x6  }
0x111: {  	v8 =	vld [tilespmem:s13+$0xC450];
	v2 =	vcvt.s32.f32 v2  }
0x112: {  	v9 =	vld [tilespmem:s13+$0xC460]  }
0x113: {  	v2 =	vmul.f32 $3.333333430e-01, v2  }
0x114: {  	v10 =	vld [tilespmem:s13+$0xF500];
	v4 =	vshrl.u32 v4, $0x6;
	v5 =	vshrl.u32 v5, $0x6;
	v6 =	vshrl.u32 v6, $0x6  }
0x115: {  	v3 =	vld [tilespmem:s13+$0xC400];
	v7 =	vshrl.u32 v7, $0x6;
	v4 =	vcvt.s32.f32 v4;
	v2 =	vtrunc.f32 v2  }
0x116: {  	v11 =	vld [tilespmem:s13+$0xF510];
	v8 =	vshrl.u32 v8, $0x6;
	v5 =	vcvt.s32.f32 v5;
	v2 =	vcvt.f32.s32 v2  }
0x117: {  	v12 =	vld [tilespmem:s13+$0xF520];
	v9 =	vshrl.u32 v9, $0x6;
	v6 =	vcvt.s32.f32 v6;
	v7 =	vcvt.s32.f32 v7  }
0x118: {  	v13 =	vld [tilespmem:s13+$0xF530];
	v8 =	vcvt.s32.f32 v8;
	v9 =	vcvt.s32.f32 v9;
	v2 =	vshll.u32 v2, $0x4  }
0x119: {  	v14 =	vld [tilespmem:s13+$0xF540];
	[tilespmem:s13+$0x15700] =	vst v10;
	v4 =	vmul.f32 $3.333333430e-01, v4;
	v5 =	vmul.f32 $3.333333430e-01, v5;
	v2 =	vor.u32 v1, v2  }
0x11a: {  	v10 =	vld [tilespmem:s13+$0xF550];
	v6 =	vmul.f32 $3.333333430e-01, v6;
	v7 =	vmul.f32 $3.333333430e-01, v7;
	[tilespmem:s13+$0x12670] =	vst v2;
	v2 =	vshrl.u32 v3, $0x6  }
0x11b: {  	[tilespmem:s13+$0x15710] =	vst v11;
	v11 =	vld [tilespmem:s13+$0xF560];
	v8 =	vmul.f32 $3.333333430e-01, v8;
	v2 =	vcvt.s32.f32 v2  }
0x11c: {  	s12 =	simm.s32 $0x80;
	v9 =	vmul.f32 $3.333333430e-01, v9;
	v4 =	vtrunc.f32 v4;
	v3 =	vld [tilespmem:s13+$0xF570]  }
0x11d: {  	v5 =	vtrunc.f32 v5;
	v15 =	vld [tilespmem:s12+$0xC470];
	v2 =	vmul.f32 $3.333333430e-01, v2  }
0x11e: {  	v6 =	vtrunc.f32 v6;
	v7 =	vtrunc.f32 v7;
	v16 =	vld [tilespmem:s12+$0xC400]  }
0x11f: {  	v8 =	vtrunc.f32 v8;
	v17 =	vld [tilespmem:s12+$0xC410];
	[tilespmem:s13+$0x15720] =	vst v12;
	v2 =	vtrunc.f32 v2  }
0x120: {  	v9 =	vtrunc.f32 v9;
	v12 =	vld [tilespmem:s12+$0xC420];
	[tilespmem:s13+$0x15730] =	vst v13;
	v2 =	vcvt.f32.s32 v2  }
0x121: {  	v4 =	vcvt.f32.s32 v4;
	v5 =	vcvt.f32.s32 v5;
	v13 =	vld [tilespmem:s12+$0xC430];
	[tilespmem:s13+$0x15740] =	vst v14  }
0x122: {  	v8 =	vcvt.f32.s32 v8;
	v9 =	vcvt.f32.s32 v9;
	v14 =	vld [tilespmem:s12+$0xC440];
	[tilespmem:s13+$0x15750] =	vst v10;
	v2 =	vshll.u32 v2, $0x4  }
0x123: {  	v4 =	vshll.u32 v4, $0x4;
	v18 =	vshll.u32 v5, $0x4;
	v10 =	vld [tilespmem:s12+$0xC450];
	[tilespmem:s13+$0x15760] =	vst v11;
	v2 =	vor.u32 v1, v2  }
0x124: {  	v4 =	vor.u32 v1, v4;
	v11 =	vld [tilespmem:s12+$0xC460];
	v15 =	vshrl.u32 v15, $0x6;
	[tilespmem:s13+$0x12600] =	vst v2;
	v2 =	vcvt.f32.s32 v6  }
0x125: {  	v5 =	vcvt.s32.f32 v15;
	v6 =	vcvt.f32.s32 v7;
	v7 =	vld [tilespmem:s12+$0xF500];
	[tilespmem:s13+$0x12610] =	vst v4;
	v4 =	vshrl.u32 v16, $0x6  }
0x126: {  	v20 =	vshll.u32 v8, $0x4;
	v16 =	vshll.u32 v2, $0x4;
	v2 =	vcvt.s32.f32 v4  }
0x127: {  	v8 =	vshrl.u32 v12, $0x6;
	v5 =	vmul.f32 $3.333333430e-01, v5;
	v4 =	vshrl.u32 v17, $0x6  }
0x128: {  	v15 =	vld [tilespmem:s12+$0xF510];
	v19 =	vshll.u32 v6, $0x4;
	v6 =	vcvt.s32.f32 v4;
	v12 =	vmul.f32 $3.333333430e-01, v2  }
0x129: {  	v2 =	vcvt.s32.f32 v8;
	v8 =	vshrl.u32 v13, $0x6;
	v13 =	vtrunc.f32 v5  }
0x12a: {  	[tilespmem:s13+$0x15770] =	vst v3;
	v17 =	vcvt.s32.f32 v8;
	v8 =	vshrl.u32 v14, $0x6;
	v13 =	vcvt.f32.s32 v13  }
0x12b: {  	v3 =	vld [tilespmem:s12+$0xF520];
	[tilespmem:s12+$0x15700] =	vst v7;
	v14 =	vcvt.s32.f32 v8;
	v7 =	vshrl.u32 v10, $0x6;
	v10 =	vmul.f32 $3.333333430e-01, v6  }
0x12c: {  	v4 =	vld [tilespmem:s12+$0xF530];
	v21 =	vcvt.s32.f32 v7;
	v7 =	vshrl.u32 v11, $0x6;
	v11 =	vmul.f32 $3.333333430e-01, v2  }
0x12d: {  	v5 =	vld [tilespmem:s12+$0xF540];
	v8 =	vshll.u32 v13, $0x4;
	[tilespmem:s12+$0x15710] =	vst v15;
	v17 =	vmul.f32 $3.333333430e-01, v17;
	v15 =	vtrunc.f32 v12  }
0x12e: {  	v6 =	vld [tilespmem:s12+$0xF550];
	v12 =	vor.u32 v1, v16;
	v2 =	vcvt.s32.f32 v7;
	v13 =	vor.u32 v1, v8  }
0x12f: {  	v7 =	vld [tilespmem:s12+$0xF560];
	v22 =	vmul.f32 $3.333333430e-01, v14;
	v14 =	vtrunc.f32 v10;
	[tilespmem:s12+$0x12670] =	vst v13;
	v13 =	vor.u32 v1, v18  }
0x130: {  	v8 =	vshll.u32 v9, $0x4;
	v21 =	vmul.f32 $3.333333430e-01, v21;
	v9 =	vmul.f32 $3.333333430e-01, v2;
	v2 =	vld [tilespmem:s12+$0xF570];
	[tilespmem:s13+$0x12620] =	vst v13  }
0x131: {  	v16 =	vor.u32 v1, v19;
	v10 =	vtrunc.f32 v17;
	v13 =	vtrunc.f32 v11;
	[tilespmem:s13+$0x12630] =	vst v12  }
0x132: {  	s4 =	simm.s32 $0x100;
	s6 =	simm.s32 $0x600;
	v12 =	vtrunc.f32 v22;
	[tilespmem:s13+$0x12640] =	vst v16;
	v16 =	vor.u32 v1, v20;
	v11 =	vtrunc.f32 v21  }
.LBB2_15:
0x133: {  	p0 =	sne.s32 s6, $0xC200;
	v17 =	vld [tilespmem:s4+$0xC470];
	v15 =	vcvt.f32.s32 v15;
	v9 =	vtrunc.f32 v9;
	[tilespmem:s13+$0x12650] =	vst v16;
	v8 =	vor.u32 v1, v8  }
0x134: {  	v14 =	vcvt.f32.s32 v14;
	v13 =	vcvt.f32.s32 v13;
	v16 =	vld [tilespmem:s4+$0xC400];
	[tilespmem:s13+$0x12660] =	vst v8;
	s13 =	smov.u32 s12;
	s12 =	smov.u32 s4  }
0x135: {  	v8 =	vcvt.f32.s32 v12;
	v18 =	vld [tilespmem:s12+$0xC410];
	v15 =	vshll.u32 v15, $0x4;
	[tilespmem:s13+$0x15720] =	vst v3;
	v3 =	vcvt.f32.s32 v10  }
0x136: {  	v9 =	vcvt.f32.s32 v9;
	v12 =	vshll.u32 v14, $0x4;
	v10 =	vld [tilespmem:s12+$0xC420];
	[tilespmem:s13+$0x15730] =	vst v4;
	v4 =	vcvt.f32.s32 v11  }
0x137: {  	v13 =	vshll.u32 v13, $0x4;
	v20 =	vshll.u32 v8, $0x4;
	v11 =	vld [tilespmem:s12+$0xC430];
	v19 =	vshll.u32 v3, $0x4;
	[tilespmem:s13+$0x15740] =	vst v5  }
0x138: {  	v8 =	vshll.u32 v9, $0x4;
	v5 =	vld [tilespmem:s12+$0xC440];
	v3 =	vshrl.u32 v17, $0x6;
	v17 =	vshll.u32 v4, $0x4;
	[tilespmem:s13+$0x15750] =	vst v6  }
0x139: {  	v9 =	vor.u32 v1, v15;
	v4 =	vshrl.u32 v16, $0x6;
	v6 =	vld [tilespmem:s12+$0xC450];
	v3 =	vcvt.s32.f32 v3;
	[tilespmem:s13+$0x15760] =	vst v7  }
0x13a: {  	v4 =	vcvt.s32.f32 v4;
	v7 =	vshrl.u32 v18, $0x6;
	v14 =	vld [tilespmem:s12+$0xC460];
	[tilespmem:s13+$0x12600] =	vst v9;
	v9 =	vor.u32 v1, v12  }
0x13b: {  	v12 =	vld [tilespmem:s12+$0xF500];
	v7 =	vcvt.s32.f32 v7;
	v10 =	vshrl.u32 v10, $0x6;
	v15 =	vmul.f32 $3.333333430e-01, v3;
	[tilespmem:s13+$0x12610] =	vst v9  }
0x13c: {  	v16 =	vmul.f32 $3.333333430e-01, v4;
	v9 =	vld [tilespmem:s12+$0xF510];
	v10 =	vcvt.s32.f32 v10;
	v4 =	vshrl.u32 v11, $0x6;
	[tilespmem:s13+$0x15770] =	vst v2  }
0x13d: {  	v3 =	vld [tilespmem:s12+$0xF520];
	v2 =	vcvt.s32.f32 v4;
	v5 =	vshrl.u32 v5, $0x6;
	v11 =	vtrunc.f32 v15  }
0x13e: {  	v4 =	vld [tilespmem:s12+$0xF530];
	v15 =	vcvt.s32.f32 v5;
	v6 =	vshrl.u32 v6, $0x6;
	v11 =	vcvt.f32.s32 v11  }
0x13f: {  	v18 =	vmul.f32 $3.333333430e-01, v7;
	v5 =	vld [tilespmem:s12+$0xF540];
	v21 =	vcvt.s32.f32 v6;
	v7 =	vshrl.u32 v14, $0x6  }
0x140: {  	v10 =	vmul.f32 $3.333333430e-01, v10;
	[tilespmem:s12+$0x15700] =	vst v12;
	v6 =	vld [tilespmem:s12+$0xF550];
	v12 =	vcvt.s32.f32 v7;
	v11 =	vshll.u32 v11, $0x4  }
.Ltmp6:
0x141: {  	v22 =	vmul.f32 $3.333333430e-01, v2;
	v23 =	vmul.f32 $3.333333430e-01, v15;
	[tilespmem:s12+$0x15710] =	vst v9;
	v7 =	vld [tilespmem:s12+$0xF560];
	v2 =	vor.u32 v1, v11;
	(pc) =	sbr.rel @p0 .LBB2_15-.Ltmp6, $4  }
0x142: {  	v11 =	vmul.f32 $3.333333430e-01, v21;
	v9 =	vmul.f32 $3.333333430e-01, v12;
	[tilespmem:s12+$0x12670] =	vst v2;
	v2 =	vld [tilespmem:s12+$0xF570];
	v12 =	vor.u32 v1, v13  }
0x143: {  	v14 =	vtrunc.f32 v18;
	v15 =	vtrunc.f32 v16;
	[tilespmem:s13+$0x12620] =	vst v12;
	v12 =	vor.u32 v1, v19  }
0x144: {  	v16 =	vor.u32 v1, v20;
	v13 =	vtrunc.f32 v10;
	v10 =	vtrunc.f32 v22;
	[tilespmem:s13+$0x12630] =	vst v12  }
0x145: {  	s4 =	sshra.s32 s6, $0x2;
	s6 =	sadd.s32 $0x200, s6;
	v11 =	vtrunc.f32 v11;
	v12 =	vtrunc.f32 v23;
	[tilespmem:s13+$0x12640] =	vst v16;
	v16 =	vor.u32 v1, v17  }
0x146: {  	v17 =	vld [tilespmem:s4+$0xC470];
	[tilespmem:s13+$0x12650] =	vst v16;
	v8 =	vor.u32 v1, v8  }
0x147: {  	v16 =	vld [tilespmem:s4+$0xC400];
	[tilespmem:s13+$0x12660] =	vst v8  }
0x148: {  	v8 =	vld [tilespmem:s4+$0xC410];
	[tilespmem:s12+$0x15720] =	vst v3  }
0x149: {  	v15 =	vcvt.f32.s32 v15;
	v3 =	vld [tilespmem:s4+$0xC420];
	[tilespmem:s12+$0x15730] =	vst v4  }
0x14a: {  	v14 =	vcvt.f32.s32 v14;
	v9 =	vtrunc.f32 v9;
	v4 =	vld [tilespmem:s4+$0xC430];
	[tilespmem:s12+$0x15740] =	vst v5  }
0x14b: {  	v13 =	vcvt.f32.s32 v13;
	v15 =	vshll.u32 v15, $0x4;
	v5 =	vld [tilespmem:s4+$0xC440];
	[tilespmem:s12+$0x15750] =	vst v6;
	v17 =	vshrl.u32 v17, $0x6  }
0x14c: {  	v14 =	vshll.u32 v14, $0x4;
	v49 =	vor.u32 v1, v15;
	v6 =	vld [tilespmem:s4+$0xC450];
	[tilespmem:s12+$0x15760] =	vst v7;
	v53 =	vcvt.s32.f32 v17  }
0x14d: {  	v12 =	vcvt.f32.s32 v12;
	v11 =	vcvt.f32.s32 v11;
	v51 =	vor.u32 v1, v14;
	v50 =	vld [tilespmem:s4+$0xC460];
	[tilespmem:s12+$0x12600] =	vst v49  }
0x14e: {  	v9 =	vcvt.f32.s32 v9;
	v52 =	vld [tilespmem:s4+$0xF500];
	[tilespmem:s12+$0x12610] =	vst v51;
	v7 =	vmul.f32 $3.333333430e-01, v53  }
0x14f: {  	v13 =	vshll.u32 v13, $0x4;
	v12 =	vshll.u32 v12, $0x4;
	v11 =	vshll.u32 v11, $0x4;
	v54 =	vld [tilespmem:s4+$0xF510]  }
0x150: {  	v9 =	vshll.u32 v9, $0x4;
	v56 =	vshrl.u32 v16, $0x6;
	[tilespmem:s12+$0x15770] =	vst v2;
	v7 =	vtrunc.f32 v7  }
0x151: {  	v14 =	vcvt.s32.f32 v56;
	v8 =	vshrl.u32 v8, $0x6;
	v55 =	vld [tilespmem:s4+$0xF520];
	v7 =	vcvt.f32.s32 v7  }
0x152: {  	v13 =	vor.u32 v1, v13;
	v8 =	vcvt.s32.f32 v8;
	v3 =	vshrl.u32 v3, $0x6;
	v18 =	vld [tilespmem:s4+$0xF530]  }
0x153: {  	v2 =	vcvt.f32.s32 v10;
	v14 =	vmul.f32 $3.333333430e-01, v14;
	v19 =	vld [tilespmem:s4+$0xF540];
	[tilespmem:s4+$0x15700] =	vst v52;
	v7 =	vshll.u32 v7, $0x4  }
0x154: {  	v3 =	vcvt.s32.f32 v3;
	v4 =	vshrl.u32 v4, $0x6;
	v57 =	vld [tilespmem:s4+$0xF550];
	[tilespmem:s4+$0x15710] =	vst v54;
	v7 =	vor.u32 v1, v7  }
0x155: {  	v58 =	vld [tilespmem:s4+$0xF560];
	v4 =	vcvt.s32.f32 v4;
	v5 =	vshrl.u32 v5, $0x6;
	v2 =	vshll.u32 v2, $0x4;
	[tilespmem:s4+$0x12670] =	vst v7  }
0x156: {  	v59 =	vld [tilespmem:s4+$0xF570];
	v8 =	vmul.f32 $3.333333430e-01, v8;
	v5 =	vcvt.s32.f32 v5;
	v2 =	vor.u32 v1, v2;
	[tilespmem:s12+$0x12620] =	vst v13  }
0x157: {  	v6 =	vshrl.u32 v6, $0x6;
	v3 =	vmul.f32 $3.333333430e-01, v3;
	[tilespmem:s12+$0x12630] =	vst v2;
	v2 =	vor.u32 v1, v12  }
0x158: {  	v62 =	vtrunc.f32 v14;
	v6 =	vcvt.s32.f32 v6;
	[tilespmem:s12+$0x12640] =	vst v2;
	v2 =	vor.u32 v1, v11  }
0x159: {  	v60 =	vshrl.u32 v50, $0x6;
	v4 =	vmul.f32 $3.333333430e-01, v4;
	[tilespmem:s12+$0x12650] =	vst v2;
	v2 =	vor.u32 v1, v9  }
0x15a: {  	v8 =	vtrunc.f32 v8;
	v61 =	vcvt.s32.f32 v60;
	[tilespmem:s12+$0x12660] =	vst v2  }
0x15b: {  	v5 =	vmul.f32 $3.333333430e-01, v5;
	v3 =	vtrunc.f32 v3;
	[tilespmem:s4+$0x15720] =	vst v55  }
0x15c: {  	v8 =	vcvt.f32.s32 v8;
	v6 =	vmul.f32 $3.333333430e-01, v6;
	[tilespmem:s4+$0x15730] =	vst v18  }
0x15d: {  	v4 =	vtrunc.f32 v4;
	v3 =	vcvt.f32.s32 v3;
	[tilespmem:s4+$0x15740] =	vst v19  }
0x15e: {  	v5 =	vtrunc.f32 v5;
	v8 =	vshll.u32 v8, $0x4;
	v4 =	vcvt.f32.s32 v4;
	[tilespmem:s4+$0x15750] =	vst v57  }
0x15f: {  	v6 =	vtrunc.f32 v6;
	v8 =	vor.u32 v1, v8;
	v5 =	vcvt.f32.s32 v5;
	[tilespmem:s4+$0x15760] =	vst v58  }
0x160: {  	v3 =	vshll.u32 v3, $0x4;
	v9 =	vcvt.f32.s32 v62;
	v2 =	vmul.f32 $3.333333430e-01, v61;
	[tilespmem:s4+$0x12610] =	vst v8  }
0x161: {  	v6 =	vcvt.f32.s32 v6;
	v4 =	vshll.u32 v4, $0x4;
	v3 =	vor.u32 v1, v3;
	[tilespmem:s4+$0x15770] =	vst v59  }
0x162: {  	v9 =	vshll.u32 v9, $0x4;
	[tilespmem:s4+$0x12620] =	vst v3;
	v3 =	vor.u32 v1, v4;
	v2 =	vtrunc.f32 v2  }
0x163: {  	v5 =	vshll.u32 v5, $0x4;
	v9 =	vor.u32 v1, v9;
	[tilespmem:s4+$0x12630] =	vst v3;
	v2 =	vcvt.f32.s32 v2  }
0x164: {  	v63 =	vshll.u32 v6, $0x4;
	v3 =	vor.u32 v1, v5;
	[tilespmem:s4+$0x12600] =	vst v9  }
0x165: {  	s6 =	sor.u32 s15, s3;
	[tilespmem:s4+$0x12640] =	vst v3;
	v3 =	vor.u32 v1, v63;
	v2 =	vshll.u32 v2, $0x4  }
0x166: {  	s6 =	sshrl.u32 s6, $0x3;
	[tilespmem:s4+$0x12650] =	vst v3;
	v2 =	vor.u32 v1, v2  }
0x167: {  	s12 =	sadd.s32 s8, s6;
	[tilespmem:s4+$0x12660] =	vst v2  }
0x168: {  	[tilespmem:s23], [sflag:$0x1] =	stream.strided.gather [hbm4b:s12+s21], $0x3100, s22, s21, $0x38;
	[tilespmem:$0x1F640] =	vst v63  }
0x169: {  	s13 =	sadd.s32 s5, s6;
	s4 =	simm.s32 $0x0  }
0x16a: {  	[tilespmem:s24], [sflag:$0x1] =	stream.strided.gather [hbm4b:s13+s21], $0x3100, s22, s21, $0x38;
	[tilespmem:$0x1F640] =	vst v63  }
.LBB2_17:
0x16b: {  	p0 =	sne.s32 s4, $0xC200  }
.Ltmp7:
0x16c: {  	_ = 	snop;
	(pc) =	sbr.rel @p0 .LBB2_17-.Ltmp7, $4  }
0x16d: {  	_ = 	snop  }
0x16e: {  	s6 =	sshra.s32 s4, $0x2  }
0x16f: {  	s4 =	sadd.s32 $0x200, s4;
	s9 =	sadd.s32 $0x15700, s6;
	s6 =	sadd.s32 $0x12600, s6  }
0x170: {  	[spmem:s2] =	stream.indirect.scatter.add.f32 [tilespmem:s9], [sflag:$0x2], $0x1, s6, s26, $0xb8;
	[tilespmem:$0x1F640] =	vst v63  }
0x171: {  	_ =	swait.ge [sflag:s28], $0x80  }
0x172: {  	s4 =	simm.s32 $0x61;
	[sflag:s28] =	ssyncset.done $0x0  }
.LBB2_19:
0x173: {  	p0 =	sne.s32 s4, $0x1;
	s4 =	sadd.s32 $0xFFFFFFFF, s4;
	[sflag:s28] =	ssyncadd.s32 $0xFFFFFF80  }
.Ltmp8:
0x174: {  	(pc) =	sbr.rel @p0 .LBB2_19-.Ltmp8, $3  }
0x175: {  	_ =	sdelay $0x1  }
0x176: {  	_ =	swait.ge [sflag:s28], $0x80  }
0x177: {  	[sflag:s28] =	ssyncset.done $0x0  }
0x178: {  	[sflag:s28] =	ssyncadd.s32 $0xFFFFFF80  }
0x179: {  	s4 =	sor.u32 s14, s0;
	s6 =	simm.s32 $0x0;
	[bflag:$0x0] =	sbarrier.arrive $0xFFFF  }
.LBB2_21:
0x17a: {  	s9 =	smul.u32 $0xC400, s6;
	_ =	sdelay $0x1  }
0x17b: {  	s9 =	sshra.s32 s9, $0x2  }
0x17c: {  	s12 =	sadd.s32 s9, s11  }
0x17d: {  	[tilespmem:s29], [sflag:$0x3] =	stream.linear.gather [spmem:s12], $0x3100, $0x38;
	[tilespmem:$0x1F640] =	vst v63  }
0x17e: {  	_ =	swait.ge [sflag:s20], $0x3100  }
0x17f: {  	[sflag:s20] =	ssyncset.done $0x0  }
0x180: {  	s13 =	simm.s32 $0x0;
	[sflag:s20] =	ssyncadd.s32 $0xFFFFCF00  }
0x181: {  	s9 =	simm.s32 $0x40;
	v2 =	vld [tilespmem:s13+$0x18800]  }
.LBB2_22:
0x182: {  	p0 =	sne.s32 s9, $0xC3C0  }
.Ltmp9:
0x183: {  	_ = 	snop;
	(pc) =	sbr.rel @p0 .LBB2_22-.Ltmp9, $3  }
0x184: {  	_ =	sdelay $0x1  }
0x185: {  	[tilespmem:s13+$0x1B900] =	vst v2;
	s13 =	sshra.s32 s9, $0x2;
	s9 =	sadd.s32 $0x40, s9  }
0x186: {  	v2 =	vld [tilespmem:s13+$0x18800]  }
0x187: {  	s9 =	smul.u32 $0x310, s6;
	_ =	sdelay $0x1  }
0x188: {  	s9 =	sadd.s32 s10, s9  }
0x189: {  	s9 =	smul.u32 $0xC0, s9;
	_ =	sdelay $0x1  }
0x18a: {  	s9 =	sadd.s32 s4, s9  }
0x18b: {  	s9 =	sshrl.u32 s9, $0x3  }
0x18c: {  	[tilespmem:s13+$0x1B900] =	vst v2;
	s9 =	sadd.s32 s1, s9  }
0x18d: {  	[hbm4b:s9+s21] =	stream.strided.scatter [tilespmem:s30], [sflag:$0x3], $0x3100, s22, s21, $0x38;
	[tilespmem:$0x1F640] =	vst v63  }
0x18e: {  	_ =	swait.ge [sflag:s20], $0x3100  }
0x18f: {  	[sflag:s20] =	ssyncset.done $0x0  }
0x190: {  	[sflag:s20] =	ssyncadd.s32 $0xFFFFCF00  }
0x191: {  	[spmem:s12] =	stream.linear.scatter [tilespmem:s19], [sflag:$0x3], $0xC40, $0x38;
	[tilespmem:$0x1F640] =	vst v63  }
0x192: {  	_ =	swait.ge [sflag:s20], $0xC40  }
0x193: {  	[sflag:s20] =	ssyncset.done $0x0  }
0x194: {  	s13 =	sadd.s32 $0xC40, s12;
	[sflag:s20] =	ssyncadd.s32 $0xFFFFF3C0  }
0x195: {  	[spmem:s13] =	stream.linear.scatter [tilespmem:s19], [sflag:$0x3], $0xC40, $0x38;
	[tilespmem:$0x1F640] =	vst v63  }
0x196: {  	_ =	swait.ge [sflag:s20], $0xC40  }
0x197: {  	[sflag:s20] =	ssyncset.done $0x0  }
0x198: {  	s13 =	sadd.s32 $0x1880, s12;
	[sflag:s20] =	ssyncadd.s32 $0xFFFFF3C0  }
0x199: {  	[spmem:s13] =	stream.linear.scatter [tilespmem:s19], [sflag:$0x3], $0xC40, $0x38;
	[tilespmem:$0x1F640] =	vst v63  }
0x19a: {  	s6 =	sadd.s32 $0x1, s6;
	_ =	swait.ge [sflag:s20], $0xC40  }
0x19b: {  	p0 =	sne.s32 s6, $0x4;
	[sflag:s20] =	ssyncset.done $0x0  }
.Ltmp10:
0x19c: {  	s13 =	sadd.s32 $0x24C0, s12;
	[sflag:s20] =	ssyncadd.s32 $0xFFFFF3C0;
	(pc) =	sbr.rel @p0 .LBB2_21-.Ltmp10, $4  }
0x19d: {  	[spmem:s13] =	stream.linear.scatter [tilespmem:s19], [sflag:$0x3], $0xC40, $0x38;
	[tilespmem:$0x1F640] =	vst v63  }
0x19e: {  	_ =	swait.ge [sflag:s20], $0xC40  }
0x19f: {  	[sflag:s20] =	ssyncset.done $0x0  }
0x1a0: {  	[sflag:s20] =	ssyncadd.s32 $0xFFFFF3C0  }
0x1a1: {  	[bflag:$0x0] =	sbarrier.arrive $0xFFFF  }
0x1a2: {  	_ =	swait.ge [sflag:s25], $0x3100  }
0x1a3: {  	[sflag:s25] =	ssyncset.done $0x0  }
0x1a4: {  	[sflag:s25] =	ssyncadd.s32 $0xFFFFCF00  }
0x1a5: {  	_ =	swait.ge [sflag:s25], $0x3100  }
0x1a6: {  	[sflag:s25] =	ssyncset.done $0x0  }
0x1a7: {  	s13 =	simm.s32 $0x0;
	[sflag:s25] =	ssyncadd.s32 $0xFFFFCF00  }
0x1a8: {  	v2 =	vld [tilespmem:s13+$0xC470];
	_ =	sdelay $0x1  }
0x1a9: {  	v4 =	vld [tilespmem:s13+$0xC410]  }
0x1aa: {  	v5 =	vld [tilespmem:s13+$0xC420]  }
0x1ab: {  	v6 =	vld [tilespmem:s13+$0xC430]  }
0x1ac: {  	v7 =	vld [tilespmem:s13+$0xC440];
	v2 =	vshrl.u32 v2, $0x6  }
0x1ad: {  	v8 =	vld [tilespmem:s13+$0xC450];
	v2 =	vcvt.s32.f32 v2  }
0x1ae: {  	v9 =	vld [tilespmem:s13+$0xC460]  }
0x1af: {  	v2 =	vmul.f32 $3.333333430e-01, v2  }
0x1b0: {  	v10 =	vld [tilespmem:s13+$0xF500];
	v4 =	vshrl.u32 v4, $0x6;
	v5 =	vshrl.u32 v5, $0x6;
	v6 =	vshrl.u32 v6, $0x6  }
0x1b1: {  	v3 =	vld [tilespmem:s13+$0xC400];
	v7 =	vshrl.u32 v7, $0x6;
	v4 =	vcvt.s32.f32 v4;
	v2 =	vtrunc.f32 v2  }
0x1b2: {  	v11 =	vld [tilespmem:s13+$0xF510];
	v8 =	vshrl.u32 v8, $0x6;
	v5 =	vcvt.s32.f32 v5;
	v2 =	vcvt.f32.s32 v2  }
0x1b3: {  	v12 =	vld [tilespmem:s13+$0xF520];
	v9 =	vshrl.u32 v9, $0x6;
	v6 =	vcvt.s32.f32 v6;
	v7 =	vcvt.s32.f32 v7  }
0x1b4: {  	v13 =	vld [tilespmem:s13+$0xF530];
	v8 =	vcvt.s32.f32 v8;
	v9 =	vcvt.s32.f32 v9;
	v2 =	vshll.u32 v2, $0x4  }
0x1b5: {  	v14 =	vld [tilespmem:s13+$0xF540];
	[tilespmem:s13+$0x15700] =	vst v10;
	v4 =	vmul.f32 $3.333333430e-01, v4;
	v5 =	vmul.f32 $3.333333430e-01, v5;
	v2 =	vor.u32 v1, v2  }
0x1b6: {  	v10 =	vld [tilespmem:s13+$0xF550];
	v6 =	vmul.f32 $3.333333430e-01, v6;
	v7 =	vmul.f32 $3.333333430e-01, v7;
	[tilespmem:s13+$0x12670] =	vst v2;
	v2 =	vshrl.u32 v3, $0x6  }
0x1b7: {  	[tilespmem:s13+$0x15710] =	vst v11;
	v11 =	vld [tilespmem:s13+$0xF560];
	v8 =	vmul.f32 $3.333333430e-01, v8;
	v2 =	vcvt.s32.f32 v2  }
0x1b8: {  	s12 =	simm.s32 $0x80;
	v9 =	vmul.f32 $3.333333430e-01, v9;
	v4 =	vtrunc.f32 v4;
	v3 =	vld [tilespmem:s13+$0xF570]  }
0x1b9: {  	v5 =	vtrunc.f32 v5;
	v15 =	vld [tilespmem:s12+$0xC470];
	v2 =	vmul.f32 $3.333333430e-01, v2  }
0x1ba: {  	v6 =	vtrunc.f32 v6;
	v7 =	vtrunc.f32 v7;
	v16 =	vld [tilespmem:s12+$0xC400]  }
0x1bb: {  	v8 =	vtrunc.f32 v8;
	v17 =	vld [tilespmem:s12+$0xC410];
	[tilespmem:s13+$0x15720] =	vst v12;
	v2 =	vtrunc.f32 v2  }
0x1bc: {  	v9 =	vtrunc.f32 v9;
	v12 =	vld [tilespmem:s12+$0xC420];
	[tilespmem:s13+$0x15730] =	vst v13;
	v2 =	vcvt.f32.s32 v2  }
0x1bd: {  	v4 =	vcvt.f32.s32 v4;
	v5 =	vcvt.f32.s32 v5;
	v13 =	vld [tilespmem:s12+$0xC430];
	[tilespmem:s13+$0x15740] =	vst v14  }
0x1be: {  	v8 =	vcvt.f32.s32 v8;
	v9 =	vcvt.f32.s32 v9;
	v14 =	vld [tilespmem:s12+$0xC440];
	[tilespmem:s13+$0x15750] =	vst v10;
	v2 =	vshll.u32 v2, $0x4  }
0x1bf: {  	v4 =	vshll.u32 v4, $0x4;
	v18 =	vshll.u32 v5, $0x4;
	v10 =	vld [tilespmem:s12+$0xC450];
	[tilespmem:s13+$0x15760] =	vst v11;
	v2 =	vor.u32 v1, v2  }
0x1c0: {  	v4 =	vor.u32 v1, v4;
	v11 =	vld [tilespmem:s12+$0xC460];
	v15 =	vshrl.u32 v15, $0x6;
	[tilespmem:s13+$0x12600] =	vst v2;
	v2 =	vcvt.f32.s32 v6  }
0x1c1: {  	v5 =	vcvt.s32.f32 v15;
	v6 =	vcvt.f32.s32 v7;
	v7 =	vld [tilespmem:s12+$0xF500];
	[tilespmem:s13+$0x12610] =	vst v4;
	v4 =	vshrl.u32 v16, $0x6  }
0x1c2: {  	v20 =	vshll.u32 v8, $0x4;
	v16 =	vshll.u32 v2, $0x4;
	v2 =	vcvt.s32.f32 v4  }
0x1c3: {  	v8 =	vshrl.u32 v12, $0x6;
	v5 =	vmul.f32 $3.333333430e-01, v5;
	v4 =	vshrl.u32 v17, $0x6  }
0x1c4: {  	v15 =	vld [tilespmem:s12+$0xF510];
	v19 =	vshll.u32 v6, $0x4;
	v6 =	vcvt.s32.f32 v4;
	v12 =	vmul.f32 $3.333333430e-01, v2  }
0x1c5: {  	v2 =	vcvt.s32.f32 v8;
	v8 =	vshrl.u32 v13, $0x6;
	v13 =	vtrunc.f32 v5  }
0x1c6: {  	[tilespmem:s13+$0x15770] =	vst v3;
	v17 =	vcvt.s32.f32 v8;
	v8 =	vshrl.u32 v14, $0x6;
	v13 =	vcvt.f32.s32 v13  }
0x1c7: {  	v3 =	vld [tilespmem:s12+$0xF520];
	[tilespmem:s12+$0x15700] =	vst v7;
	v14 =	vcvt.s32.f32 v8;
	v7 =	vshrl.u32 v10, $0x6;
	v10 =	vmul.f32 $3.333333430e-01, v6  }
0x1c8: {  	v4 =	vld [tilespmem:s12+$0xF530];
	v21 =	vcvt.s32.f32 v7;
	v7 =	vshrl.u32 v11, $0x6;
	v11 =	vmul.f32 $3.333333430e-01, v2  }
0x1c9: {  	v5 =	vld [tilespmem:s12+$0xF540];
	v8 =	vshll.u32 v13, $0x4;
	[tilespmem:s12+$0x15710] =	vst v15;
	v17 =	vmul.f32 $3.333333430e-01, v17;
	v15 =	vtrunc.f32 v12  }
0x1ca: {  	v6 =	vld [tilespmem:s12+$0xF550];
	v12 =	vor.u32 v1, v16;
	v2 =	vcvt.s32.f32 v7;
	v13 =	vor.u32 v1, v8  }
0x1cb: {  	v7 =	vld [tilespmem:s12+$0xF560];
	v22 =	vmul.f32 $3.333333430e-01, v14;
	v14 =	vtrunc.f32 v10;
	[tilespmem:s12+$0x12670] =	vst v13;
	v13 =	vor.u32 v1, v18  }
0x1cc: {  	v8 =	vshll.u32 v9, $0x4;
	v21 =	vmul.f32 $3.333333430e-01, v21;
	v9 =	vmul.f32 $3.333333430e-01, v2;
	v2 =	vld [tilespmem:s12+$0xF570];
	[tilespmem:s13+$0x12620] =	vst v13  }
0x1cd: {  	v16 =	vor.u32 v1, v19;
	v10 =	vtrunc.f32 v17;
	v13 =	vtrunc.f32 v11;
	[tilespmem:s13+$0x12630] =	vst v12  }
0x1ce: {  	s4 =	simm.s32 $0x100;
	s6 =	simm.s32 $0x600;
	v12 =	vtrunc.f32 v22;
	[tilespmem:s13+$0x12640] =	vst v16;
	v16 =	vor.u32 v1, v20;
	v11 =	vtrunc.f32 v21  }
.LBB2_25:
0x1cf: {  	p0 =	sne.s32 s6, $0xC200;
	v17 =	vld [tilespmem:s4+$0xC470];
	v15 =	vcvt.f32.s32 v15;
	v9 =	vtrunc.f32 v9;
	[tilespmem:s13+$0x12650] =	vst v16;
	v8 =	vor.u32 v1, v8  }
0x1d0: {  	v14 =	vcvt.f32.s32 v14;
	v13 =	vcvt.f32.s32 v13;
	v16 =	vld [tilespmem:s4+$0xC400];
	[tilespmem:s13+$0x12660] =	vst v8;
	s13 =	smov.u32 s12;
	s12 =	smov.u32 s4  }
0x1d1: {  	v8 =	vcvt.f32.s32 v12;
	v18 =	vld [tilespmem:s12+$0xC410];
	v15 =	vshll.u32 v15, $0x4;
	[tilespmem:s13+$0x15720] =	vst v3;
	v3 =	vcvt.f32.s32 v10  }
0x1d2: {  	v9 =	vcvt.f32.s32 v9;
	v12 =	vshll.u32 v14, $0x4;
	v10 =	vld [tilespmem:s12+$0xC420];
	[tilespmem:s13+$0x15730] =	vst v4;
	v4 =	vcvt.f32.s32 v11  }
0x1d3: {  	v13 =	vshll.u32 v13, $0x4;
	v20 =	vshll.u32 v8, $0x4;
	v11 =	vld [tilespmem:s12+$0xC430];
	v19 =	vshll.u32 v3, $0x4;
	[tilespmem:s13+$0x15740] =	vst v5  }
0x1d4: {  	v8 =	vshll.u32 v9, $0x4;
	v5 =	vld [tilespmem:s12+$0xC440];
	v3 =	vshrl.u32 v17, $0x6;
	v17 =	vshll.u32 v4, $0x4;
	[tilespmem:s13+$0x15750] =	vst v6  }
0x1d5: {  	v9 =	vor.u32 v1, v15;
	v4 =	vshrl.u32 v16, $0x6;
	v6 =	vld [tilespmem:s12+$0xC450];
	v3 =	vcvt.s32.f32 v3;
	[tilespmem:s13+$0x15760] =	vst v7  }
0x1d6: {  	v4 =	vcvt.s32.f32 v4;
	v7 =	vshrl.u32 v18, $0x6;
	v14 =	vld [tilespmem:s12+$0xC460];
	[tilespmem:s13+$0x12600] =	vst v9;
	v9 =	vor.u32 v1, v12  }
0x1d7: {  	v12 =	vld [tilespmem:s12+$0xF500];
	v7 =	vcvt.s32.f32 v7;
	v10 =	vshrl.u32 v10, $0x6;
	v15 =	vmul.f32 $3.333333430e-01, v3;
	[tilespmem:s13+$0x12610] =	vst v9  }
0x1d8: {  	v16 =	vmul.f32 $3.333333430e-01, v4;
	v9 =	vld [tilespmem:s12+$0xF510];
	v10 =	vcvt.s32.f32 v10;
	v4 =	vshrl.u32 v11, $0x6;
	[tilespmem:s13+$0x15770] =	vst v2  }
0x1d9: {  	v3 =	vld [tilespmem:s12+$0xF520];
	v2 =	vcvt.s32.f32 v4;
	v5 =	vshrl.u32 v5, $0x6;
	v11 =	vtrunc.f32 v15  }
0x1da: {  	v4 =	vld [tilespmem:s12+$0xF530];
	v15 =	vcvt.s32.f32 v5;
	v6 =	vshrl.u32 v6, $0x6;
	v11 =	vcvt.f32.s32 v11  }
0x1db: {  	v18 =	vmul.f32 $3.333333430e-01, v7;
	v5 =	vld [tilespmem:s12+$0xF540];
	v21 =	vcvt.s32.f32 v6;
	v7 =	vshrl.u32 v14, $0x6  }
0x1dc: {  	v10 =	vmul.f32 $3.333333430e-01, v10;
	[tilespmem:s12+$0x15700] =	vst v12;
	v6 =	vld [tilespmem:s12+$0xF550];
	v12 =	vcvt.s32.f32 v7;
	v11 =	vshll.u32 v11, $0x4  }
.Ltmp11:
0x1dd: {  	v22 =	vmul.f32 $3.333333430e-01, v2;
	v23 =	vmul.f32 $3.333333430e-01, v15;
	[tilespmem:s12+$0x15710] =	vst v9;
	v7 =	vld [tilespmem:s12+$0xF560];
	v2 =	vor.u32 v1, v11;
	(pc) =	sbr.rel @p0 .LBB2_25-.Ltmp11, $4  }
0x1de: {  	v11 =	vmul.f32 $3.333333430e-01, v21;
	v9 =	vmul.f32 $3.333333430e-01, v12;
	[tilespmem:s12+$0x12670] =	vst v2;
	v2 =	vld [tilespmem:s12+$0xF570];
	v12 =	vor.u32 v1, v13  }
0x1df: {  	v14 =	vtrunc.f32 v18;
	v15 =	vtrunc.f32 v16;
	[tilespmem:s13+$0x12620] =	vst v12;
	v12 =	vor.u32 v1, v19  }
0x1e0: {  	v16 =	vor.u32 v1, v20;
	v13 =	vtrunc.f32 v10;
	v10 =	vtrunc.f32 v22;
	[tilespmem:s13+$0x12630] =	vst v12  }
0x1e1: {  	s4 =	sshra.s32 s6, $0x2;
	s6 =	sadd.s32 $0x200, s6;
	v11 =	vtrunc.f32 v11;
	v12 =	vtrunc.f32 v23;
	[tilespmem:s13+$0x12640] =	vst v16;
	v16 =	vor.u32 v1, v17  }
0x1e2: {  	v17 =	vld [tilespmem:s4+$0xC470];
	[tilespmem:s13+$0x12650] =	vst v16;
	v8 =	vor.u32 v1, v8  }
0x1e3: {  	v16 =	vld [tilespmem:s4+$0xC400];
	[tilespmem:s13+$0x12660] =	vst v8  }
0x1e4: {  	v8 =	vld [tilespmem:s4+$0xC410];
	[tilespmem:s12+$0x15720] =	vst v3  }
0x1e5: {  	v15 =	vcvt.f32.s32 v15;
	v3 =	vld [tilespmem:s4+$0xC420];
	[tilespmem:s12+$0x15730] =	vst v4  }
0x1e6: {  	v14 =	vcvt.f32.s32 v14;
	v9 =	vtrunc.f32 v9;
	v4 =	vld [tilespmem:s4+$0xC430];
	[tilespmem:s12+$0x15740] =	vst v5  }
0x1e7: {  	v13 =	vcvt.f32.s32 v13;
	v15 =	vshll.u32 v15, $0x4;
	v5 =	vld [tilespmem:s4+$0xC440];
	[tilespmem:s12+$0x15750] =	vst v6;
	v17 =	vshrl.u32 v17, $0x6  }
0x1e8: {  	v14 =	vshll.u32 v14, $0x4;
	v49 =	vor.u32 v1, v15;
	v6 =	vld [tilespmem:s4+$0xC450];
	[tilespmem:s12+$0x15760] =	vst v7;
	v53 =	vcvt.s32.f32 v17  }
0x1e9: {  	v12 =	vcvt.f32.s32 v12;
	v11 =	vcvt.f32.s32 v11;
	v51 =	vor.u32 v1, v14;
	v50 =	vld [tilespmem:s4+$0xC460];
	[tilespmem:s12+$0x12600] =	vst v49  }
0x1ea: {  	v9 =	vcvt.f32.s32 v9;
	v52 =	vld [tilespmem:s4+$0xF500];
	[tilespmem:s12+$0x12610] =	vst v51;
	v7 =	vmul.f32 $3.333333430e-01, v53  }
0x1eb: {  	v13 =	vshll.u32 v13, $0x4;
	v12 =	vshll.u32 v12, $0x4;
	v11 =	vshll.u32 v11, $0x4;
	v54 =	vld [tilespmem:s4+$0xF510]  }
0x1ec: {  	v9 =	vshll.u32 v9, $0x4;
	v56 =	vshrl.u32 v16, $0x6;
	[tilespmem:s12+$0x15770] =	vst v2;
	v7 =	vtrunc.f32 v7  }
0x1ed: {  	v14 =	vcvt.s32.f32 v56;
	v8 =	vshrl.u32 v8, $0x6;
	v55 =	vld [tilespmem:s4+$0xF520];
	v7 =	vcvt.f32.s32 v7  }
0x1ee: {  	v13 =	vor.u32 v1, v13;
	v8 =	vcvt.s32.f32 v8;
	v3 =	vshrl.u32 v3, $0x6;
	v18 =	vld [tilespmem:s4+$0xF530]  }
0x1ef: {  	v2 =	vcvt.f32.s32 v10;
	v14 =	vmul.f32 $3.333333430e-01, v14;
	v19 =	vld [tilespmem:s4+$0xF540];
	[tilespmem:s4+$0x15700] =	vst v52;
	v7 =	vshll.u32 v7, $0x4  }
0x1f0: {  	v3 =	vcvt.s32.f32 v3;
	v4 =	vshrl.u32 v4, $0x6;
	v57 =	vld [tilespmem:s4+$0xF550];
	[tilespmem:s4+$0x15710] =	vst v54;
	v7 =	vor.u32 v1, v7  }
0x1f1: {  	v58 =	vld [tilespmem:s4+$0xF560];
	v4 =	vcvt.s32.f32 v4;
	v5 =	vshrl.u32 v5, $0x6;
	v2 =	vshll.u32 v2, $0x4;
	[tilespmem:s4+$0x12670] =	vst v7  }
0x1f2: {  	v59 =	vld [tilespmem:s4+$0xF570];
	v8 =	vmul.f32 $3.333333430e-01, v8;
	v5 =	vcvt.s32.f32 v5;
	v2 =	vor.u32 v1, v2;
	[tilespmem:s12+$0x12620] =	vst v13  }
0x1f3: {  	v6 =	vshrl.u32 v6, $0x6;
	v3 =	vmul.f32 $3.333333430e-01, v3;
	[tilespmem:s12+$0x12630] =	vst v2;
	v2 =	vor.u32 v1, v12  }
0x1f4: {  	v62 =	vtrunc.f32 v14;
	v6 =	vcvt.s32.f32 v6;
	[tilespmem:s12+$0x12640] =	vst v2;
	v2 =	vor.u32 v1, v11  }
0x1f5: {  	v60 =	vshrl.u32 v50, $0x6;
	v4 =	vmul.f32 $3.333333430e-01, v4;
	[tilespmem:s12+$0x12650] =	vst v2;
	v2 =	vor.u32 v1, v9  }
0x1f6: {  	v8 =	vtrunc.f32 v8;
	v61 =	vcvt.s32.f32 v60;
	[tilespmem:s12+$0x12660] =	vst v2  }
0x1f7: {  	v5 =	vmul.f32 $3.333333430e-01, v5;
	v3 =	vtrunc.f32 v3;
	[tilespmem:s4+$0x15720] =	vst v55  }
0x1f8: {  	v8 =	vcvt.f32.s32 v8;
	v6 =	vmul.f32 $3.333333430e-01, v6;
	[tilespmem:s4+$0x15730] =	vst v18  }
0x1f9: {  	v4 =	vtrunc.f32 v4;
	v3 =	vcvt.f32.s32 v3;
	[tilespmem:s4+$0x15740] =	vst v19  }
0x1fa: {  	v5 =	vtrunc.f32 v5;
	v8 =	vshll.u32 v8, $0x4;
	v4 =	vcvt.f32.s32 v4;
	[tilespmem:s4+$0x15750] =	vst v57  }
0x1fb: {  	v6 =	vtrunc.f32 v6;
	v8 =	vor.u32 v1, v8;
	v5 =	vcvt.f32.s32 v5;
	[tilespmem:s4+$0x15760] =	vst v58  }
0x1fc: {  	v3 =	vshll.u32 v3, $0x4;
	v9 =	vcvt.f32.s32 v62;
	v2 =	vmul.f32 $3.333333430e-01, v61;
	[tilespmem:s4+$0x12610] =	vst v8  }
0x1fd: {  	v6 =	vcvt.f32.s32 v6;
	v4 =	vshll.u32 v4, $0x4;
	v3 =	vor.u32 v1, v3;
	[tilespmem:s4+$0x15770] =	vst v59  }
0x1fe: {  	v9 =	vshll.u32 v9, $0x4;
	[tilespmem:s4+$0x12620] =	vst v3;
	v3 =	vor.u32 v1, v4;
	v2 =	vtrunc.f32 v2  }
0x1ff: {  	v5 =	vshll.u32 v5, $0x4;
	v9 =	vor.u32 v1, v9;
	[tilespmem:s4+$0x12630] =	vst v3;
	v2 =	vcvt.f32.s32 v2  }
0x200: {  	v63 =	vshll.u32 v6, $0x4;
	v3 =	vor.u32 v1, v5;
	[tilespmem:s4+$0x12600] =	vst v9  }
0x201: {  	s6 =	sor.u32 s16, s3;
	[tilespmem:s4+$0x12640] =	vst v3;
	v3 =	vor.u32 v1, v63;
	v2 =	vshll.u32 v2, $0x4  }
0x202: {  	s6 =	sshrl.u32 s6, $0x3;
	[tilespmem:s4+$0x12650] =	vst v3;
	v2 =	vor.u32 v1, v2  }
0x203: {  	s12 =	sadd.s32 s8, s6;
	[tilespmem:s4+$0x12660] =	vst v2  }
0x204: {  	[tilespmem:s23], [sflag:$0x1] =	stream.strided.gather [hbm4b:s12+s21], $0x3100, s22, s21, $0x38;
	[tilespmem:$0x1F640] =	vst v63  }
0x205: {  	s13 =	sadd.s32 s5, s6;
	s4 =	simm.s32 $0x0  }
0x206: {  	[tilespmem:s24], [sflag:$0x1] =	stream.strided.gather [hbm4b:s13+s21], $0x3100, s22, s21, $0x38;
	[tilespmem:$0x1F640] =	vst v63  }
.LBB2_27:
0x207: {  	p0 =	sne.s32 s4, $0xC200  }
.Ltmp12:
0x208: {  	_ = 	snop;
	(pc) =	sbr.rel @p0 .LBB2_27-.Ltmp12, $4  }
0x209: {  	_ = 	snop  }
0x20a: {  	s6 =	sshra.s32 s4, $0x2  }
0x20b: {  	s4 =	sadd.s32 $0x200, s4;
	s9 =	sadd.s32 $0x15700, s6;
	s6 =	sadd.s32 $0x12600, s6  }
0x20c: {  	[spmem:s2] =	stream.indirect.scatter.add.f32 [tilespmem:s9], [sflag:$0x2], $0x1, s6, s26, $0xb8;
	[tilespmem:$0x1F640] =	vst v63  }
0x20d: {  	_ =	swait.ge [sflag:s28], $0x80  }
0x20e: {  	s4 =	simm.s32 $0x61;
	[sflag:s28] =	ssyncset.done $0x0  }
.LBB2_29:
0x20f: {  	p0 =	sne.s32 s4, $0x1;
	s4 =	sadd.s32 $0xFFFFFFFF, s4;
	[sflag:s28] =	ssyncadd.s32 $0xFFFFFF80  }
.Ltmp13:
0x210: {  	(pc) =	sbr.rel @p0 .LBB2_29-.Ltmp13, $3  }
0x211: {  	_ =	sdelay $0x1  }
0x212: {  	_ =	swait.ge [sflag:s28], $0x80  }
0x213: {  	[sflag:s28] =	ssyncset.done $0x0  }
0x214: {  	[sflag:s28] =	ssyncadd.s32 $0xFFFFFF80  }
0x215: {  	s4 =	sor.u32 s15, s0;
	s6 =	simm.s32 $0x0;
	[bflag:$0x0] =	sbarrier.arrive $0xFFFF  }
.LBB2_31:
0x216: {  	s9 =	smul.u32 $0xC400, s6;
	_ =	sdelay $0x1  }
0x217: {  	s9 =	sshra.s32 s9, $0x2  }
0x218: {  	s12 =	sadd.s32 s9, s11  }
0x219: {  	[tilespmem:s29], [sflag:$0x3] =	stream.linear.gather [spmem:s12], $0x3100, $0x38;
	[tilespmem:$0x1F640] =	vst v63  }
0x21a: {  	_ =	swait.ge [sflag:s20], $0x3100  }
0x21b: {  	[sflag:s20] =	ssyncset.done $0x0  }
0x21c: {  	s13 =	simm.s32 $0x0;
	[sflag:s20] =	ssyncadd.s32 $0xFFFFCF00  }
0x21d: {  	s9 =	simm.s32 $0x40;
	v2 =	vld [tilespmem:s13+$0x18800]  }
.LBB2_32:
0x21e: {  	p0 =	sne.s32 s9, $0xC3C0  }
.Ltmp14:
0x21f: {  	_ = 	snop;
	(pc) =	sbr.rel @p0 .LBB2_32-.Ltmp14, $3  }
0x220: {  	_ =	sdelay $0x1  }
0x221: {  	[tilespmem:s13+$0x1B900] =	vst v2;
	s13 =	sshra.s32 s9, $0x2;
	s9 =	sadd.s32 $0x40, s9  }
0x222: {  	v2 =	vld [tilespmem:s13+$0x18800]  }
0x223: {  	s9 =	smul.u32 $0x310, s6;
	_ =	sdelay $0x1  }
0x224: {  	s9 =	sadd.s32 s10, s9  }
0x225: {  	s9 =	smul.u32 $0xC0, s9;
	_ =	sdelay $0x1  }
0x226: {  	s9 =	sadd.s32 s4, s9  }
0x227: {  	s9 =	sshrl.u32 s9, $0x3  }
0x228: {  	[tilespmem:s13+$0x1B900] =	vst v2;
	s9 =	sadd.s32 s1, s9  }
0x229: {  	[hbm4b:s9+s21] =	stream.strided.scatter [tilespmem:s30], [sflag:$0x3], $0x3100, s22, s21, $0x38;
	[tilespmem:$0x1F640] =	vst v63  }
0x22a: {  	_ =	swait.ge [sflag:s20], $0x3100  }
0x22b: {  	[sflag:s20] =	ssyncset.done $0x0  }
0x22c: {  	[sflag:s20] =	ssyncadd.s32 $0xFFFFCF00  }
0x22d: {  	[spmem:s12] =	stream.linear.scatter [tilespmem:s19], [sflag:$0x3], $0xC40, $0x38;
	[tilespmem:$0x1F640] =	vst v63  }
0x22e: {  	_ =	swait.ge [sflag:s20], $0xC40  }
0x22f: {  	[sflag:s20] =	ssyncset.done $0x0  }
0x230: {  	s13 =	sadd.s32 $0xC40, s12;
	[sflag:s20] =	ssyncadd.s32 $0xFFFFF3C0  }
0x231: {  	[spmem:s13] =	stream.linear.scatter [tilespmem:s19], [sflag:$0x3], $0xC40, $0x38;
	[tilespmem:$0x1F640] =	vst v63  }
0x232: {  	_ =	swait.ge [sflag:s20], $0xC40  }
0x233: {  	[sflag:s20] =	ssyncset.done $0x0  }
0x234: {  	s13 =	sadd.s32 $0x1880, s12;
	[sflag:s20] =	ssyncadd.s32 $0xFFFFF3C0  }
0x235: {  	[spmem:s13] =	stream.linear.scatter [tilespmem:s19], [sflag:$0x3], $0xC40, $0x38;
	[tilespmem:$0x1F640] =	vst v63  }
0x236: {  	s6 =	sadd.s32 $0x1, s6;
	_ =	swait.ge [sflag:s20], $0xC40  }
0x237: {  	p0 =	sne.s32 s6, $0x4;
	[sflag:s20] =	ssyncset.done $0x0  }
.Ltmp15:
0x238: {  	s13 =	sadd.s32 $0x24C0, s12;
	[sflag:s20] =	ssyncadd.s32 $0xFFFFF3C0;
	(pc) =	sbr.rel @p0 .LBB2_31-.Ltmp15, $4  }
0x239: {  	[spmem:s13] =	stream.linear.scatter [tilespmem:s19], [sflag:$0x3], $0xC40, $0x38;
	[tilespmem:$0x1F640] =	vst v63  }
0x23a: {  	_ =	swait.ge [sflag:s20], $0xC40  }
0x23b: {  	[sflag:s20] =	ssyncset.done $0x0  }
0x23c: {  	[sflag:s20] =	ssyncadd.s32 $0xFFFFF3C0  }
0x23d: {  	[bflag:$0x0] =	sbarrier.arrive $0xFFFF  }
0x23e: {  	_ =	swait.ge [sflag:s25], $0x3100  }
0x23f: {  	[sflag:s25] =	ssyncset.done $0x0  }
0x240: {  	[sflag:s25] =	ssyncadd.s32 $0xFFFFCF00  }
0x241: {  	_ =	swait.ge [sflag:s25], $0x3100  }
0x242: {  	[sflag:s25] =	ssyncset.done $0x0  }
0x243: {  	s13 =	simm.s32 $0x0;
	[sflag:s25] =	ssyncadd.s32 $0xFFFFCF00  }
0x244: {  	v2 =	vld [tilespmem:s13+$0xC470];
	_ =	sdelay $0x1  }
0x245: {  	v4 =	vld [tilespmem:s13+$0xC410]  }
0x246: {  	v5 =	vld [tilespmem:s13+$0xC420]  }
0x247: {  	v6 =	vld [tilespmem:s13+$0xC430]  }
0x248: {  	v7 =	vld [tilespmem:s13+$0xC440];
	v2 =	vshrl.u32 v2, $0x6  }
0x249: {  	v8 =	vld [tilespmem:s13+$0xC450];
	v2 =	vcvt.s32.f32 v2  }
0x24a: {  	v9 =	vld [tilespmem:s13+$0xC460]  }
0x24b: {  	v2 =	vmul.f32 $3.333333430e-01, v2  }
0x24c: {  	v10 =	vld [tilespmem:s13+$0xF500];
	v4 =	vshrl.u32 v4, $0x6;
	v5 =	vshrl.u32 v5, $0x6;
	v6 =	vshrl.u32 v6, $0x6  }
0x24d: {  	v3 =	vld [tilespmem:s13+$0xC400];
	v7 =	vshrl.u32 v7, $0x6;
	v4 =	vcvt.s32.f32 v4;
	v2 =	vtrunc.f32 v2  }
0x24e: {  	v11 =	vld [tilespmem:s13+$0xF510];
	v8 =	vshrl.u32 v8, $0x6;
	v5 =	vcvt.s32.f32 v5;
	v2 =	vcvt.f32.s32 v2  }
0x24f: {  	v12 =	vld [tilespmem:s13+$0xF520];
	v9 =	vshrl.u32 v9, $0x6;
	v6 =	vcvt.s32.f32 v6;
	v7 =	vcvt.s32.f32 v7  }
0x250: {  	v13 =	vld [tilespmem:s13+$0xF530];
	v8 =	vcvt.s32.f32 v8;
	v9 =	vcvt.s32.f32 v9;
	v2 =	vshll.u32 v2, $0x4  }
0x251: {  	v14 =	vld [tilespmem:s13+$0xF540];
	[tilespmem:s13+$0x15700] =	vst v10;
	v4 =	vmul.f32 $3.333333430e-01, v4;
	v5 =	vmul.f32 $3.333333430e-01, v5;
	v2 =	vor.u32 v1, v2  }
0x252: {  	v10 =	vld [tilespmem:s13+$0xF550];
	v6 =	vmul.f32 $3.333333430e-01, v6;
	v7 =	vmul.f32 $3.333333430e-01, v7;
	[tilespmem:s13+$0x12670] =	vst v2;
	v2 =	vshrl.u32 v3, $0x6  }
0x253: {  	[tilespmem:s13+$0x15710] =	vst v11;
	v11 =	vld [tilespmem:s13+$0xF560];
	v8 =	vmul.f32 $3.333333430e-01, v8;
	v2 =	vcvt.s32.f32 v2  }
0x254: {  	s12 =	simm.s32 $0x80;
	v9 =	vmul.f32 $3.333333430e-01, v9;
	v4 =	vtrunc.f32 v4;
	v3 =	vld [tilespmem:s13+$0xF570]  }
0x255: {  	v5 =	vtrunc.f32 v5;
	v15 =	vld [tilespmem:s12+$0xC470];
	v2 =	vmul.f32 $3.333333430e-01, v2  }
0x256: {  	v6 =	vtrunc.f32 v6;
	v7 =	vtrunc.f32 v7;
	v16 =	vld [tilespmem:s12+$0xC400]  }
0x257: {  	v8 =	vtrunc.f32 v8;
	v17 =	vld [tilespmem:s12+$0xC410];
	[tilespmem:s13+$0x15720] =	vst v12;
	v2 =	vtrunc.f32 v2  }
0x258: {  	v9 =	vtrunc.f32 v9;
	v12 =	vld [tilespmem:s12+$0xC420];
	[tilespmem:s13+$0x15730] =	vst v13;
	v2 =	vcvt.f32.s32 v2  }
0x259: {  	v4 =	vcvt.f32.s32 v4;
	v5 =	vcvt.f32.s32 v5;
	v13 =	vld [tilespmem:s12+$0xC430];
	[tilespmem:s13+$0x15740] =	vst v14  }
0x25a: {  	v8 =	vcvt.f32.s32 v8;
	v9 =	vcvt.f32.s32 v9;
	v14 =	vld [tilespmem:s12+$0xC440];
	[tilespmem:s13+$0x15750] =	vst v10;
	v2 =	vshll.u32 v2, $0x4  }
0x25b: {  	v4 =	vshll.u32 v4, $0x4;
	v18 =	vshll.u32 v5, $0x4;
	v10 =	vld [tilespmem:s12+$0xC450];
	[tilespmem:s13+$0x15760] =	vst v11;
	v2 =	vor.u32 v1, v2  }
0x25c: {  	v4 =	vor.u32 v1, v4;
	v11 =	vld [tilespmem:s12+$0xC460];
	v15 =	vshrl.u32 v15, $0x6;
	[tilespmem:s13+$0x12600] =	vst v2;
	v2 =	vcvt.f32.s32 v6  }
0x25d: {  	v5 =	vcvt.s32.f32 v15;
	v6 =	vcvt.f32.s32 v7;
	v7 =	vld [tilespmem:s12+$0xF500];
	[tilespmem:s13+$0x12610] =	vst v4;
	v4 =	vshrl.u32 v16, $0x6  }
0x25e: {  	v20 =	vshll.u32 v8, $0x4;
	v16 =	vshll.u32 v2, $0x4;
	v2 =	vcvt.s32.f32 v4  }
0x25f: {  	v8 =	vshrl.u32 v12, $0x6;
	v5 =	vmul.f32 $3.333333430e-01, v5;
	v4 =	vshrl.u32 v17, $0x6  }
0x260: {  	v15 =	vld [tilespmem:s12+$0xF510];
	v19 =	vshll.u32 v6, $0x4;
	v6 =	vcvt.s32.f32 v4;
	v12 =	vmul.f32 $3.333333430e-01, v2  }
0x261: {  	v2 =	vcvt.s32.f32 v8;
	v8 =	vshrl.u32 v13, $0x6;
	v13 =	vtrunc.f32 v5  }
0x262: {  	[tilespmem:s13+$0x15770] =	vst v3;
	v17 =	vcvt.s32.f32 v8;
	v8 =	vshrl.u32 v14, $0x6;
	v13 =	vcvt.f32.s32 v13  }
0x263: {  	v3 =	vld [tilespmem:s12+$0xF520];
	[tilespmem:s12+$0x15700] =	vst v7;
	v14 =	vcvt.s32.f32 v8;
	v7 =	vshrl.u32 v10, $0x6;
	v10 =	vmul.f32 $3.333333430e-01, v6  }
0x264: {  	v4 =	vld [tilespmem:s12+$0xF530];
	v21 =	vcvt.s32.f32 v7;
	v7 =	vshrl.u32 v11, $0x6;
	v11 =	vmul.f32 $3.333333430e-01, v2  }
0x265: {  	v5 =	vld [tilespmem:s12+$0xF540];
	v8 =	vshll.u32 v13, $0x4;
	[tilespmem:s12+$0x15710] =	vst v15;
	v17 =	vmul.f32 $3.333333430e-01, v17;
	v15 =	vtrunc.f32 v12  }
0x266: {  	v6 =	vld [tilespmem:s12+$0xF550];
	v12 =	vor.u32 v1, v16;
	v2 =	vcvt.s32.f32 v7;
	v13 =	vor.u32 v1, v8  }
0x267: {  	v7 =	vld [tilespmem:s12+$0xF560];
	v22 =	vmul.f32 $3.333333430e-01, v14;
	v14 =	vtrunc.f32 v10;
	[tilespmem:s12+$0x12670] =	vst v13;
	v13 =	vor.u32 v1, v18  }
0x268: {  	v8 =	vshll.u32 v9, $0x4;
	v21 =	vmul.f32 $3.333333430e-01, v21;
	v9 =	vmul.f32 $3.333333430e-01, v2;
	v2 =	vld [tilespmem:s12+$0xF570];
	[tilespmem:s13+$0x12620] =	vst v13  }
0x269: {  	v16 =	vor.u32 v1, v19;
	v10 =	vtrunc.f32 v17;
	v13 =	vtrunc.f32 v11;
	[tilespmem:s13+$0x12630] =	vst v12  }
0x26a: {  	s4 =	simm.s32 $0x100;
	s6 =	simm.s32 $0x600;
	v12 =	vtrunc.f32 v22;
	[tilespmem:s13+$0x12640] =	vst v16;
	v16 =	vor.u32 v1, v20;
	v11 =	vtrunc.f32 v21  }
.LBB2_35:
0x26b: {  	p0 =	sne.s32 s6, $0xC200;
	v17 =	vld [tilespmem:s4+$0xC470];
	v15 =	vcvt.f32.s32 v15;
	v9 =	vtrunc.f32 v9;
	[tilespmem:s13+$0x12650] =	vst v16;
	v8 =	vor.u32 v1, v8  }
0x26c: {  	v14 =	vcvt.f32.s32 v14;
	v13 =	vcvt.f32.s32 v13;
	v16 =	vld [tilespmem:s4+$0xC400];
	[tilespmem:s13+$0x12660] =	vst v8;
	s13 =	smov.u32 s12;
	s12 =	smov.u32 s4  }
0x26d: {  	v8 =	vcvt.f32.s32 v12;
	v18 =	vld [tilespmem:s12+$0xC410];
	v15 =	vshll.u32 v15, $0x4;
	[tilespmem:s13+$0x15720] =	vst v3;
	v3 =	vcvt.f32.s32 v10  }
0x26e: {  	v9 =	vcvt.f32.s32 v9;
	v12 =	vshll.u32 v14, $0x4;
	v10 =	vld [tilespmem:s12+$0xC420];
	[tilespmem:s13+$0x15730] =	vst v4;
	v4 =	vcvt.f32.s32 v11  }
0x26f: {  	v13 =	vshll.u32 v13, $0x4;
	v20 =	vshll.u32 v8, $0x4;
	v11 =	vld [tilespmem:s12+$0xC430];
	v19 =	vshll.u32 v3, $0x4;
	[tilespmem:s13+$0x15740] =	vst v5  }
0x270: {  	v8 =	vshll.u32 v9, $0x4;
	v5 =	vld [tilespmem:s12+$0xC440];
	v3 =	vshrl.u32 v17, $0x6;
	v17 =	vshll.u32 v4, $0x4;
	[tilespmem:s13+$0x15750] =	vst v6  }
0x271: {  	v9 =	vor.u32 v1, v15;
	v4 =	vshrl.u32 v16, $0x6;
	v6 =	vld [tilespmem:s12+$0xC450];
	v3 =	vcvt.s32.f32 v3;
	[tilespmem:s13+$0x15760] =	vst v7  }
0x272: {  	v4 =	vcvt.s32.f32 v4;
	v7 =	vshrl.u32 v18, $0x6;
	v14 =	vld [tilespmem:s12+$0xC460];
	[tilespmem:s13+$0x12600] =	vst v9;
	v9 =	vor.u32 v1, v12  }
0x273: {  	v12 =	vld [tilespmem:s12+$0xF500];
	v7 =	vcvt.s32.f32 v7;
	v10 =	vshrl.u32 v10, $0x6;
	v15 =	vmul.f32 $3.333333430e-01, v3;
	[tilespmem:s13+$0x12610] =	vst v9  }
0x274: {  	v16 =	vmul.f32 $3.333333430e-01, v4;
	v9 =	vld [tilespmem:s12+$0xF510];
	v10 =	vcvt.s32.f32 v10;
	v4 =	vshrl.u32 v11, $0x6;
	[tilespmem:s13+$0x15770] =	vst v2  }
0x275: {  	v3 =	vld [tilespmem:s12+$0xF520];
	v2 =	vcvt.s32.f32 v4;
	v5 =	vshrl.u32 v5, $0x6;
	v11 =	vtrunc.f32 v15  }
0x276: {  	v4 =	vld [tilespmem:s12+$0xF530];
	v15 =	vcvt.s32.f32 v5;
	v6 =	vshrl.u32 v6, $0x6;
	v11 =	vcvt.f32.s32 v11  }
0x277: {  	v18 =	vmul.f32 $3.333333430e-01, v7;
	v5 =	vld [tilespmem:s12+$0xF540];
	v21 =	vcvt.s32.f32 v6;
	v7 =	vshrl.u32 v14, $0x6  }
0x278: {  	v10 =	vmul.f32 $3.333333430e-01, v10;
	[tilespmem:s12+$0x15700] =	vst v12;
	v6 =	vld [tilespmem:s12+$0xF550];
	v12 =	vcvt.s32.f32 v7;
	v11 =	vshll.u32 v11, $0x4  }
.Ltmp16:
0x279: {  	v22 =	vmul.f32 $3.333333430e-01, v2;
	v23 =	vmul.f32 $3.333333430e-01, v15;
	[tilespmem:s12+$0x15710] =	vst v9;
	v7 =	vld [tilespmem:s12+$0xF560];
	v2 =	vor.u32 v1, v11;
	(pc) =	sbr.rel @p0 .LBB2_35-.Ltmp16, $4  }
0x27a: {  	v11 =	vmul.f32 $3.333333430e-01, v21;
	v9 =	vmul.f32 $3.333333430e-01, v12;
	[tilespmem:s12+$0x12670] =	vst v2;
	v2 =	vld [tilespmem:s12+$0xF570];
	v12 =	vor.u32 v1, v13  }
0x27b: {  	v14 =	vtrunc.f32 v18;
	v15 =	vtrunc.f32 v16;
	[tilespmem:s13+$0x12620] =	vst v12;
	v12 =	vor.u32 v1, v19  }
0x27c: {  	v16 =	vor.u32 v1, v20;
	v13 =	vtrunc.f32 v10;
	v10 =	vtrunc.f32 v22;
	[tilespmem:s13+$0x12630] =	vst v12  }
0x27d: {  	s4 =	sshra.s32 s6, $0x2;
	s6 =	sadd.s32 $0x200, s6;
	v11 =	vtrunc.f32 v11;
	v12 =	vtrunc.f32 v23;
	[tilespmem:s13+$0x12640] =	vst v16;
	v16 =	vor.u32 v1, v17  }
0x27e: {  	v17 =	vld [tilespmem:s4+$0xC470];
	[tilespmem:s13+$0x12650] =	vst v16;
	v8 =	vor.u32 v1, v8  }
0x27f: {  	v16 =	vld [tilespmem:s4+$0xC400];
	[tilespmem:s13+$0x12660] =	vst v8  }
0x280: {  	v8 =	vld [tilespmem:s4+$0xC410];
	[tilespmem:s12+$0x15720] =	vst v3  }
0x281: {  	v15 =	vcvt.f32.s32 v15;
	v3 =	vld [tilespmem:s4+$0xC420];
	[tilespmem:s12+$0x15730] =	vst v4  }
0x282: {  	v14 =	vcvt.f32.s32 v14;
	v9 =	vtrunc.f32 v9;
	v4 =	vld [tilespmem:s4+$0xC430];
	[tilespmem:s12+$0x15740] =	vst v5  }
0x283: {  	v13 =	vcvt.f32.s32 v13;
	v15 =	vshll.u32 v15, $0x4;
	v5 =	vld [tilespmem:s4+$0xC440];
	[tilespmem:s12+$0x15750] =	vst v6;
	v17 =	vshrl.u32 v17, $0x6  }
0x284: {  	v14 =	vshll.u32 v14, $0x4;
	v49 =	vor.u32 v1, v15;
	v6 =	vld [tilespmem:s4+$0xC450];
	[tilespmem:s12+$0x15760] =	vst v7;
	v53 =	vcvt.s32.f32 v17  }
0x285: {  	v12 =	vcvt.f32.s32 v12;
	v11 =	vcvt.f32.s32 v11;
	v51 =	vor.u32 v1, v14;
	v50 =	vld [tilespmem:s4+$0xC460];
	[tilespmem:s12+$0x12600] =	vst v49  }
0x286: {  	v9 =	vcvt.f32.s32 v9;
	v52 =	vld [tilespmem:s4+$0xF500];
	[tilespmem:s12+$0x12610] =	vst v51;
	v7 =	vmul.f32 $3.333333430e-01, v53  }
0x287: {  	v13 =	vshll.u32 v13, $0x4;
	v12 =	vshll.u32 v12, $0x4;
	v11 =	vshll.u32 v11, $0x4;
	v54 =	vld [tilespmem:s4+$0xF510]  }
0x288: {  	v9 =	vshll.u32 v9, $0x4;
	v56 =	vshrl.u32 v16, $0x6;
	[tilespmem:s12+$0x15770] =	vst v2;
	v7 =	vtrunc.f32 v7  }
0x289: {  	v14 =	vcvt.s32.f32 v56;
	v8 =	vshrl.u32 v8, $0x6;
	v55 =	vld [tilespmem:s4+$0xF520];
	v7 =	vcvt.f32.s32 v7  }
0x28a: {  	v13 =	vor.u32 v1, v13;
	v8 =	vcvt.s32.f32 v8;
	v3 =	vshrl.u32 v3, $0x6;
	v18 =	vld [tilespmem:s4+$0xF530]  }
0x28b: {  	v2 =	vcvt.f32.s32 v10;
	v14 =	vmul.f32 $3.333333430e-01, v14;
	v19 =	vld [tilespmem:s4+$0xF540];
	[tilespmem:s4+$0x15700] =	vst v52;
	v7 =	vshll.u32 v7, $0x4  }
0x28c: {  	v3 =	vcvt.s32.f32 v3;
	v4 =	vshrl.u32 v4, $0x6;
	v57 =	vld [tilespmem:s4+$0xF550];
	[tilespmem:s4+$0x15710] =	vst v54;
	v7 =	vor.u32 v1, v7  }
0x28d: {  	v58 =	vld [tilespmem:s4+$0xF560];
	v4 =	vcvt.s32.f32 v4;
	v5 =	vshrl.u32 v5, $0x6;
	v2 =	vshll.u32 v2, $0x4;
	[tilespmem:s4+$0x12670] =	vst v7  }
0x28e: {  	v59 =	vld [tilespmem:s4+$0xF570];
	v8 =	vmul.f32 $3.333333430e-01, v8;
	v5 =	vcvt.s32.f32 v5;
	v2 =	vor.u32 v1, v2;
	[tilespmem:s12+$0x12620] =	vst v13  }
0x28f: {  	v6 =	vshrl.u32 v6, $0x6;
	v3 =	vmul.f32 $3.333333430e-01, v3;
	[tilespmem:s12+$0x12630] =	vst v2;
	v2 =	vor.u32 v1, v12  }
0x290: {  	v62 =	vtrunc.f32 v14;
	v6 =	vcvt.s32.f32 v6;
	[tilespmem:s12+$0x12640] =	vst v2;
	v2 =	vor.u32 v1, v11  }
0x291: {  	v60 =	vshrl.u32 v50, $0x6;
	v4 =	vmul.f32 $3.333333430e-01, v4;
	[tilespmem:s12+$0x12650] =	vst v2;
	v2 =	vor.u32 v1, v9  }
0x292: {  	v8 =	vtrunc.f32 v8;
	v61 =	vcvt.s32.f32 v60;
	[tilespmem:s12+$0x12660] =	vst v2  }
0x293: {  	v5 =	vmul.f32 $3.333333430e-01, v5;
	v3 =	vtrunc.f32 v3;
	[tilespmem:s4+$0x15720] =	vst v55  }
0x294: {  	v8 =	vcvt.f32.s32 v8;
	v6 =	vmul.f32 $3.333333430e-01, v6;
	[tilespmem:s4+$0x15730] =	vst v18  }
0x295: {  	v4 =	vtrunc.f32 v4;
	v3 =	vcvt.f32.s32 v3;
	[tilespmem:s4+$0x15740] =	vst v19  }
0x296: {  	v5 =	vtrunc.f32 v5;
	v8 =	vshll.u32 v8, $0x4;
	v4 =	vcvt.f32.s32 v4;
	[tilespmem:s4+$0x15750] =	vst v57  }
0x297: {  	v6 =	vtrunc.f32 v6;
	v8 =	vor.u32 v1, v8;
	v5 =	vcvt.f32.s32 v5;
	[tilespmem:s4+$0x15760] =	vst v58  }
0x298: {  	v3 =	vshll.u32 v3, $0x4;
	v9 =	vcvt.f32.s32 v62;
	v2 =	vmul.f32 $3.333333430e-01, v61;
	[tilespmem:s4+$0x12610] =	vst v8  }
0x299: {  	v6 =	vcvt.f32.s32 v6;
	v4 =	vshll.u32 v4, $0x4;
	v3 =	vor.u32 v1, v3;
	[tilespmem:s4+$0x15770] =	vst v59  }
0x29a: {  	v9 =	vshll.u32 v9, $0x4;
	[tilespmem:s4+$0x12620] =	vst v3;
	v3 =	vor.u32 v1, v4;
	v2 =	vtrunc.f32 v2  }
0x29b: {  	v5 =	vshll.u32 v5, $0x4;
	v9 =	vor.u32 v1, v9;
	[tilespmem:s4+$0x12630] =	vst v3;
	v2 =	vcvt.f32.s32 v2  }
0x29c: {  	v63 =	vshll.u32 v6, $0x4;
	v3 =	vor.u32 v1, v5;
	[tilespmem:s4+$0x12600] =	vst v9  }
0x29d: {  	s6 =	sor.u32 s17, s3;
	[tilespmem:s4+$0x12640] =	vst v3;
	v3 =	vor.u32 v1, v63;
	v2 =	vshll.u32 v2, $0x4  }
0x29e: {  	s6 =	sshrl.u32 s6, $0x3;
	[tilespmem:s4+$0x12650] =	vst v3;
	v2 =	vor.u32 v1, v2  }
0x29f: {  	s12 =	sadd.s32 s8, s6;
	[tilespmem:s4+$0x12660] =	vst v2  }
0x2a0: {  	[tilespmem:s23], [sflag:$0x1] =	stream.strided.gather [hbm4b:s12+s21], $0x3100, s22, s21, $0x38;
	[tilespmem:$0x1F640] =	vst v63  }
0x2a1: {  	s13 =	sadd.s32 s5, s6;
	s4 =	simm.s32 $0x0  }
0x2a2: {  	[tilespmem:s24], [sflag:$0x1] =	stream.strided.gather [hbm4b:s13+s21], $0x3100, s22, s21, $0x38;
	[tilespmem:$0x1F640] =	vst v63  }
.LBB2_37:
0x2a3: {  	p0 =	sne.s32 s4, $0xC200  }
.Ltmp17:
0x2a4: {  	_ = 	snop;
	(pc) =	sbr.rel @p0 .LBB2_37-.Ltmp17, $4  }
0x2a5: {  	_ = 	snop  }
0x2a6: {  	s6 =	sshra.s32 s4, $0x2  }
0x2a7: {  	s4 =	sadd.s32 $0x200, s4;
	s9 =	sadd.s32 $0x15700, s6;
	s6 =	sadd.s32 $0x12600, s6  }
0x2a8: {  	[spmem:s2] =	stream.indirect.scatter.add.f32 [tilespmem:s9], [sflag:$0x2], $0x1, s6, s26, $0xb8;
	[tilespmem:$0x1F640] =	vst v63  }
0x2a9: {  	_ =	swait.ge [sflag:s28], $0x80  }
0x2aa: {  	s4 =	simm.s32 $0x61;
	[sflag:s28] =	ssyncset.done $0x0  }
.LBB2_39:
0x2ab: {  	p0 =	sne.s32 s4, $0x1;
	s4 =	sadd.s32 $0xFFFFFFFF, s4;
	[sflag:s28] =	ssyncadd.s32 $0xFFFFFF80  }
.Ltmp18:
0x2ac: {  	(pc) =	sbr.rel @p0 .LBB2_39-.Ltmp18, $3  }
0x2ad: {  	_ =	sdelay $0x1  }
0x2ae: {  	_ =	swait.ge [sflag:s28], $0x80  }
0x2af: {  	[sflag:s28] =	ssyncset.done $0x0  }
0x2b0: {  	[sflag:s28] =	ssyncadd.s32 $0xFFFFFF80  }
0x2b1: {  	s4 =	sor.u32 s16, s0;
	s6 =	simm.s32 $0x0;
	[bflag:$0x0] =	sbarrier.arrive $0xFFFF  }
.LBB2_41:
0x2b2: {  	s9 =	smul.u32 $0xC400, s6;
	_ =	sdelay $0x1  }
0x2b3: {  	s9 =	sshra.s32 s9, $0x2  }
0x2b4: {  	s12 =	sadd.s32 s9, s11  }
0x2b5: {  	[tilespmem:s29], [sflag:$0x3] =	stream.linear.gather [spmem:s12], $0x3100, $0x38;
	[tilespmem:$0x1F640] =	vst v63  }
0x2b6: {  	_ =	swait.ge [sflag:s20], $0x3100  }
0x2b7: {  	[sflag:s20] =	ssyncset.done $0x0  }
0x2b8: {  	s13 =	simm.s32 $0x0;
	[sflag:s20] =	ssyncadd.s32 $0xFFFFCF00  }
0x2b9: {  	s9 =	simm.s32 $0x40;
	v2 =	vld [tilespmem:s13+$0x18800]  }
.LBB2_42:
0x2ba: {  	p0 =	sne.s32 s9, $0xC3C0  }
.Ltmp19:
0x2bb: {  	_ = 	snop;
	(pc) =	sbr.rel @p0 .LBB2_42-.Ltmp19, $3  }
0x2bc: {  	_ =	sdelay $0x1  }
0x2bd: {  	[tilespmem:s13+$0x1B900] =	vst v2;
	s13 =	sshra.s32 s9, $0x2;
	s9 =	sadd.s32 $0x40, s9  }
0x2be: {  	v2 =	vld [tilespmem:s13+$0x18800]  }
0x2bf: {  	s9 =	smul.u32 $0x310, s6;
	_ =	sdelay $0x1  }
0x2c0: {  	s9 =	sadd.s32 s10, s9  }
0x2c1: {  	s9 =	smul.u32 $0xC0, s9;
	_ =	sdelay $0x1  }
0x2c2: {  	s9 =	sadd.s32 s4, s9  }
0x2c3: {  	s9 =	sshrl.u32 s9, $0x3  }
0x2c4: {  	[tilespmem:s13+$0x1B900] =	vst v2;
	s9 =	sadd.s32 s1, s9  }
0x2c5: {  	[hbm4b:s9+s21] =	stream.strided.scatter [tilespmem:s30], [sflag:$0x3], $0x3100, s22, s21, $0x38;
	[tilespmem:$0x1F640] =	vst v63  }
0x2c6: {  	_ =	swait.ge [sflag:s20], $0x3100  }
0x2c7: {  	[sflag:s20] =	ssyncset.done $0x0  }
0x2c8: {  	[sflag:s20] =	ssyncadd.s32 $0xFFFFCF00  }
0x2c9: {  	[spmem:s12] =	stream.linear.scatter [tilespmem:s19], [sflag:$0x3], $0xC40, $0x38;
	[tilespmem:$0x1F640] =	vst v63  }
0x2ca: {  	_ =	swait.ge [sflag:s20], $0xC40  }
0x2cb: {  	[sflag:s20] =	ssyncset.done $0x0  }
0x2cc: {  	s13 =	sadd.s32 $0xC40, s12;
	[sflag:s20] =	ssyncadd.s32 $0xFFFFF3C0  }
0x2cd: {  	[spmem:s13] =	stream.linear.scatter [tilespmem:s19], [sflag:$0x3], $0xC40, $0x38;
	[tilespmem:$0x1F640] =	vst v63  }
0x2ce: {  	_ =	swait.ge [sflag:s20], $0xC40  }
0x2cf: {  	[sflag:s20] =	ssyncset.done $0x0  }
0x2d0: {  	s13 =	sadd.s32 $0x1880, s12;
	[sflag:s20] =	ssyncadd.s32 $0xFFFFF3C0  }
0x2d1: {  	[spmem:s13] =	stream.linear.scatter [tilespmem:s19], [sflag:$0x3], $0xC40, $0x38;
	[tilespmem:$0x1F640] =	vst v63  }
0x2d2: {  	s6 =	sadd.s32 $0x1, s6;
	_ =	swait.ge [sflag:s20], $0xC40  }
0x2d3: {  	p0 =	sne.s32 s6, $0x4;
	[sflag:s20] =	ssyncset.done $0x0  }
.Ltmp20:
0x2d4: {  	s13 =	sadd.s32 $0x24C0, s12;
	[sflag:s20] =	ssyncadd.s32 $0xFFFFF3C0;
	(pc) =	sbr.rel @p0 .LBB2_41-.Ltmp20, $4  }
0x2d5: {  	[spmem:s13] =	stream.linear.scatter [tilespmem:s19], [sflag:$0x3], $0xC40, $0x38;
	[tilespmem:$0x1F640] =	vst v63  }
0x2d6: {  	_ =	swait.ge [sflag:s20], $0xC40  }
0x2d7: {  	[sflag:s20] =	ssyncset.done $0x0  }
0x2d8: {  	[sflag:s20] =	ssyncadd.s32 $0xFFFFF3C0  }
0x2d9: {  	[bflag:$0x0] =	sbarrier.arrive $0xFFFF  }
0x2da: {  	_ =	swait.ge [sflag:s25], $0x3100  }
0x2db: {  	[sflag:s25] =	ssyncset.done $0x0  }
0x2dc: {  	[sflag:s25] =	ssyncadd.s32 $0xFFFFCF00  }
0x2dd: {  	_ =	swait.ge [sflag:s25], $0x3100  }
0x2de: {  	[sflag:s25] =	ssyncset.done $0x0  }
0x2df: {  	s13 =	simm.s32 $0x0;
	[sflag:s25] =	ssyncadd.s32 $0xFFFFCF00  }
0x2e0: {  	v2 =	vld [tilespmem:s13+$0xC470];
	_ =	sdelay $0x1  }
0x2e1: {  	v4 =	vld [tilespmem:s13+$0xC410]  }
0x2e2: {  	v5 =	vld [tilespmem:s13+$0xC420]  }
0x2e3: {  	v6 =	vld [tilespmem:s13+$0xC430]  }
0x2e4: {  	v7 =	vld [tilespmem:s13+$0xC440];
	v2 =	vshrl.u32 v2, $0x6  }
0x2e5: {  	v8 =	vld [tilespmem:s13+$0xC450];
	v2 =	vcvt.s32.f32 v2  }
0x2e6: {  	v9 =	vld [tilespmem:s13+$0xC460]  }
0x2e7: {  	v2 =	vmul.f32 $3.333333430e-01, v2  }
0x2e8: {  	v10 =	vld [tilespmem:s13+$0xF500];
	v4 =	vshrl.u32 v4, $0x6;
	v5 =	vshrl.u32 v5, $0x6;
	v6 =	vshrl.u32 v6, $0x6  }
0x2e9: {  	v3 =	vld [tilespmem:s13+$0xC400];
	v7 =	vshrl.u32 v7, $0x6;
	v4 =	vcvt.s32.f32 v4;
	v2 =	vtrunc.f32 v2  }
0x2ea: {  	v11 =	vld [tilespmem:s13+$0xF510];
	v8 =	vshrl.u32 v8, $0x6;
	v5 =	vcvt.s32.f32 v5;
	v2 =	vcvt.f32.s32 v2  }
0x2eb: {  	v12 =	vld [tilespmem:s13+$0xF520];
	v9 =	vshrl.u32 v9, $0x6;
	v6 =	vcvt.s32.f32 v6;
	v7 =	vcvt.s32.f32 v7  }
0x2ec: {  	v13 =	vld [tilespmem:s13+$0xF530];
	v8 =	vcvt.s32.f32 v8;
	v9 =	vcvt.s32.f32 v9;
	v2 =	vshll.u32 v2, $0x4  }
0x2ed: {  	v14 =	vld [tilespmem:s13+$0xF540];
	[tilespmem:s13+$0x15700] =	vst v10;
	v4 =	vmul.f32 $3.333333430e-01, v4;
	v5 =	vmul.f32 $3.333333430e-01, v5;
	v2 =	vor.u32 v1, v2  }
0x2ee: {  	v10 =	vld [tilespmem:s13+$0xF550];
	v6 =	vmul.f32 $3.333333430e-01, v6;
	v7 =	vmul.f32 $3.333333430e-01, v7;
	[tilespmem:s13+$0x12670] =	vst v2;
	v2 =	vshrl.u32 v3, $0x6  }
0x2ef: {  	[tilespmem:s13+$0x15710] =	vst v11;
	v11 =	vld [tilespmem:s13+$0xF560];
	v8 =	vmul.f32 $3.333333430e-01, v8;
	v2 =	vcvt.s32.f32 v2  }
0x2f0: {  	s12 =	simm.s32 $0x80;
	v9 =	vmul.f32 $3.333333430e-01, v9;
	v4 =	vtrunc.f32 v4;
	v3 =	vld [tilespmem:s13+$0xF570]  }
0x2f1: {  	v5 =	vtrunc.f32 v5;
	v15 =	vld [tilespmem:s12+$0xC470];
	v2 =	vmul.f32 $3.333333430e-01, v2  }
0x2f2: {  	v6 =	vtrunc.f32 v6;
	v7 =	vtrunc.f32 v7;
	v16 =	vld [tilespmem:s12+$0xC400]  }
0x2f3: {  	v8 =	vtrunc.f32 v8;
	v17 =	vld [tilespmem:s12+$0xC410];
	[tilespmem:s13+$0x15720] =	vst v12;
	v2 =	vtrunc.f32 v2  }
0x2f4: {  	v9 =	vtrunc.f32 v9;
	v12 =	vld [tilespmem:s12+$0xC420];
	[tilespmem:s13+$0x15730] =	vst v13;
	v2 =	vcvt.f32.s32 v2  }
0x2f5: {  	v4 =	vcvt.f32.s32 v4;
	v5 =	vcvt.f32.s32 v5;
	v13 =	vld [tilespmem:s12+$0xC430];
	[tilespmem:s13+$0x15740] =	vst v14  }
0x2f6: {  	v8 =	vcvt.f32.s32 v8;
	v9 =	vcvt.f32.s32 v9;
	v14 =	vld [tilespmem:s12+$0xC440];
	[tilespmem:s13+$0x15750] =	vst v10;
	v2 =	vshll.u32 v2, $0x4  }
0x2f7: {  	v4 =	vshll.u32 v4, $0x4;
	v18 =	vshll.u32 v5, $0x4;
	v10 =	vld [tilespmem:s12+$0xC450];
	[tilespmem:s13+$0x15760] =	vst v11;
	v2 =	vor.u32 v1, v2  }
0x2f8: {  	v4 =	vor.u32 v1, v4;
	v11 =	vld [tilespmem:s12+$0xC460];
	v15 =	vshrl.u32 v15, $0x6;
	[tilespmem:s13+$0x12600] =	vst v2;
	v2 =	vcvt.f32.s32 v6  }
0x2f9: {  	v5 =	vcvt.s32.f32 v15;
	v6 =	vcvt.f32.s32 v7;
	v7 =	vld [tilespmem:s12+$0xF500];
	[tilespmem:s13+$0x12610] =	vst v4;
	v4 =	vshrl.u32 v16, $0x6  }
0x2fa: {  	v20 =	vshll.u32 v8, $0x4;
	v16 =	vshll.u32 v2, $0x4;
	v2 =	vcvt.s32.f32 v4  }
0x2fb: {  	v8 =	vshrl.u32 v12, $0x6;
	v5 =	vmul.f32 $3.333333430e-01, v5;
	v4 =	vshrl.u32 v17, $0x6  }
0x2fc: {  	v15 =	vld [tilespmem:s12+$0xF510];
	v19 =	vshll.u32 v6, $0x4;
	v6 =	vcvt.s32.f32 v4;
	v12 =	vmul.f32 $3.333333430e-01, v2  }
0x2fd: {  	v2 =	vcvt.s32.f32 v8;
	v8 =	vshrl.u32 v13, $0x6;
	v13 =	vtrunc.f32 v5  }
0x2fe: {  	[tilespmem:s13+$0x15770] =	vst v3;
	v17 =	vcvt.s32.f32 v8;
	v8 =	vshrl.u32 v14, $0x6;
	v13 =	vcvt.f32.s32 v13  }
0x2ff: {  	v3 =	vld [tilespmem:s12+$0xF520];
	[tilespmem:s12+$0x15700] =	vst v7;
	v14 =	vcvt.s32.f32 v8;
	v7 =	vshrl.u32 v10, $0x6;
	v10 =	vmul.f32 $3.333333430e-01, v6  }
0x300: {  	v4 =	vld [tilespmem:s12+$0xF530];
	v21 =	vcvt.s32.f32 v7;
	v7 =	vshrl.u32 v11, $0x6;
	v11 =	vmul.f32 $3.333333430e-01, v2  }
0x301: {  	v5 =	vld [tilespmem:s12+$0xF540];
	v8 =	vshll.u32 v13, $0x4;
	[tilespmem:s12+$0x15710] =	vst v15;
	v17 =	vmul.f32 $3.333333430e-01, v17;
	v15 =	vtrunc.f32 v12  }
0x302: {  	v6 =	vld [tilespmem:s12+$0xF550];
	v12 =	vor.u32 v1, v16;
	v2 =	vcvt.s32.f32 v7;
	v13 =	vor.u32 v1, v8  }
0x303: {  	v7 =	vld [tilespmem:s12+$0xF560];
	v22 =	vmul.f32 $3.333333430e-01, v14;
	v14 =	vtrunc.f32 v10;
	[tilespmem:s12+$0x12670] =	vst v13;
	v13 =	vor.u32 v1, v18  }
0x304: {  	v8 =	vshll.u32 v9, $0x4;
	v21 =	vmul.f32 $3.333333430e-01, v21;
	v9 =	vmul.f32 $3.333333430e-01, v2;
	v2 =	vld [tilespmem:s12+$0xF570];
	[tilespmem:s13+$0x12620] =	vst v13  }
0x305: {  	v16 =	vor.u32 v1, v19;
	v10 =	vtrunc.f32 v17;
	v13 =	vtrunc.f32 v11;
	[tilespmem:s13+$0x12630] =	vst v12  }
0x306: {  	s4 =	simm.s32 $0x100;
	s6 =	simm.s32 $0x600;
	v12 =	vtrunc.f32 v22;
	[tilespmem:s13+$0x12640] =	vst v16;
	v16 =	vor.u32 v1, v20;
	v11 =	vtrunc.f32 v21  }
.LBB2_45:
0x307: {  	p0 =	sne.s32 s6, $0xC200;
	v17 =	vld [tilespmem:s4+$0xC470];
	v15 =	vcvt.f32.s32 v15;
	v9 =	vtrunc.f32 v9;
	[tilespmem:s13+$0x12650] =	vst v16;
	v8 =	vor.u32 v1, v8  }
0x308: {  	v14 =	vcvt.f32.s32 v14;
	v13 =	vcvt.f32.s32 v13;
	v16 =	vld [tilespmem:s4+$0xC400];
	[tilespmem:s13+$0x12660] =	vst v8;
	s13 =	smov.u32 s12;
	s12 =	smov.u32 s4  }
0x309: {  	v8 =	vcvt.f32.s32 v12;
	v18 =	vld [tilespmem:s12+$0xC410];
	v15 =	vshll.u32 v15, $0x4;
	[tilespmem:s13+$0x15720] =	vst v3;
	v3 =	vcvt.f32.s32 v10  }
0x30a: {  	v9 =	vcvt.f32.s32 v9;
	v12 =	vshll.u32 v14, $0x4;
	v10 =	vld [tilespmem:s12+$0xC420];
	[tilespmem:s13+$0x15730] =	vst v4;
	v4 =	vcvt.f32.s32 v11  }
0x30b: {  	v13 =	vshll.u32 v13, $0x4;
	v20 =	vshll.u32 v8, $0x4;
	v11 =	vld [tilespmem:s12+$0xC430];
	v19 =	vshll.u32 v3, $0x4;
	[tilespmem:s13+$0x15740] =	vst v5  }
0x30c: {  	v8 =	vshll.u32 v9, $0x4;
	v5 =	vld [tilespmem:s12+$0xC440];
	v3 =	vshrl.u32 v17, $0x6;
	v17 =	vshll.u32 v4, $0x4;
	[tilespmem:s13+$0x15750] =	vst v6  }
0x30d: {  	v9 =	vor.u32 v1, v15;
	v4 =	vshrl.u32 v16, $0x6;
	v6 =	vld [tilespmem:s12+$0xC450];
	v3 =	vcvt.s32.f32 v3;
	[tilespmem:s13+$0x15760] =	vst v7  }
0x30e: {  	v4 =	vcvt.s32.f32 v4;
	v7 =	vshrl.u32 v18, $0x6;
	v14 =	vld [tilespmem:s12+$0xC460];
	[tilespmem:s13+$0x12600] =	vst v9;
	v9 =	vor.u32 v1, v12  }
0x30f: {  	v12 =	vld [tilespmem:s12+$0xF500];
	v7 =	vcvt.s32.f32 v7;
	v10 =	vshrl.u32 v10, $0x6;
	v15 =	vmul.f32 $3.333333430e-01, v3;
	[tilespmem:s13+$0x12610] =	vst v9  }
0x310: {  	v16 =	vmul.f32 $3.333333430e-01, v4;
	v9 =	vld [tilespmem:s12+$0xF510];
	v10 =	vcvt.s32.f32 v10;
	v4 =	vshrl.u32 v11, $0x6;
	[tilespmem:s13+$0x15770] =	vst v2  }
0x311: {  	v3 =	vld [tilespmem:s12+$0xF520];
	v2 =	vcvt.s32.f32 v4;
	v5 =	vshrl.u32 v5, $0x6;
	v11 =	vtrunc.f32 v15  }
0x312: {  	v4 =	vld [tilespmem:s12+$0xF530];
	v15 =	vcvt.s32.f32 v5;
	v6 =	vshrl.u32 v6, $0x6;
	v11 =	vcvt.f32.s32 v11  }
0x313: {  	v18 =	vmul.f32 $3.333333430e-01, v7;
	v5 =	vld [tilespmem:s12+$0xF540];
	v21 =	vcvt.s32.f32 v6;
	v7 =	vshrl.u32 v14, $0x6  }
0x314: {  	v10 =	vmul.f32 $3.333333430e-01, v10;
	[tilespmem:s12+$0x15700] =	vst v12;
	v6 =	vld [tilespmem:s12+$0xF550];
	v12 =	vcvt.s32.f32 v7;
	v11 =	vshll.u32 v11, $0x4  }
.Ltmp21:
0x315: {  	v22 =	vmul.f32 $3.333333430e-01, v2;
	v23 =	vmul.f32 $3.333333430e-01, v15;
	[tilespmem:s12+$0x15710] =	vst v9;
	v7 =	vld [tilespmem:s12+$0xF560];
	v2 =	vor.u32 v1, v11;
	(pc) =	sbr.rel @p0 .LBB2_45-.Ltmp21, $4  }
0x316: {  	v11 =	vmul.f32 $3.333333430e-01, v21;
	v9 =	vmul.f32 $3.333333430e-01, v12;
	[tilespmem:s12+$0x12670] =	vst v2;
	v2 =	vld [tilespmem:s12+$0xF570];
	v12 =	vor.u32 v1, v13  }
0x317: {  	v14 =	vtrunc.f32 v18;
	v15 =	vtrunc.f32 v16;
	[tilespmem:s13+$0x12620] =	vst v12;
	v12 =	vor.u32 v1, v19  }
0x318: {  	v16 =	vor.u32 v1, v20;
	v13 =	vtrunc.f32 v10;
	v10 =	vtrunc.f32 v22;
	[tilespmem:s13+$0x12630] =	vst v12  }
0x319: {  	s4 =	sshra.s32 s6, $0x2;
	s6 =	sadd.s32 $0x200, s6;
	v11 =	vtrunc.f32 v11;
	v12 =	vtrunc.f32 v23;
	[tilespmem:s13+$0x12640] =	vst v16;
	v16 =	vor.u32 v1, v17  }
0x31a: {  	v17 =	vld [tilespmem:s4+$0xC470];
	[tilespmem:s13+$0x12650] =	vst v16;
	v8 =	vor.u32 v1, v8  }
0x31b: {  	v16 =	vld [tilespmem:s4+$0xC400];
	[tilespmem:s13+$0x12660] =	vst v8  }
0x31c: {  	v8 =	vld [tilespmem:s4+$0xC410];
	[tilespmem:s12+$0x15720] =	vst v3  }
0x31d: {  	v15 =	vcvt.f32.s32 v15;
	v3 =	vld [tilespmem:s4+$0xC420];
	[tilespmem:s12+$0x15730] =	vst v4  }
0x31e: {  	v14 =	vcvt.f32.s32 v14;
	v9 =	vtrunc.f32 v9;
	v4 =	vld [tilespmem:s4+$0xC430];
	[tilespmem:s12+$0x15740] =	vst v5  }
0x31f: {  	v13 =	vcvt.f32.s32 v13;
	v15 =	vshll.u32 v15, $0x4;
	v5 =	vld [tilespmem:s4+$0xC440];
	[tilespmem:s12+$0x15750] =	vst v6;
	v17 =	vshrl.u32 v17, $0x6  }
0x320: {  	v14 =	vshll.u32 v14, $0x4;
	v49 =	vor.u32 v1, v15;
	v6 =	vld [tilespmem:s4+$0xC450];
	[tilespmem:s12+$0x15760] =	vst v7;
	v53 =	vcvt.s32.f32 v17  }
0x321: {  	v12 =	vcvt.f32.s32 v12;
	v11 =	vcvt.f32.s32 v11;
	v51 =	vor.u32 v1, v14;
	v50 =	vld [tilespmem:s4+$0xC460];
	[tilespmem:s12+$0x12600] =	vst v49  }
0x322: {  	v9 =	vcvt.f32.s32 v9;
	v52 =	vld [tilespmem:s4+$0xF500];
	[tilespmem:s12+$0x12610] =	vst v51;
	v7 =	vmul.f32 $3.333333430e-01, v53  }
0x323: {  	v13 =	vshll.u32 v13, $0x4;
	v12 =	vshll.u32 v12, $0x4;
	v11 =	vshll.u32 v11, $0x4;
	v54 =	vld [tilespmem:s4+$0xF510]  }
0x324: {  	v9 =	vshll.u32 v9, $0x4;
	v56 =	vshrl.u32 v16, $0x6;
	[tilespmem:s12+$0x15770] =	vst v2;
	v7 =	vtrunc.f32 v7  }
0x325: {  	v14 =	vcvt.s32.f32 v56;
	v8 =	vshrl.u32 v8, $0x6;
	v55 =	vld [tilespmem:s4+$0xF520];
	v7 =	vcvt.f32.s32 v7  }
0x326: {  	v13 =	vor.u32 v1, v13;
	v8 =	vcvt.s32.f32 v8;
	v3 =	vshrl.u32 v3, $0x6;
	v18 =	vld [tilespmem:s4+$0xF530]  }
0x327: {  	v2 =	vcvt.f32.s32 v10;
	v14 =	vmul.f32 $3.333333430e-01, v14;
	v19 =	vld [tilespmem:s4+$0xF540];
	[tilespmem:s4+$0x15700] =	vst v52;
	v7 =	vshll.u32 v7, $0x4  }
0x328: {  	v3 =	vcvt.s32.f32 v3;
	v4 =	vshrl.u32 v4, $0x6;
	v57 =	vld [tilespmem:s4+$0xF550];
	[tilespmem:s4+$0x15710] =	vst v54;
	v7 =	vor.u32 v1, v7  }
0x329: {  	v58 =	vld [tilespmem:s4+$0xF560];
	v4 =	vcvt.s32.f32 v4;
	v5 =	vshrl.u32 v5, $0x6;
	v2 =	vshll.u32 v2, $0x4;
	[tilespmem:s4+$0x12670] =	vst v7  }
0x32a: {  	v59 =	vld [tilespmem:s4+$0xF570];
	v8 =	vmul.f32 $3.333333430e-01, v8;
	v5 =	vcvt.s32.f32 v5;
	v2 =	vor.u32 v1, v2;
	[tilespmem:s12+$0x12620] =	vst v13  }
0x32b: {  	v6 =	vshrl.u32 v6, $0x6;
	v3 =	vmul.f32 $3.333333430e-01, v3;
	[tilespmem:s12+$0x12630] =	vst v2;
	v2 =	vor.u32 v1, v12  }
0x32c: {  	v62 =	vtrunc.f32 v14;
	v6 =	vcvt.s32.f32 v6;
	[tilespmem:s12+$0x12640] =	vst v2;
	v2 =	vor.u32 v1, v11  }
0x32d: {  	v60 =	vshrl.u32 v50, $0x6;
	v4 =	vmul.f32 $3.333333430e-01, v4;
	[tilespmem:s12+$0x12650] =	vst v2;
	v2 =	vor.u32 v1, v9  }
0x32e: {  	v8 =	vtrunc.f32 v8;
	v61 =	vcvt.s32.f32 v60;
	[tilespmem:s12+$0x12660] =	vst v2  }
0x32f: {  	v5 =	vmul.f32 $3.333333430e-01, v5;
	v3 =	vtrunc.f32 v3;
	[tilespmem:s4+$0x15720] =	vst v55  }
0x330: {  	v8 =	vcvt.f32.s32 v8;
	v6 =	vmul.f32 $3.333333430e-01, v6;
	[tilespmem:s4+$0x15730] =	vst v18  }
0x331: {  	v4 =	vtrunc.f32 v4;
	v3 =	vcvt.f32.s32 v3;
	[tilespmem:s4+$0x15740] =	vst v19  }
0x332: {  	v5 =	vtrunc.f32 v5;
	v8 =	vshll.u32 v8, $0x4;
	v4 =	vcvt.f32.s32 v4;
	[tilespmem:s4+$0x15750] =	vst v57  }
0x333: {  	v6 =	vtrunc.f32 v6;
	v8 =	vor.u32 v1, v8;
	v5 =	vcvt.f32.s32 v5;
	[tilespmem:s4+$0x15760] =	vst v58  }
0x334: {  	v3 =	vshll.u32 v3, $0x4;
	v9 =	vcvt.f32.s32 v62;
	v2 =	vmul.f32 $3.333333430e-01, v61;
	[tilespmem:s4+$0x12610] =	vst v8  }
0x335: {  	v6 =	vcvt.f32.s32 v6;
	v4 =	vshll.u32 v4, $0x4;
	v3 =	vor.u32 v1, v3;
	[tilespmem:s4+$0x15770] =	vst v59  }
0x336: {  	v9 =	vshll.u32 v9, $0x4;
	[tilespmem:s4+$0x12620] =	vst v3;
	v3 =	vor.u32 v1, v4;
	v2 =	vtrunc.f32 v2  }
0x337: {  	v5 =	vshll.u32 v5, $0x4;
	v9 =	vor.u32 v1, v9;
	[tilespmem:s4+$0x12630] =	vst v3;
	v2 =	vcvt.f32.s32 v2  }
0x338: {  	v63 =	vshll.u32 v6, $0x4;
	v3 =	vor.u32 v1, v5;
	[tilespmem:s4+$0x12600] =	vst v9  }
0x339: {  	s3 =	sor.u32 s18, s3;
	[tilespmem:s4+$0x12640] =	vst v3;
	v3 =	vor.u32 v1, v63;
	v2 =	vshll.u32 v2, $0x4  }
0x33a: {  	s3 =	sshrl.u32 s3, $0x3;
	[tilespmem:s4+$0x12650] =	vst v3;
	v2 =	vor.u32 v1, v2  }
0x33b: {  	s13 =	sadd.s32 s8, s3;
	[tilespmem:s4+$0x12660] =	vst v2  }
0x33c: {  	[tilespmem:s23], [sflag:$0x1] =	stream.strided.gather [hbm4b:s13+s21], $0x3100, s22, s21, $0x38;
	[tilespmem:$0x1F640] =	vst v63  }
0x33d: {  	s3 =	sadd.s32 s5, s3  }
0x33e: {  	[tilespmem:s24], [sflag:$0x1] =	stream.strided.gather [hbm4b:s3+s21], $0x3100, s22, s21, $0x38;
	[tilespmem:$0x1F640] =	vst v63  }
0x33f: {  	s3 =	simm.s32 $0x0  }
.LBB2_47:
0x340: {  	p0 =	sne.s32 s3, $0xC200  }
.Ltmp22:
0x341: {  	_ = 	snop;
	(pc) =	sbr.rel @p0 .LBB2_47-.Ltmp22, $4  }
0x342: {  	_ = 	snop  }
0x343: {  	s4 =	sshra.s32 s3, $0x2  }
0x344: {  	s3 =	sadd.s32 $0x200, s3;
	s6 =	sadd.s32 $0x15700, s4;
	s4 =	sadd.s32 $0x12600, s4  }
0x345: {  	[spmem:s2] =	stream.indirect.scatter.add.f32 [tilespmem:s6], [sflag:$0x2], $0x1, s4, s26, $0xb8;
	[tilespmem:$0x1F640] =	vst v63  }
0x346: {  	_ =	swait.ge [sflag:s28], $0x80  }
0x347: {  	s3 =	simm.s32 $0x61;
	[sflag:s28] =	ssyncset.done $0x0  }
.LBB2_49:
0x348: {  	p0 =	sne.s32 s3, $0x1;
	s3 =	sadd.s32 $0xFFFFFFFF, s3;
	[sflag:s28] =	ssyncadd.s32 $0xFFFFFF80  }
.Ltmp23:
0x349: {  	(pc) =	sbr.rel @p0 .LBB2_49-.Ltmp23, $3  }
0x34a: {  	_ =	sdelay $0x1  }
0x34b: {  	_ =	swait.ge [sflag:s28], $0x80  }
0x34c: {  	[sflag:s28] =	ssyncset.done $0x0  }
0x34d: {  	[sflag:s28] =	ssyncadd.s32 $0xFFFFFF80  }
0x34e: {  	s3 =	sor.u32 s17, s0;
	s4 =	simm.s32 $0x0;
	[bflag:$0x0] =	sbarrier.arrive $0xFFFF  }
.LBB2_51:
0x34f: {  	s6 =	smul.u32 $0xC400, s4;
	_ =	sdelay $0x1  }
0x350: {  	s6 =	sshra.s32 s6, $0x2  }
0x351: {  	s6 =	sadd.s32 s6, s11  }
0x352: {  	[tilespmem:s29], [sflag:$0x3] =	stream.linear.gather [spmem:s6], $0x3100, $0x38;
	[tilespmem:$0x1F640] =	vst v63  }
0x353: {  	_ =	swait.ge [sflag:s20], $0x3100  }
0x354: {  	[sflag:s20] =	ssyncset.done $0x0  }
0x355: {  	s12 =	simm.s32 $0x0;
	[sflag:s20] =	ssyncadd.s32 $0xFFFFCF00  }
0x356: {  	s9 =	simm.s32 $0x40;
	v2 =	vld [tilespmem:s12+$0x18800]  }
.LBB2_52:
0x357: {  	p0 =	sne.s32 s9, $0xC3C0  }
.Ltmp24:
0x358: {  	_ = 	snop;
	(pc) =	sbr.rel @p0 .LBB2_52-.Ltmp24, $3  }
0x359: {  	_ =	sdelay $0x1  }
0x35a: {  	[tilespmem:s12+$0x1B900] =	vst v2;
	s12 =	sshra.s32 s9, $0x2;
	s9 =	sadd.s32 $0x40, s9  }
0x35b: {  	v2 =	vld [tilespmem:s12+$0x18800]  }
0x35c: {  	s9 =	smul.u32 $0x310, s4;
	_ =	sdelay $0x1  }
0x35d: {  	s9 =	sadd.s32 s10, s9  }
0x35e: {  	s9 =	smul.u32 $0xC0, s9;
	_ =	sdelay $0x1  }
0x35f: {  	s9 =	sadd.s32 s3, s9  }
0x360: {  	s9 =	sshrl.u32 s9, $0x3  }
0x361: {  	[tilespmem:s12+$0x1B900] =	vst v2;
	s9 =	sadd.s32 s1, s9  }
0x362: {  	[hbm4b:s9+s21] =	stream.strided.scatter [tilespmem:s30], [sflag:$0x3], $0x3100, s22, s21, $0x38;
	[tilespmem:$0x1F640] =	vst v63  }
0x363: {  	_ =	swait.ge [sflag:s20], $0x3100  }
0x364: {  	[sflag:s20] =	ssyncset.done $0x0  }
0x365: {  	[sflag:s20] =	ssyncadd.s32 $0xFFFFCF00  }
0x366: {  	[spmem:s6] =	stream.linear.scatter [tilespmem:s19], [sflag:$0x3], $0xC40, $0x38;
	[tilespmem:$0x1F640] =	vst v63  }
0x367: {  	_ =	swait.ge [sflag:s20], $0xC40  }
0x368: {  	[sflag:s20] =	ssyncset.done $0x0  }
0x369: {  	s13 =	sadd.s32 $0xC40, s6;
	[sflag:s20] =	ssyncadd.s32 $0xFFFFF3C0  }
0x36a: {  	[spmem:s13] =	stream.linear.scatter [tilespmem:s19], [sflag:$0x3], $0xC40, $0x38;
	[tilespmem:$0x1F640] =	vst v63  }
0x36b: {  	_ =	swait.ge [sflag:s20], $0xC40  }
0x36c: {  	[sflag:s20] =	ssyncset.done $0x0  }
0x36d: {  	s12 =	sadd.s32 $0x1880, s6;
	[sflag:s20] =	ssyncadd.s32 $0xFFFFF3C0  }
0x36e: {  	[spmem:s12] =	stream.linear.scatter [tilespmem:s19], [sflag:$0x3], $0xC40, $0x38;
	[tilespmem:$0x1F640] =	vst v63  }
0x36f: {  	s4 =	sadd.s32 $0x1, s4;
	_ =	swait.ge [sflag:s20], $0xC40  }
0x370: {  	p0 =	sne.s32 s4, $0x4;
	[sflag:s20] =	ssyncset.done $0x0  }
.Ltmp25:
0x371: {  	s13 =	sadd.s32 $0x24C0, s6;
	[sflag:s20] =	ssyncadd.s32 $0xFFFFF3C0;
	(pc) =	sbr.rel @p0 .LBB2_51-.Ltmp25, $4  }
0x372: {  	[spmem:s13] =	stream.linear.scatter [tilespmem:s19], [sflag:$0x3], $0xC40, $0x38;
	[tilespmem:$0x1F640] =	vst v63  }
0x373: {  	_ =	swait.ge [sflag:s20], $0xC40  }
0x374: {  	[sflag:s20] =	ssyncset.done $0x0  }
0x375: {  	[sflag:s20] =	ssyncadd.s32 $0xFFFFF3C0  }
0x376: {  	[bflag:$0x0] =	sbarrier.arrive $0xFFFF  }
0x377: {  	_ =	swait.ge [sflag:s25], $0x3100  }
0x378: {  	[sflag:s25] =	ssyncset.done $0x0  }
0x379: {  	[sflag:s25] =	ssyncadd.s32 $0xFFFFCF00  }
0x37a: {  	_ =	swait.ge [sflag:s25], $0x3100  }
0x37b: {  	[sflag:s25] =	ssyncset.done $0x0  }
0x37c: {  	s12 =	simm.s32 $0x0;
	[sflag:s25] =	ssyncadd.s32 $0xFFFFCF00  }
0x37d: {  	v2 =	vld [tilespmem:s12+$0xC470];
	_ =	sdelay $0x1  }
0x37e: {  	v4 =	vld [tilespmem:s12+$0xC410]  }
0x37f: {  	v5 =	vld [tilespmem:s12+$0xC420]  }
0x380: {  	v6 =	vld [tilespmem:s12+$0xC430]  }
0x381: {  	v7 =	vld [tilespmem:s12+$0xC440];
	v2 =	vshrl.u32 v2, $0x6  }
0x382: {  	v8 =	vld [tilespmem:s12+$0xC450];
	v2 =	vcvt.s32.f32 v2  }
0x383: {  	v9 =	vld [tilespmem:s12+$0xC460]  }
0x384: {  	v2 =	vmul.f32 $3.333333430e-01, v2  }
0x385: {  	v10 =	vld [tilespmem:s12+$0xF500];
	v4 =	vshrl.u32 v4, $0x6;
	v5 =	vshrl.u32 v5, $0x6;
	v6 =	vshrl.u32 v6, $0x6  }
0x386: {  	v3 =	vld [tilespmem:s12+$0xC400];
	v7 =	vshrl.u32 v7, $0x6;
	v4 =	vcvt.s32.f32 v4;
	v2 =	vtrunc.f32 v2  }
0x387: {  	v11 =	vld [tilespmem:s12+$0xF510];
	v8 =	vshrl.u32 v8, $0x6;
	v5 =	vcvt.s32.f32 v5;
	v2 =	vcvt.f32.s32 v2  }
0x388: {  	v12 =	vld [tilespmem:s12+$0xF520];
	v9 =	vshrl.u32 v9, $0x6;
	v6 =	vcvt.s32.f32 v6;
	v7 =	vcvt.s32.f32 v7  }
0x389: {  	v13 =	vld [tilespmem:s12+$0xF530];
	v8 =	vcvt.s32.f32 v8;
	v9 =	vcvt.s32.f32 v9;
	v2 =	vshll.u32 v2, $0x4  }
0x38a: {  	v14 =	vld [tilespmem:s12+$0xF540];
	[tilespmem:s12+$0x15700] =	vst v10;
	v4 =	vmul.f32 $3.333333430e-01, v4;
	v5 =	vmul.f32 $3.333333430e-01, v5;
	v2 =	vor.u32 v1, v2  }
0x38b: {  	v10 =	vld [tilespmem:s12+$0xF550];
	v6 =	vmul.f32 $3.333333430e-01, v6;
	v7 =	vmul.f32 $3.333333430e-01, v7;
	[tilespmem:s12+$0x12670] =	vst v2;
	v2 =	vshrl.u32 v3, $0x6  }
0x38c: {  	[tilespmem:s12+$0x15710] =	vst v11;
	v11 =	vld [tilespmem:s12+$0xF560];
	v8 =	vmul.f32 $3.333333430e-01, v8;
	v2 =	vcvt.s32.f32 v2  }
0x38d: {  	s3 =	simm.s32 $0x80;
	v9 =	vmul.f32 $3.333333430e-01, v9;
	v4 =	vtrunc.f32 v4;
	v3 =	vld [tilespmem:s12+$0xF570]  }
0x38e: {  	v5 =	vtrunc.f32 v5;
	v15 =	vld [tilespmem:s3+$0xC470];
	v2 =	vmul.f32 $3.333333430e-01, v2  }
0x38f: {  	v6 =	vtrunc.f32 v6;
	v7 =	vtrunc.f32 v7;
	v16 =	vld [tilespmem:s3+$0xC400]  }
0x390: {  	v8 =	vtrunc.f32 v8;
	v17 =	vld [tilespmem:s3+$0xC410];
	[tilespmem:s12+$0x15720] =	vst v12;
	v2 =	vtrunc.f32 v2  }
0x391: {  	v9 =	vtrunc.f32 v9;
	v12 =	vld [tilespmem:s3+$0xC420];
	[tilespmem:s12+$0x15730] =	vst v13;
	v2 =	vcvt.f32.s32 v2  }
0x392: {  	v4 =	vcvt.f32.s32 v4;
	v5 =	vcvt.f32.s32 v5;
	v13 =	vld [tilespmem:s3+$0xC430];
	[tilespmem:s12+$0x15740] =	vst v14  }
0x393: {  	v8 =	vcvt.f32.s32 v8;
	v9 =	vcvt.f32.s32 v9;
	v14 =	vld [tilespmem:s3+$0xC440];
	[tilespmem:s12+$0x15750] =	vst v10;
	v2 =	vshll.u32 v2, $0x4  }
0x394: {  	v4 =	vshll.u32 v4, $0x4;
	v18 =	vshll.u32 v5, $0x4;
	v10 =	vld [tilespmem:s3+$0xC450];
	[tilespmem:s12+$0x15760] =	vst v11;
	v2 =	vor.u32 v1, v2  }
0x395: {  	v4 =	vor.u32 v1, v4;
	v11 =	vld [tilespmem:s3+$0xC460];
	v15 =	vshrl.u32 v15, $0x6;
	[tilespmem:s12+$0x12600] =	vst v2;
	v2 =	vcvt.f32.s32 v6  }
0x396: {  	v5 =	vcvt.s32.f32 v15;
	v6 =	vcvt.f32.s32 v7;
	v7 =	vld [tilespmem:s3+$0xF500];
	[tilespmem:s12+$0x12610] =	vst v4;
	v4 =	vshrl.u32 v16, $0x6  }
0x397: {  	v20 =	vshll.u32 v8, $0x4;
	v16 =	vshll.u32 v2, $0x4;
	v2 =	vcvt.s32.f32 v4  }
0x398: {  	v8 =	vshrl.u32 v12, $0x6;
	v5 =	vmul.f32 $3.333333430e-01, v5;
	v4 =	vshrl.u32 v17, $0x6  }
0x399: {  	v15 =	vld [tilespmem:s3+$0xF510];
	v19 =	vshll.u32 v6, $0x4;
	v6 =	vcvt.s32.f32 v4;
	v12 =	vmul.f32 $3.333333430e-01, v2  }
0x39a: {  	v2 =	vcvt.s32.f32 v8;
	v8 =	vshrl.u32 v13, $0x6;
	v13 =	vtrunc.f32 v5  }
0x39b: {  	[tilespmem:s12+$0x15770] =	vst v3;
	v17 =	vcvt.s32.f32 v8;
	v8 =	vshrl.u32 v14, $0x6;
	v13 =	vcvt.f32.s32 v13  }
0x39c: {  	v3 =	vld [tilespmem:s3+$0xF520];
	[tilespmem:s3+$0x15700] =	vst v7;
	v14 =	vcvt.s32.f32 v8;
	v7 =	vshrl.u32 v10, $0x6;
	v10 =	vmul.f32 $3.333333430e-01, v6  }
0x39d: {  	v4 =	vld [tilespmem:s3+$0xF530];
	v21 =	vcvt.s32.f32 v7;
	v7 =	vshrl.u32 v11, $0x6;
	v11 =	vmul.f32 $3.333333430e-01, v2  }
0x39e: {  	v5 =	vld [tilespmem:s3+$0xF540];
	v8 =	vshll.u32 v13, $0x4;
	[tilespmem:s3+$0x15710] =	vst v15;
	v17 =	vmul.f32 $3.333333430e-01, v17;
	v15 =	vtrunc.f32 v12  }
0x39f: {  	v6 =	vld [tilespmem:s3+$0xF550];
	v12 =	vor.u32 v1, v16;
	v2 =	vcvt.s32.f32 v7;
	v13 =	vor.u32 v1, v8  }
0x3a0: {  	v7 =	vld [tilespmem:s3+$0xF560];
	v22 =	vmul.f32 $3.333333430e-01, v14;
	v14 =	vtrunc.f32 v10;
	[tilespmem:s3+$0x12670] =	vst v13;
	v13 =	vor.u32 v1, v18  }
0x3a1: {  	v8 =	vshll.u32 v9, $0x4;
	v21 =	vmul.f32 $3.333333430e-01, v21;
	v9 =	vmul.f32 $3.333333430e-01, v2;
	v2 =	vld [tilespmem:s3+$0xF570];
	[tilespmem:s12+$0x12620] =	vst v13  }
0x3a2: {  	v16 =	vor.u32 v1, v19;
	v10 =	vtrunc.f32 v17;
	v13 =	vtrunc.f32 v11;
	[tilespmem:s12+$0x12630] =	vst v12  }
0x3a3: {  	s13 =	simm.s32 $0x100;
	s4 =	simm.s32 $0x600;
	v12 =	vtrunc.f32 v22;
	[tilespmem:s12+$0x12640] =	vst v16;
	v16 =	vor.u32 v1, v20;
	v11 =	vtrunc.f32 v21  }
.LBB2_55:
0x3a4: {  	p0 =	sne.s32 s4, $0xC200;
	v17 =	vld [tilespmem:s13+$0xC470];
	v15 =	vcvt.f32.s32 v15;
	v9 =	vtrunc.f32 v9;
	[tilespmem:s12+$0x12650] =	vst v16;
	v8 =	vor.u32 v1, v8  }
0x3a5: {  	v14 =	vcvt.f32.s32 v14;
	v13 =	vcvt.f32.s32 v13;
	v16 =	vld [tilespmem:s13+$0xC400];
	[tilespmem:s12+$0x12660] =	vst v8;
	s12 =	smov.u32 s3;
	s3 =	smov.u32 s13  }
0x3a6: {  	v8 =	vcvt.f32.s32 v12;
	v18 =	vld [tilespmem:s3+$0xC410];
	v15 =	vshll.u32 v15, $0x4;
	[tilespmem:s12+$0x15720] =	vst v3;
	v3 =	vcvt.f32.s32 v10  }
0x3a7: {  	v9 =	vcvt.f32.s32 v9;
	v12 =	vshll.u32 v14, $0x4;
	v10 =	vld [tilespmem:s3+$0xC420];
	[tilespmem:s12+$0x15730] =	vst v4;
	v4 =	vcvt.f32.s32 v11  }
0x3a8: {  	v13 =	vshll.u32 v13, $0x4;
	v20 =	vshll.u32 v8, $0x4;
	v11 =	vld [tilespmem:s3+$0xC430];
	v19 =	vshll.u32 v3, $0x4;
	[tilespmem:s12+$0x15740] =	vst v5  }
0x3a9: {  	v8 =	vshll.u32 v9, $0x4;
	v5 =	vld [tilespmem:s3+$0xC440];
	v3 =	vshrl.u32 v17, $0x6;
	v17 =	vshll.u32 v4, $0x4;
	[tilespmem:s12+$0x15750] =	vst v6  }
0x3aa: {  	v9 =	vor.u32 v1, v15;
	v4 =	vshrl.u32 v16, $0x6;
	v6 =	vld [tilespmem:s3+$0xC450];
	v3 =	vcvt.s32.f32 v3;
	[tilespmem:s12+$0x15760] =	vst v7  }
0x3ab: {  	v4 =	vcvt.s32.f32 v4;
	v7 =	vshrl.u32 v18, $0x6;
	v14 =	vld [tilespmem:s3+$0xC460];
	[tilespmem:s12+$0x12600] =	vst v9;
	v9 =	vor.u32 v1, v12  }
0x3ac: {  	v12 =	vld [tilespmem:s3+$0xF500];
	v7 =	vcvt.s32.f32 v7;
	v10 =	vshrl.u32 v10, $0x6;
	v15 =	vmul.f32 $3.333333430e-01, v3;
	[tilespmem:s12+$0x12610] =	vst v9  }
0x3ad: {  	v16 =	vmul.f32 $3.333333430e-01, v4;
	v9 =	vld [tilespmem:s3+$0xF510];
	v10 =	vcvt.s32.f32 v10;
	v4 =	vshrl.u32 v11, $0x6;
	[tilespmem:s12+$0x15770] =	vst v2  }
0x3ae: {  	v3 =	vld [tilespmem:s3+$0xF520];
	v2 =	vcvt.s32.f32 v4;
	v5 =	vshrl.u32 v5, $0x6;
	v11 =	vtrunc.f32 v15  }
0x3af: {  	v4 =	vld [tilespmem:s3+$0xF530];
	v15 =	vcvt.s32.f32 v5;
	v6 =	vshrl.u32 v6, $0x6;
	v11 =	vcvt.f32.s32 v11  }
0x3b0: {  	v18 =	vmul.f32 $3.333333430e-01, v7;
	v5 =	vld [tilespmem:s3+$0xF540];
	v21 =	vcvt.s32.f32 v6;
	v7 =	vshrl.u32 v14, $0x6  }
0x3b1: {  	v10 =	vmul.f32 $3.333333430e-01, v10;
	[tilespmem:s3+$0x15700] =	vst v12;
	v6 =	vld [tilespmem:s3+$0xF550];
	v12 =	vcvt.s32.f32 v7;
	v11 =	vshll.u32 v11, $0x4  }
.Ltmp26:
0x3b2: {  	v22 =	vmul.f32 $3.333333430e-01, v2;
	v23 =	vmul.f32 $3.333333430e-01, v15;
	[tilespmem:s3+$0x15710] =	vst v9;
	v7 =	vld [tilespmem:s3+$0xF560];
	v2 =	vor.u32 v1, v11;
	(pc) =	sbr.rel @p0 .LBB2_55-.Ltmp26, $4  }
0x3b3: {  	v11 =	vmul.f32 $3.333333430e-01, v21;
	v9 =	vmul.f32 $3.333333430e-01, v12;
	[tilespmem:s3+$0x12670] =	vst v2;
	v2 =	vld [tilespmem:s3+$0xF570];
	v12 =	vor.u32 v1, v13  }
0x3b4: {  	v14 =	vtrunc.f32 v18;
	v15 =	vtrunc.f32 v16;
	[tilespmem:s12+$0x12620] =	vst v12;
	v12 =	vor.u32 v1, v19  }
0x3b5: {  	v16 =	vor.u32 v1, v20;
	v13 =	vtrunc.f32 v10;
	v10 =	vtrunc.f32 v22;
	[tilespmem:s12+$0x12630] =	vst v12  }
0x3b6: {  	s13 =	sshra.s32 s4, $0x2;
	s4 =	sadd.s32 $0x200, s4;
	v11 =	vtrunc.f32 v11;
	v12 =	vtrunc.f32 v23;
	[tilespmem:s12+$0x12640] =	vst v16;
	v16 =	vor.u32 v1, v17  }
0x3b7: {  	v17 =	vld [tilespmem:s13+$0xC470];
	[tilespmem:s12+$0x12650] =	vst v16;
	v8 =	vor.u32 v1, v8  }
0x3b8: {  	v16 =	vld [tilespmem:s13+$0xC400];
	[tilespmem:s12+$0x12660] =	vst v8  }
0x3b9: {  	v8 =	vld [tilespmem:s13+$0xC410];
	[tilespmem:s3+$0x15720] =	vst v3  }
0x3ba: {  	v15 =	vcvt.f32.s32 v15;
	v3 =	vld [tilespmem:s13+$0xC420];
	[tilespmem:s3+$0x15730] =	vst v4  }
0x3bb: {  	v14 =	vcvt.f32.s32 v14;
	v9 =	vtrunc.f32 v9;
	v4 =	vld [tilespmem:s13+$0xC430];
	[tilespmem:s3+$0x15740] =	vst v5  }
0x3bc: {  	v13 =	vcvt.f32.s32 v13;
	v15 =	vshll.u32 v15, $0x4;
	v5 =	vld [tilespmem:s13+$0xC440];
	[tilespmem:s3+$0x15750] =	vst v6;
	v17 =	vshrl.u32 v17, $0x6  }
0x3bd: {  	v14 =	vshll.u32 v14, $0x4;
	v49 =	vor.u32 v1, v15;
	v6 =	vld [tilespmem:s13+$0xC450];
	[tilespmem:s3+$0x15760] =	vst v7;
	v53 =	vcvt.s32.f32 v17  }
0x3be: {  	v12 =	vcvt.f32.s32 v12;
	v11 =	vcvt.f32.s32 v11;
	v51 =	vor.u32 v1, v14;
	v50 =	vld [tilespmem:s13+$0xC460];
	[tilespmem:s3+$0x12600] =	vst v49  }
0x3bf: {  	v9 =	vcvt.f32.s32 v9;
	v52 =	vld [tilespmem:s13+$0xF500];
	[tilespmem:s3+$0x12610] =	vst v51;
	v7 =	vmul.f32 $3.333333430e-01, v53  }
0x3c0: {  	v13 =	vshll.u32 v13, $0x4;
	v12 =	vshll.u32 v12, $0x4;
	v11 =	vshll.u32 v11, $0x4;
	v54 =	vld [tilespmem:s13+$0xF510]  }
0x3c1: {  	v9 =	vshll.u32 v9, $0x4;
	v56 =	vshrl.u32 v16, $0x6;
	[tilespmem:s3+$0x15770] =	vst v2;
	v7 =	vtrunc.f32 v7  }
0x3c2: {  	v14 =	vcvt.s32.f32 v56;
	v8 =	vshrl.u32 v8, $0x6;
	v55 =	vld [tilespmem:s13+$0xF520];
	v7 =	vcvt.f32.s32 v7  }
0x3c3: {  	v13 =	vor.u32 v1, v13;
	v8 =	vcvt.s32.f32 v8;
	v3 =	vshrl.u32 v3, $0x6;
	v18 =	vld [tilespmem:s13+$0xF530]  }
0x3c4: {  	v2 =	vcvt.f32.s32 v10;
	v14 =	vmul.f32 $3.333333430e-01, v14;
	v19 =	vld [tilespmem:s13+$0xF540];
	[tilespmem:s13+$0x15700] =	vst v52;
	v7 =	vshll.u32 v7, $0x4  }
0x3c5: {  	v3 =	vcvt.s32.f32 v3;
	v4 =	vshrl.u32 v4, $0x6;
	v57 =	vld [tilespmem:s13+$0xF550];
	[tilespmem:s13+$0x15710] =	vst v54;
	v7 =	vor.u32 v1, v7  }
0x3c6: {  	v58 =	vld [tilespmem:s13+$0xF560];
	v4 =	vcvt.s32.f32 v4;
	v5 =	vshrl.u32 v5, $0x6;
	v2 =	vshll.u32 v2, $0x4;
	[tilespmem:s13+$0x12670] =	vst v7  }
0x3c7: {  	v59 =	vld [tilespmem:s13+$0xF570];
	v8 =	vmul.f32 $3.333333430e-01, v8;
	v5 =	vcvt.s32.f32 v5;
	v2 =	vor.u32 v1, v2;
	[tilespmem:s3+$0x12620] =	vst v13  }
0x3c8: {  	v6 =	vshrl.u32 v6, $0x6;
	v3 =	vmul.f32 $3.333333430e-01, v3;
	[tilespmem:s3+$0x12630] =	vst v2;
	v2 =	vor.u32 v1, v12  }
0x3c9: {  	v62 =	vtrunc.f32 v14;
	v6 =	vcvt.s32.f32 v6;
	[tilespmem:s3+$0x12640] =	vst v2;
	v2 =	vor.u32 v1, v11  }
0x3ca: {  	v60 =	vshrl.u32 v50, $0x6;
	v4 =	vmul.f32 $3.333333430e-01, v4;
	[tilespmem:s3+$0x12650] =	vst v2;
	v2 =	vor.u32 v1, v9  }
0x3cb: {  	v8 =	vtrunc.f32 v8;
	v61 =	vcvt.s32.f32 v60;
	[tilespmem:s3+$0x12660] =	vst v2  }
0x3cc: {  	v5 =	vmul.f32 $3.333333430e-01, v5;
	v3 =	vtrunc.f32 v3;
	[tilespmem:s13+$0x15720] =	vst v55  }
0x3cd: {  	v8 =	vcvt.f32.s32 v8;
	v6 =	vmul.f32 $3.333333430e-01, v6;
	[tilespmem:s13+$0x15730] =	vst v18  }
0x3ce: {  	v4 =	vtrunc.f32 v4;
	v3 =	vcvt.f32.s32 v3;
	[tilespmem:s13+$0x15740] =	vst v19  }
0x3cf: {  	v5 =	vtrunc.f32 v5;
	v8 =	vshll.u32 v8, $0x4;
	v4 =	vcvt.f32.s32 v4;
	[tilespmem:s13+$0x15750] =	vst v57  }
0x3d0: {  	v6 =	vtrunc.f32 v6;
	v8 =	vor.u32 v1, v8;
	v5 =	vcvt.f32.s32 v5;
	[tilespmem:s13+$0x15760] =	vst v58  }
0x3d1: {  	s31 =	sadd.s32 $0x1, s31;
	v3 =	vshll.u32 v3, $0x4;
	v9 =	vcvt.f32.s32 v62;
	v2 =	vmul.f32 $3.333333430e-01, v61;
	[tilespmem:s13+$0x12610] =	vst v8  }
0x3d2: {  	p0 =	slt.s32 s31, $0x3;
	v6 =	vcvt.f32.s32 v6;
	v4 =	vshll.u32 v4, $0x4;
	v3 =	vor.u32 v1, v3;
	s3 =	smov.u32 s31;
	[tilespmem:s13+$0x15770] =	vst v59  }
0x3d3: {  	v9 =	vshll.u32 v9, $0x4;
	s3 =	simm.s32 @!p0 $0x3;
	[tilespmem:s13+$0x12620] =	vst v3;
	v3 =	vor.u32 v1, v4;
	v2 =	vtrunc.f32 v2  }
0x3d4: {  	v5 =	vshll.u32 v5, $0x4;
	v9 =	vor.u32 v1, v9;
	s3 =	smul.u32 $0x24C000, s3;
	[tilespmem:s13+$0x12630] =	vst v3;
	v2 =	vcvt.f32.s32 v2  }
0x3d5: {  	s4 =	rddreg [dreg:$0x6];
	v63 =	vshll.u32 v6, $0x4;
	v3 =	vor.u32 v1, v5;
	[tilespmem:s13+$0x12600] =	vst v9  }
0x3d6: {  	[tilespmem:s13+$0x12640] =	vst v3;
	v3 =	vor.u32 v1, v63;
	s3 =	sadd.s32 s4, s3;
	v2 =	vshll.u32 v2, $0x4  }
0x3d7: {  	[tilespmem:s13+$0x12650] =	vst v3;
	s3 =	sshrl.u32 s3, $0x3;
	v2 =	vor.u32 v1, v2  }
0x3d8: {  	[tilespmem:s13+$0x12660] =	vst v2;
	s13 =	sadd.s32 s8, s3  }
0x3d9: {  	[tilespmem:s23], [sflag:$0x1] =	stream.strided.gather [hbm4b:s13+s21], $0x3100, s22, s21, $0x38;
	[tilespmem:$0x1F640] =	vst v63  }
0x3da: {  	s3 =	sadd.s32 s5, s3  }
0x3db: {  	[tilespmem:s24], [sflag:$0x1] =	stream.strided.gather [hbm4b:s3+s21], $0x3100, s22, s21, $0x38;
	[tilespmem:$0x1F640] =	vst v63  }
0x3dc: {  	s3 =	simm.s32 $0x0  }
.LBB2_57:
0x3dd: {  	p0 =	sne.s32 s3, $0xC200  }
.Ltmp27:
0x3de: {  	_ = 	snop;
	(pc) =	sbr.rel @p0 .LBB2_57-.Ltmp27, $4  }
0x3df: {  	_ = 	snop  }
0x3e0: {  	s4 =	sshra.s32 s3, $0x2  }
0x3e1: {  	s3 =	sadd.s32 $0x200, s3;
	s6 =	sadd.s32 $0x15700, s4;
	s4 =	sadd.s32 $0x12600, s4  }
0x3e2: {  	[spmem:s2] =	stream.indirect.scatter.add.f32 [tilespmem:s6], [sflag:$0x2], $0x1, s4, s26, $0xb8;
	[tilespmem:$0x1F640] =	vst v63  }
0x3e3: {  	_ =	swait.ge [sflag:s28], $0x80  }
0x3e4: {  	s3 =	simm.s32 $0x61;
	[sflag:s28] =	ssyncset.done $0x0  }
.LBB2_59:
0x3e5: {  	p0 =	sne.s32 s3, $0x1;
	s3 =	sadd.s32 $0xFFFFFFFF, s3;
	[sflag:s28] =	ssyncadd.s32 $0xFFFFFF80  }
.Ltmp28:
0x3e6: {  	(pc) =	sbr.rel @p0 .LBB2_59-.Ltmp28, $3  }
0x3e7: {  	_ =	sdelay $0x1  }
0x3e8: {  	_ =	swait.ge [sflag:s28], $0x80  }
0x3e9: {  	[sflag:s28] =	ssyncset.done $0x0  }
0x3ea: {  	[sflag:s28] =	ssyncadd.s32 $0xFFFFFF80  }
0x3eb: {  	s0 =	sor.u32 s18, s0;
	s3 =	simm.s32 $0x0;
	[bflag:$0x0] =	sbarrier.arrive $0xFFFF  }
.LBB2_61:
0x3ec: {  	s4 =	smul.u32 $0xC400, s3;
	_ =	sdelay $0x1  }
0x3ed: {  	s4 =	sshra.s32 s4, $0x2  }
0x3ee: {  	s4 =	sadd.s32 s4, s11  }
0x3ef: {  	[tilespmem:s29], [sflag:$0x3] =	stream.linear.gather [spmem:s4], $0x3100, $0x38;
	[tilespmem:$0x1F640] =	vst v63  }
0x3f0: {  	_ =	swait.ge [sflag:s20], $0x3100  }
0x3f1: {  	[sflag:s20] =	ssyncset.done $0x0  }
0x3f2: {  	s6 =	simm.s32 $0x0;
	[sflag:s20] =	ssyncadd.s32 $0xFFFFCF00  }
0x3f3: {  	s9 =	simm.s32 $0x40;
	v2 =	vld [tilespmem:s6+$0x18800]  }
.LBB2_62:
0x3f4: {  	p0 =	sne.s32 s9, $0xC3C0  }
.Ltmp29:
0x3f5: {  	_ = 	snop;
	(pc) =	sbr.rel @p0 .LBB2_62-.Ltmp29, $3  }
0x3f6: {  	_ =	sdelay $0x1  }
0x3f7: {  	[tilespmem:s6+$0x1B900] =	vst v2;
	s6 =	sshra.s32 s9, $0x2;
	s9 =	sadd.s32 $0x40, s9  }
0x3f8: {  	v2 =	vld [tilespmem:s6+$0x18800]  }
0x3f9: {  	s9 =	smul.u32 $0x310, s3;
	_ =	sdelay $0x1  }
0x3fa: {  	s9 =	sadd.s32 s10, s9  }
0x3fb: {  	s9 =	smul.u32 $0xC0, s9;
	_ =	sdelay $0x1  }
0x3fc: {  	s9 =	sadd.s32 s0, s9  }
0x3fd: {  	s9 =	sshrl.u32 s9, $0x3  }
0x3fe: {  	[tilespmem:s6+$0x1B900] =	vst v2;
	s13 =	sadd.s32 s1, s9  }
0x3ff: {  	[hbm4b:s13+s21] =	stream.strided.scatter [tilespmem:s30], [sflag:$0x3], $0x3100, s22, s21, $0x38;
	[tilespmem:$0x1F640] =	vst v63  }
0x400: {  	_ =	swait.ge [sflag:s20], $0x3100  }
0x401: {  	[sflag:s20] =	ssyncset.done $0x0  }
0x402: {  	[sflag:s20] =	ssyncadd.s32 $0xFFFFCF00  }
0x403: {  	[spmem:s4] =	stream.linear.scatter [tilespmem:s19], [sflag:$0x3], $0xC40, $0x38;
	[tilespmem:$0x1F640] =	vst v63  }
0x404: {  	_ =	swait.ge [sflag:s20], $0xC40  }
0x405: {  	[sflag:s20] =	ssyncset.done $0x0  }
0x406: {  	s9 =	sadd.s32 $0xC40, s4;
	[sflag:s20] =	ssyncadd.s32 $0xFFFFF3C0  }
0x407: {  	[spmem:s9] =	stream.linear.scatter [tilespmem:s19], [sflag:$0x3], $0xC40, $0x38;
	[tilespmem:$0x1F640] =	vst v63  }
0x408: {  	_ =	swait.ge [sflag:s20], $0xC40  }
0x409: {  	[sflag:s20] =	ssyncset.done $0x0  }
0x40a: {  	s12 =	sadd.s32 $0x1880, s4;
	[sflag:s20] =	ssyncadd.s32 $0xFFFFF3C0  }
0x40b: {  	[spmem:s12] =	stream.linear.scatter [tilespmem:s19], [sflag:$0x3], $0xC40, $0x38;
	[tilespmem:$0x1F640] =	vst v63  }
0x40c: {  	s3 =	sadd.s32 $0x1, s3;
	_ =	swait.ge [sflag:s20], $0xC40  }
0x40d: {  	p0 =	sne.s32 s3, $0x4;
	[sflag:s20] =	ssyncset.done $0x0  }
.Ltmp30:
0x40e: {  	s13 =	sadd.s32 $0x24C0, s4;
	[sflag:s20] =	ssyncadd.s32 $0xFFFFF3C0;
	(pc) =	sbr.rel @p0 .LBB2_61-.Ltmp30, $4  }
0x40f: {  	[spmem:s13] =	stream.linear.scatter [tilespmem:s19], [sflag:$0x3], $0xC40, $0x38;
	[tilespmem:$0x1F640] =	vst v63  }
0x410: {  	_ =	swait.ge [sflag:s20], $0xC40  }
0x411: {  	[sflag:s20] =	ssyncset.done $0x0  }
0x412: {  	[sflag:s20] =	ssyncadd.s32 $0xFFFFF3C0  }
0x413: {  	p0 =	sne.s32 s31, $0x4  }
.Ltmp31:
0x414: {  	_ = 	snop;
	(pc) =	sbr.rel @p0 .LBB2_4-.Ltmp31, $2  }
0x415: {  	_ =	sdelay $0x1  }
0x416: {  	[bflag:$0x0] =	sbarrier.arrive $0xFFFF;
	_ =	sdelay $0x1  }
0x417: {  	_ =	swait.ge [sflag:s25], $0x3100  }
0x418: {  	[sflag:s25] =	ssyncset.done $0x0  }
0x419: {  	[sflag:s25] =	ssyncadd.s32 $0xFFFFCF00  }
0x41a: {  	_ =	swait.ge [sflag:s25], $0x3100  }
0x41b: {  	s12 =	rddreg [dreg:$0x4]  }
0x41c: {  	s0 =	rddreg [dreg:$0x9];
	s12 =	sadd.s32 $0x1, s12  }
0x41d: {  	p0 =	sne.s32 s12, s0  }
.Ltmp32:
0x41e: {  	_ = 	snop;
	(pc) =	sbr.rel @p0 .LBB2_1-.Ltmp32, $3  }
0x41f: {  	_ =	sdelay $0x1  }
0x420: {  	[sflag:s25] =	ssyncset.done $0x0  }
0x421: {  	[sflag:s25] =	ssyncadd.s32 $0xFFFFCF00  }
0x422: {  	_ =	sfence.sel $0x180000  }
0x423: {  	[bflag:$0x0] =	sbarrier.arrive $0xFFFF  }
0x424: {  	_ =	strace $0x90000047  }
0x425: {  	s0 =	stileid.u32;
	[bflag:$0x2] =	sbarrier.arrive $0xFFFF  }
0x426: {  	p0 =	sne.s32 s0, $0x0;
	s0 =	rddreg [dreg:$0x3]  }
0x427: {  	s0 =	sadd.s32 @!p0 $0x100000, s0  }
0x428: {  	[sflag:s0] =	ssyncadd.tile.s32 @!p0 $0x1;
	_ =	shalt  }
.Lfunc_end2:
_tile_overlayer_lowered:
.L_overlay_start_2:
0x429: {  	(tag) =	ssettag $0x2  }
0x42a: {  	s0 =	rddreg [dreg:$0x0];
	s2 =	stileid.u32  }
0x42b: {  	s1 =	rddreg [dreg:$0x1];
	p0 =	sne.s32 s2, $0x0  }
0x42c: {  	s3 =	rddreg [dreg:$0x2];
	[bflag:$0x3] =	sbarrier.arrive $0xFFFF;
	s2 =	simm.s32 @!p0 $0x1C03  }
0x42d: {  	[timem:s3], [sflag:s2] =	dma.local @!p0 [hbm:s0], s1  }
0x42e: {  	s0 =	simm.s32 @!p0 $0x3  }
0x42f: {  	_ =	swait.ge @!p0 [sflag:s0], s1  }
0x430: {  	s1 =	ssub.s32 @!p0 $0x0, s1;
	[sflag:s0] =	ssyncset.done @!p0 $0x0  }
0x431: {  	[sflag:s0] =	ssyncadd.s32 @!p0 s1  }
0x432: {  	[bflag:$0x3] =	sbarrier.arrive $0xFFFF  }
0x433: {  	_ =	shalt  }

// kernel: sparse-core-data-format-call.cloned.1.call-start
scs
called_computation_lowered:
.L_overlay_start_0:
0x0: {  	s2 =	sld [smem:$0x3FD9]  }
0x1: {  	s3 =	sld [smem:$0x3FFE];
	_ =	sdelay $0x1  }
0x2: {  	s1 =	srdreg.scid  }
0x3: {  	s0 =	sand.u32 $0x1, s1  }
0x4: {  	s18 =	sshll.u32 s0, $0xA;
	s2 =	sadd.s32 s3, s2  }
0x5: {  	s2 =	sadd.s32 s2, s18  }
0x6: {  	[smem:$0x3FC6] =	sst s2  }
0x7: {  	_ = 	snop  }
0x8: {  	s2 =	sld [smem:$0x3FD0];
	(tm) =	ssettm $0x1  }
0x9: {  	s19 =	sld [smem:$0x3FFB];
	_ =	sdelay $0x3  }
0xa: {  	_ =	strace s19  }
0xb: {  	s3 =	sld [smem:$0x3FFC];
	_ =	sdelay $0x3  }
0xc: {  	_ =	strace s3  }
0xd: {  	s3 =	sld [smem:$0x3FFD];
	_ =	sdelay $0x3  }
0xe: {  	_ =	strace s3  }
0xf: {  	_ =	strace $0x8FFFFFFF  }
0x10: {  	s20 =	sld [smem:$0x3FDB];
	_ =	sdelay $0x1  }
0x11: {  	s4 =	simm.s32 $_scs_section_size  }
0x12: {  	s5 =	simm.s32 $_size__tile_overlayer_lowered;
	s6 =	simm.s32 $_tile_overlayer_lowered  }
0x13: {  	s23 =	simm.s32 $0x1BFF;
	s22 =	sshll.u32 s6, $0x1;
	s3 =	sadd.s32 s4, s20  }
0x14: {  	s7 =	simm.s32 $0x0;
	s21 =	sshll.u32 s5, $0x1;
	s5 =	sadd.s32 s22, s3  }
0x15: {  	[timem:s7], [sflag:s23] =	dma.local [hbm:s5], s21  }
0x16: {  	_ =	swait.ge [sflag:s23], s21  }
0x17: {  	s4 =	ssub.s32 $0x0, s21;
	[sflag:s23] =	ssyncset.done $0x0  }
0x18: {  	[sflag:s23] =	ssyncadd.s32 s4;
	_ =	sdelay $0x1  }
0x19: {  	s24 =	simm.s32 $0x1B8B  }
0x1a: {  	_ =	swait.ge [sflag:s24], $0x1  }
0x1b: {  	[sflag:s24] =	ssyncset.done $0x0  }
0x1c: {  	s26 =	simm.s32 $0x1B8E;
	s25 =	sld [smem:$0x3FFE];
	[sflag:s24] =	ssyncadd.s32 $0xFFFFFFFF  }
0x1d: {  	s27 =	simm.s32 $execute0_lowered;
	[smem:$0x3FD2] =	sst s26  }
0x1e: {  	s5 =	sshll.u32 s27, $0x1;
	_ =	strace $0x80000049;
	[dreg:$0x1] =	wrdreg $0xFFFFFFFF  }
0x1f: {  	s28 =	simm.s32 $_size_execute0_lowered;
	s3 =	sadd.s32 s3, s5;
	[dreg:$0x0] =	wrdreg $0x0  }
0x20: {  	s5 =	sshll.u32 s28, $0x1;
	[dreg:$0x2] =	wrdreg s3  }
0x21: {  	[dreg:$0x3] =	wrdreg s5  }
0x22: {  	[dreg:$0x4] =	wrdreg $0xC0  }
0x23: {  	_ =	task [dreg:s7], $0x5FFFF  }
0x24: {  	[dreg:$0x1] =	wrdreg $0xFFFFFFFF  }
0x25: {  	[dreg:$0x0] =	wrdreg $0x60  }
0x26: {  	[dreg:$0x2] =	wrdreg s25  }
0x27: {  	[dreg:$0x3] =	wrdreg s2  }
0x28: {  	[dreg:$0x4] =	wrdreg $0x9  }
0x29: {  	_ =	task.clear_ibuf [dreg:s7], $0x5FFFF;
	_ =	strace $0x90000049  }
0x2a: {  	s29 =	simm.s32 $0x9;
	_ =	strace $0x8000004B  }
0x2b: {  	_ =	swait.ge [sflag:s29], $0x1  }
0x2c: {  	[sflag:s29] =	ssyncadd.s32 $0xFFFFFFFF  }
0x2d: {  	_ =	strace $0x9000004B  }
0x2e: {  	_ =	sfence  }
0x2f: {  	s30 =	sld [smem:$0x0];
	_ =	sdelay $0x2  }
0x30: {  	s31 =	sshll.u32 s1, $0xD;
	s1 =	sshrl.u32 s1, $0x2  }
0x31: {  	s3 =	sand.u32 $0x4000, s31;
	s1 =	sadd.s32 s1, s30  }
0x32: {  	s0 =	sor.u32 s3, s0;
	s1 =	sshll.u32 s1, $0x11  }
0x33: {  	s0 =	sor.u32 s1, s0  }
0x34: {  	s0 =	sadd.s32 $0x8F2B, s0  }
0x35: {  	[sflag:s0] =	ssyncadd.remote.s32 $0x1  }
0x36: {  	_ =	sfence.sel $0xFFFF  }
0x37: {  	[dreg:$0x0] =	wrdreg $0xFFFFFFFF;
	(pc) =	sbr.abs _section_cstart, $3  }
0x38: {  	[dreg:$0x1] =	wrdreg $0xFFFFFFFF  }
0x39: {  	_ =	task.clear_ibuf [dreg:s7], $0x2FFFF;
	_ =	strace $0x9FFFFFFF  }
0x3a: {  	(tm) =	ssettm $0x7FFFFFFF  }
0x3b: {  	_ =	shalt  }
tec
execute0_lowered:
.L_overlay_start_1:
0x0: {  	(tag) =	ssettag $0x1  }
0x1: {  	s0 =	rddreg [dreg:$0x0];
	s1 =	srdreg.scid  }
0x2: {  	_ =	strace $0x8000004A;
	s2 =	stileid.u32;
	s30 =	simm.s32 $0x1  }
0x3: {  	s31 =	simm.s32 $0x2;
	s21 =	simm.s32 $0x0;
	s10 =	simm.s32 $0x800  }
0x4: {  	s20 =	simm.s32 $0x0;
	s22 =	simm.s32 $0x0;
	s23 =	simm.s32 $0x0  }
0x5: {  	s11 =	simm.s32 $0x0;
	s12 =	simm.s32 $0x0;
	s14 =	simm.s32 $0x0  }
0x6: {  	s16 =	simm.s32 $0x0;
	s15 =	simm.s32 $0x0;
	s17 =	simm.s32 $0x0  }
.Ltmp0:
0x7: {  	s0 =	sadd.s32 $0x800, s0;
	s29 =	sshll.u32 s1, $0x4;
	(pc) =	sbr.rel .LBB1_1-.Ltmp0, $4  }
0x8: {  	s13 =	simm.s32 $0x0;
	[dreg:$0x3] =	wrdreg s0;
	s0 =	sand.u32 $0x10, s29  }
0x9: {  	[sflag:s30] =	ssyncpa.u1 $0x0;
	s8 =	sand.u32 $0x3, s2;
	s0 =	sor.u32 s2, s0  }
0xa: {  	[sflag:s31] =	ssyncpa.u1 $0x0;
	[dreg:$0x4] =	wrdreg s8;
	s9 =	sshrl.u32 s0, $0x2  }
0xb: {  	s19 =	smov.u32 s8;
	s18 =	smov.u32 s9;
	[dreg:$0x5] =	wrdreg s9  }
.LBB1_18:
0xc: {  	s11 =	rddreg [dreg:$0x6]  }
0xd: {  	s12 =	rddreg [dreg:$0x7]  }
0xe: {  	s4 =	rddreg [dreg:$0x14]  }
0xf: {  	s5 =	rddreg [dreg:$0x15]  }
0x10: {  	s23 =	rddreg [dreg:$0x13]  }
0x11: {  	s16 =	rddreg [dreg:$0xb]  }
0x12: {  	s14 =	rddreg [dreg:$0x9]  }
0x13: {  	s27 =	rddreg [dreg:$0x1]  }
0x14: {  	s30 =	rddreg [dreg:$0x16]  }
0x15: {  	s8 =	rddreg [dreg:$0x4]  }
0x16: {  	s9 =	rddreg [dreg:$0x5]  }
0x17: {  	s13 =	rddreg [dreg:$0x8]  }
0x18: {  	s15 =	rddreg [dreg:$0xa]  }
0x19: {  	s17 =	rddreg [dreg:$0xc]  }
0x1a: {  	s18 =	rddreg [dreg:$0xd]  }
0x1b: {  	s19 =	rddreg [dreg:$0xe]  }
0x1c: {  	s10 =	simm.s32 $0x800;
	s20 =	rddreg [dreg:$0xf];
	s0 =	sshll.u32 s11, $0x8  }
0x1d: {  	s1 =	sshll.u32 s12, $0x3;
	s2 =	sshll.u32 s11, $0x7;
	p0 =	sgt.s32 s12, $0x80  }
0x1e: {  	s3 =	smov.u32 s12;
	s24 =	sand.u32 $0x78, s12;
	s25 =	smul.u32 $0x150000, s16  }
0x1f: {  	s26 =	smul.u32 $0x1800, s14;
	s28 =	sand.u32 $0x7, s12;
	s0 =	sand.u32 $0xFFFFF800, s0  }
0x20: {  	s1 =	sand.u32 $0xFFFFFC00, s1;
	s21 =	sand.u32 $0x300, s2;
	s3 =	simm.s32 @!p0 $0x80  }
0x21: {  	p0 =	sgt.s32 s11, $0x40;
	s2 =	sand.u32 $0x80, s2;
	s29 =	sshll.u32 s28, $0x12  }
0x22: {  	s0 =	sadd.s32 s1, s0;
	s1 =	smov.u32 s11;
	s3 =	sadd.s32 s4, s3  }
0x23: {  	s2 =	sor.u32 s24, s2;
	s31 =	sor.u32 $0x400, s29;
	s0 =	sor.u32 s21, s0  }
0x24: {  	s1 =	simm.s32 @!p0 $0x40;
	s4 =	sadd.s32 $0xFFFFFF80, s3;
	s0 =	sshrl.u32 s0, $0x8  }
0x25: {  	s3 =	ssub.s32 $0x100, s3;
	s2 =	sshrl.u32 s2, $0x3;
	s22 =	smulhi.u32 $0x1555556, s0  }
0x26: {  	s21 =	rddreg [dreg:$0x10];
	s1 =	sadd.s32 s5, s1;
	p0 =	sgt.s32 s4, $0x7F  }
0x27: {  	s5 =	sadd.s32 $0xFFFFFFC0, s1;
	s3 =	simm.s32 @p0 $0x0;
	s4 =	smul.u32 $0xC0, s22  }
0x28: {  	s1 =	ssub.s32 $0xC0, s1;
	p0 =	sgt.s32 s5, $0x7F;
	s3 =	smul.u32 s23, s3  }
0x29: {  	s1 =	simm.s32 @p0 $0x0;
	s0 =	ssub.s32 s0, s4;
	s4 =	sadd.s32 s27, s25  }
0x2a: {  	s23 =	rddreg [dreg:$0x12];
	s1 =	smul.u32 s1, s3;
	s3 =	sadd.s32 s26, s4  }
0x2b: {  	s22 =	rddreg [dreg:$0x11];
	s0 =	sshll.u32 s0, $0x5;
	s2 =	sadd.s32 s2, s3  }
0x2c: {  	s1 =	sand.u32 $0x3FFFFFFF, s1;
	s4 =	sor.u32 $0x8000, s30;
	s0 =	sadd.s32 s0, s2  }
0x2d: {  	[hbm4b:s0+s31] =	stream.strided.scatter [tilespmem:s4], [sflag:$0x2], s1, s10, s31, $0x20;
	[tilespmem:$0x10100] =	vst v63  }
.LBB1_19:
0x2e: {  	p0 =	slt.u32 s13, $0x2  }
0x2f: {  	s0 =	smov.u32 s23;
	s2 =	smov.u32 s22;
	s5 =	smov.u32 s20  }
0x30: {  	s13 =	sadd.s32 $0x1, s13;
	p1 =	sgt.s32 @!p0 s23, $0x3;
	s1 =	sshra.s32 @!p0 s23, $0x1F  }
0x31: {  	s3 =	sshra.s32 @!p0 s22, $0x1F;
	p3 =	sgt.s32 @!p0 s20, $0x80;
	p1 =	por !p1, p0  }
0x32: {  	s4 =	sshra.s32 @!p0 s20, $0x1F;
	s1 =	sand.u32 @!p0 s1, s23;
	s0 =	simm.s32 @p1 $0x3  }
0x33: {  	s4 =	sand.u32 @!p0 s4, s20;
	p1 =	sgt.s32 @!p0 s22, $0xDF;
	s0 =	ssub.s32 @!p0 s0, s1  }
0x34: {  	s20 =	smov.u32 s12;
	p1 =	por !p1, p0;
	s1 =	sadd.s32 @!p0 $0xFFFFFFFD, s0  }
0x35: {  	s2 =	simm.s32 @p1 $0xDF;
	p2 =	sgt.s32 @!p0 s1, $0x0;
	s1 =	sand.u32 @!p0 s3, s22  }
0x36: {  	s0 =	ssub.s32 @!p0 $0x4, s0;
	p1 =	por !p2, p0;
	s1 =	ssub.s32 @!p0 s2, s1  }
0x37: {  	s3 =	smov.u32 s21;
	s0 =	simm.s32 @!p1 $0x0;
	s2 =	sadd.s32 @!p0 $0xFFFFFF21, s1  }
0x38: {  	p1 =	sgt.s32 @!p0 s21, $0x40;
	p2 =	sgt.s32 @!p0 s2, $0x0;
	s2 =	sshra.s32 @!p0 s21, $0x1F  }
0x39: {  	s1 =	ssub.s32 @!p0 $0xE0, s1;
	p1 =	por !p1, p0;
	s2 =	sand.u32 @!p0 s2, s21  }
0x3a: {  	s3 =	simm.s32 @p1 $0x40;
	p1 =	por !p3, p0;
	p2 =	por !p2, p0  }
0x3b: {  	s5 =	simm.s32 @p1 $0x80;
	s1 =	simm.s32 @!p2 $0x0;
	s2 =	ssub.s32 @!p0 s3, s2  }
0x3c: {  	s3 =	ssub.s32 @!p0 s5, s4;
	s0 =	smul.u32 @!p0 s0, s1;
	s1 =	sadd.s32 @!p0 $0xFFFFFFC0, s2  }
0x3d: {  	s5 =	smov.u32 s17;
	s4 =	sadd.s32 @!p0 $0xFFFFFF80, s3;
	p1 =	sgt.s32 @!p0 s1, $0x7F  }
0x3e: {  	s1 =	ssub.s32 @!p0 $0xC0, s2;
	s2 =	ssub.s32 @!p0 $0x100, s3;
	p2 =	sgt.s32 @!p0 s4, $0x7F  }
0x3f: {  	s3 =	sadd.s32 $0x80, s15;
	s4 =	sadd.s32 $0x80, s17;
	p2 =	por !p2, p0  }
0x40: {  	p1 =	por !p1, p0;
	s2 =	simm.s32 @!p2 $0x0;
	p2 =	sgt.s32 s3, $0xBF  }
0x41: {  	s1 =	simm.s32 @!p1 $0x0;
	s0 =	smul.u32 @!p0 s2, s0;
	s5 =	smov.u32 @p2 s4  }
0x42: {  	s2 =	sadd.s32 $0x8, s18;
	s4 =	smov.u32 s18;
	p1 =	sgt.s32 s5, $0xDF  }
0x43: {  	s3 =	simm.s32 @p2 $0x0;
	s0 =	smul.u32 @!p0 s1, s0;
	s4 =	smov.u32 @p1 s2  }
0x44: {  	s1 =	sadd.s32 $0x4, s19;
	s2 =	smov.u32 s19;
	p2 =	sgt.s32 s4, $0xDF  }
0x45: {  	s23 =	smov.u32 s16;
	s12 =	smov.u32 s17;
	s2 =	smov.u32 @p2 s1  }
0x46: {  	s16 =	smov.u32 s19;
	s5 =	simm.s32 @p1 $0x0;
	p1 =	sgt.s32 s2, $0x3  }
0x47: {  	s22 =	smov.u32 s14;
	s2 =	smov.u32 @p1 s8;
	p1 =	sne.s32 s13, $0x72  }
.Ltmp1:
0x48: {  	s14 =	smov.u32 s18;
	s21 =	smov.u32 s11;
	(pc) =	sbr.rel @!p1 .LBB1_20-.Ltmp1, $4  }
0x49: {  	s11 =	smov.u32 s15;
	s0 =	sand.u32 @!p0 $0x3FFFFFFF, s0;
	s1 =	simm.s32 @!p0 $0x2  }
0x4a: {  	s15 =	smov.u32 s3;
	s17 =	smov.u32 s5;
	_ =	swait.ge @!p0 [sflag:s1], s0  }
0x4b: {  	s4 =	smov.u32 @p2 s9;
	s0 =	ssub.s32 @!p0 $0x0, s0;
	[sflag:s1] =	ssyncset.done @!p0 $0x0  }
0x4c: {  	s18 =	smov.u32 s4;
	[sflag:s1] =	ssyncadd.s32 @!p0 s0;
	s19 =	smov.u32 s2  }
.LBB1_1:
0x4d: {  	p0 =	sgt.u32 s13, $0x6F  }
.Ltmp2:
0x4e: {  	_ = 	snop;
	(pc) =	sbr.rel @p0 .LBB1_3-.Ltmp2, $1  }
0x4f: {  	_ =	sdelay $0x3  }
0x50: {  	s0 =	sand.u32 $0x78, s15;
	s1 =	sshll.u32 s17, $0x8  }
0x51: {  	s2 =	sshll.u32 s15, $0x3;
	s3 =	sshll.u32 s17, $0x7;
	p0 =	sgt.s32 s19, $0x3  }
0x52: {  	s26 =	sshra.s32 s19, $0x1F;
	s4 =	smov.u32 s18;
	s5 =	sshra.s32 s18, $0x1F  }
0x53: {  	s29 =	sshra.s32 s17, $0x1F;
	s31 =	sshra.s32 s15, $0x1F;
	s1 =	sand.u32 $0xFFFFF800, s1  }
0x54: {  	s2 =	sand.u32 $0xFFFFFC00, s2;
	s25 =	sand.u32 $0x300, s3;
	s3 =	sand.u32 $0x80, s3  }
0x55: {  	s27 =	sand.u32 s5, s18;
	s30 =	sand.u32 s29, s17;
	s29 =	sand.u32 $0x7, s15  }
0x56: {  	s1 =	sadd.s32 s1, s2;
	s0 =	sor.u32 s0, s3;
	s2 =	smov.u32 s19  }
0x57: {  	s3 =	sand.u32 s26, s19;
	s26 =	smul.u32 $0x1C00, s18;
	s1 =	sor.u32 s25, s1  }
0x58: {  	s2 =	simm.s32 @!p0 $0x3;
	p0 =	sgt.s32 s18, $0xDF;
	s25 =	smul.u32 $0x188000, s19  }
0x59: {  	s0 =	sshrl.u32 s0, $0x3;
	s1 =	sshrl.u32 s1, $0x8;
	s2 =	ssub.s32 s2, s3  }
0x5a: {  	s4 =	simm.s32 @!p0 $0xDF;
	s28 =	smulhi.u32 $0x124924A, s1;
	s6 =	sadd.s32 $0xFFFFFFFD, s2  }
0x5b: {  	s3 =	ssub.s32 s4, s27;
	s2 =	ssub.s32 $0x4, s2;
	p0 =	sgt.s32 s6, $0x0  }
0x5c: {  	s4 =	sadd.s32 $0xFFFFFF21, s3;
	s3 =	ssub.s32 $0xE0, s3;
	s6 =	sand.u32 s31, s15  }
0x5d: {  	s2 =	simm.s32 @p0 $0x0;
	p0 =	sgt.s32 s4, $0x0;
	s4 =	smov.u32 s17  }
0x5e: {  	s5 =	smul.u32 $0xE0, s28;
	s3 =	simm.s32 @p0 $0x0;
	p0 =	sgt.s32 s17, $0x60  }
0x5f: {  	s28 =	rddreg [dreg:$0x3];
	s2 =	smul.u32 s2, s3;
	s4 =	simm.s32 @!p0 $0x60  }
0x60: {  	p0 =	sgt.s32 s15, $0x80;
	s3 =	ssub.s32 s4, s30;
	s4 =	smov.u32 s15  }
0x61: {  	s1 =	ssub.s32 s1, s5;
	s7 =	sadd.s32 $0xFFFFFFA0, s3;
	s4 =	simm.s32 @!p0 $0x80  }
0x62: {  	s3 =	ssub.s32 $0xE0, s3;
	p0 =	sgt.s32 s7, $0x7F;
	s4 =	ssub.s32 s4, s6  }
0x63: {  	s1 =	sshll.u32 s1, $0x5;
	s3 =	simm.s32 @p0 $0x0;
	s24 =	sadd.s32 $0xFFFFFF80, s4  }
0x64: {  	s2 =	smul.u32 s3, s2;
	p0 =	sgt.s32 s24, $0x7F;
	s3 =	ssub.s32 $0x100, s4  }
0x65: {  	s30 =	sshll.u32 s29, $0x12;
	s4 =	sadd.s32 s28, s25;
	s3 =	simm.s32 @p0 $0x0  }
0x66: {  	s7 =	sxor.u32 $0xFFFFFFFF, s13;
	s4 =	sadd.s32 s26, s4;
	s2 =	smul.u32 s3, s2  }
0x67: {  	s31 =	sor.u32 $0x400, s30;
	s6 =	sshll.u32 s7, $0xE;
	s0 =	sadd.s32 s0, s4  }
0x68: {  	s27 =	sand.u32 $0x4000, s6;
	s0 =	sadd.s32 s1, s0;
	s2 =	sand.u32 $0x3FFFFFFF, s2  }
0x69: {  	[tilespmem:s27], [sflag:$0x1] =	stream.strided.gather [hbm4b:s0+s31], s2, s10, s31, $0x38;
	[tilespmem:$0x10100] =	vst v63  }
.LBB1_3:
0x6a: {  	p0 =	seq.s32 s13, $0x0  }
0x6b: {  	p1 =	seq.s32 @!p0 s13, $0x71  }
0x6c: {  	p0 =	por p0, p1  }
.Ltmp3:
0x6d: {  	_ = 	snop;
	(pc) =	sbr.rel @p0 .LBB1_19-.Ltmp3, $1  }
0x6e: {  	_ =	sdelay $0x3  }
0x6f: {  	[dreg:$0x12] =	wrdreg s23  }
0x70: {  	[dreg:$0x11] =	wrdreg s22  }
0x71: {  	[dreg:$0x10] =	wrdreg s21  }
0x72: {  	[dreg:$0xf] =	wrdreg s20  }
0x73: {  	[dreg:$0xe] =	wrdreg s19  }
0x74: {  	[dreg:$0xd] =	wrdreg s18  }
0x75: {  	[dreg:$0xc] =	wrdreg s17  }
0x76: {  	[dreg:$0xa] =	wrdreg s15;
	p0 =	sgt.s32 s16, $0x3;
	s0 =	smov.u32 s16  }
0x77: {  	s1 =	sshra.s32 s16, $0x1F;
	s2 =	sshra.s32 s14, $0x1F;
	s19 =	ssub.s32 $0x0, s12  }
0x78: {  	s20 =	sshra.s32 s12, $0x1F;
	p1 =	sgt.s32 s12, $0x60;
	s4 =	smov.u32 s12  }
0x79: {  	s23 =	ssub.s32 $0x0, s11;
	s24 =	sshra.s32 s11, $0x1F;
	s0 =	simm.s32 @!p0 $0x3  }
0x7a: {  	s1 =	sand.u32 s1, s16;
	p0 =	sgt.s32 s14, $0xDF;
	s2 =	sand.u32 s2, s14  }
0x7b: {  	s4 =	simm.s32 @!p1 $0x60;
	s0 =	ssub.s32 s0, s1;
	s1 =	smov.u32 s14  }
0x7c: {  	s3 =	sadd.s32 $0xFFFFFFFD, s0;
	s1 =	simm.s32 @!p0 $0xDF;
	s0 =	ssub.s32 $0x4, s0  }
0x7d: {  	p0 =	sgt.s32 s3, $0x0;
	s1 =	ssub.s32 s1, s2;
	s2 =	sand.u32 s19, s20  }
0x7e: {  	s3 =	smov.u32 s11;
	s5 =	sadd.s32 $0xFFFFFF21, s1;
	s1 =	ssub.s32 $0xE0, s1  }
0x7f: {  	[dreg:$0x14] =	wrdreg s2;
	s2 =	sadd.s32 s2, s4;
	s0 =	simm.s32 @p0 $0x0  }
0x80: {  	p1 =	sgt.s32 s5, $0x0;
	s21 =	sadd.s32 $0xFFFFFFA0, s2;
	s2 =	ssub.s32 $0xE0, s2  }
0x81: {  	s1 =	simm.s32 @p1 $0x0;
	p0 =	sgt.s32 s21, $0x7F;
	p1 =	sgt.s32 s11, $0x80  }
0x82: {  	s22 =	smul.u32 s0, s1;
	s0 =	sand.u32 s23, s24;
	s3 =	simm.s32 @!p1 $0x80  }
0x83: {  	s2 =	simm.s32 @p0 $0x0;
	[dreg:$0x15] =	wrdreg s0;
	s0 =	sadd.s32 s0, s3  }
0x84: {  	[dreg:$0x6] =	wrdreg s11;
	s25 =	smul.u32 s2, s22;
	s26 =	sadd.s32 $0xFFFFFF80, s0  }
0x85: {  	s0 =	ssub.s32 $0x100, s0;
	s2 =	sadd.s32 $0x1, s16;
	p0 =	sgt.s32 s26, $0x7F  }
0x86: {  	s3 =	sadd.s32 $0x1, s14;
	s0 =	simm.s32 @p0 $0x0;
	p0 =	slt.s32 s2, $0x4  }
0x87: {  	[dreg:$0xb] =	wrdreg s16;
	s2 =	simm.s32 @!p0 $0x4;
	p0 =	slt.s32 s3, $0xE0  }
0x88: {  	s1 =	sadd.s32 $0x80, s12;
	s2 =	ssub.s32 s2, s16;
	s3 =	simm.s32 @!p0 $0xE0  }
0x89: {  	p1 =	slt.s32 s1, $0xE0;
	s3 =	ssub.s32 s3, s14;
	p0 =	slt.s32 s2, $0x1  }
0x8a: {  	[dreg:$0x9] =	wrdreg s14;
	s1 =	simm.s32 @!p1 $0xE0;
	p1 =	slt.s32 @!p0 s3, $0x1  }
0x8b: {  	[dreg:$0x7] =	wrdreg s12;
	s27 =	ssub.s32 s1, s12;
	p1 =	por p0, p1  }
0x8c: {  	[dreg:$0x8] =	wrdreg s13;
	p2 =	slt.s32 @!p1 s27, $0x1  }
0x8d: {  	[dreg:$0x13] =	wrdreg s22;
	s0 =	smul.u32 s0, s25;
	p1 =	por p1, p2  }
.Ltmp4:
0x8e: {  	s29 =	simm.s32 $0x1;
	[dreg:$0x17] =	wrdreg s2;
	(pc) =	sbr.rel @p1 .LBB1_18-.Ltmp4, $4  }
0x8f: {  	s28 =	sand.u32 $0x3FFFFFFF, s0;
	s0 =	sand.u32 $0x1, s13;
	[dreg:$0x18] =	wrdreg s3  }
0x90: {  	s31 =	smul.u32 $0x4080, s0;
	_ =	swait.ge [sflag:s29], s28  }
0x91: {  	s30 =	ssub.s32 $0x0, s28;
	[sflag:s29] =	ssyncset.done $0x0  }
0x92: {  	[dreg:$0x16] =	wrdreg s31;
	[sflag:s29] =	ssyncadd.s32 s30  }
0x93: {  	s2 =	rddreg [dreg:$0x6]  }
0x94: {  	s1 =	sadd.s32 $0x80, s2  }
0x95: {  	p1 =	slt.s32 s1, $0xC0  }
0x96: {  	s1 =	simm.s32 @!p1 $0xC0  }
.Ltmp5:
0x97: {  	s1 =	ssub.s32 s1, s2;
	(pc) =	sbr.rel .LBB1_6-.Ltmp5, $4  }
0x98: {  	s30 =	sshll.u32 @!p0 s0, $0xE;
	s0 =	rddreg [dreg:$0x16];
	s2 =	sadd.s32 $0xF, s1  }
0x99: {  	s31 =	sor.u32 @!p0 $0x8000, s0;
	s28 =	sand.u32 $0xFFFFFFF0, s2  }
0x9a: {  	s29 =	sand.u32 @!p0 $0xFFFFFF00, s2;
	s1 =	sshll.u32 s2, $0x3;
	p0 =	slt.s32 s2, $0x100  }
0x9b: {  	s0 =	sand.u32 $0xFFFFF800, s1;
	s1 =	simm.s32 $0x0;
	p1 =	sge.s32 s29, s28  }
.LBB1_17:
0x9c: {  	s1 =	sadd.s32 $0x1, s1;
	s2 =	rddreg [dreg:$0x17]  }
0x9d: {  	p2 =	sne.s32 s1, s2  }
.Ltmp6:
0x9e: {  	_ = 	snop;
	(pc) =	sbr.rel @!p2 .LBB1_18-.Ltmp6, $1  }
0x9f: {  	_ =	sdelay $0x3  }
.LBB1_6:
.Ltmp7:
0xa0: {  	(pc) =	sbr.rel .LBB1_7-.Ltmp7, $2  }
0xa1: {  	_ =	sdelay $0x2  }
0xa2: {  	s2 =	simm.s32 $0x0  }
.LBB1_16:
0xa3: {  	s2 =	sadd.s32 $0x1, s2;
	s3 =	rddreg [dreg:$0x18]  }
0xa4: {  	p2 =	sne.s32 s2, s3  }
.Ltmp8:
0xa5: {  	_ = 	snop;
	(pc) =	sbr.rel @!p2 .LBB1_17-.Ltmp8, $1  }
0xa6: {  	_ =	sdelay $0x3  }
.LBB1_7:
.Ltmp9:
0xa7: {  	s3 =	sadd.s32 s1, s2;
	(pc) =	sbr.rel .LBB1_8-.Ltmp9, $3  }
0xa8: {  	s4 =	sshll.u32 s3, $0x10;
	s3 =	smul.u32 $0x10200, s3;
	_ =	sdelay $0x1  }
0xa9: {  	s5 =	simm.s32 $0x400;
	s4 =	sshra.s32 s4, $0x2;
	s3 =	sshra.s32 s3, $0x2  }
0xaa: {  	s7 =	sadd.s32 s4, s30;
	s4 =	simm.s32 $0x0;
	s3 =	sadd.s32 s3, s31  }
.LBB1_15:
0xab: {  	s4 =	sadd.s32 $0x1, s4  }
0xac: {  	p2 =	sne.s32 s4, s27  }
.Ltmp10:
0xad: {  	_ = 	snop;
	(pc) =	sbr.rel @!p2 .LBB1_16-.Ltmp10, $2  }
0xae: {  	_ =	sdelay $0x2  }
0xaf: {  	s5 =	sadd.s32 $0x80, s5  }
.LBB1_8:
.Ltmp11:
0xb0: {  	(pc) =	sbr.rel @p0 .LBB1_12-.Ltmp11, $2  }
0xb1: {  	_ =	sdelay $0x2  }
0xb2: {  	s6 =	sshll.u32 s4, $0x7;
	s24 =	sand.u32 $0x7F, s4  }
0xb3: {  	s10 =	sshll.u32 s4, $0x3  }
0xb4: {  	s13 =	sand.u32 $0x380, s6;
	s8 =	sshrl.u32 s10, $0x7  }
0xb5: {  	s9 =	sadd.s32 $0x800, s10;
	s15 =	sadd.s32 $0x1000, s10;
	s18 =	sadd.s32 $0x1800, s10  }
0xb6: {  	s20 =	sadd.s32 $0x2800, s10;
	s26 =	sadd.s32 $0x3000, s10;
	s10 =	sadd.s32 $0x3800, s10  }
0xb7: {  	s11 =	sand.u32 $0x78, s8;
	s9 =	sshrl.u32 s9, $0x7;
	s17 =	sshrl.u32 s15, $0x7  }
0xb8: {  	s15 =	sshrl.u32 s18, $0x7;
	s25 =	sshrl.u32 s20, $0x7;
	s10 =	sshrl.u32 s10, $0x7  }
0xb9: {  	s16 =	sadd.s32 $0x10, s8;
	s12 =	smul.u32 $0x204, s11;
	s9 =	sand.u32 $0x78, s9  }
0xba: {  	s20 =	sadd.s32 $0x30, s8;
	s11 =	sxor.u32 $0x40, s11;
	s14 =	smul.u32 $0x204, s9  }
0xbb: {  	s19 =	sand.u32 $0x78, s15;
	s10 =	sand.u32 $0x78, s10;
	s11 =	smul.u32 $0x204, s11  }
0xbc: {  	s9 =	sadd.s32 s13, s7;
	s13 =	sand.u32 $0x78, s17;
	s10 =	smul.u32 $0x204, s10  }
0xbd: {  	s12 =	sshrl.u32 s12, $0x2;
	s13 =	smul.u32 $0x204, s13;
	v0 =	vmov s9;
	s9 =	sand.u32 $0x3C00, s5  }
0xbe: {  	s12 =	sadd.s32 s12, s3;
	s14 =	sshrl.u32 s14, $0x2;
	s11 =	sshrl.u32 s11, $0x2  }
0xbf: {  	s10 =	sshrl.u32 s10, $0x2;
	s14 =	sadd.s32 s14, s3;
	s21 =	sadd.s32 s24, s12  }
0xc0: {  	s13 =	sshrl.u32 s13, $0x2;
	s12 =	smul.u32 $0x204, s19;
	s11 =	sadd.s32 s11, s3  }
0xc1: {  	s19 =	sadd.s32 $0x20, s8;
	s10 =	sadd.s32 s10, s3;
	s13 =	sadd.s32 s13, s3  }
0xc2: {  	s23 =	sadd.s32 s24, s13;
	s12 =	sshrl.u32 s12, $0x2;
	s13 =	sand.u32 $0x78, s25  }
0xc3: {  	s22 =	sadd.s32 s24, s14;
	s12 =	sadd.s32 s12, s3;
	s13 =	smul.u32 $0x204, s13  }
0xc4: {  	s17 =	sadd.s32 s24, s11;
	s18 =	sadd.s32 s24, s12;
	s12 =	sshrl.u32 s26, $0x7  }
0xc5: {  	s25 =	sadd.s32 $0x50, s8;
	s14 =	sshrl.u32 s13, $0x2;
	s11 =	sand.u32 $0x78, s12  }
0xc6: {  	s12 =	sadd.s32 s14, s3;
	s15 =	smul.u32 $0x204, s11;
	s14 =	sand.u32 $0x78, s19  }
0xc7: {  	s19 =	sadd.s32 s24, s10;
	s11 =	sadd.s32 s24, s12;
	s12 =	sand.u32 $0x78, s16  }
0xc8: {  	s14 =	smul.u32 $0x204, s14;
	s16 =	sadd.s32 $0x60, s8;
	s8 =	sadd.s32 $0x70, s8  }
0xc9: {  	s13 =	sshrl.u32 s15, $0x2;
	s12 =	smul.u32 $0x204, s12;
	s15 =	sand.u32 $0x78, s25  }
0xca: {  	s26 =	sand.u32 $0x78, s16;
	s8 =	sand.u32 $0x78, s8;
	s25 =	smul.u32 $0x204, s15  }
0xcb: {  	s14 =	sshrl.u32 s14, $0x2;
	s16 =	smul.u32 $0x204, s26;
	s12 =	sshrl.u32 s12, $0x2  }
0xcc: {  	v1 =	vld.idx.msk [tilespmem:v0+s9+$0x0 ss:$0x1], $0xffff;
	s8 =	smul.u32 $0x204, s8;
	s14 =	sadd.s32 s14, s3;
	s10 =	sadd.s32 s12, s3  }
0xcd: {  	s12 =	sand.u32 $0x78, s20;
	s20 =	sadd.s32 s24, s14;
	s14 =	sshrl.u32 s25, $0x2  }
0xce: {  	s25 =	sshrl.u32 s16, $0x2;
	s8 =	sshrl.u32 s8, $0x2;
	s15 =	sadd.s32 s24, s10  }
0xcf: {  	s10 =	sadd.s32 s14, s3;
	s14 =	sadd.s32 s25, s3;
	s26 =	sadd.s32 s8, s3  }
0xd0: {  	s8 =	sadd.s32 s24, s14;
	s14 =	sadd.s32 s24, s26;
	s26 =	sadd.s32 $0xFFFFFC00, s5  }
0xd1: {  	[tilespmem:s21+$0x0 ss:$0x81] =	vst.msk $0xffff, v1;
	v1 =	vld.idx.msk [tilespmem:v0+s9+$0x20 ss:$0x1], $0xffff;
	s16 =	sadd.s32 s24, s10;
	s10 =	sand.u32 $0x3C00, s26  }
0xd2: {  	v2 =	vld.idx.msk [tilespmem:v0+s10+$0x70 ss:$0x1], $0xffff  }
0xd3: {  	v3 =	vld.idx.msk [tilespmem:v0+s10+$0x0 ss:$0x1], $0xffff  }
0xd4: {  	v4 =	vld.idx.msk [tilespmem:v0+s10+$0x10 ss:$0x1], $0xffff  }
0xd5: {  	v5 =	vld.idx.msk [tilespmem:v0+s10+$0x20 ss:$0x1], $0xffff  }
0xd6: {  	v6 =	vld.idx.msk [tilespmem:v0+s10+$0x30 ss:$0x1], $0xffff  }
0xd7: {  	v7 =	vld.idx.msk [tilespmem:v0+s10+$0x40 ss:$0x1], $0xffff;
	[tilespmem:s19+$0x0 ss:$0x81] =	vst.msk $0xffff, v2  }
0xd8: {  	v8 =	vld.idx.msk [tilespmem:v0+s10+$0x50 ss:$0x1], $0xffff;
	[tilespmem:s21+$0x0 ss:$0x81] =	vst.msk $0xffff, v3  }
0xd9: {  	p2 =	sgt.s32 s29, $0x100;
	s12 =	smul.u32 $0x204, s12;
	v9 =	vld.idx.msk [tilespmem:v0+s10+$0x60 ss:$0x1], $0xffff;
	[tilespmem:s22+$0x0 ss:$0x81] =	vst.msk $0xffff, v4  }
.Ltmp12:
0xda: {  	v4 =	vld.idx.msk [tilespmem:v0+s9+$0x10 ss:$0x1], $0xffff;
	[tilespmem:s23+$0x0 ss:$0x81] =	vst.msk $0xffff, v5;
	(pc) =	sbr.rel @!p2 .LBB1_11-.Ltmp12, $4  }
0xdb: {  	[tilespmem:s18+$0x0 ss:$0x81] =	vst.msk $0xffff, v6;
	v2 =	vld.idx.msk [tilespmem:v0+s9+$0x30 ss:$0x1], $0xffff  }
0xdc: {  	s13 =	sadd.s32 s13, s3;
	s12 =	sshrl.u32 s12, $0x2;
	[tilespmem:s17+$0x0 ss:$0x81] =	vst.msk $0xffff, v7;
	v3 =	vld.idx.msk [tilespmem:v0+s9+$0x40 ss:$0x1], $0xffff  }
0xdd: {  	s13 =	sadd.s32 s24, s13;
	s12 =	sadd.s32 s12, s3;
	[tilespmem:s11+$0x0 ss:$0x81] =	vst.msk $0xffff, v8;
	v5 =	vld.idx.msk [tilespmem:v0+s9+$0x50 ss:$0x1], $0xffff  }
0xde: {  	s25 =	sadd.s32 $0x800, s5;
	s10 =	simm.s32 $0x100;
	s12 =	sadd.s32 s24, s12;
	[tilespmem:s13+$0x0 ss:$0x81] =	vst.msk $0xffff, v9;
	v6 =	vld.idx.msk [tilespmem:v0+s9+$0x60 ss:$0x1], $0xffff  }
.LBB1_10:
0xdf: {  	s26 =	sadd.s32 $0xFFFFFC00, s25;
	s10 =	sadd.s32 $0x100, s10;
	[tilespmem:s15+$0x0 ss:$0x81] =	vst.msk $0xffff, v4;
	v4 =	vld.idx.msk [tilespmem:v0+s9+$0x70 ss:$0x1], $0xffff;
	s9 =	sand.u32 $0x3C00, s25  }
0xe0: {  	s26 =	sand.u32 $0x3C00, s26;
	v7 =	vld.idx.msk [tilespmem:v0+s9+$0x0 ss:$0x1], $0xffff;
	p2 =	slt.s32 s10, s29;
	[tilespmem:s20+$0x0 ss:$0x81] =	vst.msk $0xffff, v1  }
0xe1: {  	v1 =	vld.idx.msk [tilespmem:v0+s26+$0x70 ss:$0x1], $0xffff;
	[tilespmem:s12+$0x0 ss:$0x81] =	vst.msk $0xffff, v2  }
0xe2: {  	v2 =	vld.idx.msk [tilespmem:v0+s26+$0x0 ss:$0x1], $0xffff;
	[tilespmem:s17+$0x0 ss:$0x81] =	vst.msk $0xffff, v3  }
0xe3: {  	v3 =	vld.idx.msk [tilespmem:v0+s26+$0x10 ss:$0x1], $0xffff;
	[tilespmem:s16+$0x0 ss:$0x81] =	vst.msk $0xffff, v5  }
0xe4: {  	v5 =	vld.idx.msk [tilespmem:v0+s26+$0x20 ss:$0x1], $0xffff;
	[tilespmem:s8+$0x0 ss:$0x81] =	vst.msk $0xffff, v6  }
0xe5: {  	v6 =	vld.idx.msk [tilespmem:v0+s26+$0x30 ss:$0x1], $0xffff;
	[tilespmem:s14+$0x0 ss:$0x81] =	vst.msk $0xffff, v4  }
0xe6: {  	v8 =	vld.idx.msk [tilespmem:v0+s26+$0x40 ss:$0x1], $0xffff;
	[tilespmem:s21+$0x0 ss:$0x81] =	vst.msk $0xffff, v7  }
0xe7: {  	v7 =	vld.idx.msk [tilespmem:v0+s26+$0x50 ss:$0x1], $0xffff;
	[tilespmem:s19+$0x0 ss:$0x81] =	vst.msk $0xffff, v1  }
0xe8: {  	[tilespmem:s21+$0x0 ss:$0x81] =	vst.msk $0xffff, v2;
	v9 =	vld.idx.msk [tilespmem:v0+s26+$0x60 ss:$0x1], $0xffff  }
0xe9: {  	[tilespmem:s22+$0x0 ss:$0x81] =	vst.msk $0xffff, v3;
	v4 =	vld.idx.msk [tilespmem:v0+s9+$0x10 ss:$0x1], $0xffff  }
.Ltmp13:
0xea: {  	[tilespmem:s23+$0x0 ss:$0x81] =	vst.msk $0xffff, v5;
	v1 =	vld.idx.msk [tilespmem:v0+s9+$0x20 ss:$0x1], $0xffff;
	(pc) =	sbr.rel @p2 .LBB1_10-.Ltmp13, $4  }
0xeb: {  	[tilespmem:s18+$0x0 ss:$0x81] =	vst.msk $0xffff, v6;
	v2 =	vld.idx.msk [tilespmem:v0+s9+$0x30 ss:$0x1], $0xffff  }
0xec: {  	[tilespmem:s17+$0x0 ss:$0x81] =	vst.msk $0xffff, v8;
	v3 =	vld.idx.msk [tilespmem:v0+s9+$0x40 ss:$0x1], $0xffff  }
0xed: {  	[tilespmem:s11+$0x0 ss:$0x81] =	vst.msk $0xffff, v7;
	v5 =	vld.idx.msk [tilespmem:v0+s9+$0x50 ss:$0x1], $0xffff  }
0xee: {  	s25 =	sadd.s32 $0x800, s25;
	[tilespmem:s13+$0x0 ss:$0x81] =	vst.msk $0xffff, v9;
	v6 =	vld.idx.msk [tilespmem:v0+s9+$0x60 ss:$0x1], $0xffff  }
.LBB1_11:
0xef: {  	_ =	sdelay $0x2  }
0xf0: {  	[tilespmem:s15+$0x0 ss:$0x81] =	vst.msk $0xffff, v4  }
0xf1: {  	v0 =	vld.idx.msk [tilespmem:v0+s9+$0x70 ss:$0x1], $0xffff;
	[tilespmem:s20+$0x0 ss:$0x81] =	vst.msk $0xffff, v1  }
0xf2: {  	[tilespmem:s12+$0x0 ss:$0x81] =	vst.msk $0xffff, v2  }
0xf3: {  	[tilespmem:s17+$0x0 ss:$0x81] =	vst.msk $0xffff, v3  }
0xf4: {  	[tilespmem:s16+$0x0 ss:$0x81] =	vst.msk $0xffff, v5  }
0xf5: {  	[tilespmem:s8+$0x0 ss:$0x81] =	vst.msk $0xffff, v6  }
0xf6: {  	[tilespmem:s14+$0x0 ss:$0x81] =	vst.msk $0xffff, v0  }
.LBB1_12:
.Ltmp14:
0xf7: {  	(pc) =	sbr.rel @p1 .LBB1_15-.Ltmp14, $1  }
0xf8: {  	_ =	sdelay $0x3  }
0xf9: {  	s9 =	sand.u32 $0x380, s6;
	s8 =	sshrl.u32 s4, $0x4;
	s10 =	sadd.s32 s24, s3  }
0xfa: {  	s11 =	smov.u32 s0;
	s12 =	smov.u32 s29;
	s9 =	sadd.s32 s9, s7  }
.LBB1_14:
0xfb: {  	s13 =	sand.u32 $0x3C00, s11  }
0xfc: {  	s13 =	sadd.s32 s6, s13  }
0xfd: {  	s13 =	sand.u32 $0x3C00, s13  }
0xfe: {  	s14 =	sand.u32 $0x70, s12;
	s25 =	sadd.s32 s12, s8;
	s13 =	sadd.s32 s13, s9  }
0xff: {  	s12 =	sadd.s32 $0x10, s12;
	s26 =	sand.u32 $0x78, s25;
	s13 =	sadd.s32 s14, s13  }
0x100: {  	p2 =	slt.s32 s12, s28;
	v0 =	vld [tilespmem:s13+$0x0];
	s13 =	smul.u32 $0x204, s26  }
.Ltmp15:
0x101: {  	_ = 	snop;
	(pc) =	sbr.rel @p2 .LBB1_14-.Ltmp15, $4  }
0x102: {  	_ = 	snop  }
0x103: {  	s13 =	sshrl.u32 s13, $0x2  }
0x104: {  	s13 =	sadd.s32 s13, s10  }
0x105: {  	s11 =	sadd.s32 $0x80, s11;
	[tilespmem:s13+$0x0 ss:$0x81] =	vst.msk $0xffff, v0  }
.Ltmp16:
0x106: {  	_ = 	snop;
	(pc) =	sbr.rel .LBB1_15-.Ltmp16, $1  }
0x107: {  	_ =	sdelay $0x3  }
.LBB1_20:
0x108: {  	_ =	sfence.sel $0x180000  }
0x109: {  	s0 =	simm.s32 $0x1;
	[bflag:$0x0] =	sbarrier.arrive $0xFFFF  }
0x10a: {  	s30 =	simm.s32 $0x2;
	[sflag:s0] =	ssyncpa.u1 $0x1  }
0x10b: {  	[sflag:s30] =	ssyncpa.u1 $0x1  }
0x10c: {  	_ =	strace $0x9000004A  }
0x10d: {  	s31 =	stileid.u32;
	[bflag:$0x2] =	sbarrier.arrive $0xFFFF  }
0x10e: {  	p0 =	sne.s32 s31, $0x0;
	s0 =	rddreg [dreg:$0x2]  }
0x10f: {  	s0 =	sadd.s32 @!p0 $0x100000, s0  }
0x110: {  	[sflag:s0] =	ssyncadd.tile.s32 @!p0 $0x1;
	_ =	shalt  }
.Lfunc_end1:
_tile_overlayer_lowered:
.L_overlay_start_2:
0x111: {  	(tag) =	ssettag $0x2  }
0x112: {  	s0 =	rddreg [dreg:$0x0];
	s2 =	stileid.u32  }
0x113: {  	s1 =	rddreg [dreg:$0x1];
	p0 =	sne.s32 s2, $0x0  }
0x114: {  	s3 =	rddreg [dreg:$0x2];
	[bflag:$0x3] =	sbarrier.arrive $0xFFFF;
	s2 =	simm.s32 @!p0 $0x1C01  }
0x115: {  	[timem:s3], [sflag:s2] =	dma.local @!p0 [hbm:s0], s1  }
0x116: {  	s0 =	simm.s32 @!p0 $0x1  }
0x117: {  	_ =	swait.ge @!p0 [sflag:s0], s1  }
0x118: {  	s1 =	ssub.s32 @!p0 $0x0, s1;
	[sflag:s0] =	ssyncset.done @!p0 $0x0  }
0x119: {  	[sflag:s0] =	ssyncadd.s32 @!p0 s1  }
0x11a: {  	[bflag:$0x3] =	sbarrier.arrive $0xFFFF  }
0x11b: {  	_ =	shalt  }

</sc_bundles>
